<compile_context>
chip_gen: v7x
topology: tpu7x:2x2x1
jax: 0.10.2.dev20260603
libtpu: 0.0.44.dev20260713+nightly
codegen_flags: <defaults>
</compile_context>

<pallas_src>
import jax
import jax.numpy as jnp
from jax import lax
from jax.experimental import pallas as pl
from jax.experimental.pallas import tpu as pltpu
from jax.experimental.pallas import tpu_sc as plsc

_N = 10000
_E = 320000
_D = 128

_NC = 2
_NS = 16
_HD = _D // _NC
_EPT = _E // _NS
_K = 80
_CH = _EPT // _K
_RPT = 624
_TAIL = _N - _NS * _RPT


def _sc_body(m_hbm, edge_hbm, vals_hbm, zeros_hbm, out_hbm,
             colv, rowv, valv, grows, sbuf, acc, sg0, sg1, ss0, ss1):
    cid = lax.axis_index("c")
    sid = lax.axis_index("s")
    sg = (sg0, sg1)
    ss = (ss0, ss1)

    pltpu.sync_copy(edge_hbm.at[1, sid], colv)
    pltpu.sync_copy(edge_hbm.at[0, sid], rowv)
    pltpu.sync_copy(vals_hbm.at[pl.ds(sid * _EPT, _EPT)], valv)
    pltpu.sync_copy(zeros_hbm.at[pl.ds(sid * _RPT, _RPT)],
                    acc.at[pl.ds(sid * _RPT, _RPT)])

    @pl.when(sid == 0)
    def _():
        pltpu.sync_copy(zeros_hbm.at[pl.ds(_NS * _RPT, _TAIL)],
                        acc.at[pl.ds(_NS * _RPT, _TAIL)])

    base = jnp.full((16,), cid, jnp.int32)

    def adj_body(i, carry):
        for r in range(_K // 16):
            sl = pl.ds(r * 16, 16)
            cv = colv[i, sl]
            colv[i, sl] = cv + cv + base
        return carry

    lax.fori_loop(0, _CH, adj_body, 0)
    plsc.subcore_barrier()

    def _issue(c, b):
        pltpu.async_copy(m_hbm.at[colv.at[c]], grows.at[b], sg[b])

    def _wait(c, b):
        pltpu.make_async_copy(m_hbm.at[colv.at[c]], grows.at[b], sg[b]).wait()

    _issue(0, 0)
    _issue(1, 1)

    def chunk_pair(c2, carry):
        for b in range(2):
            c = 2 * c2 + b
            _wait(c, b)

            @pl.when(c2 >= 1)
            def _():
                pltpu.make_async_copy(
                    sbuf.at[b], acc.at[rowv.at[c]], ss[b]).wait()

            def edge_body(g, carry2):
                nr = _HD // 16
                vals16 = valv[pl.ds(c * _K + g * 16, 16)]
                dnums = lax.GatherDimensionNumbers(
                    offset_dims=(), collapsed_slice_dims=(0,),
                    start_index_map=(0,))
                for h in range(2):
                    vvs = [lax.gather(
                        vals16, jnp.full((16, 1), h * 8 + u, jnp.int32),
                        dnums, slice_sizes=(1,),
                        mode=lax.GatherScatterMode.PROMISE_IN_BOUNDS)
                           for u in range(8)]
                    gvs = [[grows[b, g * 16 + h * 8 + u, pl.ds(r * 16, 16)]
                            for r in range(nr)] for u in range(8)]
                    for u in range(8):
                        for r in range(nr):
                            sbuf[b, g * 16 + h * 8 + u, pl.ds(r * 16, 16)] = (
                                gvs[u][r] * vvs[u])
                return carry2

            lax.fori_loop(0, _K // 16, edge_body, 0)
            pltpu.async_copy(sbuf.at[b], acc.at[rowv.at[c]], ss[b], add=True)

            @pl.when(c + 2 < _CH)
            def _():
                _issue(c + 2, b)

        return carry

    lax.fori_loop(0, _CH // 2, chunk_pair, 0)
    for b in range(2):
        pltpu.make_async_copy(sbuf.at[b], acc.at[rowv.at[b]], ss[b]).wait()
    plsc.subcore_barrier()
    pltpu.sync_copy(acc.at[pl.ds(sid * _RPT, _RPT)],
                    out_hbm.at[pl.ds(sid * _RPT, _RPT), pl.ds(cid * _HD, _HD)])

    @pl.when(sid == 0)
    def _():
        pltpu.sync_copy(
            acc.at[pl.ds(_NS * _RPT, _TAIL)],
            out_hbm.at[pl.ds(_NS * _RPT, _TAIL), pl.ds(cid * _HD, _HD)])


_sc_spmm = pl.kernel(
    _sc_body,
    out_type=jax.ShapeDtypeStruct((_N, _D), jnp.float32),
    mesh=plsc.VectorSubcoreMesh(core_axis_name="c", subcore_axis_name="s"),
    compiler_params=pltpu.CompilerParams(use_tc_tiling_on_sc=False),
    scratch_types=[
        pltpu.VMEM((_CH, _K), jnp.int32),
        pltpu.VMEM((_CH, _K), jnp.int32),
        pltpu.VMEM((_EPT,), jnp.float32),
        pltpu.VMEM((2, _K, _HD), jnp.float32),
        pltpu.VMEM((2, _K, _HD), jnp.float32),
        pltpu.VMEM_SHARED((_N, _HD), jnp.float32),
        pltpu.SemaphoreType.DMA,
        pltpu.SemaphoreType.DMA,
        pltpu.SemaphoreType.DMA,
        pltpu.SemaphoreType.DMA,
    ],
)


def kernel(m, edge_index, edge_vals):
    edges = edge_index.reshape(2, _NS, _CH, _K)
    m_split = m.astype(jnp.float32).reshape(2 * _N, _HD)
    zeros = jnp.zeros((_N, _HD), jnp.float32)
    out = _sc_spmm(m_split, edges, edge_vals.astype(jnp.float32), zeros)
    return out.astype(m.dtype)

# --- scband reference (transcript-rebuilt; emitter-appended) ---
"""Pipeline reference for scband-naive-merge-33062658244940 (READ-ONLY COPY).

The authoritative reference and input builder live on the scoring server;
editing this copy changes nothing except your own understanding.
"""

import jax, jax.numpy as jnp
import numpy as np

N = 10000
E = 320000
D = 128


def setup_inputs(seed: int = 0) -> dict:
    key = jax.random.key(seed)
    k1, k2, k3, k4 = jax.random.split(key, 4)
    # dense feature matrix m: float32[N, D]
    m = jax.random.normal(k1, (N, D), dtype=jnp.float32)
    # sparse adjacency in COO form (this stands in for the .npz-loaded CSR matrix)
    row = jax.random.randint(k2, (E,), 0, N, dtype=jnp.int32)
    col = jax.random.randint(k3, (E,), 0, N, dtype=jnp.int32)
    edge_index = jnp.stack([row, col], axis=0)
    # nonzero values of the sparse matrix (learned/loaded constant)
    edge_vals = jax.random.uniform(k4, (E,), dtype=jnp.float32)
    return {"m": m, "edge_index": edge_index, "edge_vals": edge_vals}


def reference(m, edge_index, edge_vals):
    # Faithful translation of: H = (csr_matrix @ m.to(dtype)).to(m.dtype)
    # SpMM as gather (by col) -> scale by nnz value -> scatter-add (by row).
    row = edge_index[0]
    col = edge_index[1]
    H = m.astype(jnp.float32)  # m.to(self.dtype)
    gathered = jnp.take(H, col, axis=0) * edge_vals[:, None]  # [E, D]
    out = jax.ops.segment_sum(gathered, row, num_segments=N)  # [N, D]
    return out.astype(m.dtype)  # H_merge.to(m.dtype)

if __name__ == "__main__":
    import jax
    _d = setup_inputs()
    print(jax.jit(kernel)(*tuple(_d.values())))

</pallas_src>

<mosaic_0001>
#map = affine_map<(d0, d1) -> (0, 0)>
#map1 = affine_map<(d0, d1) -> (0, 0, 0, 0)>
#map2 = affine_map<(d0, d1) -> (0)>
module attributes {stable_mosaic.version = 14 : i64} {
  func.func @_sc_body(%arg0: i32, %arg1: i32, %arg2: memref<20000x64xf32, #tpu.memory_space<hbm>>, %arg3: memref<2x16x250x80xi32, #tpu.memory_space<hbm>>, %arg4: memref<320000xf32, #tpu.memory_space<hbm>>, %arg5: memref<10000x64xf32, #tpu.memory_space<hbm>>, %arg6: memref<10000x128xf32, #tpu.memory_space<hbm>>, %arg7: memref<250x80xi32, #tpu.memory_space<vmem>>, %arg8: memref<250x80xi32, #tpu.memory_space<vmem>>, %arg9: memref<20000xf32, #tpu.memory_space<vmem>>, %arg10: memref<2x80x64xf32, #tpu.memory_space<vmem>>, %arg11: memref<2x80x64xf32, #tpu.memory_space<vmem>>, %arg12: memref<10000x64xf32, #tpu.memory_space<vmem_shared>>, %arg13: memref<!tpu.dma_semaphore, #tpu.memory_space<semaphore_mem>>, %arg14: memref<!tpu.dma_semaphore, #tpu.memory_space<semaphore_mem>>, %arg15: memref<!tpu.dma_semaphore, #tpu.memory_space<semaphore_mem>>, %arg16: memref<!tpu.dma_semaphore, #tpu.memory_space<semaphore_mem>>) attributes {dimension_semantics = [#tpu.dimension_semantics<core_parallel>, #tpu.dimension_semantics<subcore_parallel>], iteration_bounds = array<i64: 2, 16>, scalar_prefetch = 0 : i64, scratch_operands = 10 : i64, tpu.core_type = #tpu.core_type<sc_vector_subcore>, window_params = [{transform_indices = #map}, {transform_indices = #map1}, {transform_indices = #map2}, {transform_indices = #map}, {transform_indices = #map}]} {
    %run_scoped3A = arith.constant 1 : i32
    "tpu.region"() ({
      %run_scoped3A_77 = tpu.sem_alloc : memref<!tpu.dma_semaphore, #tpu.memory_space<semaphore_mem>>
      %dma_start3A_78 = arith.constant 0 : i32
      %dma_start3A_79 = arith.constant 0 : i32
      %dma_start3A_80 = tpu.memref_slice %arg3[%run_scoped3A, %arg1, %dma_start3A_78, %dma_start3A_79] : memref<2x16x250x80xi32, #tpu.memory_space<hbm>> -> memref<1x1x250x80xi32, #tpu.memory_space<hbm>>
      %dma_start3A_81 = tpu.memref_squeeze %dma_start3A_80 : memref<1x1x250x80xi32, #tpu.memory_space<hbm>> -> memref<250x80xi32, #tpu.memory_space<hbm>>
      %dma_start3A_82 = arith.constant 0 : i32
      %dma_start3A_83 = arith.constant 0 : i32
      %dma_start3A_84 = tpu.memref_slice %arg3[%run_scoped3A, %arg1, %dma_start3A_82, %dma_start3A_83] : memref<2x16x250x80xi32, #tpu.memory_space<hbm>> -> memref<1x1x250x80xi32, #tpu.memory_space<hbm>>
      %dma_start3A_85 = tpu.memref_squeeze %dma_start3A_84 : memref<1x1x250x80xi32, #tpu.memory_space<hbm>> -> memref<250x80xi32, #tpu.memory_space<hbm>>
      tpu.enqueue_dma source(%dma_start3A_85 : memref<250x80xi32, #tpu.memory_space<hbm>>) target(%arg7 : memref<250x80xi32, #tpu.memory_space<vmem>>) target_semaphore(%run_scoped3A_77 : memref<!tpu.dma_semaphore, #tpu.memory_space<semaphore_mem>>)
      %dma_wait3A_86 = arith.constant 0 : i32
      %dma_wait3A_87 = arith.constant 0 : i32
      %dma_wait3A_88 = tpu.memref_slice %arg3[%run_scoped3A, %arg1, %dma_wait3A_86, %dma_wait3A_87] : memref<2x16x250x80xi32, #tpu.memory_space<hbm>> -> memref<1x1x250x80xi32, #tpu.memory_space<hbm>>
      %dma_wait3A_89 = tpu.memref_squeeze %dma_wait3A_88 : memref<1x1x250x80xi32, #tpu.memory_space<hbm>> -> memref<250x80xi32, #tpu.memory_space<hbm>>
      %dma_wait3A_90 = arith.constant 0 : i32
      %dma_wait3A_91 = arith.constant 0 : i32
      %dma_wait3A_92 = tpu.memref_slice %arg3[%run_scoped3A, %arg1, %dma_wait3A_90, %dma_wait3A_91] : memref<2x16x250x80xi32, #tpu.memory_space<hbm>> -> memref<1x1x250x80xi32, #tpu.memory_space<hbm>>
      %dma_wait3A_93 = tpu.memref_squeeze %dma_wait3A_92 : memref<1x1x250x80xi32, #tpu.memory_space<hbm>> -> memref<250x80xi32, #tpu.memory_space<hbm>>
      tpu.wait_dma2 semaphore(%run_scoped3A_77 : memref<!tpu.dma_semaphore, #tpu.memory_space<semaphore_mem>>) src(%dma_wait3A_93 : memref<250x80xi32, #tpu.memory_space<hbm>>) dst(%arg7 : memref<250x80xi32, #tpu.memory_space<vmem>>)
      tpu.yield
    }) : () -> ()
    %run_scoped3A_0 = arith.constant 0 : i32
    "tpu.region"() ({
      %run_scoped3A_77 = tpu.sem_alloc : memref<!tpu.dma_semaphore, #tpu.memory_space<semaphore_mem>>
      %dma_start3A_78 = arith.constant 0 : i32
      %dma_start3A_79 = arith.constant 0 : i32
      %dma_start3A_80 = tpu.memref_slice %arg3[%run_scoped3A_0, %arg1, %dma_start3A_78, %dma_start3A_79] : memref<2x16x250x80xi32, #tpu.memory_space<hbm>> -> memref<1x1x250x80xi32, #tpu.memory_space<hbm>>
      %dma_start3A_81 = tpu.memref_squeeze %dma_start3A_80 : memref<1x1x250x80xi32, #tpu.memory_space<hbm>> -> memref<250x80xi32, #tpu.memory_space<hbm>>
      %dma_start3A_82 = arith.constant 0 : i32
      %dma_start3A_83 = arith.constant 0 : i32
      %dma_start3A_84 = tpu.memref_slice %arg3[%run_scoped3A_0, %arg1, %dma_start3A_82, %dma_start3A_83] : memref<2x16x250x80xi32, #tpu.memory_space<hbm>> -> memref<1x1x250x80xi32, #tpu.memory_space<hbm>>
      %dma_start3A_85 = tpu.memref_squeeze %dma_start3A_84 : memref<1x1x250x80xi32, #tpu.memory_space<hbm>> -> memref<250x80xi32, #tpu.memory_space<hbm>>
      tpu.enqueue_dma source(%dma_start3A_85 : memref<250x80xi32, #tpu.memory_space<hbm>>) target(%arg8 : memref<250x80xi32, #tpu.memory_space<vmem>>) target_semaphore(%run_scoped3A_77 : memref<!tpu.dma_semaphore, #tpu.memory_space<semaphore_mem>>)
      %dma_wait3A_86 = arith.constant 0 : i32
      %dma_wait3A_87 = arith.constant 0 : i32
      %dma_wait3A_88 = tpu.memref_slice %arg3[%run_scoped3A_0, %arg1, %dma_wait3A_86, %dma_wait3A_87] : memref<2x16x250x80xi32, #tpu.memory_space<hbm>> -> memref<1x1x250x80xi32, #tpu.memory_space<hbm>>
      %dma_wait3A_89 = tpu.memref_squeeze %dma_wait3A_88 : memref<1x1x250x80xi32, #tpu.memory_space<hbm>> -> memref<250x80xi32, #tpu.memory_space<hbm>>
      %dma_wait3A_90 = arith.constant 0 : i32
      %dma_wait3A_91 = arith.constant 0 : i32
      %dma_wait3A_92 = tpu.memref_slice %arg3[%run_scoped3A_0, %arg1, %dma_wait3A_90, %dma_wait3A_91] : memref<2x16x250x80xi32, #tpu.memory_space<hbm>> -> memref<1x1x250x80xi32, #tpu.memory_space<hbm>>
      %dma_wait3A_93 = tpu.memref_squeeze %dma_wait3A_92 : memref<1x1x250x80xi32, #tpu.memory_space<hbm>> -> memref<250x80xi32, #tpu.memory_space<hbm>>
      tpu.wait_dma2 semaphore(%run_scoped3A_77 : memref<!tpu.dma_semaphore, #tpu.memory_space<semaphore_mem>>) src(%dma_wait3A_93 : memref<250x80xi32, #tpu.memory_space<hbm>>) dst(%arg8 : memref<250x80xi32, #tpu.memory_space<vmem>>)
      tpu.yield
    }) : () -> ()
    %mul3A = arith.constant 20000 : i32
    %mul3A_1 = arith.muli %arg1, %mul3A : i32
    "tpu.region"() ({
      %run_scoped3A_77 = tpu.sem_alloc : memref<!tpu.dma_semaphore, #tpu.memory_space<semaphore_mem>>
      %dma_start3A_78 = tpu.memref_slice %arg4[%mul3A_1] : memref<320000xf32, #tpu.memory_space<hbm>> -> memref<20000xf32, #tpu.memory_space<hbm>>
      %dma_start3A_79 = tpu.memref_slice %arg4[%mul3A_1] : memref<320000xf32, #tpu.memory_space<hbm>> -> memref<20000xf32, #tpu.memory_space<hbm>>
      tpu.enqueue_dma source(%dma_start3A_79 : memref<20000xf32, #tpu.memory_space<hbm>>) target(%arg9 : memref<20000xf32, #tpu.memory_space<vmem>>) target_semaphore(%run_scoped3A_77 : memref<!tpu.dma_semaphore, #tpu.memory_space<semaphore_mem>>)
      %dma_wait3A_80 = tpu.memref_slice %arg4[%mul3A_1] : memref<320000xf32, #tpu.memory_space<hbm>> -> memref<20000xf32, #tpu.memory_space<hbm>>
      %dma_wait3A_81 = tpu.memref_slice %arg4[%mul3A_1] : memref<320000xf32, #tpu.memory_space<hbm>> -> memref<20000xf32, #tpu.memory_space<hbm>>
      tpu.wait_dma2 semaphore(%run_scoped3A_77 : memref<!tpu.dma_semaphore, #tpu.memory_space<semaphore_mem>>) src(%dma_wait3A_81 : memref<20000xf32, #tpu.memory_space<hbm>>) dst(%arg9 : memref<20000xf32, #tpu.memory_space<vmem>>)
      tpu.yield
    }) : () -> ()
    %mul3A_2 = arith.constant 624 : i32
    %mul3A_3 = arith.muli %arg1, %mul3A_2 : i32
    %mul3A_4 = arith.constant 624 : i32
    %mul3A_5 = arith.muli %arg1, %mul3A_4 : i32
    "tpu.region"() ({
      %run_scoped3A_77 = tpu.sem_alloc : memref<!tpu.dma_semaphore, #tpu.memory_space<semaphore_mem>>
      %dma_start3A_78 = arith.constant 0 : i32
      %dma_start3A_79 = tpu.memref_slice %arg12[%mul3A_5, %dma_start3A_78] : memref<10000x64xf32, #tpu.memory_space<vmem_shared>> -> memref<624x64xf32, #tpu.memory_space<vmem_shared>>
      %dma_start3A_80 = arith.constant 0 : i32
      %dma_start3A_81 = tpu.memref_slice %arg5[%mul3A_3, %dma_start3A_80] : memref<10000x64xf32, #tpu.memory_space<hbm>> -> memref<624x64xf32, #tpu.memory_space<hbm>>
      tpu.enqueue_dma source(%dma_start3A_81 : memref<624x64xf32, #tpu.memory_space<hbm>>) target(%dma_start3A_79 : memref<624x64xf32, #tpu.memory_space<vmem_shared>>) target_semaphore(%run_scoped3A_77 : memref<!tpu.dma_semaphore, #tpu.memory_space<semaphore_mem>>)
      %dma_wait3A_82 = arith.constant 0 : i32
      %dma_wait3A_83 = tpu.memref_slice %arg12[%mul3A_5, %dma_wait3A_82] : memref<10000x64xf32, #tpu.memory_space<vmem_shared>> -> memref<624x64xf32, #tpu.memory_space<vmem_shared>>
      %dma_wait3A_84 = arith.constant 0 : i32
      %dma_wait3A_85 = tpu.memref_slice %arg5[%mul3A_3, %dma_wait3A_84] : memref<10000x64xf32, #tpu.memory_space<hbm>> -> memref<624x64xf32, #tpu.memory_space<hbm>>
      tpu.wait_dma2 semaphore(%run_scoped3A_77 : memref<!tpu.dma_semaphore, #tpu.memory_space<semaphore_mem>>) src(%dma_wait3A_85 : memref<624x64xf32, #tpu.memory_space<hbm>>) dst(%dma_wait3A_83 : memref<624x64xf32, #tpu.memory_space<vmem_shared>>)
      tpu.yield
    }) : () -> ()
    %eq3A = arith.constant 0 : i32
    %eq3A_6 = arith.cmpi eq, %arg1, %eq3A : i32
    %convert_element_type3A = arith.extui %eq3A_6 : i1 to i32
    %cond3A = arith.constant 0 : i32
    %cond3A_7 = arith.cmpi ne, %convert_element_type3A, %cond3A : i32
    scf.if %cond3A_7 {
      "tpu.region"() ({
        %run_scoped3A_77 = tpu.sem_alloc : memref<!tpu.dma_semaphore, #tpu.memory_space<semaphore_mem>>
        %dma_start3A_78 = arith.constant 9984 : i32
        %dma_start3A_79 = arith.constant 0 : i32
        %dma_start3A_80 = tpu.memref_slice %arg12[%dma_start3A_78, %dma_start3A_79] : memref<10000x64xf32, #tpu.memory_space<vmem_shared>> -> memref<16x64xf32, #tpu.memory_space<vmem_shared>>
        %dma_start3A_81 = arith.constant 9984 : i32
        %dma_start3A_82 = arith.constant 0 : i32
        %dma_start3A_83 = tpu.memref_slice %arg5[%dma_start3A_81, %dma_start3A_82] : memref<10000x64xf32, #tpu.memory_space<hbm>> -> memref<16x64xf32, #tpu.memory_space<hbm>>
        tpu.enqueue_dma source(%dma_start3A_83 : memref<16x64xf32, #tpu.memory_space<hbm>>) target(%dma_start3A_80 : memref<16x64xf32, #tpu.memory_space<vmem_shared>>) target_semaphore(%run_scoped3A_77 : memref<!tpu.dma_semaphore, #tpu.memory_space<semaphore_mem>>)
        %dma_wait3A_84 = arith.constant 9984 : i32
        %dma_wait3A_85 = arith.constant 0 : i32
        %dma_wait3A_86 = tpu.memref_slice %arg12[%dma_wait3A_84, %dma_wait3A_85] : memref<10000x64xf32, #tpu.memory_space<vmem_shared>> -> memref<16x64xf32, #tpu.memory_space<vmem_shared>>
        %dma_wait3A_87 = arith.constant 9984 : i32
        %dma_wait3A_88 = arith.constant 0 : i32
        %dma_wait3A_89 = tpu.memref_slice %arg5[%dma_wait3A_87, %dma_wait3A_88] : memref<10000x64xf32, #tpu.memory_space<hbm>> -> memref<16x64xf32, #tpu.memory_space<hbm>>
        tpu.wait_dma2 semaphore(%run_scoped3A_77 : memref<!tpu.dma_semaphore, #tpu.memory_space<semaphore_mem>>) src(%dma_wait3A_89 : memref<16x64xf32, #tpu.memory_space<hbm>>) dst(%dma_wait3A_86 : memref<16x64xf32, #tpu.memory_space<vmem_shared>>)
        tpu.yield
      }) : () -> ()
    } else {
    }
    %broadcast_in_dim3A = vector.broadcast %arg0 : i32 to vector<16xi32>
    %scan3A = arith.constant 0 : i32
    %scan3A_8 = arith.constant 0 : i32
    %scan3A_9 = arith.constant 250 : i32
    %scan3A_10 = arith.addi %scan3A_8, %scan3A_9 : i32
    %scan3A_11 = arith.constant 1 : i32
    scf.for %scan3A_77 = %scan3A_8 to %scan3A_10 step %scan3A_11  : i32 {
      %get3A = arith.index_cast %scan3A_77 : i32 to index
      %get3A_78 = arith.constant 0 : index
      %get3A_79 = tpu.vector_load %arg7[%get3A, %get3A_78] {strides = array<i32>} : memref<250x80xi32, #tpu.memory_space<vmem>>, vector<1x16xi32>,
      %get3A_80 = vector.shape_cast %get3A_79 : vector<1x16xi32> to vector<16xi32>
      %add3A = arith.addi %get3A_80, %get3A_80 : vector<16xi32>
      %add3A_81 = arith.addi %add3A, %broadcast_in_dim3A : vector<16xi32>
      %swap3A = arith.index_cast %scan3A_77 : i32 to index
      %swap3A_82 = arith.constant 0 : index
      %swap3A_83 = tpu.vector_load %arg7[%swap3A, %swap3A_82] {strides = array<i32>} : memref<250x80xi32, #tpu.memory_space<vmem>>, vector<1x16xi32>,
      %swap3A_84 = vector.shape_cast %swap3A_83 : vector<1x16xi32> to vector<16xi32>
      %swap3A_85 = vector.shape_cast %add3A_81 : vector<16xi32> to vector<1x16xi32>
      tpu.vector_store %arg7[%swap3A, %swap3A_82], %swap3A_85 {strides = array<i32>} : memref<250x80xi32, #tpu.memory_space<vmem>>, vector<1x16xi32>,
      %get3A_86 = arith.index_cast %scan3A_77 : i32 to index
      %get3A_87 = arith.constant 16 : index
      %get3A_88 = tpu.vector_load %arg7[%get3A_86, %get3A_87] {strides = array<i32>} : memref<250x80xi32, #tpu.memory_space<vmem>>, vector<1x16xi32>,
      %get3A_89 = vector.shape_cast %get3A_88 : vector<1x16xi32> to vector<16xi32>
      %add3A_90 = arith.addi %get3A_89, %get3A_89 : vector<16xi32>
      %add3A_91 = arith.addi %add3A_90, %broadcast_in_dim3A : vector<16xi32>
      %swap3A_92 = arith.index_cast %scan3A_77 : i32 to index
      %swap3A_93 = arith.constant 16 : index
      %swap3A_94 = tpu.vector_load %arg7[%swap3A_92, %swap3A_93] {strides = array<i32>} : memref<250x80xi32, #tpu.memory_space<vmem>>, vector<1x16xi32>,
      %swap3A_95 = vector.shape_cast %swap3A_94 : vector<1x16xi32> to vector<16xi32>
      %swap3A_96 = vector.shape_cast %add3A_91 : vector<16xi32> to vector<1x16xi32>
      tpu.vector_store %arg7[%swap3A_92, %swap3A_93], %swap3A_96 {strides = array<i32>} : memref<250x80xi32, #tpu.memory_space<vmem>>, vector<1x16xi32>,
      %get3A_97 = arith.index_cast %scan3A_77 : i32 to index
      %get3A_98 = arith.constant 32 : index
      %get3A_99 = tpu.vector_load %arg7[%get3A_97, %get3A_98] {strides = array<i32>} : memref<250x80xi32, #tpu.memory_space<vmem>>, vector<1x16xi32>,
      %get3A_100 = vector.shape_cast %get3A_99 : vector<1x16xi32> to vector<16xi32>
      %add3A_101 = arith.addi %get3A_100, %get3A_100 : vector<16xi32>
      %add3A_102 = arith.addi %add3A_101, %broadcast_in_dim3A : vector<16xi32>
      %swap3A_103 = arith.index_cast %scan3A_77 : i32 to index
      %swap3A_104 = arith.constant 32 : index
      %swap3A_105 = tpu.vector_load %arg7[%swap3A_103, %swap3A_104] {strides = array<i32>} : memref<250x80xi32, #tpu.memory_space<vmem>>, vector<1x16xi32>,
      %swap3A_106 = vector.shape_cast %swap3A_105 : vector<1x16xi32> to vector<16xi32>
      %swap3A_107 = vector.shape_cast %add3A_102 : vector<16xi32> to vector<1x16xi32>
      tpu.vector_store %arg7[%swap3A_103, %swap3A_104], %swap3A_107 {strides = array<i32>} : memref<250x80xi32, #tpu.memory_space<vmem>>, vector<1x16xi32>,
      %get3A_108 = arith.index_cast %scan3A_77 : i32 to index
      %get3A_109 = arith.constant 48 : index
      %get3A_110 = tpu.vector_load %arg7[%get3A_108, %get3A_109] {strides = array<i32>} : memref<250x80xi32, #tpu.memory_space<vmem>>, vector<1x16xi32>,
      %get3A_111 = vector.shape_cast %get3A_110 : vector<1x16xi32> to vector<16xi32>
      %add3A_112 = arith.addi %get3A_111, %get3A_111 : vector<16xi32>
      %add3A_113 = arith.addi %add3A_112, %broadcast_in_dim3A : vector<16xi32>
      %swap3A_114 = arith.index_cast %scan3A_77 : i32 to index
      %swap3A_115 = arith.constant 48 : index
      %swap3A_116 = tpu.vector_load %arg7[%swap3A_114, %swap3A_115] {strides = array<i32>} : memref<250x80xi32, #tpu.memory_space<vmem>>, vector<1x16xi32>,
      %swap3A_117 = vector.shape_cast %swap3A_116 : vector<1x16xi32> to vector<16xi32>
      %swap3A_118 = vector.shape_cast %add3A_113 : vector<16xi32> to vector<1x16xi32>
      tpu.vector_store %arg7[%swap3A_114, %swap3A_115], %swap3A_118 {strides = array<i32>} : memref<250x80xi32, #tpu.memory_space<vmem>>, vector<1x16xi32>,
      %get3A_119 = arith.index_cast %scan3A_77 : i32 to index
      %get3A_120 = arith.constant 64 : index
      %get3A_121 = tpu.vector_load %arg7[%get3A_119, %get3A_120] {strides = array<i32>} : memref<250x80xi32, #tpu.memory_space<vmem>>, vector<1x16xi32>,
      %get3A_122 = vector.shape_cast %get3A_121 : vector<1x16xi32> to vector<16xi32>
      %add3A_123 = arith.addi %get3A_122, %get3A_122 : vector<16xi32>
      %add3A_124 = arith.addi %add3A_123, %broadcast_in_dim3A : vector<16xi32>
      %swap3A_125 = arith.index_cast %scan3A_77 : i32 to index
      %swap3A_126 = arith.constant 64 : index
      %swap3A_127 = tpu.vector_load %arg7[%swap3A_125, %swap3A_126] {strides = array<i32>} : memref<250x80xi32, #tpu.memory_space<vmem>>, vector<1x16xi32>,
      %swap3A_128 = vector.shape_cast %swap3A_127 : vector<1x16xi32> to vector<16xi32>
      %swap3A_129 = vector.shape_cast %add3A_124 : vector<16xi32> to vector<1x16xi32>
      tpu.vector_store %arg7[%swap3A_125, %swap3A_126], %swap3A_129 {strides = array<i32>} : memref<250x80xi32, #tpu.memory_space<vmem>>, vector<1x16xi32>,
    }
    %scan3A_12 = arith.constant 250 : i32
    %barrier3A = arith.constant 0 : index
    tpu.barrier barrier_id(%barrier3A)
    %dma_start3A = arith.constant 0 : i32
    %dma_start3A_13 = arith.constant 0 : i32
    %dma_start3A_14 = arith.constant 0 : i32
    %dma_start3A_15 = arith.constant 0 : i32
    %dma_start3A_16 = tpu.memref_slice %arg10[%dma_start3A_13, %dma_start3A_14, %dma_start3A_15] : memref<2x80x64xf32, #tpu.memory_space<vmem>> -> memref<1x80x64xf32, #tpu.memory_space<vmem>>
    %dma_start3A_17 = tpu.memref_squeeze %dma_start3A_16 : memref<1x80x64xf32, #tpu.memory_space<vmem>> -> memref<80x64xf32, #tpu.memory_space<vmem>>
    %dma_start3A_18 = arith.constant 0 : i32
    %dma_start3A_19 = tpu.memref_slice %arg7[%dma_start3A, %dma_start3A_18] : memref<250x80xi32, #tpu.memory_space<vmem>> -> memref<1x80xi32, #tpu.memory_space<vmem>>
    %dma_start3A_20 = tpu.memref_squeeze %dma_start3A_19 : memref<1x80xi32, #tpu.memory_space<vmem>> -> memref<80xi32, #tpu.memory_space<vmem>>
    %dma_start3A_21 = arith.constant 0 : i32
    %dma_start3A_22 = arith.constant 0 : i32
    %dma_start3A_23 = tpu.memref_slice %arg2[%dma_start3A_21, %dma_start3A_22] : memref<20000x64xf32, #tpu.memory_space<hbm>> -> memref<20000x64xf32, #tpu.memory_space<hbm>>
    tpu.enqueue_indirect_dma source(%dma_start3A_23 : memref<20000x64xf32, #tpu.memory_space<hbm>>) target(%dma_start3A_17 : memref<80x64xf32, #tpu.memory_space<vmem>>) offsets(%dma_start3A_20 : memref<80xi32, #tpu.memory_space<vmem>>) semaphore(%arg13 : memref<!tpu.dma_semaphore, #tpu.memory_space<semaphore_mem>>)
    %dma_start3A_24 = arith.constant 1 : i32
    %dma_start3A_25 = arith.constant 1 : i32
    %dma_start3A_26 = arith.constant 0 : i32
    %dma_start3A_27 = arith.constant 0 : i32
    %dma_start3A_28 = tpu.memref_slice %arg10[%dma_start3A_25, %dma_start3A_26, %dma_start3A_27] : memref<2x80x64xf32, #tpu.memory_space<vmem>> -> memref<1x80x64xf32, #tpu.memory_space<vmem>>
    %dma_start3A_29 = tpu.memref_squeeze %dma_start3A_28 : memref<1x80x64xf32, #tpu.memory_space<vmem>> -> memref<80x64xf32, #tpu.memory_space<vmem>>
    %dma_start3A_30 = arith.constant 0 : i32
    %dma_start3A_31 = tpu.memref_slice %arg7[%dma_start3A_24, %dma_start3A_30] : memref<250x80xi32, #tpu.memory_space<vmem>> -> memref<1x80xi32, #tpu.memory_space<vmem>>
    %dma_start3A_32 = tpu.memref_squeeze %dma_start3A_31 : memref<1x80xi32, #tpu.memory_space<vmem>> -> memref<80xi32, #tpu.memory_space<vmem>>
    %dma_start3A_33 = arith.constant 0 : i32
    %dma_start3A_34 = arith.constant 0 : i32
    %dma_start3A_35 = tpu.memref_slice %arg2[%dma_start3A_33, %dma_start3A_34] : memref<20000x64xf32, #tpu.memory_space<hbm>> -> memref<20000x64xf32, #tpu.memory_space<hbm>>
    tpu.enqueue_indirect_dma source(%dma_start3A_35 : memref<20000x64xf32, #tpu.memory_space<hbm>>) target(%dma_start3A_29 : memref<80x64xf32, #tpu.memory_space<vmem>>) offsets(%dma_start3A_32 : memref<80xi32, #tpu.memory_space<vmem>>) semaphore(%arg14 : memref<!tpu.dma_semaphore, #tpu.memory_space<semaphore_mem>>)
    %scan3A_36 = arith.constant 0 : i32
    %scan3A_37 = arith.constant 0 : i32
    %scan3A_38 = arith.constant 125 : i32
    %scan3A_39 = arith.addi %scan3A_37, %scan3A_38 : i32
    %scan3A_40 = arith.constant 1 : i32
    scf.for %scan3A_77 = %scan3A_37 to %scan3A_39 step %scan3A_40  : i32 {
      %mul3A_78 = arith.constant 2 : i32
      %mul3A_79 = arith.muli %mul3A_78, %scan3A_77 : i32
      %add3A = arith.constant 0 : i32
      %add3A_80 = arith.addi %mul3A_79, %add3A : i32
      %dma_wait3A_81 = arith.constant 0 : i32
      %dma_wait3A_82 = arith.constant 0 : i32
      %dma_wait3A_83 = arith.constant 0 : i32
      %dma_wait3A_84 = tpu.memref_slice %arg10[%dma_wait3A_81, %dma_wait3A_82, %dma_wait3A_83] : memref<2x80x64xf32, #tpu.memory_space<vmem>> -> memref<1x80x64xf32, #tpu.memory_space<vmem>>
      %dma_wait3A_85 = tpu.memref_squeeze %dma_wait3A_84 : memref<1x80x64xf32, #tpu.memory_space<vmem>> -> memref<80x64xf32, #tpu.memory_space<vmem>>
      %dma_wait3A_86 = arith.constant 0 : i32
      %dma_wait3A_87 = tpu.memref_slice %arg7[%add3A_80, %dma_wait3A_86] : memref<250x80xi32, #tpu.memory_space<vmem>> -> memref<1x80xi32, #tpu.memory_space<vmem>>
      %dma_wait3A_88 = tpu.memref_squeeze %dma_wait3A_87 : memref<1x80xi32, #tpu.memory_space<vmem>> -> memref<80xi32, #tpu.memory_space<vmem>>
      %dma_wait3A_89 = arith.constant 0 : i32
      %dma_wait3A_90 = arith.constant 0 : i32
      %dma_wait3A_91 = tpu.memref_slice %arg2[%dma_wait3A_89, %dma_wait3A_90] : memref<20000x64xf32, #tpu.memory_space<hbm>> -> memref<20000x64xf32, #tpu.memory_space<hbm>>
      tpu.wait_indirect_dma semaphore(%arg13 : memref<!tpu.dma_semaphore, #tpu.memory_space<semaphore_mem>>) src(%dma_wait3A_91 : memref<20000x64xf32, #tpu.memory_space<hbm>>) dst(%dma_wait3A_85 : memref<80x64xf32, #tpu.memory_space<vmem>>)
      %ge3A = arith.constant 1 : i32
      %ge3A_92 = arith.cmpi sge, %scan3A_77, %ge3A : i32
      %convert_element_type3A_93 = arith.extui %ge3A_92 : i1 to i32
      %cond3A_94 = arith.constant 0 : i32
      %cond3A_95 = arith.cmpi ne, %convert_element_type3A_93, %cond3A_94 : i32
      scf.if %cond3A_95 {
        %dma_wait3A_163 = arith.constant 0 : i32
        %dma_wait3A_164 = arith.constant 0 : i32
        %dma_wait3A_165 = arith.constant 0 : i32
        %dma_wait3A_166 = tpu.memref_slice %arg11[%dma_wait3A_163, %dma_wait3A_164, %dma_wait3A_165] : memref<2x80x64xf32, #tpu.memory_space<vmem>> -> memref<1x80x64xf32, #tpu.memory_space<vmem>>
        %dma_wait3A_167 = tpu.memref_squeeze %dma_wait3A_166 : memref<1x80x64xf32, #tpu.memory_space<vmem>> -> memref<80x64xf32, #tpu.memory_space<vmem>>
        %dma_wait3A_168 = arith.constant 0 : i32
        %dma_wait3A_169 = tpu.memref_slice %arg8[%add3A_80, %dma_wait3A_168] : memref<250x80xi32, #tpu.memory_space<vmem>> -> memref<1x80xi32, #tpu.memory_space<vmem>>
        %dma_wait3A_170 = tpu.memref_squeeze %dma_wait3A_169 : memref<1x80xi32, #tpu.memory_space<vmem>> -> memref<80xi32, #tpu.memory_space<vmem>>
        %dma_wait3A_171 = arith.constant 0 : i32
        %dma_wait3A_172 = arith.constant 0 : i32
        %dma_wait3A_173 = tpu.memref_slice %arg12[%dma_wait3A_171, %dma_wait3A_172] : memref<10000x64xf32, #tpu.memory_space<vmem_shared>> -> memref<10000x64xf32, #tpu.memory_space<vmem_shared>>
        tpu.wait_indirect_dma semaphore(%arg15 : memref<!tpu.dma_semaphore, #tpu.memory_space<semaphore_mem>>) src(%dma_wait3A_167 : memref<80x64xf32, #tpu.memory_space<vmem>>) dst(%dma_wait3A_173 : memref<10000x64xf32, #tpu.memory_space<vmem_shared>>)
      } else {
      }
      %scan3A_96 = arith.constant 0 : i32
      %scan3A_97 = arith.constant 0 : i32
      %scan3A_98 = arith.constant 5 : i32
      %scan3A_99 = arith.addi %scan3A_97, %scan3A_98 : i32
      %scan3A_100 = arith.constant 1 : i32
      scf.for %scan3A_163 = %scan3A_97 to %scan3A_99 step %scan3A_100  : i32 {
        %mul3A_164 = arith.constant 80 : i32
        %mul3A_165 = arith.muli %add3A_80, %mul3A_164 : i32
        %mul3A_166 = arith.constant 16 : i32
        %mul3A_167 = arith.muli %scan3A_163, %mul3A_166 : i32
        %add3A_168 = arith.addi %mul3A_165, %mul3A_167 : i32
        %get3A = arith.index_cast %add3A_168 : i32 to index
        %get3A_169 = tpu.vector_load %arg9[%get3A] {strides = array<i32>} : memref<20000xf32, #tpu.memory_space<vmem>>, vector<16xf32>,
        %get3A_170 = vector.shape_cast %get3A_169 : vector<16xf32> to vector<16xf32>
        %broadcast_in_dim3A_171 = arith.constant 0 : i32
        %broadcast_in_dim3A_172 = vector.broadcast %broadcast_in_dim3A_171 : i32 to vector<16x1xi32>
        %gather3A = vector.shape_cast %broadcast_in_dim3A_172 : vector<16x1xi32> to vector<16xi32>
        %gather3A_173 = tpu.dynamic_gather %get3A_170[%gather3A] in [0] : vector<16xf32>, vector<16xi32> -> vector<16xf32>
        %broadcast_in_dim3A_174 = arith.constant 1 : i32
        %broadcast_in_dim3A_175 = vector.broadcast %broadcast_in_dim3A_174 : i32 to vector<16x1xi32>
        %gather3A_176 = vector.shape_cast %broadcast_in_dim3A_175 : vector<16x1xi32> to vector<16xi32>
        %gather3A_177 = tpu.dynamic_gather %get3A_170[%gather3A_176] in [0] : vector<16xf32>, vector<16xi32> -> vector<16xf32>
        %broadcast_in_dim3A_178 = arith.constant 2 : i32
        %broadcast_in_dim3A_179 = vector.broadcast %broadcast_in_dim3A_178 : i32 to vector<16x1xi32>
        %gather3A_180 = vector.shape_cast %broadcast_in_dim3A_179 : vector<16x1xi32> to vector<16xi32>
        %gather3A_181 = tpu.dynamic_gather %get3A_170[%gather3A_180] in [0] : vector<16xf32>, vector<16xi32> -> vector<16xf32>
        %broadcast_in_dim3A_182 = arith.constant 3 : i32
        %broadcast_in_dim3A_183 = vector.broadcast %broadcast_in_dim3A_182 : i32 to vector<16x1xi32>
        %gather3A_184 = vector.shape_cast %broadcast_in_dim3A_183 : vector<16x1xi32> to vector<16xi32>
        %gather3A_185 = tpu.dynamic_gather %get3A_170[%gather3A_184] in [0] : vector<16xf32>, vector<16xi32> -> vector<16xf32>
        %broadcast_in_dim3A_186 = arith.constant 4 : i32
        %broadcast_in_dim3A_187 = vector.broadcast %broadcast_in_dim3A_186 : i32 to vector<16x1xi32>
        %gather3A_188 = vector.shape_cast %broadcast_in_dim3A_187 : vector<16x1xi32> to vector<16xi32>
        %gather3A_189 = tpu.dynamic_gather %get3A_170[%gather3A_188] in [0] : vector<16xf32>, vector<16xi32> -> vector<16xf32>
        %broadcast_in_dim3A_190 = arith.constant 5 : i32
        %broadcast_in_dim3A_191 = vector.broadcast %broadcast_in_dim3A_190 : i32 to vector<16x1xi32>
        %gather3A_192 = vector.shape_cast %broadcast_in_dim3A_191 : vector<16x1xi32> to vector<16xi32>
        %gather3A_193 = tpu.dynamic_gather %get3A_170[%gather3A_192] in [0] : vector<16xf32>, vector<16xi32> -> vector<16xf32>
        %broadcast_in_dim3A_194 = arith.constant 6 : i32
        %broadcast_in_dim3A_195 = vector.broadcast %broadcast_in_dim3A_194 : i32 to vector<16x1xi32>
        %gather3A_196 = vector.shape_cast %broadcast_in_dim3A_195 : vector<16x1xi32> to vector<16xi32>
        %gather3A_197 = tpu.dynamic_gather %get3A_170[%gather3A_196] in [0] : vector<16xf32>, vector<16xi32> -> vector<16xf32>
        %broadcast_in_dim3A_198 = arith.constant 7 : i32
        %broadcast_in_dim3A_199 = vector.broadcast %broadcast_in_dim3A_198 : i32 to vector<16x1xi32>
        %gather3A_200 = vector.shape_cast %broadcast_in_dim3A_199 : vector<16x1xi32> to vector<16xi32>
        %gather3A_201 = tpu.dynamic_gather %get3A_170[%gather3A_200] in [0] : vector<16xf32>, vector<16xi32> -> vector<16xf32>
        %mul3A_202 = arith.constant 16 : i32
        %mul3A_203 = arith.muli %scan3A_163, %mul3A_202 : i32
        %add3A_204 = arith.constant 0 : i32
        %add3A_205 = arith.addi %mul3A_203, %add3A_204 : i32
        %add3A_206 = arith.constant 0 : i32
        %add3A_207 = arith.addi %add3A_205, %add3A_206 : i32
        %get3A_208 = arith.constant 0 : i32
        %get3A_209 = arith.index_cast %get3A_208 : i32 to index
        %get3A_210 = arith.index_cast %add3A_207 : i32 to index
        %get3A_211 = arith.constant 0 : index
        %get3A_212 = tpu.vector_load %arg10[%get3A_209, %get3A_210, %get3A_211] {strides = array<i32>} : memref<2x80x64xf32, #tpu.memory_space<vmem>>, vector<1x1x16xf32>,
        %get3A_213 = vector.shape_cast %get3A_212 : vector<1x1x16xf32> to vector<16xf32>
        %mul3A_214 = arith.constant 16 : i32
        %mul3A_215 = arith.muli %scan3A_163, %mul3A_214 : i32
        %add3A_216 = arith.constant 0 : i32
        %add3A_217 = arith.addi %mul3A_215, %add3A_216 : i32
        %add3A_218 = arith.constant 0 : i32
        %add3A_219 = arith.addi %add3A_217, %add3A_218 : i32
        %get3A_220 = arith.constant 0 : i32
        %get3A_221 = arith.index_cast %get3A_220 : i32 to index
        %get3A_222 = arith.index_cast %add3A_219 : i32 to index
        %get3A_223 = arith.constant 16 : index
        %get3A_224 = tpu.vector_load %arg10[%get3A_221, %get3A_222, %get3A_223] {strides = array<i32>} : memref<2x80x64xf32, #tpu.memory_space<vmem>>, vector<1x1x16xf32>,
        %get3A_225 = vector.shape_cast %get3A_224 : vector<1x1x16xf32> to vector<16xf32>
        %mul3A_226 = arith.constant 16 : i32
        %mul3A_227 = arith.muli %scan3A_163, %mul3A_226 : i32
        %add3A_228 = arith.constant 0 : i32
        %add3A_229 = arith.addi %mul3A_227, %add3A_228 : i32
        %add3A_230 = arith.constant 0 : i32
        %add3A_231 = arith.addi %add3A_229, %add3A_230 : i32
        %get3A_232 = arith.constant 0 : i32
        %get3A_233 = arith.index_cast %get3A_232 : i32 to index
        %get3A_234 = arith.index_cast %add3A_231 : i32 to index
        %get3A_235 = arith.constant 32 : index
        %get3A_236 = tpu.vector_load %arg10[%get3A_233, %get3A_234, %get3A_235] {strides = array<i32>} : memref<2x80x64xf32, #tpu.memory_space<vmem>>, vector<1x1x16xf32>,
        %get3A_237 = vector.shape_cast %get3A_236 : vector<1x1x16xf32> to vector<16xf32>
        %mul3A_238 = arith.constant 16 : i32
        %mul3A_239 = arith.muli %scan3A_163, %mul3A_238 : i32
        %add3A_240 = arith.constant 0 : i32
        %add3A_241 = arith.addi %mul3A_239, %add3A_240 : i32
        %add3A_242 = arith.constant 0 : i32
        %add3A_243 = arith.addi %add3A_241, %add3A_242 : i32
        %get3A_244 = arith.constant 0 : i32
        %get3A_245 = arith.index_cast %get3A_244 : i32 to index
        %get3A_246 = arith.index_cast %add3A_243 : i32 to index
        %get3A_247 = arith.constant 48 : index
        %get3A_248 = tpu.vector_load %arg10[%get3A_245, %get3A_246, %get3A_247] {strides = array<i32>} : memref<2x80x64xf32, #tpu.memory_space<vmem>>, vector<1x1x16xf32>,
        %get3A_249 = vector.shape_cast %get3A_248 : vector<1x1x16xf32> to vector<16xf32>
        %mul3A_250 = arith.constant 16 : i32
        %mul3A_251 = arith.muli %scan3A_163, %mul3A_250 : i32
        %add3A_252 = arith.constant 0 : i32
        %add3A_253 = arith.addi %mul3A_251, %add3A_252 : i32
        %add3A_254 = arith.constant 1 : i32
        %add3A_255 = arith.addi %add3A_253, %add3A_254 : i32
        %get3A_256 = arith.constant 0 : i32
        %get3A_257 = arith.index_cast %get3A_256 : i32 to index
        %get3A_258 = arith.index_cast %add3A_255 : i32 to index
        %get3A_259 = arith.constant 0 : index
        %get3A_260 = tpu.vector_load %arg10[%get3A_257, %get3A_258, %get3A_259] {strides = array<i32>} : memref<2x80x64xf32, #tpu.memory_space<vmem>>, vector<1x1x16xf32>,
        %get3A_261 = vector.shape_cast %get3A_260 : vector<1x1x16xf32> to vector<16xf32>
        %mul3A_262 = arith.constant 16 : i32
        %mul3A_263 = arith.muli %scan3A_163, %mul3A_262 : i32
        %add3A_264 = arith.constant 0 : i32
        %add3A_265 = arith.addi %mul3A_263, %add3A_264 : i32
        %add3A_266 = arith.constant 1 : i32
        %add3A_267 = arith.addi %add3A_265, %add3A_266 : i32
        %get3A_268 = arith.constant 0 : i32
        %get3A_269 = arith.index_cast %get3A_268 : i32 to index
        %get3A_270 = arith.index_cast %add3A_267 : i32 to index
        %get3A_271 = arith.constant 16 : index
        %get3A_272 = tpu.vector_load %arg10[%get3A_269, %get3A_270, %get3A_271] {strides = array<i32>} : memref<2x80x64xf32, #tpu.memory_space<vmem>>, vector<1x1x16xf32>,
        %get3A_273 = vector.shape_cast %get3A_272 : vector<1x1x16xf32> to vector<16xf32>
        %mul3A_274 = arith.constant 16 : i32
        %mul3A_275 = arith.muli %scan3A_163, %mul3A_274 : i32
        %add3A_276 = arith.constant 0 : i32
        %add3A_277 = arith.addi %mul3A_275, %add3A_276 : i32
        %add3A_278 = arith.constant 1 : i32
        %add3A_279 = arith.addi %add3A_277, %add3A_278 : i32
        %get3A_280 = arith.constant 0 : i32
        %get3A_281 = arith.index_cast %get3A_280 : i32 to index
        %get3A_282 = arith.index_cast %add3A_279 : i32 to index
        %get3A_283 = arith.constant 32 : index
        %get3A_284 = tpu.vector_load %arg10[%get3A_281, %get3A_282, %get3A_283] {strides = array<i32>} : memref<2x80x64xf32, #tpu.memory_space<vmem>>, vector<1x1x16xf32>,
        %get3A_285 = vector.shape_cast %get3A_284 : vector<1x1x16xf32> to vector<16xf32>
        %mul3A_286 = arith.constant 16 : i32
        %mul3A_287 = arith.muli %scan3A_163, %mul3A_286 : i32
        %add3A_288 = arith.constant 0 : i32
        %add3A_289 = arith.addi %mul3A_287, %add3A_288 : i32
        %add3A_290 = arith.constant 1 : i32
        %add3A_291 = arith.addi %add3A_289, %add3A_290 : i32
        %get3A_292 = arith.constant 0 : i32
        %get3A_293 = arith.index_cast %get3A_292 : i32 to index
        %get3A_294 = arith.index_cast %add3A_291 : i32 to index
        %get3A_295 = arith.constant 48 : index
        %get3A_296 = tpu.vector_load %arg10[%get3A_293, %get3A_294, %get3A_295] {strides = array<i32>} : memref<2x80x64xf32, #tpu.memory_space<vmem>>, vector<1x1x16xf32>,
        %get3A_297 = vector.shape_cast %get3A_296 : vector<1x1x16xf32> to vector<16xf32>
        %mul3A_298 = arith.constant 16 : i32
        %mul3A_299 = arith.muli %scan3A_163, %mul3A_298 : i32
        %add3A_300 = arith.constant 0 : i32
        %add3A_301 = arith.addi %mul3A_299, %add3A_300 : i32
        %add3A_302 = arith.constant 2 : i32
        %add3A_303 = arith.addi %add3A_301, %add3A_302 : i32
        %get3A_304 = arith.constant 0 : i32
        %get3A_305 = arith.index_cast %get3A_304 : i32 to index
        %get3A_306 = arith.index_cast %add3A_303 : i32 to index
        %get3A_307 = arith.constant 0 : index
        %get3A_308 = tpu.vector_load %arg10[%get3A_305, %get3A_306, %get3A_307] {strides = array<i32>} : memref<2x80x64xf32, #tpu.memory_space<vmem>>, vector<1x1x16xf32>,
        %get3A_309 = vector.shape_cast %get3A_308 : vector<1x1x16xf32> to vector<16xf32>
        %mul3A_310 = arith.constant 16 : i32
        %mul3A_311 = arith.muli %scan3A_163, %mul3A_310 : i32
        %add3A_312 = arith.constant 0 : i32
        %add3A_313 = arith.addi %mul3A_311, %add3A_312 : i32
        %add3A_314 = arith.constant 2 : i32
        %add3A_315 = arith.addi %add3A_313, %add3A_314 : i32
        %get3A_316 = arith.constant 0 : i32
        %get3A_317 = arith.index_cast %get3A_316 : i32 to index
        %get3A_318 = arith.index_cast %add3A_315 : i32 to index
        %get3A_319 = arith.constant 16 : index
        %get3A_320 = tpu.vector_load %arg10[%get3A_317, %get3A_318, %get3A_319] {strides = array<i32>} : memref<2x80x64xf32, #tpu.memory_space<vmem>>, vector<1x1x16xf32>,
        %get3A_321 = vector.shape_cast %get3A_320 : vector<1x1x16xf32> to vector<16xf32>
        %mul3A_322 = arith.constant 16 : i32
        %mul3A_323 = arith.muli %scan3A_163, %mul3A_322 : i32
        %add3A_324 = arith.constant 0 : i32
        %add3A_325 = arith.addi %mul3A_323, %add3A_324 : i32
        %add3A_326 = arith.constant 2 : i32
        %add3A_327 = arith.addi %add3A_325, %add3A_326 : i32
        %get3A_328 = arith.constant 0 : i32
        %get3A_329 = arith.index_cast %get3A_328 : i32 to index
        %get3A_330 = arith.index_cast %add3A_327 : i32 to index
        %get3A_331 = arith.constant 32 : index
        %get3A_332 = tpu.vector_load %arg10[%get3A_329, %get3A_330, %get3A_331] {strides = array<i32>} : memref<2x80x64xf32, #tpu.memory_space<vmem>>, vector<1x1x16xf32>,
        %get3A_333 = vector.shape_cast %get3A_332 : vector<1x1x16xf32> to vector<16xf32>
        %mul3A_334 = arith.constant 16 : i32
        %mul3A_335 = arith.muli %scan3A_163, %mul3A_334 : i32
        %add3A_336 = arith.constant 0 : i32
        %add3A_337 = arith.addi %mul3A_335, %add3A_336 : i32
        %add3A_338 = arith.constant 2 : i32
        %add3A_339 = arith.addi %add3A_337, %add3A_338 : i32
        %get3A_340 = arith.constant 0 : i32
        %get3A_341 = arith.index_cast %get3A_340 : i32 to index
        %get3A_342 = arith.index_cast %add3A_339 : i32 to index
        %get3A_343 = arith.constant 48 : index
        %get3A_344 = tpu.vector_load %arg10[%get3A_341, %get3A_342, %get3A_343] {strides = array<i32>} : memref<2x80x64xf32, #tpu.memory_space<vmem>>, vector<1x1x16xf32>,
        %get3A_345 = vector.shape_cast %get3A_344 : vector<1x1x16xf32> to vector<16xf32>
        %mul3A_346 = arith.constant 16 : i32
        %mul3A_347 = arith.muli %scan3A_163, %mul3A_346 : i32
        %add3A_348 = arith.constant 0 : i32
        %add3A_349 = arith.addi %mul3A_347, %add3A_348 : i32
        %add3A_350 = arith.constant 3 : i32
        %add3A_351 = arith.addi %add3A_349, %add3A_350 : i32
        %get3A_352 = arith.constant 0 : i32
        %get3A_353 = arith.index_cast %get3A_352 : i32 to index
        %get3A_354 = arith.index_cast %add3A_351 : i32 to index
        %get3A_355 = arith.constant 0 : index
        %get3A_356 = tpu.vector_load %arg10[%get3A_353, %get3A_354, %get3A_355] {strides = array<i32>} : memref<2x80x64xf32, #tpu.memory_space<vmem>>, vector<1x1x16xf32>,
        %get3A_357 = vector.shape_cast %get3A_356 : vector<1x1x16xf32> to vector<16xf32>
        %mul3A_358 = arith.constant 16 : i32
        %mul3A_359 = arith.muli %scan3A_163, %mul3A_358 : i32
        %add3A_360 = arith.constant 0 : i32
        %add3A_361 = arith.addi %mul3A_359, %add3A_360 : i32
        %add3A_362 = arith.constant 3 : i32
        %add3A_363 = arith.addi %add3A_361, %add3A_362 : i32
        %get3A_364 = arith.constant 0 : i32
        %get3A_365 = arith.index_cast %get3A_364 : i32 to index
        %get3A_366 = arith.index_cast %add3A_363 : i32 to index
        %get3A_367 = arith.constant 16 : index
        %get3A_368 = tpu.vector_load %arg10[%get3A_365, %get3A_366, %get3A_367] {strides = array<i32>} : memref<2x80x64xf32, #tpu.memory_space<vmem>>, vector<1x1x16xf32>,
        %get3A_369 = vector.shape_cast %get3A_368 : vector<1x1x16xf32> to vector<16xf32>
        %mul3A_370 = arith.constant 16 : i32
        %mul3A_371 = arith.muli %scan3A_163, %mul3A_370 : i32
        %add3A_372 = arith.constant 0 : i32
        %add3A_373 = arith.addi %mul3A_371, %add3A_372 : i32
        %add3A_374 = arith.constant 3 : i32
        %add3A_375 = arith.addi %add3A_373, %add3A_374 : i32
        %get3A_376 = arith.constant 0 : i32
        %get3A_377 = arith.index_cast %get3A_376 : i32 to index
        %get3A_378 = arith.index_cast %add3A_375 : i32 to index
        %get3A_379 = arith.constant 32 : index
        %get3A_380 = tpu.vector_load %arg10[%get3A_377, %get3A_378, %get3A_379] {strides = array<i32>} : memref<2x80x64xf32, #tpu.memory_space<vmem>>, vector<1x1x16xf32>,
        %get3A_381 = vector.shape_cast %get3A_380 : vector<1x1x16xf32> to vector<16xf32>
        %mul3A_382 = arith.constant 16 : i32
        %mul3A_383 = arith.muli %scan3A_163, %mul3A_382 : i32
        %add3A_384 = arith.constant 0 : i32
        %add3A_385 = arith.addi %mul3A_383, %add3A_384 : i32
        %add3A_386 = arith.constant 3 : i32
        %add3A_387 = arith.addi %add3A_385, %add3A_386 : i32
        %get3A_388 = arith.constant 0 : i32
        %get3A_389 = arith.index_cast %get3A_388 : i32 to index
        %get3A_390 = arith.index_cast %add3A_387 : i32 to index
        %get3A_391 = arith.constant 48 : index
        %get3A_392 = tpu.vector_load %arg10[%get3A_389, %get3A_390, %get3A_391] {strides = array<i32>} : memref<2x80x64xf32, #tpu.memory_space<vmem>>, vector<1x1x16xf32>,
        %get3A_393 = vector.shape_cast %get3A_392 : vector<1x1x16xf32> to vector<16xf32>
        %mul3A_394 = arith.constant 16 : i32
        %mul3A_395 = arith.muli %scan3A_163, %mul3A_394 : i32
        %add3A_396 = arith.constant 0 : i32
        %add3A_397 = arith.addi %mul3A_395, %add3A_396 : i32
        %add3A_398 = arith.constant 4 : i32
        %add3A_399 = arith.addi %add3A_397, %add3A_398 : i32
        %get3A_400 = arith.constant 0 : i32
        %get3A_401 = arith.index_cast %get3A_400 : i32 to index
        %get3A_402 = arith.index_cast %add3A_399 : i32 to index
        %get3A_403 = arith.constant 0 : index
        %get3A_404 = tpu.vector_load %arg10[%get3A_401, %get3A_402, %get3A_403] {strides = array<i32>} : memref<2x80x64xf32, #tpu.memory_space<vmem>>, vector<1x1x16xf32>,
        %get3A_405 = vector.shape_cast %get3A_404 : vector<1x1x16xf32> to vector<16xf32>
        %mul3A_406 = arith.constant 16 : i32
        %mul3A_407 = arith.muli %scan3A_163, %mul3A_406 : i32
        %add3A_408 = arith.constant 0 : i32
        %add3A_409 = arith.addi %mul3A_407, %add3A_408 : i32
        %add3A_410 = arith.constant 4 : i32
        %add3A_411 = arith.addi %add3A_409, %add3A_410 : i32
        %get3A_412 = arith.constant 0 : i32
        %get3A_413 = arith.index_cast %get3A_412 : i32 to index
        %get3A_414 = arith.index_cast %add3A_411 : i32 to index
        %get3A_415 = arith.constant 16 : index
        %get3A_416 = tpu.vector_load %arg10[%get3A_413, %get3A_414, %get3A_415] {strides = array<i32>} : memref<2x80x64xf32, #tpu.memory_space<vmem>>, vector<1x1x16xf32>,
        %get3A_417 = vector.shape_cast %get3A_416 : vector<1x1x16xf32> to vector<16xf32>
        %mul3A_418 = arith.constant 16 : i32
        %mul3A_419 = arith.muli %scan3A_163, %mul3A_418 : i32
        %add3A_420 = arith.constant 0 : i32
        %add3A_421 = arith.addi %mul3A_419, %add3A_420 : i32
        %add3A_422 = arith.constant 4 : i32
        %add3A_423 = arith.addi %add3A_421, %add3A_422 : i32
        %get3A_424 = arith.constant 0 : i32
        %get3A_425 = arith.index_cast %get3A_424 : i32 to index
        %get3A_426 = arith.index_cast %add3A_423 : i32 to index
        %get3A_427 = arith.constant 32 : index
        %get3A_428 = tpu.vector_load %arg10[%get3A_425, %get3A_426, %get3A_427] {strides = array<i32>} : memref<2x80x64xf32, #tpu.memory_space<vmem>>, vector<1x1x16xf32>,
        %get3A_429 = vector.shape_cast %get3A_428 : vector<1x1x16xf32> to vector<16xf32>
        %mul3A_430 = arith.constant 16 : i32
        %mul3A_431 = arith.muli %scan3A_163, %mul3A_430 : i32
        %add3A_432 = arith.constant 0 : i32
        %add3A_433 = arith.addi %mul3A_431, %add3A_432 : i32
        %add3A_434 = arith.constant 4 : i32
        %add3A_435 = arith.addi %add3A_433, %add3A_434 : i32
        %get3A_436 = arith.constant 0 : i32
        %get3A_437 = arith.index_cast %get3A_436 : i32 to index
        %get3A_438 = arith.index_cast %add3A_435 : i32 to index
        %get3A_439 = arith.constant 48 : index
        %get3A_440 = tpu.vector_load %arg10[%get3A_437, %get3A_438, %get3A_439] {strides = array<i32>} : memref<2x80x64xf32, #tpu.memory_space<vmem>>, vector<1x1x16xf32>,
        %get3A_441 = vector.shape_cast %get3A_440 : vector<1x1x16xf32> to vector<16xf32>
        %mul3A_442 = arith.constant 16 : i32
        %mul3A_443 = arith.muli %scan3A_163, %mul3A_442 : i32
        %add3A_444 = arith.constant 0 : i32
        %add3A_445 = arith.addi %mul3A_443, %add3A_444 : i32
        %add3A_446 = arith.constant 5 : i32
        %add3A_447 = arith.addi %add3A_445, %add3A_446 : i32
        %get3A_448 = arith.constant 0 : i32
        %get3A_449 = arith.index_cast %get3A_448 : i32 to index
        %get3A_450 = arith.index_cast %add3A_447 : i32 to index
        %get3A_451 = arith.constant 0 : index
        %get3A_452 = tpu.vector_load %arg10[%get3A_449, %get3A_450, %get3A_451] {strides = array<i32>} : memref<2x80x64xf32, #tpu.memory_space<vmem>>, vector<1x1x16xf32>,
        %get3A_453 = vector.shape_cast %get3A_452 : vector<1x1x16xf32> to vector<16xf32>
        %mul3A_454 = arith.constant 16 : i32
        %mul3A_455 = arith.muli %scan3A_163, %mul3A_454 : i32
        %add3A_456 = arith.constant 0 : i32
        %add3A_457 = arith.addi %mul3A_455, %add3A_456 : i32
        %add3A_458 = arith.constant 5 : i32
        %add3A_459 = arith.addi %add3A_457, %add3A_458 : i32
        %get3A_460 = arith.constant 0 : i32
        %get3A_461 = arith.index_cast %get3A_460 : i32 to index
        %get3A_462 = arith.index_cast %add3A_459 : i32 to index
        %get3A_463 = arith.constant 16 : index
        %get3A_464 = tpu.vector_load %arg10[%get3A_461, %get3A_462, %get3A_463] {strides = array<i32>} : memref<2x80x64xf32, #tpu.memory_space<vmem>>, vector<1x1x16xf32>,
        %get3A_465 = vector.shape_cast %get3A_464 : vector<1x1x16xf32> to vector<16xf32>
        %mul3A_466 = arith.constant 16 : i32
        %mul3A_467 = arith.muli %scan3A_163, %mul3A_466 : i32
        %add3A_468 = arith.constant 0 : i32
        %add3A_469 = arith.addi %mul3A_467, %add3A_468 : i32
        %add3A_470 = arith.constant 5 : i32
        %add3A_471 = arith.addi %add3A_469, %add3A_470 : i32
        %get3A_472 = arith.constant 0 : i32
        %get3A_473 = arith.index_cast %get3A_472 : i32 to index
        %get3A_474 = arith.index_cast %add3A_471 : i32 to index
        %get3A_475 = arith.constant 32 : index
        %get3A_476 = tpu.vector_load %arg10[%get3A_473, %get3A_474, %get3A_475] {strides = array<i32>} : memref<2x80x64xf32, #tpu.memory_space<vmem>>, vector<1x1x16xf32>,
        %get3A_477 = vector.shape_cast %get3A_476 : vector<1x1x16xf32> to vector<16xf32>
        %mul3A_478 = arith.constant 16 : i32
        %mul3A_479 = arith.muli %scan3A_163, %mul3A_478 : i32
        %add3A_480 = arith.constant 0 : i32
        %add3A_481 = arith.addi %mul3A_479, %add3A_480 : i32
        %add3A_482 = arith.constant 5 : i32
        %add3A_483 = arith.addi %add3A_481, %add3A_482 : i32
        %get3A_484 = arith.constant 0 : i32
        %get3A_485 = arith.index_cast %get3A_484 : i32 to index
        %get3A_486 = arith.index_cast %add3A_483 : i32 to index
        %get3A_487 = arith.constant 48 : index
        %get3A_488 = tpu.vector_load %arg10[%get3A_485, %get3A_486, %get3A_487] {strides = array<i32>} : memref<2x80x64xf32, #tpu.memory_space<vmem>>, vector<1x1x16xf32>,
        %get3A_489 = vector.shape_cast %get3A_488 : vector<1x1x16xf32> to vector<16xf32>
        %mul3A_490 = arith.constant 16 : i32
        %mul3A_491 = arith.muli %scan3A_163, %mul3A_490 : i32
        %add3A_492 = arith.constant 0 : i32
        %add3A_493 = arith.addi %mul3A_491, %add3A_492 : i32
        %add3A_494 = arith.constant 6 : i32
        %add3A_495 = arith.addi %add3A_493, %add3A_494 : i32
        %get3A_496 = arith.constant 0 : i32
        %get3A_497 = arith.index_cast %get3A_496 : i32 to index
        %get3A_498 = arith.index_cast %add3A_495 : i32 to index
        %get3A_499 = arith.constant 0 : index
        %get3A_500 = tpu.vector_load %arg10[%get3A_497, %get3A_498, %get3A_499] {strides = array<i32>} : memref<2x80x64xf32, #tpu.memory_space<vmem>>, vector<1x1x16xf32>,
        %get3A_501 = vector.shape_cast %get3A_500 : vector<1x1x16xf32> to vector<16xf32>
        %mul3A_502 = arith.constant 16 : i32
        %mul3A_503 = arith.muli %scan3A_163, %mul3A_502 : i32
        %add3A_504 = arith.constant 0 : i32
        %add3A_505 = arith.addi %mul3A_503, %add3A_504 : i32
        %add3A_506 = arith.constant 6 : i32
        %add3A_507 = arith.addi %add3A_505, %add3A_506 : i32
        %get3A_508 = arith.constant 0 : i32
        %get3A_509 = arith.index_cast %get3A_508 : i32 to index
        %get3A_510 = arith.index_cast %add3A_507 : i32 to index
        %get3A_511 = arith.constant 16 : index
        %get3A_512 = tpu.vector_load %arg10[%get3A_509, %get3A_510, %get3A_511] {strides = array<i32>} : memref<2x80x64xf32, #tpu.memory_space<vmem>>, vector<1x1x16xf32>,
        %get3A_513 = vector.shape_cast %get3A_512 : vector<1x1x16xf32> to vector<16xf32>
        %mul3A_514 = arith.constant 16 : i32
        %mul3A_515 = arith.muli %scan3A_163, %mul3A_514 : i32
        %add3A_516 = arith.constant 0 : i32
        %add3A_517 = arith.addi %mul3A_515, %add3A_516 : i32
        %add3A_518 = arith.constant 6 : i32
        %add3A_519 = arith.addi %add3A_517, %add3A_518 : i32
        %get3A_520 = arith.constant 0 : i32
        %get3A_521 = arith.index_cast %get3A_520 : i32 to index
        %get3A_522 = arith.index_cast %add3A_519 : i32 to index
        %get3A_523 = arith.constant 32 : index
        %get3A_524 = tpu.vector_load %arg10[%get3A_521, %get3A_522, %get3A_523] {strides = array<i32>} : memref<2x80x64xf32, #tpu.memory_space<vmem>>, vector<1x1x16xf32>,
        %get3A_525 = vector.shape_cast %get3A_524 : vector<1x1x16xf32> to vector<16xf32>
        %mul3A_526 = arith.constant 16 : i32
        %mul3A_527 = arith.muli %scan3A_163, %mul3A_526 : i32
        %add3A_528 = arith.constant 0 : i32
        %add3A_529 = arith.addi %mul3A_527, %add3A_528 : i32
        %add3A_530 = arith.constant 6 : i32
        %add3A_531 = arith.addi %add3A_529, %add3A_530 : i32
        %get3A_532 = arith.constant 0 : i32
        %get3A_533 = arith.index_cast %get3A_532 : i32 to index
        %get3A_534 = arith.index_cast %add3A_531 : i32 to index
        %get3A_535 = arith.constant 48 : index
        %get3A_536 = tpu.vector_load %arg10[%get3A_533, %get3A_534, %get3A_535] {strides = array<i32>} : memref<2x80x64xf32, #tpu.memory_space<vmem>>, vector<1x1x16xf32>,
        %get3A_537 = vector.shape_cast %get3A_536 : vector<1x1x16xf32> to vector<16xf32>
        %mul3A_538 = arith.constant 16 : i32
        %mul3A_539 = arith.muli %scan3A_163, %mul3A_538 : i32
        %add3A_540 = arith.constant 0 : i32
        %add3A_541 = arith.addi %mul3A_539, %add3A_540 : i32
        %add3A_542 = arith.constant 7 : i32
        %add3A_543 = arith.addi %add3A_541, %add3A_542 : i32
        %get3A_544 = arith.constant 0 : i32
        %get3A_545 = arith.index_cast %get3A_544 : i32 to index
        %get3A_546 = arith.index_cast %add3A_543 : i32 to index
        %get3A_547 = arith.constant 0 : index
        %get3A_548 = tpu.vector_load %arg10[%get3A_545, %get3A_546, %get3A_547] {strides = array<i32>} : memref<2x80x64xf32, #tpu.memory_space<vmem>>, vector<1x1x16xf32>,
        %get3A_549 = vector.shape_cast %get3A_548 : vector<1x1x16xf32> to vector<16xf32>
        %mul3A_550 = arith.constant 16 : i32
        %mul3A_551 = arith.muli %scan3A_163, %mul3A_550 : i32
        %add3A_552 = arith.constant 0 : i32
        %add3A_553 = arith.addi %mul3A_551, %add3A_552 : i32
        %add3A_554 = arith.constant 7 : i32
        %add3A_555 = arith.addi %add3A_553, %add3A_554 : i32
        %get3A_556 = arith.constant 0 : i32
        %get3A_557 = arith.index_cast %get3A_556 : i32 to index
        %get3A_558 = arith.index_cast %add3A_555 : i32 to index
        %get3A_559 = arith.constant 16 : index
        %get3A_560 = tpu.vector_load %arg10[%get3A_557, %get3A_558, %get3A_559] {strides = array<i32>} : memref<2x80x64xf32, #tpu.memory_space<vmem>>, vector<1x1x16xf32>,
        %get3A_561 = vector.shape_cast %get3A_560 : vector<1x1x16xf32> to vector<16xf32>
        %mul3A_562 = arith.constant 16 : i32
        %mul3A_563 = arith.muli %scan3A_163, %mul3A_562 : i32
        %add3A_564 = arith.constant 0 : i32
        %add3A_565 = arith.addi %mul3A_563, %add3A_564 : i32
        %add3A_566 = arith.constant 7 : i32
        %add3A_567 = arith.addi %add3A_565, %add3A_566 : i32
        %get3A_568 = arith.constant 0 : i32
        %get3A_569 = arith.index_cast %get3A_568 : i32 to index
        %get3A_570 = arith.index_cast %add3A_567 : i32 to index
        %get3A_571 = arith.constant 32 : index
        %get3A_572 = tpu.vector_load %arg10[%get3A_569, %get3A_570, %get3A_571] {strides = array<i32>} : memref<2x80x64xf32, #tpu.memory_space<vmem>>, vector<1x1x16xf32>,
        %get3A_573 = vector.shape_cast %get3A_572 : vector<1x1x16xf32> to vector<16xf32>
        %mul3A_574 = arith.constant 16 : i32
        %mul3A_575 = arith.muli %scan3A_163, %mul3A_574 : i32
        %add3A_576 = arith.constant 0 : i32
        %add3A_577 = arith.addi %mul3A_575, %add3A_576 : i32
        %add3A_578 = arith.constant 7 : i32
        %add3A_579 = arith.addi %add3A_577, %add3A_578 : i32
        %get3A_580 = arith.constant 0 : i32
        %get3A_581 = arith.index_cast %get3A_580 : i32 to index
        %get3A_582 = arith.index_cast %add3A_579 : i32 to index
        %get3A_583 = arith.constant 48 : index
        %get3A_584 = tpu.vector_load %arg10[%get3A_581, %get3A_582, %get3A_583] {strides = array<i32>} : memref<2x80x64xf32, #tpu.memory_space<vmem>>, vector<1x1x16xf32>,
        %get3A_585 = vector.shape_cast %get3A_584 : vector<1x1x16xf32> to vector<16xf32>
        %mul3A_586 = arith.mulf %get3A_213, %gather3A_173 : vector<16xf32>
        %mul3A_587 = arith.constant 16 : i32
        %mul3A_588 = arith.muli %scan3A_163, %mul3A_587 : i32
        %add3A_589 = arith.constant 0 : i32
        %add3A_590 = arith.addi %mul3A_588, %add3A_589 : i32
        %add3A_591 = arith.constant 0 : i32
        %add3A_592 = arith.addi %add3A_590, %add3A_591 : i32
        %swap3A = arith.constant 0 : i32
        %swap3A_593 = arith.index_cast %swap3A : i32 to index
        %swap3A_594 = arith.index_cast %add3A_592 : i32 to index
        %swap3A_595 = arith.constant 0 : index
        %swap3A_596 = tpu.vector_load %arg11[%swap3A_593, %swap3A_594, %swap3A_595] {strides = array<i32>} : memref<2x80x64xf32, #tpu.memory_space<vmem>>, vector<1x1x16xf32>,
        %swap3A_597 = vector.shape_cast %swap3A_596 : vector<1x1x16xf32> to vector<16xf32>
        %swap3A_598 = vector.shape_cast %mul3A_586 : vector<16xf32> to vector<1x1x16xf32>
        tpu.vector_store %arg11[%swap3A_593, %swap3A_594, %swap3A_595], %swap3A_598 {strides = array<i32>} : memref<2x80x64xf32, #tpu.memory_space<vmem>>, vector<1x1x16xf32>,
        %mul3A_599 = arith.mulf %get3A_225, %gather3A_173 : vector<16xf32>
        %mul3A_600 = arith.constant 16 : i32
        %mul3A_601 = arith.muli %scan3A_163, %mul3A_600 : i32
        %add3A_602 = arith.constant 0 : i32
        %add3A_603 = arith.addi %mul3A_601, %add3A_602 : i32
        %add3A_604 = arith.constant 0 : i32
        %add3A_605 = arith.addi %add3A_603, %add3A_604 : i32
        %swap3A_606 = arith.constant 0 : i32
        %swap3A_607 = arith.index_cast %swap3A_606 : i32 to index
        %swap3A_608 = arith.index_cast %add3A_605 : i32 to index
        %swap3A_609 = arith.constant 16 : index
        %swap3A_610 = tpu.vector_load %arg11[%swap3A_607, %swap3A_608, %swap3A_609] {strides = array<i32>} : memref<2x80x64xf32, #tpu.memory_space<vmem>>, vector<1x1x16xf32>,
        %swap3A_611 = vector.shape_cast %swap3A_610 : vector<1x1x16xf32> to vector<16xf32>
        %swap3A_612 = vector.shape_cast %mul3A_599 : vector<16xf32> to vector<1x1x16xf32>
        tpu.vector_store %arg11[%swap3A_607, %swap3A_608, %swap3A_609], %swap3A_612 {strides = array<i32>} : memref<2x80x64xf32, #tpu.memory_space<vmem>>, vector<1x1x16xf32>,
        %mul3A_613 = arith.mulf %get3A_237, %gather3A_173 : vector<16xf32>
        %mul3A_614 = arith.constant 16 : i32
        %mul3A_615 = arith.muli %scan3A_163, %mul3A_614 : i32
        %add3A_616 = arith.constant 0 : i32
        %add3A_617 = arith.addi %mul3A_615, %add3A_616 : i32
        %add3A_618 = arith.constant 0 : i32
        %add3A_619 = arith.addi %add3A_617, %add3A_618 : i32
        %swap3A_620 = arith.constant 0 : i32
        %swap3A_621 = arith.index_cast %swap3A_620 : i32 to index
        %swap3A_622 = arith.index_cast %add3A_619 : i32 to index
        %swap3A_623 = arith.constant 32 : index
        %swap3A_624 = tpu.vector_load %arg11[%swap3A_621, %swap3A_622, %swap3A_623] {strides = array<i32>} : memref<2x80x64xf32, #tpu.memory_space<vmem>>, vector<1x1x16xf32>,
        %swap3A_625 = vector.shape_cast %swap3A_624 : vector<1x1x16xf32> to vector<16xf32>
        %swap3A_626 = vector.shape_cast %mul3A_613 : vector<16xf32> to vector<1x1x16xf32>
        tpu.vector_store %arg11[%swap3A_621, %swap3A_622, %swap3A_623], %swap3A_626 {strides = array<i32>} : memref<2x80x64xf32, #tpu.memory_space<vmem>>, vector<1x1x16xf32>,
        %mul3A_627 = arith.mulf %get3A_249, %gather3A_173 : vector<16xf32>
        %mul3A_628 = arith.constant 16 : i32
        %mul3A_629 = arith.muli %scan3A_163, %mul3A_628 : i32
        %add3A_630 = arith.constant 0 : i32
        %add3A_631 = arith.addi %mul3A_629, %add3A_630 : i32
        %add3A_632 = arith.constant 0 : i32
        %add3A_633 = arith.addi %add3A_631, %add3A_632 : i32
        %swap3A_634 = arith.constant 0 : i32
        %swap3A_635 = arith.index_cast %swap3A_634 : i32 to index
        %swap3A_636 = arith.index_cast %add3A_633 : i32 to index
        %swap3A_637 = arith.constant 48 : index
        %swap3A_638 = tpu.vector_load %arg11[%swap3A_635, %swap3A_636, %swap3A_637] {strides = array<i32>} : memref<2x80x64xf32, #tpu.memory_space<vmem>>, vector<1x1x16xf32>,
        %swap3A_639 = vector.shape_cast %swap3A_638 : vector<1x1x16xf32> to vector<16xf32>
        %swap3A_640 = vector.shape_cast %mul3A_627 : vector<16xf32> to vector<1x1x16xf32>
        tpu.vector_store %arg11[%swap3A_635, %swap3A_636, %swap3A_637], %swap3A_640 {strides = array<i32>} : memref<2x80x64xf32, #tpu.memory_space<vmem>>, vector<1x1x16xf32>,
        %mul3A_641 = arith.mulf %get3A_261, %gather3A_177 : vector<16xf32>
        %mul3A_642 = arith.constant 16 : i32
        %mul3A_643 = arith.muli %scan3A_163, %mul3A_642 : i32
        %add3A_644 = arith.constant 0 : i32
        %add3A_645 = arith.addi %mul3A_643, %add3A_644 : i32
        %add3A_646 = arith.constant 1 : i32
        %add3A_647 = arith.addi %add3A_645, %add3A_646 : i32
        %swap3A_648 = arith.constant 0 : i32
        %swap3A_649 = arith.index_cast %swap3A_648 : i32 to index
        %swap3A_650 = arith.index_cast %add3A_647 : i32 to index
        %swap3A_651 = arith.constant 0 : index
        %swap3A_652 = tpu.vector_load %arg11[%swap3A_649, %swap3A_650, %swap3A_651] {strides = array<i32>} : memref<2x80x64xf32, #tpu.memory_space<vmem>>, vector<1x1x16xf32>,
        %swap3A_653 = vector.shape_cast %swap3A_652 : vector<1x1x16xf32> to vector<16xf32>
        %swap3A_654 = vector.shape_cast %mul3A_641 : vector<16xf32> to vector<1x1x16xf32>
        tpu.vector_store %arg11[%swap3A_649, %swap3A_650, %swap3A_651], %swap3A_654 {strides = array<i32>} : memref<2x80x64xf32, #tpu.memory_space<vmem>>, vector<1x1x16xf32>,
        %mul3A_655 = arith.mulf %get3A_273, %gather3A_177 : vector<16xf32>
        %mul3A_656 = arith.constant 16 : i32
        %mul3A_657 = arith.muli %scan3A_163, %mul3A_656 : i32
        %add3A_658 = arith.constant 0 : i32
        %add3A_659 = arith.addi %mul3A_657, %add3A_658 : i32
        %add3A_660 = arith.constant 1 : i32
        %add3A_661 = arith.addi %add3A_659, %add3A_660 : i32
        %swap3A_662 = arith.constant 0 : i32
        %swap3A_663 = arith.index_cast %swap3A_662 : i32 to index
        %swap3A_664 = arith.index_cast %add3A_661 : i32 to index
        %swap3A_665 = arith.constant 16 : index
        %swap3A_666 = tpu.vector_load %arg11[%swap3A_663, %swap3A_664, %swap3A_665] {strides = array<i32>} : memref<2x80x64xf32, #tpu.memory_space<vmem>>, vector<1x1x16xf32>,
        %swap3A_667 = vector.shape_cast %swap3A_666 : vector<1x1x16xf32> to vector<16xf32>
        %swap3A_668 = vector.shape_cast %mul3A_655 : vector<16xf32> to vector<1x1x16xf32>
        tpu.vector_store %arg11[%swap3A_663, %swap3A_664, %swap3A_665], %swap3A_668 {strides = array<i32>} : memref<2x80x64xf32, #tpu.memory_space<vmem>>, vector<1x1x16xf32>,
        %mul3A_669 = arith.mulf %get3A_285, %gather3A_177 : vector<16xf32>
        %mul3A_670 = arith.constant 16 : i32
        %mul3A_671 = arith.muli %scan3A_163, %mul3A_670 : i32
        %add3A_672 = arith.constant 0 : i32
        %add3A_673 = arith.addi %mul3A_671, %add3A_672 : i32
        %add3A_674 = arith.constant 1 : i32
        %add3A_675 = arith.addi %add3A_673, %add3A_674 : i32
        %swap3A_676 = arith.constant 0 : i32
        %swap3A_677 = arith.index_cast %swap3A_676 : i32 to index
        %swap3A_678 = arith.index_cast %add3A_675 : i32 to index
        %swap3A_679 = arith.constant 32 : index
        %swap3A_680 = tpu.vector_load %arg11[%swap3A_677, %swap3A_678, %swap3A_679] {strides = array<i32>} : memref<2x80x64xf32, #tpu.memory_space<vmem>>, vector<1x1x16xf32>,
        %swap3A_681 = vector.shape_cast %swap3A_680 : vector<1x1x16xf32> to vector<16xf32>
        %swap3A_682 = vector.shape_cast %mul3A_669 : vector<16xf32> to vector<1x1x16xf32>
        tpu.vector_store %arg11[%swap3A_677, %swap3A_678, %swap3A_679], %swap3A_682 {strides = array<i32>} : memref<2x80x64xf32, #tpu.memory_space<vmem>>, vector<1x1x16xf32>,
        %mul3A_683 = arith.mulf %get3A_297, %gather3A_177 : vector<16xf32>
        %mul3A_684 = arith.constant 16 : i32
        %mul3A_685 = arith.muli %scan3A_163, %mul3A_684 : i32
        %add3A_686 = arith.constant 0 : i32
        %add3A_687 = arith.addi %mul3A_685, %add3A_686 : i32
        %add3A_688 = arith.constant 1 : i32
        %add3A_689 = arith.addi %add3A_687, %add3A_688 : i32
        %swap3A_690 = arith.constant 0 : i32
        %swap3A_691 = arith.index_cast %swap3A_690 : i32 to index
        %swap3A_692 = arith.index_cast %add3A_689 : i32 to index
        %swap3A_693 = arith.constant 48 : index
        %swap3A_694 = tpu.vector_load %arg11[%swap3A_691, %swap3A_692, %swap3A_693] {strides = array<i32>} : memref<2x80x64xf32, #tpu.memory_space<vmem>>, vector<1x1x16xf32>,
        %swap3A_695 = vector.shape_cast %swap3A_694 : vector<1x1x16xf32> to vector<16xf32>
        %swap3A_696 = vector.shape_cast %mul3A_683 : vector<16xf32> to vector<1x1x16xf32>
        tpu.vector_store %arg11[%swap3A_691, %swap3A_692, %swap3A_693], %swap3A_696 {strides = array<i32>} : memref<2x80x64xf32, #tpu.memory_space<vmem>>, vector<1x1x16xf32>,
        %mul3A_697 = arith.mulf %get3A_309, %gather3A_181 : vector<16xf32>
        %mul3A_698 = arith.constant 16 : i32
        %mul3A_699 = arith.muli %scan3A_163, %mul3A_698 : i32
        %add3A_700 = arith.constant 0 : i32
        %add3A_701 = arith.addi %mul3A_699, %add3A_700 : i32
        %add3A_702 = arith.constant 2 : i32
        %add3A_703 = arith.addi %add3A_701, %add3A_702 : i32
        %swap3A_704 = arith.constant 0 : i32
        %swap3A_705 = arith.index_cast %swap3A_704 : i32 to index
        %swap3A_706 = arith.index_cast %add3A_703 : i32 to index
        %swap3A_707 = arith.constant 0 : index
        %swap3A_708 = tpu.vector_load %arg11[%swap3A_705, %swap3A_706, %swap3A_707] {strides = array<i32>} : memref<2x80x64xf32, #tpu.memory_space<vmem>>, vector<1x1x16xf32>,
        %swap3A_709 = vector.shape_cast %swap3A_708 : vector<1x1x16xf32> to vector<16xf32>
        %swap3A_710 = vector.shape_cast %mul3A_697 : vector<16xf32> to vector<1x1x16xf32>
        tpu.vector_store %arg11[%swap3A_705, %swap3A_706, %swap3A_707], %swap3A_710 {strides = array<i32>} : memref<2x80x64xf32, #tpu.memory_space<vmem>>, vector<1x1x16xf32>,
        %mul3A_711 = arith.mulf %get3A_321, %gather3A_181 : vector<16xf32>
        %mul3A_712 = arith.constant 16 : i32
        %mul3A_713 = arith.muli %scan3A_163, %mul3A_712 : i32
        %add3A_714 = arith.constant 0 : i32
        %add3A_715 = arith.addi %mul3A_713, %add3A_714 : i32
        %add3A_716 = arith.constant 2 : i32
        %add3A_717 = arith.addi %add3A_715, %add3A_716 : i32
        %swap3A_718 = arith.constant 0 : i32
        %swap3A_719 = arith.index_cast %swap3A_718 : i32 to index
        %swap3A_720 = arith.index_cast %add3A_717 : i32 to index
        %swap3A_721 = arith.constant 16 : index
        %swap3A_722 = tpu.vector_load %arg11[%swap3A_719, %swap3A_720, %swap3A_721] {strides = array<i32>} : memref<2x80x64xf32, #tpu.memory_space<vmem>>, vector<1x1x16xf32>,
        %swap3A_723 = vector.shape_cast %swap3A_722 : vector<1x1x16xf32> to vector<16xf32>
        %swap3A_724 = vector.shape_cast %mul3A_711 : vector<16xf32> to vector<1x1x16xf32>
        tpu.vector_store %arg11[%swap3A_719, %swap3A_720, %swap3A_721], %swap3A_724 {strides = array<i32>} : memref<2x80x64xf32, #tpu.memory_space<vmem>>, vector<1x1x16xf32>,
        %mul3A_725 = arith.mulf %get3A_333, %gather3A_181 : vector<16xf32>
        %mul3A_726 = arith.constant 16 : i32
        %mul3A_727 = arith.muli %scan3A_163, %mul3A_726 : i32
        %add3A_728 = arith.constant 0 : i32
        %add3A_729 = arith.addi %mul3A_727, %add3A_728 : i32
        %add3A_730 = arith.constant 2 : i32
        %add3A_731 = arith.addi %add3A_729, %add3A_730 : i32
        %swap3A_732 = arith.constant 0 : i32
        %swap3A_733 = arith.index_cast %swap3A_732 : i32 to index
        %swap3A_734 = arith.index_cast %add3A_731 : i32 to index
        %swap3A_735 = arith.constant 32 : index
        %swap3A_736 = tpu.vector_load %arg11[%swap3A_733, %swap3A_734, %swap3A_735] {strides = array<i32>} : memref<2x80x64xf32, #tpu.memory_space<vmem>>, vector<1x1x16xf32>,
        %swap3A_737 = vector.shape_cast %swap3A_736 : vector<1x1x16xf32> to vector<16xf32>
        %swap3A_738 = vector.shape_cast %mul3A_725 : vector<16xf32> to vector<1x1x16xf32>
        tpu.vector_store %arg11[%swap3A_733, %swap3A_734, %swap3A_735], %swap3A_738 {strides = array<i32>} : memref<2x80x64xf32, #tpu.memory_space<vmem>>, vector<1x1x16xf32>,
        %mul3A_739 = arith.mulf %get3A_345, %gather3A_181 : vector<16xf32>
        %mul3A_740 = arith.constant 16 : i32
        %mul3A_741 = arith.muli %scan3A_163, %mul3A_740 : i32
        %add3A_742 = arith.constant 0 : i32
        %add3A_743 = arith.addi %mul3A_741, %add3A_742 : i32
        %add3A_744 = arith.constant 2 : i32
        %add3A_745 = arith.addi %add3A_743, %add3A_744 : i32
        %swap3A_746 = arith.constant 0 : i32
        %swap3A_747 = arith.index_cast %swap3A_746 : i32 to index
        %swap3A_748 = arith.index_cast %add3A_745 : i32 to index
        %swap3A_749 = arith.constant 48 : index
        %swap3A_750 = tpu.vector_load %arg11[%swap3A_747, %swap3A_748, %swap3A_749] {strides = array<i32>} : memref<2x80x64xf32, #tpu.memory_space<vmem>>, vector<1x1x16xf32>,
        %swap3A_751 = vector.shape_cast %swap3A_750 : vector<1x1x16xf32> to vector<16xf32>
        %swap3A_752 = vector.shape_cast %mul3A_739 : vector<16xf32> to vector<1x1x16xf32>
        tpu.vector_store %arg11[%swap3A_747, %swap3A_748, %swap3A_749], %swap3A_752 {strides = array<i32>} : memref<2x80x64xf32, #tpu.memory_space<vmem>>, vector<1x1x16xf32>,
        %mul3A_753 = arith.mulf %get3A_357, %gather3A_185 : vector<16xf32>
        %mul3A_754 = arith.constant 16 : i32
        %mul3A_755 = arith.muli %scan3A_163, %mul3A_754 : i32
        %add3A_756 = arith.constant 0 : i32
        %add3A_757 = arith.addi %mul3A_755, %add3A_756 : i32
        %add3A_758 = arith.constant 3 : i32
        %add3A_759 = arith.addi %add3A_757, %add3A_758 : i32
        %swap3A_760 = arith.constant 0 : i32
        %swap3A_761 = arith.index_cast %swap3A_760 : i32 to index
        %swap3A_762 = arith.index_cast %add3A_759 : i32 to index
        %swap3A_763 = arith.constant 0 : index
        %swap3A_764 = tpu.vector_load %arg11[%swap3A_761, %swap3A_762, %swap3A_763] {strides = array<i32>} : memref<2x80x64xf32, #tpu.memory_space<vmem>>, vector<1x1x16xf32>,
        %swap3A_765 = vector.shape_cast %swap3A_764 : vector<1x1x16xf32> to vector<16xf32>
        %swap3A_766 = vector.shape_cast %mul3A_753 : vector<16xf32> to vector<1x1x16xf32>
        tpu.vector_store %arg11[%swap3A_761, %swap3A_762, %swap3A_763], %swap3A_766 {strides = array<i32>} : memref<2x80x64xf32, #tpu.memory_space<vmem>>, vector<1x1x16xf32>,
        %mul3A_767 = arith.mulf %get3A_369, %gather3A_185 : vector<16xf32>
        %mul3A_768 = arith.constant 16 : i32
        %mul3A_769 = arith.muli %scan3A_163, %mul3A_768 : i32
        %add3A_770 = arith.constant 0 : i32
        %add3A_771 = arith.addi %mul3A_769, %add3A_770 : i32
        %add3A_772 = arith.constant 3 : i32
        %add3A_773 = arith.addi %add3A_771, %add3A_772 : i32
        %swap3A_774 = arith.constant 0 : i32
        %swap3A_775 = arith.index_cast %swap3A_774 : i32 to index
        %swap3A_776 = arith.index_cast %add3A_773 : i32 to index
        %swap3A_777 = arith.constant 16 : index
        %swap3A_778 = tpu.vector_load %arg11[%swap3A_775, %swap3A_776, %swap3A_777] {strides = array<i32>} : memref<2x80x64xf32, #tpu.memory_space<vmem>>, vector<1x1x16xf32>,
        %swap3A_779 = vector.shape_cast %swap3A_778 : vector<1x1x16xf32> to vector<16xf32>
        %swap3A_780 = vector.shape_cast %mul3A_767 : vector<16xf32> to vector<1x1x16xf32>
        tpu.vector_store %arg11[%swap3A_775, %swap3A_776, %swap3A_777], %swap3A_780 {strides = array<i32>} : memref<2x80x64xf32, #tpu.memory_space<vmem>>, vector<1x1x16xf32>,
        %mul3A_781 = arith.mulf %get3A_381, %gather3A_185 : vector<16xf32>
        %mul3A_782 = arith.constant 16 : i32
        %mul3A_783 = arith.muli %scan3A_163, %mul3A_782 : i32
        %add3A_784 = arith.constant 0 : i32
        %add3A_785 = arith.addi %mul3A_783, %add3A_784 : i32
        %add3A_786 = arith.constant 3 : i32
        %add3A_787 = arith.addi %add3A_785, %add3A_786 : i32
        %swap3A_788 = arith.constant 0 : i32
        %swap3A_789 = arith.index_cast %swap3A_788 : i32 to index
        %swap3A_790 = arith.index_cast %add3A_787 : i32 to index
        %swap3A_791 = arith.constant 32 : index
        %swap3A_792 = tpu.vector_load %arg11[%swap3A_789, %swap3A_790, %swap3A_791] {strides = array<i32>} : memref<2x80x64xf32, #tpu.memory_space<vmem>>, vector<1x1x16xf32>,
        %swap3A_793 = vector.shape_cast %swap3A_792 : vector<1x1x16xf32> to vector<16xf32>
        %swap3A_794 = vector.shape_cast %mul3A_781 : vector<16xf32> to vector<1x1x16xf32>
        tpu.vector_store %arg11[%swap3A_789, %swap3A_790, %swap3A_791], %swap3A_794 {strides = array<i32>} : memref<2x80x64xf32, #tpu.memory_space<vmem>>, vector<1x1x16xf32>,
        %mul3A_795 = arith.mulf %get3A_393, %gather3A_185 : vector<16xf32>
        %mul3A_796 = arith.constant 16 : i32
        %mul3A_797 = arith.muli %scan3A_163, %mul3A_796 : i32
        %add3A_798 = arith.constant 0 : i32
        %add3A_799 = arith.addi %mul3A_797, %add3A_798 : i32
        %add3A_800 = arith.constant 3 : i32
        %add3A_801 = arith.addi %add3A_799, %add3A_800 : i32
        %swap3A_802 = arith.constant 0 : i32
        %swap3A_803 = arith.index_cast %swap3A_802 : i32 to index
        %swap3A_804 = arith.index_cast %add3A_801 : i32 to index
        %swap3A_805 = arith.constant 48 : index
        %swap3A_806 = tpu.vector_load %arg11[%swap3A_803, %swap3A_804, %swap3A_805] {strides = array<i32>} : memref<2x80x64xf32, #tpu.memory_space<vmem>>, vector<1x1x16xf32>,
        %swap3A_807 = vector.shape_cast %swap3A_806 : vector<1x1x16xf32> to vector<16xf32>
        %swap3A_808 = vector.shape_cast %mul3A_795 : vector<16xf32> to vector<1x1x16xf32>
        tpu.vector_store %arg11[%swap3A_803, %swap3A_804, %swap3A_805], %swap3A_808 {strides = array<i32>} : memref<2x80x64xf32, #tpu.memory_space<vmem>>, vector<1x1x16xf32>,
        %mul3A_809 = arith.mulf %get3A_405, %gather3A_189 : vector<16xf32>
        %mul3A_810 = arith.constant 16 : i32
        %mul3A_811 = arith.muli %scan3A_163, %mul3A_810 : i32
        %add3A_812 = arith.constant 0 : i32
        %add3A_813 = arith.addi %mul3A_811, %add3A_812 : i32
        %add3A_814 = arith.constant 4 : i32
        %add3A_815 = arith.addi %add3A_813, %add3A_814 : i32
        %swap3A_816 = arith.constant 0 : i32
        %swap3A_817 = arith.index_cast %swap3A_816 : i32 to index
        %swap3A_818 = arith.index_cast %add3A_815 : i32 to index
        %swap3A_819 = arith.constant 0 : index
        %swap3A_820 = tpu.vector_load %arg11[%swap3A_817, %swap3A_818, %swap3A_819] {strides = array<i32>} : memref<2x80x64xf32, #tpu.memory_space<vmem>>, vector<1x1x16xf32>,
        %swap3A_821 = vector.shape_cast %swap3A_820 : vector<1x1x16xf32> to vector<16xf32>
        %swap3A_822 = vector.shape_cast %mul3A_809 : vector<16xf32> to vector<1x1x16xf32>
        tpu.vector_store %arg11[%swap3A_817, %swap3A_818, %swap3A_819], %swap3A_822 {strides = array<i32>} : memref<2x80x64xf32, #tpu.memory_space<vmem>>, vector<1x1x16xf32>,
        %mul3A_823 = arith.mulf %get3A_417, %gather3A_189 : vector<16xf32>
        %mul3A_824 = arith.constant 16 : i32
        %mul3A_825 = arith.muli %scan3A_163, %mul3A_824 : i32
        %add3A_826 = arith.constant 0 : i32
        %add3A_827 = arith.addi %mul3A_825, %add3A_826 : i32
        %add3A_828 = arith.constant 4 : i32
        %add3A_829 = arith.addi %add3A_827, %add3A_828 : i32
        %swap3A_830 = arith.constant 0 : i32
        %swap3A_831 = arith.index_cast %swap3A_830 : i32 to index
        %swap3A_832 = arith.index_cast %add3A_829 : i32 to index
        %swap3A_833 = arith.constant 16 : index
        %swap3A_834 = tpu.vector_load %arg11[%swap3A_831, %swap3A_832, %swap3A_833] {strides = array<i32>} : memref<2x80x64xf32, #tpu.memory_space<vmem>>, vector<1x1x16xf32>,
        %swap3A_835 = vector.shape_cast %swap3A_834 : vector<1x1x16xf32> to vector<16xf32>
        %swap3A_836 = vector.shape_cast %mul3A_823 : vector<16xf32> to vector<1x1x16xf32>
        tpu.vector_store %arg11[%swap3A_831, %swap3A_832, %swap3A_833], %swap3A_836 {strides = array<i32>} : memref<2x80x64xf32, #tpu.memory_space<vmem>>, vector<1x1x16xf32>,
        %mul3A_837 = arith.mulf %get3A_429, %gather3A_189 : vector<16xf32>
        %mul3A_838 = arith.constant 16 : i32
        %mul3A_839 = arith.muli %scan3A_163, %mul3A_838 : i32
        %add3A_840 = arith.constant 0 : i32
        %add3A_841 = arith.addi %mul3A_839, %add3A_840 : i32
        %add3A_842 = arith.constant 4 : i32
        %add3A_843 = arith.addi %add3A_841, %add3A_842 : i32
        %swap3A_844 = arith.constant 0 : i32
        %swap3A_845 = arith.index_cast %swap3A_844 : i32 to index
        %swap3A_846 = arith.index_cast %add3A_843 : i32 to index
        %swap3A_847 = arith.constant 32 : index
        %swap3A_848 = tpu.vector_load %arg11[%swap3A_845, %swap3A_846, %swap3A_847] {strides = array<i32>} : memref<2x80x64xf32, #tpu.memory_space<vmem>>, vector<1x1x16xf32>,
        %swap3A_849 = vector.shape_cast %swap3A_848 : vector<1x1x16xf32> to vector<16xf32>
        %swap3A_850 = vector.shape_cast %mul3A_837 : vector<16xf32> to vector<1x1x16xf32>
        tpu.vector_store %arg11[%swap3A_845, %swap3A_846, %swap3A_847], %swap3A_850 {strides = array<i32>} : memref<2x80x64xf32, #tpu.memory_space<vmem>>, vector<1x1x16xf32>,
        %mul3A_851 = arith.mulf %get3A_441, %gather3A_189 : vector<16xf32>
        %mul3A_852 = arith.constant 16 : i32
        %mul3A_853 = arith.muli %scan3A_163, %mul3A_852 : i32
        %add3A_854 = arith.constant 0 : i32
        %add3A_855 = arith.addi %mul3A_853, %add3A_854 : i32
        %add3A_856 = arith.constant 4 : i32
        %add3A_857 = arith.addi %add3A_855, %add3A_856 : i32
        %swap3A_858 = arith.constant 0 : i32
        %swap3A_859 = arith.index_cast %swap3A_858 : i32 to index
        %swap3A_860 = arith.index_cast %add3A_857 : i32 to index
        %swap3A_861 = arith.constant 48 : index
        %swap3A_862 = tpu.vector_load %arg11[%swap3A_859, %swap3A_860, %swap3A_861] {strides = array<i32>} : memref<2x80x64xf32, #tpu.memory_space<vmem>>, vector<1x1x16xf32>,
        %swap3A_863 = vector.shape_cast %swap3A_862 : vector<1x1x16xf32> to vector<16xf32>
        %swap3A_864 = vector.shape_cast %mul3A_851 : vector<16xf32> to vector<1x1x16xf32>
        tpu.vector_store %arg11[%swap3A_859, %swap3A_860, %swap3A_861], %swap3A_864 {strides = array<i32>} : memref<2x80x64xf32, #tpu.memory_space<vmem>>, vector<1x1x16xf32>,
        %mul3A_865 = arith.mulf %get3A_453, %gather3A_193 : vector<16xf32>
        %mul3A_866 = arith.constant 16 : i32
        %mul3A_867 = arith.muli %scan3A_163, %mul3A_866 : i32
        %add3A_868 = arith.constant 0 : i32
        %add3A_869 = arith.addi %mul3A_867, %add3A_868 : i32
        %add3A_870 = arith.constant 5 : i32
        %add3A_871 = arith.addi %add3A_869, %add3A_870 : i32
        %swap3A_872 = arith.constant 0 : i32
        %swap3A_873 = arith.index_cast %swap3A_872 : i32 to index
        %swap3A_874 = arith.index_cast %add3A_871 : i32 to index
        %swap3A_875 = arith.constant 0 : index
        %swap3A_876 = tpu.vector_load %arg11[%swap3A_873, %swap3A_874, %swap3A_875] {strides = array<i32>} : memref<2x80x64xf32, #tpu.memory_space<vmem>>, vector<1x1x16xf32>,
        %swap3A_877 = vector.shape_cast %swap3A_876 : vector<1x1x16xf32> to vector<16xf32>
        %swap3A_878 = vector.shape_cast %mul3A_865 : vector<16xf32> to vector<1x1x16xf32>
        tpu.vector_store %arg11[%swap3A_873, %swap3A_874, %swap3A_875], %swap3A_878 {strides = array<i32>} : memref<2x80x64xf32, #tpu.memory_space<vmem>>, vector<1x1x16xf32>,
        %mul3A_879 = arith.mulf %get3A_465, %gather3A_193 : vector<16xf32>
        %mul3A_880 = arith.constant 16 : i32
        %mul3A_881 = arith.muli %scan3A_163, %mul3A_880 : i32
        %add3A_882 = arith.constant 0 : i32
        %add3A_883 = arith.addi %mul3A_881, %add3A_882 : i32
        %add3A_884 = arith.constant 5 : i32
        %add3A_885 = arith.addi %add3A_883, %add3A_884 : i32
        %swap3A_886 = arith.constant 0 : i32
        %swap3A_887 = arith.index_cast %swap3A_886 : i32 to index
        %swap3A_888 = arith.index_cast %add3A_885 : i32 to index
        %swap3A_889 = arith.constant 16 : index
        %swap3A_890 = tpu.vector_load %arg11[%swap3A_887, %swap3A_888, %swap3A_889] {strides = array<i32>} : memref<2x80x64xf32, #tpu.memory_space<vmem>>, vector<1x1x16xf32>,
        %swap3A_891 = vector.shape_cast %swap3A_890 : vector<1x1x16xf32> to vector<16xf32>
        %swap3A_892 = vector.shape_cast %mul3A_879 : vector<16xf32> to vector<1x1x16xf32>
        tpu.vector_store %arg11[%swap3A_887, %swap3A_888, %swap3A_889], %swap3A_892 {strides = array<i32>} : memref<2x80x64xf32, #tpu.memory_space<vmem>>, vector<1x1x16xf32>,
        %mul3A_893 = arith.mulf %get3A_477, %gather3A_193 : vector<16xf32>
        %mul3A_894 = arith.constant 16 : i32
        %mul3A_895 = arith.muli %scan3A_163, %mul3A_894 : i32
        %add3A_896 = arith.constant 0 : i32
        %add3A_897 = arith.addi %mul3A_895, %add3A_896 : i32
        %add3A_898 = arith.constant 5 : i32
        %add3A_899 = arith.addi %add3A_897, %add3A_898 : i32
        %swap3A_900 = arith.constant 0 : i32
        %swap3A_901 = arith.index_cast %swap3A_900 : i32 to index
        %swap3A_902 = arith.index_cast %add3A_899 : i32 to index
        %swap3A_903 = arith.constant 32 : index
        %swap3A_904 = tpu.vector_load %arg11[%swap3A_901, %swap3A_902, %swap3A_903] {strides = array<i32>} : memref<2x80x64xf32, #tpu.memory_space<vmem>>, vector<1x1x16xf32>,
        %swap3A_905 = vector.shape_cast %swap3A_904 : vector<1x1x16xf32> to vector<16xf32>
        %swap3A_906 = vector.shape_cast %mul3A_893 : vector<16xf32> to vector<1x1x16xf32>
        tpu.vector_store %arg11[%swap3A_901, %swap3A_902, %swap3A_903], %swap3A_906 {strides = array<i32>} : memref<2x80x64xf32, #tpu.memory_space<vmem>>, vector<1x1x16xf32>,
        %mul3A_907 = arith.mulf %get3A_489, %gather3A_193 : vector<16xf32>
        %mul3A_908 = arith.constant 16 : i32
        %mul3A_909 = arith.muli %scan3A_163, %mul3A_908 : i32
        %add3A_910 = arith.constant 0 : i32
        %add3A_911 = arith.addi %mul3A_909, %add3A_910 : i32
        %add3A_912 = arith.constant 5 : i32
        %add3A_913 = arith.addi %add3A_911, %add3A_912 : i32
        %swap3A_914 = arith.constant 0 : i32
        %swap3A_915 = arith.index_cast %swap3A_914 : i32 to index
        %swap3A_916 = arith.index_cast %add3A_913 : i32 to index
        %swap3A_917 = arith.constant 48 : index
        %swap3A_918 = tpu.vector_load %arg11[%swap3A_915, %swap3A_916, %swap3A_917] {strides = array<i32>} : memref<2x80x64xf32, #tpu.memory_space<vmem>>, vector<1x1x16xf32>,
        %swap3A_919 = vector.shape_cast %swap3A_918 : vector<1x1x16xf32> to vector<16xf32>
        %swap3A_920 = vector.shape_cast %mul3A_907 : vector<16xf32> to vector<1x1x16xf32>
        tpu.vector_store %arg11[%swap3A_915, %swap3A_916, %swap3A_917], %swap3A_920 {strides = array<i32>} : memref<2x80x64xf32, #tpu.memory_space<vmem>>, vector<1x1x16xf32>,
        %mul3A_921 = arith.mulf %get3A_501, %gather3A_197 : vector<16xf32>
        %mul3A_922 = arith.constant 16 : i32
        %mul3A_923 = arith.muli %scan3A_163, %mul3A_922 : i32
        %add3A_924 = arith.constant 0 : i32
        %add3A_925 = arith.addi %mul3A_923, %add3A_924 : i32
        %add3A_926 = arith.constant 6 : i32
        %add3A_927 = arith.addi %add3A_925, %add3A_926 : i32
        %swap3A_928 = arith.constant 0 : i32
        %swap3A_929 = arith.index_cast %swap3A_928 : i32 to index
        %swap3A_930 = arith.index_cast %add3A_927 : i32 to index
        %swap3A_931 = arith.constant 0 : index
        %swap3A_932 = tpu.vector_load %arg11[%swap3A_929, %swap3A_930, %swap3A_931] {strides = array<i32>} : memref<2x80x64xf32, #tpu.memory_space<vmem>>, vector<1x1x16xf32>,
        %swap3A_933 = vector.shape_cast %swap3A_932 : vector<1x1x16xf32> to vector<16xf32>
        %swap3A_934 = vector.shape_cast %mul3A_921 : vector<16xf32> to vector<1x1x16xf32>
        tpu.vector_store %arg11[%swap3A_929, %swap3A_930, %swap3A_931], %swap3A_934 {strides = array<i32>} : memref<2x80x64xf32, #tpu.memory_space<vmem>>, vector<1x1x16xf32>,
        %mul3A_935 = arith.mulf %get3A_513, %gather3A_197 : vector<16xf32>
        %mul3A_936 = arith.constant 16 : i32
        %mul3A_937 = arith.muli %scan3A_163, %mul3A_936 : i32
        %add3A_938 = arith.constant 0 : i32
        %add3A_939 = arith.addi %mul3A_937, %add3A_938 : i32
        %add3A_940 = arith.constant 6 : i32
        %add3A_941 = arith.addi %add3A_939, %add3A_940 : i32
        %swap3A_942 = arith.constant 0 : i32
        %swap3A_943 = arith.index_cast %swap3A_942 : i32 to index
        %swap3A_944 = arith.index_cast %add3A_941 : i32 to index
        %swap3A_945 = arith.constant 16 : index
        %swap3A_946 = tpu.vector_load %arg11[%swap3A_943, %swap3A_944, %swap3A_945] {strides = array<i32>} : memref<2x80x64xf32, #tpu.memory_space<vmem>>, vector<1x1x16xf32>,
        %swap3A_947 = vector.shape_cast %swap3A_946 : vector<1x1x16xf32> to vector<16xf32>
        %swap3A_948 = vector.shape_cast %mul3A_935 : vector<16xf32> to vector<1x1x16xf32>
        tpu.vector_store %arg11[%swap3A_943, %swap3A_944, %swap3A_945], %swap3A_948 {strides = array<i32>} : memref<2x80x64xf32, #tpu.memory_space<vmem>>, vector<1x1x16xf32>,
        %mul3A_949 = arith.mulf %get3A_525, %gather3A_197 : vector<16xf32>
        %mul3A_950 = arith.constant 16 : i32
        %mul3A_951 = arith.muli %scan3A_163, %mul3A_950 : i32
        %add3A_952 = arith.constant 0 : i32
        %add3A_953 = arith.addi %mul3A_951, %add3A_952 : i32
        %add3A_954 = arith.constant 6 : i32
        %add3A_955 = arith.addi %add3A_953, %add3A_954 : i32
        %swap3A_956 = arith.constant 0 : i32
        %swap3A_957 = arith.index_cast %swap3A_956 : i32 to index
        %swap3A_958 = arith.index_cast %add3A_955 : i32 to index
        %swap3A_959 = arith.constant 32 : index
        %swap3A_960 = tpu.vector_load %arg11[%swap3A_957, %swap3A_958, %swap3A_959] {strides = array<i32>} : memref<2x80x64xf32, #tpu.memory_space<vmem>>, vector<1x1x16xf32>,
        %swap3A_961 = vector.shape_cast %swap3A_960 : vector<1x1x16xf32> to vector<16xf32>
        %swap3A_962 = vector.shape_cast %mul3A_949 : vector<16xf32> to vector<1x1x16xf32>
        tpu.vector_store %arg11[%swap3A_957, %swap3A_958, %swap3A_959], %swap3A_962 {strides = array<i32>} : memref<2x80x64xf32, #tpu.memory_space<vmem>>, vector<1x1x16xf32>,
        %mul3A_963 = arith.mulf %get3A_537, %gather3A_197 : vector<16xf32>
        %mul3A_964 = arith.constant 16 : i32
        %mul3A_965 = arith.muli %scan3A_163, %mul3A_964 : i32
        %add3A_966 = arith.constant 0 : i32
        %add3A_967 = arith.addi %mul3A_965, %add3A_966 : i32
        %add3A_968 = arith.constant 6 : i32
        %add3A_969 = arith.addi %add3A_967, %add3A_968 : i32
        %swap3A_970 = arith.constant 0 : i32
        %swap3A_971 = arith.index_cast %swap3A_970 : i32 to index
        %swap3A_972 = arith.index_cast %add3A_969 : i32 to index
        %swap3A_973 = arith.constant 48 : index
        %swap3A_974 = tpu.vector_load %arg11[%swap3A_971, %swap3A_972, %swap3A_973] {strides = array<i32>} : memref<2x80x64xf32, #tpu.memory_space<vmem>>, vector<1x1x16xf32>,
        %swap3A_975 = vector.shape_cast %swap3A_974 : vector<1x1x16xf32> to vector<16xf32>
        %swap3A_976 = vector.shape_cast %mul3A_963 : vector<16xf32> to vector<1x1x16xf32>
        tpu.vector_store %arg11[%swap3A_971, %swap3A_972, %swap3A_973], %swap3A_976 {strides = array<i32>} : memref<2x80x64xf32, #tpu.memory_space<vmem>>, vector<1x1x16xf32>,
        %mul3A_977 = arith.mulf %get3A_549, %gather3A_201 : vector<16xf32>
        %mul3A_978 = arith.constant 16 : i32
        %mul3A_979 = arith.muli %scan3A_163, %mul3A_978 : i32
        %add3A_980 = arith.constant 0 : i32
        %add3A_981 = arith.addi %mul3A_979, %add3A_980 : i32
        %add3A_982 = arith.constant 7 : i32
        %add3A_983 = arith.addi %add3A_981, %add3A_982 : i32
        %swap3A_984 = arith.constant 0 : i32
        %swap3A_985 = arith.index_cast %swap3A_984 : i32 to index
        %swap3A_986 = arith.index_cast %add3A_983 : i32 to index
        %swap3A_987 = arith.constant 0 : index
        %swap3A_988 = tpu.vector_load %arg11[%swap3A_985, %swap3A_986, %swap3A_987] {strides = array<i32>} : memref<2x80x64xf32, #tpu.memory_space<vmem>>, vector<1x1x16xf32>,
        %swap3A_989 = vector.shape_cast %swap3A_988 : vector<1x1x16xf32> to vector<16xf32>
        %swap3A_990 = vector.shape_cast %mul3A_977 : vector<16xf32> to vector<1x1x16xf32>
        tpu.vector_store %arg11[%swap3A_985, %swap3A_986, %swap3A_987], %swap3A_990 {strides = array<i32>} : memref<2x80x64xf32, #tpu.memory_space<vmem>>, vector<1x1x16xf32>,
        %mul3A_991 = arith.mulf %get3A_561, %gather3A_201 : vector<16xf32>
        %mul3A_992 = arith.constant 16 : i32
        %mul3A_993 = arith.muli %scan3A_163, %mul3A_992 : i32
        %add3A_994 = arith.constant 0 : i32
        %add3A_995 = arith.addi %mul3A_993, %add3A_994 : i32
        %add3A_996 = arith.constant 7 : i32
        %add3A_997 = arith.addi %add3A_995, %add3A_996 : i32
        %swap3A_998 = arith.constant 0 : i32
        %swap3A_999 = arith.index_cast %swap3A_998 : i32 to index
        %swap3A_1000 = arith.index_cast %add3A_997 : i32 to index
        %swap3A_1001 = arith.constant 16 : index
        %swap3A_1002 = tpu.vector_load %arg11[%swap3A_999, %swap3A_1000, %swap3A_1001] {strides = array<i32>} : memref<2x80x64xf32, #tpu.memory_space<vmem>>, vector<1x1x16xf32>,
        %swap3A_1003 = vector.shape_cast %swap3A_1002 : vector<1x1x16xf32> to vector<16xf32>
        %swap3A_1004 = vector.shape_cast %mul3A_991 : vector<16xf32> to vector<1x1x16xf32>
        tpu.vector_store %arg11[%swap3A_999, %swap3A_1000, %swap3A_1001], %swap3A_1004 {strides = array<i32>} : memref<2x80x64xf32, #tpu.memory_space<vmem>>, vector<1x1x16xf32>,
        %mul3A_1005 = arith.mulf %get3A_573, %gather3A_201 : vector<16xf32>
        %mul3A_1006 = arith.constant 16 : i32
        %mul3A_1007 = arith.muli %scan3A_163, %mul3A_1006 : i32
        %add3A_1008 = arith.constant 0 : i32
        %add3A_1009 = arith.addi %mul3A_1007, %add3A_1008 : i32
        %add3A_1010 = arith.constant 7 : i32
        %add3A_1011 = arith.addi %add3A_1009, %add3A_1010 : i32
        %swap3A_1012 = arith.constant 0 : i32
        %swap3A_1013 = arith.index_cast %swap3A_1012 : i32 to index
        %swap3A_1014 = arith.index_cast %add3A_1011 : i32 to index
        %swap3A_1015 = arith.constant 32 : index
        %swap3A_1016 = tpu.vector_load %arg11[%swap3A_1013, %swap3A_1014, %swap3A_1015] {strides = array<i32>} : memref<2x80x64xf32, #tpu.memory_space<vmem>>, vector<1x1x16xf32>,
        %swap3A_1017 = vector.shape_cast %swap3A_1016 : vector<1x1x16xf32> to vector<16xf32>
        %swap3A_1018 = vector.shape_cast %mul3A_1005 : vector<16xf32> to vector<1x1x16xf32>
        tpu.vector_store %arg11[%swap3A_1013, %swap3A_1014, %swap3A_1015], %swap3A_1018 {strides = array<i32>} : memref<2x80x64xf32, #tpu.memory_space<vmem>>, vector<1x1x16xf32>,
        %mul3A_1019 = arith.mulf %get3A_585, %gather3A_201 : vector<16xf32>
        %mul3A_1020 = arith.constant 16 : i32
        %mul3A_1021 = arith.muli %scan3A_163, %mul3A_1020 : i32
        %add3A_1022 = arith.constant 0 : i32
        %add3A_1023 = arith.addi %mul3A_1021, %add3A_1022 : i32
        %add3A_1024 = arith.constant 7 : i32
        %add3A_1025 = arith.addi %add3A_1023, %add3A_1024 : i32
        %swap3A_1026 = arith.constant 0 : i32
        %swap3A_1027 = arith.index_cast %swap3A_1026 : i32 to index
        %swap3A_1028 = arith.index_cast %add3A_1025 : i32 to index
        %swap3A_1029 = arith.constant 48 : index
        %swap3A_1030 = tpu.vector_load %arg11[%swap3A_1027, %swap3A_1028, %swap3A_1029] {strides = array<i32>} : memref<2x80x64xf32, #tpu.memory_space<vmem>>, vector<1x1x16xf32>,
        %swap3A_1031 = vector.shape_cast %swap3A_1030 : vector<1x1x16xf32> to vector<16xf32>
        %swap3A_1032 = vector.shape_cast %mul3A_1019 : vector<16xf32> to vector<1x1x16xf32>
        tpu.vector_store %arg11[%swap3A_1027, %swap3A_1028, %swap3A_1029], %swap3A_1032 {strides = array<i32>} : memref<2x80x64xf32, #tpu.memory_space<vmem>>, vector<1x1x16xf32>,
        %broadcast_in_dim3A_1033 = arith.constant 8 : i32
        %broadcast_in_dim3A_1034 = vector.broadcast %broadcast_in_dim3A_1033 : i32 to vector<16x1xi32>
        %gather3A_1035 = vector.shape_cast %broadcast_in_dim3A_1034 : vector<16x1xi32> to vector<16xi32>
        %gather3A_1036 = tpu.dynamic_gather %get3A_170[%gather3A_1035] in [0] : vector<16xf32>, vector<16xi32> -> vector<16xf32>
        %broadcast_in_dim3A_1037 = arith.constant 9 : i32
        %broadcast_in_dim3A_1038 = vector.broadcast %broadcast_in_dim3A_1037 : i32 to vector<16x1xi32>
        %gather3A_1039 = vector.shape_cast %broadcast_in_dim3A_1038 : vector<16x1xi32> to vector<16xi32>
        %gather3A_1040 = tpu.dynamic_gather %get3A_170[%gather3A_1039] in [0] : vector<16xf32>, vector<16xi32> -> vector<16xf32>
        %broadcast_in_dim3A_1041 = arith.constant 10 : i32
        %broadcast_in_dim3A_1042 = vector.broadcast %broadcast_in_dim3A_1041 : i32 to vector<16x1xi32>
        %gather3A_1043 = vector.shape_cast %broadcast_in_dim3A_1042 : vector<16x1xi32> to vector<16xi32>
        %gather3A_1044 = tpu.dynamic_gather %get3A_170[%gather3A_1043] in [0] : vector<16xf32>, vector<16xi32> -> vector<16xf32>
        %broadcast_in_dim3A_1045 = arith.constant 11 : i32
        %broadcast_in_dim3A_1046 = vector.broadcast %broadcast_in_dim3A_1045 : i32 to vector<16x1xi32>
        %gather3A_1047 = vector.shape_cast %broadcast_in_dim3A_1046 : vector<16x1xi32> to vector<16xi32>
        %gather3A_1048 = tpu.dynamic_gather %get3A_170[%gather3A_1047] in [0] : vector<16xf32>, vector<16xi32> -> vector<16xf32>
        %broadcast_in_dim3A_1049 = arith.constant 12 : i32
        %broadcast_in_dim3A_1050 = vector.broadcast %broadcast_in_dim3A_1049 : i32 to vector<16x1xi32>
        %gather3A_1051 = vector.shape_cast %broadcast_in_dim3A_1050 : vector<16x1xi32> to vector<16xi32>
        %gather3A_1052 = tpu.dynamic_gather %get3A_170[%gather3A_1051] in [0] : vector<16xf32>, vector<16xi32> -> vector<16xf32>
        %broadcast_in_dim3A_1053 = arith.constant 13 : i32
        %broadcast_in_dim3A_1054 = vector.broadcast %broadcast_in_dim3A_1053 : i32 to vector<16x1xi32>
        %gather3A_1055 = vector.shape_cast %broadcast_in_dim3A_1054 : vector<16x1xi32> to vector<16xi32>
        %gather3A_1056 = tpu.dynamic_gather %get3A_170[%gather3A_1055] in [0] : vector<16xf32>, vector<16xi32> -> vector<16xf32>
        %broadcast_in_dim3A_1057 = arith.constant 14 : i32
        %broadcast_in_dim3A_1058 = vector.broadcast %broadcast_in_dim3A_1057 : i32 to vector<16x1xi32>
        %gather3A_1059 = vector.shape_cast %broadcast_in_dim3A_1058 : vector<16x1xi32> to vector<16xi32>
        %gather3A_1060 = tpu.dynamic_gather %get3A_170[%gather3A_1059] in [0] : vector<16xf32>, vector<16xi32> -> vector<16xf32>
        %broadcast_in_dim3A_1061 = arith.constant 15 : i32
        %broadcast_in_dim3A_1062 = vector.broadcast %broadcast_in_dim3A_1061 : i32 to vector<16x1xi32>
        %gather3A_1063 = vector.shape_cast %broadcast_in_dim3A_1062 : vector<16x1xi32> to vector<16xi32>
        %gather3A_1064 = tpu.dynamic_gather %get3A_170[%gather3A_1063] in [0] : vector<16xf32>, vector<16xi32> -> vector<16xf32>
        %mul3A_1065 = arith.constant 16 : i32
        %mul3A_1066 = arith.muli %scan3A_163, %mul3A_1065 : i32
        %add3A_1067 = arith.constant 8 : i32
        %add3A_1068 = arith.addi %mul3A_1066, %add3A_1067 : i32
        %add3A_1069 = arith.constant 0 : i32
        %add3A_1070 = arith.addi %add3A_1068, %add3A_1069 : i32
        %get3A_1071 = arith.constant 0 : i32
        %get3A_1072 = arith.index_cast %get3A_1071 : i32 to index
        %get3A_1073 = arith.index_cast %add3A_1070 : i32 to index
        %get3A_1074 = arith.constant 0 : index
        %get3A_1075 = tpu.vector_load %arg10[%get3A_1072, %get3A_1073, %get3A_1074] {strides = array<i32>} : memref<2x80x64xf32, #tpu.memory_space<vmem>>, vector<1x1x16xf32>,
        %get3A_1076 = vector.shape_cast %get3A_1075 : vector<1x1x16xf32> to vector<16xf32>
        %mul3A_1077 = arith.constant 16 : i32
        %mul3A_1078 = arith.muli %scan3A_163, %mul3A_1077 : i32
        %add3A_1079 = arith.constant 8 : i32
        %add3A_1080 = arith.addi %mul3A_1078, %add3A_1079 : i32
        %add3A_1081 = arith.constant 0 : i32
        %add3A_1082 = arith.addi %add3A_1080, %add3A_1081 : i32
        %get3A_1083 = arith.constant 0 : i32
        %get3A_1084 = arith.index_cast %get3A_1083 : i32 to index
        %get3A_1085 = arith.index_cast %add3A_1082 : i32 to index
        %get3A_1086 = arith.constant 16 : index
        %get3A_1087 = tpu.vector_load %arg10[%get3A_1084, %get3A_1085, %get3A_1086] {strides = array<i32>} : memref<2x80x64xf32, #tpu.memory_space<vmem>>, vector<1x1x16xf32>,
        %get3A_1088 = vector.shape_cast %get3A_1087 : vector<1x1x16xf32> to vector<16xf32>
        %mul3A_1089 = arith.constant 16 : i32
        %mul3A_1090 = arith.muli %scan3A_163, %mul3A_1089 : i32
        %add3A_1091 = arith.constant 8 : i32
        %add3A_1092 = arith.addi %mul3A_1090, %add3A_1091 : i32
        %add3A_1093 = arith.constant 0 : i32
        %add3A_1094 = arith.addi %add3A_1092, %add3A_1093 : i32
        %get3A_1095 = arith.constant 0 : i32
        %get3A_1096 = arith.index_cast %get3A_1095 : i32 to index
        %get3A_1097 = arith.index_cast %add3A_1094 : i32 to index
        %get3A_1098 = arith.constant 32 : index
        %get3A_1099 = tpu.vector_load %arg10[%get3A_1096, %get3A_1097, %get3A_1098] {strides = array<i32>} : memref<2x80x64xf32, #tpu.memory_space<vmem>>, vector<1x1x16xf32>,
        %get3A_1100 = vector.shape_cast %get3A_1099 : vector<1x1x16xf32> to vector<16xf32>
        %mul3A_1101 = arith.constant 16 : i32
        %mul3A_1102 = arith.muli %scan3A_163, %mul3A_1101 : i32
        %add3A_1103 = arith.constant 8 : i32
        %add3A_1104 = arith.addi %mul3A_1102, %add3A_1103 : i32
        %add3A_1105 = arith.constant 0 : i32
        %add3A_1106 = arith.addi %add3A_1104, %add3A_1105 : i32
        %get3A_1107 = arith.constant 0 : i32
        %get3A_1108 = arith.index_cast %get3A_1107 : i32 to index
        %get3A_1109 = arith.index_cast %add3A_1106 : i32 to index
        %get3A_1110 = arith.constant 48 : index
        %get3A_1111 = tpu.vector_load %arg10[%get3A_1108, %get3A_1109, %get3A_1110] {strides = array<i32>} : memref<2x80x64xf32, #tpu.memory_space<vmem>>, vector<1x1x16xf32>,
        %get3A_1112 = vector.shape_cast %get3A_1111 : vector<1x1x16xf32> to vector<16xf32>
        %mul3A_1113 = arith.constant 16 : i32
        %mul3A_1114 = arith.muli %scan3A_163, %mul3A_1113 : i32
        %add3A_1115 = arith.constant 8 : i32
        %add3A_1116 = arith.addi %mul3A_1114, %add3A_1115 : i32
        %add3A_1117 = arith.constant 1 : i32
        %add3A_1118 = arith.addi %add3A_1116, %add3A_1117 : i32
        %get3A_1119 = arith.constant 0 : i32
        %get3A_1120 = arith.index_cast %get3A_1119 : i32 to index
        %get3A_1121 = arith.index_cast %add3A_1118 : i32 to index
        %get3A_1122 = arith.constant 0 : index
        %get3A_1123 = tpu.vector_load %arg10[%get3A_1120, %get3A_1121, %get3A_1122] {strides = array<i32>} : memref<2x80x64xf32, #tpu.memory_space<vmem>>, vector<1x1x16xf32>,
        %get3A_1124 = vector.shape_cast %get3A_1123 : vector<1x1x16xf32> to vector<16xf32>
        %mul3A_1125 = arith.constant 16 : i32
        %mul3A_1126 = arith.muli %scan3A_163, %mul3A_1125 : i32
        %add3A_1127 = arith.constant 8 : i32
        %add3A_1128 = arith.addi %mul3A_1126, %add3A_1127 : i32
        %add3A_1129 = arith.constant 1 : i32
        %add3A_1130 = arith.addi %add3A_1128, %add3A_1129 : i32
        %get3A_1131 = arith.constant 0 : i32
        %get3A_1132 = arith.index_cast %get3A_1131 : i32 to index
        %get3A_1133 = arith.index_cast %add3A_1130 : i32 to index
        %get3A_1134 = arith.constant 16 : index
        %get3A_1135 = tpu.vector_load %arg10[%get3A_1132, %get3A_1133, %get3A_1134] {strides = array<i32>} : memref<2x80x64xf32, #tpu.memory_space<vmem>>, vector<1x1x16xf32>,
        %get3A_1136 = vector.shape_cast %get3A_1135 : vector<1x1x16xf32> to vector<16xf32>
        %mul3A_1137 = arith.constant 16 : i32
        %mul3A_1138 = arith.muli %scan3A_163, %mul3A_1137 : i32
        %add3A_1139 = arith.constant 8 : i32
        %add3A_1140 = arith.addi %mul3A_1138, %add3A_1139 : i32
        %add3A_1141 = arith.constant 1 : i32
        %add3A_1142 = arith.addi %add3A_1140, %add3A_1141 : i32
        %get3A_1143 = arith.constant 0 : i32
        %get3A_1144 = arith.index_cast %get3A_1143 : i32 to index
        %get3A_1145 = arith.index_cast %add3A_1142 : i32 to index
        %get3A_1146 = arith.constant 32 : index
        %get3A_1147 = tpu.vector_load %arg10[%get3A_1144, %get3A_1145, %get3A_1146] {strides = array<i32>} : memref<2x80x64xf32, #tpu.memory_space<vmem>>, vector<1x1x16xf32>,
        %get3A_1148 = vector.shape_cast %get3A_1147 : vector<1x1x16xf32> to vector<16xf32>
        %mul3A_1149 = arith.constant 16 : i32
        %mul3A_1150 = arith.muli %scan3A_163, %mul3A_1149 : i32
        %add3A_1151 = arith.constant 8 : i32
        %add3A_1152 = arith.addi %mul3A_1150, %add3A_1151 : i32
        %add3A_1153 = arith.constant 1 : i32
        %add3A_1154 = arith.addi %add3A_1152, %add3A_1153 : i32
        %get3A_1155 = arith.constant 0 : i32
        %get3A_1156 = arith.index_cast %get3A_1155 : i32 to index
        %get3A_1157 = arith.index_cast %add3A_1154 : i32 to index
        %get3A_1158 = arith.constant 48 : index
        %get3A_1159 = tpu.vector_load %arg10[%get3A_1156, %get3A_1157, %get3A_1158] {strides = array<i32>} : memref<2x80x64xf32, #tpu.memory_space<vmem>>, vector<1x1x16xf32>,
        %get3A_1160 = vector.shape_cast %get3A_1159 : vector<1x1x16xf32> to vector<16xf32>
        %mul3A_1161 = arith.constant 16 : i32
        %mul3A_1162 = arith.muli %scan3A_163, %mul3A_1161 : i32
        %add3A_1163 = arith.constant 8 : i32
        %add3A_1164 = arith.addi %mul3A_1162, %add3A_1163 : i32
        %add3A_1165 = arith.constant 2 : i32
        %add3A_1166 = arith.addi %add3A_1164, %add3A_1165 : i32
        %get3A_1167 = arith.constant 0 : i32
        %get3A_1168 = arith.index_cast %get3A_1167 : i32 to index
        %get3A_1169 = arith.index_cast %add3A_1166 : i32 to index
        %get3A_1170 = arith.constant 0 : index
        %get3A_1171 = tpu.vector_load %arg10[%get3A_1168, %get3A_1169, %get3A_1170] {strides = array<i32>} : memref<2x80x64xf32, #tpu.memory_space<vmem>>, vector<1x1x16xf32>,
        %get3A_1172 = vector.shape_cast %get3A_1171 : vector<1x1x16xf32> to vector<16xf32>
        %mul3A_1173 = arith.constant 16 : i32
        %mul3A_1174 = arith.muli %scan3A_163, %mul3A_1173 : i32
        %add3A_1175 = arith.constant 8 : i32
        %add3A_1176 = arith.addi %mul3A_1174, %add3A_1175 : i32
        %add3A_1177 = arith.constant 2 : i32
        %add3A_1178 = arith.addi %add3A_1176, %add3A_1177 : i32
        %get3A_1179 = arith.constant 0 : i32
        %get3A_1180 = arith.index_cast %get3A_1179 : i32 to index
        %get3A_1181 = arith.index_cast %add3A_1178 : i32 to index
        %get3A_1182 = arith.constant 16 : index
        %get3A_1183 = tpu.vector_load %arg10[%get3A_1180, %get3A_1181, %get3A_1182] {strides = array<i32>} : memref<2x80x64xf32, #tpu.memory_space<vmem>>, vector<1x1x16xf32>,
        %get3A_1184 = vector.shape_cast %get3A_1183 : vector<1x1x16xf32> to vector<16xf32>
        %mul3A_1185 = arith.constant 16 : i32
        %mul3A_1186 = arith.muli %scan3A_163, %mul3A_1185 : i32
        %add3A_1187 = arith.constant 8 : i32
        %add3A_1188 = arith.addi %mul3A_1186, %add3A_1187 : i32
        %add3A_1189 = arith.constant 2 : i32
        %add3A_1190 = arith.addi %add3A_1188, %add3A_1189 : i32
        %get3A_1191 = arith.constant 0 : i32
        %get3A_1192 = arith.index_cast %get3A_1191 : i32 to index
        %get3A_1193 = arith.index_cast %add3A_1190 : i32 to index
        %get3A_1194 = arith.constant 32 : index
        %get3A_1195 = tpu.vector_load %arg10[%get3A_1192, %get3A_1193, %get3A_1194] {strides = array<i32>} : memref<2x80x64xf32, #tpu.memory_space<vmem>>, vector<1x1x16xf32>,
        %get3A_1196 = vector.shape_cast %get3A_1195 : vector<1x1x16xf32> to vector<16xf32>
        %mul3A_1197 = arith.constant 16 : i32
        %mul3A_1198 = arith.muli %scan3A_163, %mul3A_1197 : i32
        %add3A_1199 = arith.constant 8 : i32
        %add3A_1200 = arith.addi %mul3A_1198, %add3A_1199 : i32
        %add3A_1201 = arith.constant 2 : i32
        %add3A_1202 = arith.addi %add3A_1200, %add3A_1201 : i32
        %get3A_1203 = arith.constant 0 : i32
        %get3A_1204 = arith.index_cast %get3A_1203 : i32 to index
        %get3A_1205 = arith.index_cast %add3A_1202 : i32 to index
        %get3A_1206 = arith.constant 48 : index
        %get3A_1207 = tpu.vector_load %arg10[%get3A_1204, %get3A_1205, %get3A_1206] {strides = array<i32>} : memref<2x80x64xf32, #tpu.memory_space<vmem>>, vector<1x1x16xf32>,
        %get3A_1208 = vector.shape_cast %get3A_1207 : vector<1x1x16xf32> to vector<16xf32>
        %mul3A_1209 = arith.constant 16 : i32
        %mul3A_1210 = arith.muli %scan3A_163, %mul3A_1209 : i32
        %add3A_1211 = arith.constant 8 : i32
        %add3A_1212 = arith.addi %mul3A_1210, %add3A_1211 : i32
        %add3A_1213 = arith.constant 3 : i32
        %add3A_1214 = arith.addi %add3A_1212, %add3A_1213 : i32
        %get3A_1215 = arith.constant 0 : i32
        %get3A_1216 = arith.index_cast %get3A_1215 : i32 to index
        %get3A_1217 = arith.index_cast %add3A_1214 : i32 to index
        %get3A_1218 = arith.constant 0 : index
        %get3A_1219 = tpu.vector_load %arg10[%get3A_1216, %get3A_1217, %get3A_1218] {strides = array<i32>} : memref<2x80x64xf32, #tpu.memory_space<vmem>>, vector<1x1x16xf32>,
        %get3A_1220 = vector.shape_cast %get3A_1219 : vector<1x1x16xf32> to vector<16xf32>
        %mul3A_1221 = arith.constant 16 : i32
        %mul3A_1222 = arith.muli %scan3A_163, %mul3A_1221 : i32
        %add3A_1223 = arith.constant 8 : i32
        %add3A_1224 = arith.addi %mul3A_1222, %add3A_1223 : i32
        %add3A_1225 = arith.constant 3 : i32
        %add3A_1226 = arith.addi %add3A_1224, %add3A_1225 : i32
        %get3A_1227 = arith.constant 0 : i32
        %get3A_1228 = arith.index_cast %get3A_1227 : i32 to index
        %get3A_1229 = arith.index_cast %add3A_1226 : i32 to index
        %get3A_1230 = arith.constant 16 : index
        %get3A_1231 = tpu.vector_load %arg10[%get3A_1228, %get3A_1229, %get3A_1230] {strides = array<i32>} : memref<2x80x64xf32, #tpu.memory_space<vmem>>, vector<1x1x16xf32>,
        %get3A_1232 = vector.shape_cast %get3A_1231 : vector<1x1x16xf32> to vector<16xf32>
        %mul3A_1233 = arith.constant 16 : i32
        %mul3A_1234 = arith.muli %scan3A_163, %mul3A_1233 : i32
        %add3A_1235 = arith.constant 8 : i32
        %add3A_1236 = arith.addi %mul3A_1234, %add3A_1235 : i32
        %add3A_1237 = arith.constant 3 : i32
        %add3A_1238 = arith.addi %add3A_1236, %add3A_1237 : i32
        %get3A_1239 = arith.constant 0 : i32
        %get3A_1240 = arith.index_cast %get3A_1239 : i32 to index
        %get3A_1241 = arith.index_cast %add3A_1238 : i32 to index
        %get3A_1242 = arith.constant 32 : index
        %get3A_1243 = tpu.vector_load %arg10[%get3A_1240, %get3A_1241, %get3A_1242] {strides = array<i32>} : memref<2x80x64xf32, #tpu.memory_space<vmem>>, vector<1x1x16xf32>,
        %get3A_1244 = vector.shape_cast %get3A_1243 : vector<1x1x16xf32> to vector<16xf32>
        %mul3A_1245 = arith.constant 16 : i32
        %mul3A_1246 = arith.muli %scan3A_163, %mul3A_1245 : i32
        %add3A_1247 = arith.constant 8 : i32
        %add3A_1248 = arith.addi %mul3A_1246, %add3A_1247 : i32
        %add3A_1249 = arith.constant 3 : i32
        %add3A_1250 = arith.addi %add3A_1248, %add3A_1249 : i32
        %get3A_1251 = arith.constant 0 : i32
        %get3A_1252 = arith.index_cast %get3A_1251 : i32 to index
        %get3A_1253 = arith.index_cast %add3A_1250 : i32 to index
        %get3A_1254 = arith.constant 48 : index
        %get3A_1255 = tpu.vector_load %arg10[%get3A_1252, %get3A_1253, %get3A_1254] {strides = array<i32>} : memref<2x80x64xf32, #tpu.memory_space<vmem>>, vector<1x1x16xf32>,
        %get3A_1256 = vector.shape_cast %get3A_1255 : vector<1x1x16xf32> to vector<16xf32>
        %mul3A_1257 = arith.constant 16 : i32
        %mul3A_1258 = arith.muli %scan3A_163, %mul3A_1257 : i32
        %add3A_1259 = arith.constant 8 : i32
        %add3A_1260 = arith.addi %mul3A_1258, %add3A_1259 : i32
        %add3A_1261 = arith.constant 4 : i32
        %add3A_1262 = arith.addi %add3A_1260, %add3A_1261 : i32
        %get3A_1263 = arith.constant 0 : i32
        %get3A_1264 = arith.index_cast %get3A_1263 : i32 to index
        %get3A_1265 = arith.index_cast %add3A_1262 : i32 to index
        %get3A_1266 = arith.constant 0 : index
        %get3A_1267 = tpu.vector_load %arg10[%get3A_1264, %get3A_1265, %get3A_1266] {strides = array<i32>} : memref<2x80x64xf32, #tpu.memory_space<vmem>>, vector<1x1x16xf32>,
        %get3A_1268 = vector.shape_cast %get3A_1267 : vector<1x1x16xf32> to vector<16xf32>
        %mul3A_1269 = arith.constant 16 : i32
        %mul3A_1270 = arith.muli %scan3A_163, %mul3A_1269 : i32
        %add3A_1271 = arith.constant 8 : i32
        %add3A_1272 = arith.addi %mul3A_1270, %add3A_1271 : i32
        %add3A_1273 = arith.constant 4 : i32
        %add3A_1274 = arith.addi %add3A_1272, %add3A_1273 : i32
        %get3A_1275 = arith.constant 0 : i32
        %get3A_1276 = arith.index_cast %get3A_1275 : i32 to index
        %get3A_1277 = arith.index_cast %add3A_1274 : i32 to index
        %get3A_1278 = arith.constant 16 : index
        %get3A_1279 = tpu.vector_load %arg10[%get3A_1276, %get3A_1277, %get3A_1278] {strides = array<i32>} : memref<2x80x64xf32, #tpu.memory_space<vmem>>, vector<1x1x16xf32>,
        %get3A_1280 = vector.shape_cast %get3A_1279 : vector<1x1x16xf32> to vector<16xf32>
        %mul3A_1281 = arith.constant 16 : i32
        %mul3A_1282 = arith.muli %scan3A_163, %mul3A_1281 : i32
        %add3A_1283 = arith.constant 8 : i32
        %add3A_1284 = arith.addi %mul3A_1282, %add3A_1283 : i32
        %add3A_1285 = arith.constant 4 : i32
        %add3A_1286 = arith.addi %add3A_1284, %add3A_1285 : i32
        %get3A_1287 = arith.constant 0 : i32
        %get3A_1288 = arith.index_cast %get3A_1287 : i32 to index
        %get3A_1289 = arith.index_cast %add3A_1286 : i32 to index
        %get3A_1290 = arith.constant 32 : index
        %get3A_1291 = tpu.vector_load %arg10[%get3A_1288, %get3A_1289, %get3A_1290] {strides = array<i32>} : memref<2x80x64xf32, #tpu.memory_space<vmem>>, vector<1x1x16xf32>,
        %get3A_1292 = vector.shape_cast %get3A_1291 : vector<1x1x16xf32> to vector<16xf32>
        %mul3A_1293 = arith.constant 16 : i32
        %mul3A_1294 = arith.muli %scan3A_163, %mul3A_1293 : i32
        %add3A_1295 = arith.constant 8 : i32
        %add3A_1296 = arith.addi %mul3A_1294, %add3A_1295 : i32
        %add3A_1297 = arith.constant 4 : i32
        %add3A_1298 = arith.addi %add3A_1296, %add3A_1297 : i32
        %get3A_1299 = arith.constant 0 : i32
        %get3A_1300 = arith.index_cast %get3A_1299 : i32 to index
        %get3A_1301 = arith.index_cast %add3A_1298 : i32 to index
        %get3A_1302 = arith.constant 48 : index
        %get3A_1303 = tpu.vector_load %arg10[%get3A_1300, %get3A_1301, %get3A_1302] {strides = array<i32>} : memref<2x80x64xf32, #tpu.memory_space<vmem>>, vector<1x1x16xf32>,
        %get3A_1304 = vector.shape_cast %get3A_1303 : vector<1x1x16xf32> to vector<16xf32>
        %mul3A_1305 = arith.constant 16 : i32
        %mul3A_1306 = arith.muli %scan3A_163, %mul3A_1305 : i32
        %add3A_1307 = arith.constant 8 : i32
        %add3A_1308 = arith.addi %mul3A_1306, %add3A_1307 : i32
        %add3A_1309 = arith.constant 5 : i32
        %add3A_1310 = arith.addi %add3A_1308, %add3A_1309 : i32
        %get3A_1311 = arith.constant 0 : i32
        %get3A_1312 = arith.index_cast %get3A_1311 : i32 to index
        %get3A_1313 = arith.index_cast %add3A_1310 : i32 to index
        %get3A_1314 = arith.constant 0 : index
        %get3A_1315 = tpu.vector_load %arg10[%get3A_1312, %get3A_1313, %get3A_1314] {strides = array<i32>} : memref<2x80x64xf32, #tpu.memory_space<vmem>>, vector<1x1x16xf32>,
        %get3A_1316 = vector.shape_cast %get3A_1315 : vector<1x1x16xf32> to vector<16xf32>
        %mul3A_1317 = arith.constant 16 : i32
        %mul3A_1318 = arith.muli %scan3A_163, %mul3A_1317 : i32
        %add3A_1319 = arith.constant 8 : i32
        %add3A_1320 = arith.addi %mul3A_1318, %add3A_1319 : i32
        %add3A_1321 = arith.constant 5 : i32
        %add3A_1322 = arith.addi %add3A_1320, %add3A_1321 : i32
        %get3A_1323 = arith.constant 0 : i32
        %get3A_1324 = arith.index_cast %get3A_1323 : i32 to index
        %get3A_1325 = arith.index_cast %add3A_1322 : i32 to index
        %get3A_1326 = arith.constant 16 : index
        %get3A_1327 = tpu.vector_load %arg10[%get3A_1324, %get3A_1325, %get3A_1326] {strides = array<i32>} : memref<2x80x64xf32, #tpu.memory_space<vmem>>, vector<1x1x16xf32>,
        %get3A_1328 = vector.shape_cast %get3A_1327 : vector<1x1x16xf32> to vector<16xf32>
        %mul3A_1329 = arith.constant 16 : i32
        %mul3A_1330 = arith.muli %scan3A_163, %mul3A_1329 : i32
        %add3A_1331 = arith.constant 8 : i32
        %add3A_1332 = arith.addi %mul3A_1330, %add3A_1331 : i32
        %add3A_1333 = arith.constant 5 : i32
        %add3A_1334 = arith.addi %add3A_1332, %add3A_1333 : i32
        %get3A_1335 = arith.constant 0 : i32
        %get3A_1336 = arith.index_cast %get3A_1335 : i32 to index
        %get3A_1337 = arith.index_cast %add3A_1334 : i32 to index
        %get3A_1338 = arith.constant 32 : index
        %get3A_1339 = tpu.vector_load %arg10[%get3A_1336, %get3A_1337, %get3A_1338] {strides = array<i32>} : memref<2x80x64xf32, #tpu.memory_space<vmem>>, vector<1x1x16xf32>,
        %get3A_1340 = vector.shape_cast %get3A_1339 : vector<1x1x16xf32> to vector<16xf32>
        %mul3A_1341 = arith.constant 16 : i32
        %mul3A_1342 = arith.muli %scan3A_163, %mul3A_1341 : i32
        %add3A_1343 = arith.constant 8 : i32
        %add3A_1344 = arith.addi %mul3A_1342, %add3A_1343 : i32
        %add3A_1345 = arith.constant 5 : i32
        %add3A_1346 = arith.addi %add3A_1344, %add3A_1345 : i32
        %get3A_1347 = arith.constant 0 : i32
        %get3A_1348 = arith.index_cast %get3A_1347 : i32 to index
        %get3A_1349 = arith.index_cast %add3A_1346 : i32 to index
        %get3A_1350 = arith.constant 48 : index
        %get3A_1351 = tpu.vector_load %arg10[%get3A_1348, %get3A_1349, %get3A_1350] {strides = array<i32>} : memref<2x80x64xf32, #tpu.memory_space<vmem>>, vector<1x1x16xf32>,
        %get3A_1352 = vector.shape_cast %get3A_1351 : vector<1x1x16xf32> to vector<16xf32>
        %mul3A_1353 = arith.constant 16 : i32
        %mul3A_1354 = arith.muli %scan3A_163, %mul3A_1353 : i32
        %add3A_1355 = arith.constant 8 : i32
        %add3A_1356 = arith.addi %mul3A_1354, %add3A_1355 : i32
        %add3A_1357 = arith.constant 6 : i32
        %add3A_1358 = arith.addi %add3A_1356, %add3A_1357 : i32
        %get3A_1359 = arith.constant 0 : i32
        %get3A_1360 = arith.index_cast %get3A_1359 : i32 to index
        %get3A_1361 = arith.index_cast %add3A_1358 : i32 to index
        %get3A_1362 = arith.constant 0 : index
        %get3A_1363 = tpu.vector_load %arg10[%get3A_1360, %get3A_1361, %get3A_1362] {strides = array<i32>} : memref<2x80x64xf32, #tpu.memory_space<vmem>>, vector<1x1x16xf32>,
        %get3A_1364 = vector.shape_cast %get3A_1363 : vector<1x1x16xf32> to vector<16xf32>
        %mul3A_1365 = arith.constant 16 : i32
        %mul3A_1366 = arith.muli %scan3A_163, %mul3A_1365 : i32
        %add3A_1367 = arith.constant 8 : i32
        %add3A_1368 = arith.addi %mul3A_1366, %add3A_1367 : i32
        %add3A_1369 = arith.constant 6 : i32
        %add3A_1370 = arith.addi %add3A_1368, %add3A_1369 : i32
        %get3A_1371 = arith.constant 0 : i32
        %get3A_1372 = arith.index_cast %get3A_1371 : i32 to index
        %get3A_1373 = arith.index_cast %add3A_1370 : i32 to index
        %get3A_1374 = arith.constant 16 : index
        %get3A_1375 = tpu.vector_load %arg10[%get3A_1372, %get3A_1373, %get3A_1374] {strides = array<i32>} : memref<2x80x64xf32, #tpu.memory_space<vmem>>, vector<1x1x16xf32>,
        %get3A_1376 = vector.shape_cast %get3A_1375 : vector<1x1x16xf32> to vector<16xf32>
        %mul3A_1377 = arith.constant 16 : i32
        %mul3A_1378 = arith.muli %scan3A_163, %mul3A_1377 : i32
        %add3A_1379 = arith.constant 8 : i32
        %add3A_1380 = arith.addi %mul3A_1378, %add3A_1379 : i32
        %add3A_1381 = arith.constant 6 : i32
        %add3A_1382 = arith.addi %add3A_1380, %add3A_1381 : i32
        %get3A_1383 = arith.constant 0 : i32
        %get3A_1384 = arith.index_cast %get3A_1383 : i32 to index
        %get3A_1385 = arith.index_cast %add3A_1382 : i32 to index
        %get3A_1386 = arith.constant 32 : index
        %get3A_1387 = tpu.vector_load %arg10[%get3A_1384, %get3A_1385, %get3A_1386] {strides = array<i32>} : memref<2x80x64xf32, #tpu.memory_space<vmem>>, vector<1x1x16xf32>,
        %get3A_1388 = vector.shape_cast %get3A_1387 : vector<1x1x16xf32> to vector<16xf32>
        %mul3A_1389 = arith.constant 16 : i32
        %mul3A_1390 = arith.muli %scan3A_163, %mul3A_1389 : i32
        %add3A_1391 = arith.constant 8 : i32
        %add3A_1392 = arith.addi %mul3A_1390, %add3A_1391 : i32
        %add3A_1393 = arith.constant 6 : i32
        %add3A_1394 = arith.addi %add3A_1392, %add3A_1393 : i32
        %get3A_1395 = arith.constant 0 : i32
        %get3A_1396 = arith.index_cast %get3A_1395 : i32 to index
        %get3A_1397 = arith.index_cast %add3A_1394 : i32 to index
        %get3A_1398 = arith.constant 48 : index
        %get3A_1399 = tpu.vector_load %arg10[%get3A_1396, %get3A_1397, %get3A_1398] {strides = array<i32>} : memref<2x80x64xf32, #tpu.memory_space<vmem>>, vector<1x1x16xf32>,
        %get3A_1400 = vector.shape_cast %get3A_1399 : vector<1x1x16xf32> to vector<16xf32>
        %mul3A_1401 = arith.constant 16 : i32
        %mul3A_1402 = arith.muli %scan3A_163, %mul3A_1401 : i32
        %add3A_1403 = arith.constant 8 : i32
        %add3A_1404 = arith.addi %mul3A_1402, %add3A_1403 : i32
        %add3A_1405 = arith.constant 7 : i32
        %add3A_1406 = arith.addi %add3A_1404, %add3A_1405 : i32
        %get3A_1407 = arith.constant 0 : i32
        %get3A_1408 = arith.index_cast %get3A_1407 : i32 to index
        %get3A_1409 = arith.index_cast %add3A_1406 : i32 to index
        %get3A_1410 = arith.constant 0 : index
        %get3A_1411 = tpu.vector_load %arg10[%get3A_1408, %get3A_1409, %get3A_1410] {strides = array<i32>} : memref<2x80x64xf32, #tpu.memory_space<vmem>>, vector<1x1x16xf32>,
        %get3A_1412 = vector.shape_cast %get3A_1411 : vector<1x1x16xf32> to vector<16xf32>
        %mul3A_1413 = arith.constant 16 : i32
        %mul3A_1414 = arith.muli %scan3A_163, %mul3A_1413 : i32
        %add3A_1415 = arith.constant 8 : i32
        %add3A_1416 = arith.addi %mul3A_1414, %add3A_1415 : i32
        %add3A_1417 = arith.constant 7 : i32
        %add3A_1418 = arith.addi %add3A_1416, %add3A_1417 : i32
        %get3A_1419 = arith.constant 0 : i32
        %get3A_1420 = arith.index_cast %get3A_1419 : i32 to index
        %get3A_1421 = arith.index_cast %add3A_1418 : i32 to index
        %get3A_1422 = arith.constant 16 : index
        %get3A_1423 = tpu.vector_load %arg10[%get3A_1420, %get3A_1421, %get3A_1422] {strides = array<i32>} : memref<2x80x64xf32, #tpu.memory_space<vmem>>, vector<1x1x16xf32>,
        %get3A_1424 = vector.shape_cast %get3A_1423 : vector<1x1x16xf32> to vector<16xf32>
        %mul3A_1425 = arith.constant 16 : i32
        %mul3A_1426 = arith.muli %scan3A_163, %mul3A_1425 : i32
        %add3A_1427 = arith.constant 8 : i32
        %add3A_1428 = arith.addi %mul3A_1426, %add3A_1427 : i32
        %add3A_1429 = arith.constant 7 : i32
        %add3A_1430 = arith.addi %add3A_1428, %add3A_1429 : i32
        %get3A_1431 = arith.constant 0 : i32
        %get3A_1432 = arith.index_cast %get3A_1431 : i32 to index
        %get3A_1433 = arith.index_cast %add3A_1430 : i32 to index
        %get3A_1434 = arith.constant 32 : index
        %get3A_1435 = tpu.vector_load %arg10[%get3A_1432, %get3A_1433, %get3A_1434] {strides = array<i32>} : memref<2x80x64xf32, #tpu.memory_space<vmem>>, vector<1x1x16xf32>,
        %get3A_1436 = vector.shape_cast %get3A_1435 : vector<1x1x16xf32> to vector<16xf32>
        %mul3A_1437 = arith.constant 16 : i32
        %mul3A_1438 = arith.muli %scan3A_163, %mul3A_1437 : i32
        %add3A_1439 = arith.constant 8 : i32
        %add3A_1440 = arith.addi %mul3A_1438, %add3A_1439 : i32
        %add3A_1441 = arith.constant 7 : i32
        %add3A_1442 = arith.addi %add3A_1440, %add3A_1441 : i32
        %get3A_1443 = arith.constant 0 : i32
        %get3A_1444 = arith.index_cast %get3A_1443 : i32 to index
        %get3A_1445 = arith.index_cast %add3A_1442 : i32 to index
        %get3A_1446 = arith.constant 48 : index
        %get3A_1447 = tpu.vector_load %arg10[%get3A_1444, %get3A_1445, %get3A_1446] {strides = array<i32>} : memref<2x80x64xf32, #tpu.memory_space<vmem>>, vector<1x1x16xf32>,
        %get3A_1448 = vector.shape_cast %get3A_1447 : vector<1x1x16xf32> to vector<16xf32>
        %mul3A_1449 = arith.mulf %get3A_1076, %gather3A_1036 : vector<16xf32>
        %mul3A_1450 = arith.constant 16 : i32
        %mul3A_1451 = arith.muli %scan3A_163, %mul3A_1450 : i32
        %add3A_1452 = arith.constant 8 : i32
        %add3A_1453 = arith.addi %mul3A_1451, %add3A_1452 : i32
        %add3A_1454 = arith.constant 0 : i32
        %add3A_1455 = arith.addi %add3A_1453, %add3A_1454 : i32
        %swap3A_1456 = arith.constant 0 : i32
        %swap3A_1457 = arith.index_cast %swap3A_1456 : i32 to index
        %swap3A_1458 = arith.index_cast %add3A_1455 : i32 to index
        %swap3A_1459 = arith.constant 0 : index
        %swap3A_1460 = tpu.vector_load %arg11[%swap3A_1457, %swap3A_1458, %swap3A_1459] {strides = array<i32>} : memref<2x80x64xf32, #tpu.memory_space<vmem>>, vector<1x1x16xf32>,
        %swap3A_1461 = vector.shape_cast %swap3A_1460 : vector<1x1x16xf32> to vector<16xf32>
        %swap3A_1462 = vector.shape_cast %mul3A_1449 : vector<16xf32> to vector<1x1x16xf32>
        tpu.vector_store %arg11[%swap3A_1457, %swap3A_1458, %swap3A_1459], %swap3A_1462 {strides = array<i32>} : memref<2x80x64xf32, #tpu.memory_space<vmem>>, vector<1x1x16xf32>,
        %mul3A_1463 = arith.mulf %get3A_1088, %gather3A_1036 : vector<16xf32>
        %mul3A_1464 = arith.constant 16 : i32
        %mul3A_1465 = arith.muli %scan3A_163, %mul3A_1464 : i32
        %add3A_1466 = arith.constant 8 : i32
        %add3A_1467 = arith.addi %mul3A_1465, %add3A_1466 : i32
        %add3A_1468 = arith.constant 0 : i32
        %add3A_1469 = arith.addi %add3A_1467, %add3A_1468 : i32
        %swap3A_1470 = arith.constant 0 : i32
        %swap3A_1471 = arith.index_cast %swap3A_1470 : i32 to index
        %swap3A_1472 = arith.index_cast %add3A_1469 : i32 to index
        %swap3A_1473 = arith.constant 16 : index
        %swap3A_1474 = tpu.vector_load %arg11[%swap3A_1471, %swap3A_1472, %swap3A_1473] {strides = array<i32>} : memref<2x80x64xf32, #tpu.memory_space<vmem>>, vector<1x1x16xf32>,
        %swap3A_1475 = vector.shape_cast %swap3A_1474 : vector<1x1x16xf32> to vector<16xf32>
        %swap3A_1476 = vector.shape_cast %mul3A_1463 : vector<16xf32> to vector<1x1x16xf32>
        tpu.vector_store %arg11[%swap3A_1471, %swap3A_1472, %swap3A_1473], %swap3A_1476 {strides = array<i32>} : memref<2x80x64xf32, #tpu.memory_space<vmem>>, vector<1x1x16xf32>,
        %mul3A_1477 = arith.mulf %get3A_1100, %gather3A_1036 : vector<16xf32>
        %mul3A_1478 = arith.constant 16 : i32
        %mul3A_1479 = arith.muli %scan3A_163, %mul3A_1478 : i32
        %add3A_1480 = arith.constant 8 : i32
        %add3A_1481 = arith.addi %mul3A_1479, %add3A_1480 : i32
        %add3A_1482 = arith.constant 0 : i32
        %add3A_1483 = arith.addi %add3A_1481, %add3A_1482 : i32
        %swap3A_1484 = arith.constant 0 : i32
        %swap3A_1485 = arith.index_cast %swap3A_1484 : i32 to index
        %swap3A_1486 = arith.index_cast %add3A_1483 : i32 to index
        %swap3A_1487 = arith.constant 32 : index
        %swap3A_1488 = tpu.vector_load %arg11[%swap3A_1485, %swap3A_1486, %swap3A_1487] {strides = array<i32>} : memref<2x80x64xf32, #tpu.memory_space<vmem>>, vector<1x1x16xf32>,
        %swap3A_1489 = vector.shape_cast %swap3A_1488 : vector<1x1x16xf32> to vector<16xf32>
        %swap3A_1490 = vector.shape_cast %mul3A_1477 : vector<16xf32> to vector<1x1x16xf32>
        tpu.vector_store %arg11[%swap3A_1485, %swap3A_1486, %swap3A_1487], %swap3A_1490 {strides = array<i32>} : memref<2x80x64xf32, #tpu.memory_space<vmem>>, vector<1x1x16xf32>,
        %mul3A_1491 = arith.mulf %get3A_1112, %gather3A_1036 : vector<16xf32>
        %mul3A_1492 = arith.constant 16 : i32
        %mul3A_1493 = arith.muli %scan3A_163, %mul3A_1492 : i32
        %add3A_1494 = arith.constant 8 : i32
        %add3A_1495 = arith.addi %mul3A_1493, %add3A_1494 : i32
        %add3A_1496 = arith.constant 0 : i32
        %add3A_1497 = arith.addi %add3A_1495, %add3A_1496 : i32
        %swap3A_1498 = arith.constant 0 : i32
        %swap3A_1499 = arith.index_cast %swap3A_1498 : i32 to index
        %swap3A_1500 = arith.index_cast %add3A_1497 : i32 to index
        %swap3A_1501 = arith.constant 48 : index
        %swap3A_1502 = tpu.vector_load %arg11[%swap3A_1499, %swap3A_1500, %swap3A_1501] {strides = array<i32>} : memref<2x80x64xf32, #tpu.memory_space<vmem>>, vector<1x1x16xf32>,
        %swap3A_1503 = vector.shape_cast %swap3A_1502 : vector<1x1x16xf32> to vector<16xf32>
        %swap3A_1504 = vector.shape_cast %mul3A_1491 : vector<16xf32> to vector<1x1x16xf32>
        tpu.vector_store %arg11[%swap3A_1499, %swap3A_1500, %swap3A_1501], %swap3A_1504 {strides = array<i32>} : memref<2x80x64xf32, #tpu.memory_space<vmem>>, vector<1x1x16xf32>,
        %mul3A_1505 = arith.mulf %get3A_1124, %gather3A_1040 : vector<16xf32>
        %mul3A_1506 = arith.constant 16 : i32
        %mul3A_1507 = arith.muli %scan3A_163, %mul3A_1506 : i32
        %add3A_1508 = arith.constant 8 : i32
        %add3A_1509 = arith.addi %mul3A_1507, %add3A_1508 : i32
        %add3A_1510 = arith.constant 1 : i32
        %add3A_1511 = arith.addi %add3A_1509, %add3A_1510 : i32
        %swap3A_1512 = arith.constant 0 : i32
        %swap3A_1513 = arith.index_cast %swap3A_1512 : i32 to index
        %swap3A_1514 = arith.index_cast %add3A_1511 : i32 to index
        %swap3A_1515 = arith.constant 0 : index
        %swap3A_1516 = tpu.vector_load %arg11[%swap3A_1513, %swap3A_1514, %swap3A_1515] {strides = array<i32>} : memref<2x80x64xf32, #tpu.memory_space<vmem>>, vector<1x1x16xf32>,
        %swap3A_1517 = vector.shape_cast %swap3A_1516 : vector<1x1x16xf32> to vector<16xf32>
        %swap3A_1518 = vector.shape_cast %mul3A_1505 : vector<16xf32> to vector<1x1x16xf32>
        tpu.vector_store %arg11[%swap3A_1513, %swap3A_1514, %swap3A_1515], %swap3A_1518 {strides = array<i32>} : memref<2x80x64xf32, #tpu.memory_space<vmem>>, vector<1x1x16xf32>,
        %mul3A_1519 = arith.mulf %get3A_1136, %gather3A_1040 : vector<16xf32>
        %mul3A_1520 = arith.constant 16 : i32
        %mul3A_1521 = arith.muli %scan3A_163, %mul3A_1520 : i32
        %add3A_1522 = arith.constant 8 : i32
        %add3A_1523 = arith.addi %mul3A_1521, %add3A_1522 : i32
        %add3A_1524 = arith.constant 1 : i32
        %add3A_1525 = arith.addi %add3A_1523, %add3A_1524 : i32
        %swap3A_1526 = arith.constant 0 : i32
        %swap3A_1527 = arith.index_cast %swap3A_1526 : i32 to index
        %swap3A_1528 = arith.index_cast %add3A_1525 : i32 to index
        %swap3A_1529 = arith.constant 16 : index
        %swap3A_1530 = tpu.vector_load %arg11[%swap3A_1527, %swap3A_1528, %swap3A_1529] {strides = array<i32>} : memref<2x80x64xf32, #tpu.memory_space<vmem>>, vector<1x1x16xf32>,
        %swap3A_1531 = vector.shape_cast %swap3A_1530 : vector<1x1x16xf32> to vector<16xf32>
        %swap3A_1532 = vector.shape_cast %mul3A_1519 : vector<16xf32> to vector<1x1x16xf32>
        tpu.vector_store %arg11[%swap3A_1527, %swap3A_1528, %swap3A_1529], %swap3A_1532 {strides = array<i32>} : memref<2x80x64xf32, #tpu.memory_space<vmem>>, vector<1x1x16xf32>,
        %mul3A_1533 = arith.mulf %get3A_1148, %gather3A_1040 : vector<16xf32>
        %mul3A_1534 = arith.constant 16 : i32
        %mul3A_1535 = arith.muli %scan3A_163, %mul3A_1534 : i32
        %add3A_1536 = arith.constant 8 : i32
        %add3A_1537 = arith.addi %mul3A_1535, %add3A_1536 : i32
        %add3A_1538 = arith.constant 1 : i32
        %add3A_1539 = arith.addi %add3A_1537, %add3A_1538 : i32
        %swap3A_1540 = arith.constant 0 : i32
        %swap3A_1541 = arith.index_cast %swap3A_1540 : i32 to index
        %swap3A_1542 = arith.index_cast %add3A_1539 : i32 to index
        %swap3A_1543 = arith.constant 32 : index
        %swap3A_1544 = tpu.vector_load %arg11[%swap3A_1541, %swap3A_1542, %swap3A_1543] {strides = array<i32>} : memref<2x80x64xf32, #tpu.memory_space<vmem>>, vector<1x1x16xf32>,
        %swap3A_1545 = vector.shape_cast %swap3A_1544 : vector<1x1x16xf32> to vector<16xf32>
        %swap3A_1546 = vector.shape_cast %mul3A_1533 : vector<16xf32> to vector<1x1x16xf32>
        tpu.vector_store %arg11[%swap3A_1541, %swap3A_1542, %swap3A_1543], %swap3A_1546 {strides = array<i32>} : memref<2x80x64xf32, #tpu.memory_space<vmem>>, vector<1x1x16xf32>,
        %mul3A_1547 = arith.mulf %get3A_1160, %gather3A_1040 : vector<16xf32>
        %mul3A_1548 = arith.constant 16 : i32
        %mul3A_1549 = arith.muli %scan3A_163, %mul3A_1548 : i32
        %add3A_1550 = arith.constant 8 : i32
        %add3A_1551 = arith.addi %mul3A_1549, %add3A_1550 : i32
        %add3A_1552 = arith.constant 1 : i32
        %add3A_1553 = arith.addi %add3A_1551, %add3A_1552 : i32
        %swap3A_1554 = arith.constant 0 : i32
        %swap3A_1555 = arith.index_cast %swap3A_1554 : i32 to index
        %swap3A_1556 = arith.index_cast %add3A_1553 : i32 to index
        %swap3A_1557 = arith.constant 48 : index
        %swap3A_1558 = tpu.vector_load %arg11[%swap3A_1555, %swap3A_1556, %swap3A_1557] {strides = array<i32>} : memref<2x80x64xf32, #tpu.memory_space<vmem>>, vector<1x1x16xf32>,
        %swap3A_1559 = vector.shape_cast %swap3A_1558 : vector<1x1x16xf32> to vector<16xf32>
        %swap3A_1560 = vector.shape_cast %mul3A_1547 : vector<16xf32> to vector<1x1x16xf32>
        tpu.vector_store %arg11[%swap3A_1555, %swap3A_1556, %swap3A_1557], %swap3A_1560 {strides = array<i32>} : memref<2x80x64xf32, #tpu.memory_space<vmem>>, vector<1x1x16xf32>,
        %mul3A_1561 = arith.mulf %get3A_1172, %gather3A_1044 : vector<16xf32>
        %mul3A_1562 = arith.constant 16 : i32
        %mul3A_1563 = arith.muli %scan3A_163, %mul3A_1562 : i32
        %add3A_1564 = arith.constant 8 : i32
        %add3A_1565 = arith.addi %mul3A_1563, %add3A_1564 : i32
        %add3A_1566 = arith.constant 2 : i32
        %add3A_1567 = arith.addi %add3A_1565, %add3A_1566 : i32
        %swap3A_1568 = arith.constant 0 : i32
        %swap3A_1569 = arith.index_cast %swap3A_1568 : i32 to index
        %swap3A_1570 = arith.index_cast %add3A_1567 : i32 to index
        %swap3A_1571 = arith.constant 0 : index
        %swap3A_1572 = tpu.vector_load %arg11[%swap3A_1569, %swap3A_1570, %swap3A_1571] {strides = array<i32>} : memref<2x80x64xf32, #tpu.memory_space<vmem>>, vector<1x1x16xf32>,
        %swap3A_1573 = vector.shape_cast %swap3A_1572 : vector<1x1x16xf32> to vector<16xf32>
        %swap3A_1574 = vector.shape_cast %mul3A_1561 : vector<16xf32> to vector<1x1x16xf32>
        tpu.vector_store %arg11[%swap3A_1569, %swap3A_1570, %swap3A_1571], %swap3A_1574 {strides = array<i32>} : memref<2x80x64xf32, #tpu.memory_space<vmem>>, vector<1x1x16xf32>,
        %mul3A_1575 = arith.mulf %get3A_1184, %gather3A_1044 : vector<16xf32>
        %mul3A_1576 = arith.constant 16 : i32
        %mul3A_1577 = arith.muli %scan3A_163, %mul3A_1576 : i32
        %add3A_1578 = arith.constant 8 : i32
        %add3A_1579 = arith.addi %mul3A_1577, %add3A_1578 : i32
        %add3A_1580 = arith.constant 2 : i32
        %add3A_1581 = arith.addi %add3A_1579, %add3A_1580 : i32
        %swap3A_1582 = arith.constant 0 : i32
        %swap3A_1583 = arith.index_cast %swap3A_1582 : i32 to index
        %swap3A_1584 = arith.index_cast %add3A_1581 : i32 to index
        %swap3A_1585 = arith.constant 16 : index
        %swap3A_1586 = tpu.vector_load %arg11[%swap3A_1583, %swap3A_1584, %swap3A_1585] {strides = array<i32>} : memref<2x80x64xf32, #tpu.memory_space<vmem>>, vector<1x1x16xf32>,
        %swap3A_1587 = vector.shape_cast %swap3A_1586 : vector<1x1x16xf32> to vector<16xf32>
        %swap3A_1588 = vector.shape_cast %mul3A_1575 : vector<16xf32> to vector<1x1x16xf32>
        tpu.vector_store %arg11[%swap3A_1583, %swap3A_1584, %swap3A_1585], %swap3A_1588 {strides = array<i32>} : memref<2x80x64xf32, #tpu.memory_space<vmem>>, vector<1x1x16xf32>,
        %mul3A_1589 = arith.mulf %get3A_1196, %gather3A_1044 : vector<16xf32>
        %mul3A_1590 = arith.constant 16 : i32
        %mul3A_1591 = arith.muli %scan3A_163, %mul3A_1590 : i32
        %add3A_1592 = arith.constant 8 : i32
        %add3A_1593 = arith.addi %mul3A_1591, %add3A_1592 : i32
        %add3A_1594 = arith.constant 2 : i32
        %add3A_1595 = arith.addi %add3A_1593, %add3A_1594 : i32
        %swap3A_1596 = arith.constant 0 : i32
        %swap3A_1597 = arith.index_cast %swap3A_1596 : i32 to index
        %swap3A_1598 = arith.index_cast %add3A_1595 : i32 to index
        %swap3A_1599 = arith.constant 32 : index
        %swap3A_1600 = tpu.vector_load %arg11[%swap3A_1597, %swap3A_1598, %swap3A_1599] {strides = array<i32>} : memref<2x80x64xf32, #tpu.memory_space<vmem>>, vector<1x1x16xf32>,
        %swap3A_1601 = vector.shape_cast %swap3A_1600 : vector<1x1x16xf32> to vector<16xf32>
        %swap3A_1602 = vector.shape_cast %mul3A_1589 : vector<16xf32> to vector<1x1x16xf32>
        tpu.vector_store %arg11[%swap3A_1597, %swap3A_1598, %swap3A_1599], %swap3A_1602 {strides = array<i32>} : memref<2x80x64xf32, #tpu.memory_space<vmem>>, vector<1x1x16xf32>,
        %mul3A_1603 = arith.mulf %get3A_1208, %gather3A_1044 : vector<16xf32>
        %mul3A_1604 = arith.constant 16 : i32
        %mul3A_1605 = arith.muli %scan3A_163, %mul3A_1604 : i32
        %add3A_1606 = arith.constant 8 : i32
        %add3A_1607 = arith.addi %mul3A_1605, %add3A_1606 : i32
        %add3A_1608 = arith.constant 2 : i32
        %add3A_1609 = arith.addi %add3A_1607, %add3A_1608 : i32
        %swap3A_1610 = arith.constant 0 : i32
        %swap3A_1611 = arith.index_cast %swap3A_1610 : i32 to index
        %swap3A_1612 = arith.index_cast %add3A_1609 : i32 to index
        %swap3A_1613 = arith.constant 48 : index
        %swap3A_1614 = tpu.vector_load %arg11[%swap3A_1611, %swap3A_1612, %swap3A_1613] {strides = array<i32>} : memref<2x80x64xf32, #tpu.memory_space<vmem>>, vector<1x1x16xf32>,
        %swap3A_1615 = vector.shape_cast %swap3A_1614 : vector<1x1x16xf32> to vector<16xf32>
        %swap3A_1616 = vector.shape_cast %mul3A_1603 : vector<16xf32> to vector<1x1x16xf32>
        tpu.vector_store %arg11[%swap3A_1611, %swap3A_1612, %swap3A_1613], %swap3A_1616 {strides = array<i32>} : memref<2x80x64xf32, #tpu.memory_space<vmem>>, vector<1x1x16xf32>,
        %mul3A_1617 = arith.mulf %get3A_1220, %gather3A_1048 : vector<16xf32>
        %mul3A_1618 = arith.constant 16 : i32
        %mul3A_1619 = arith.muli %scan3A_163, %mul3A_1618 : i32
        %add3A_1620 = arith.constant 8 : i32
        %add3A_1621 = arith.addi %mul3A_1619, %add3A_1620 : i32
        %add3A_1622 = arith.constant 3 : i32
        %add3A_1623 = arith.addi %add3A_1621, %add3A_1622 : i32
        %swap3A_1624 = arith.constant 0 : i32
        %swap3A_1625 = arith.index_cast %swap3A_1624 : i32 to index
        %swap3A_1626 = arith.index_cast %add3A_1623 : i32 to index
        %swap3A_1627 = arith.constant 0 : index
        %swap3A_1628 = tpu.vector_load %arg11[%swap3A_1625, %swap3A_1626, %swap3A_1627] {strides = array<i32>} : memref<2x80x64xf32, #tpu.memory_space<vmem>>, vector<1x1x16xf32>,
        %swap3A_1629 = vector.shape_cast %swap3A_1628 : vector<1x1x16xf32> to vector<16xf32>
        %swap3A_1630 = vector.shape_cast %mul3A_1617 : vector<16xf32> to vector<1x1x16xf32>
        tpu.vector_store %arg11[%swap3A_1625, %swap3A_1626, %swap3A_1627], %swap3A_1630 {strides = array<i32>} : memref<2x80x64xf32, #tpu.memory_space<vmem>>, vector<1x1x16xf32>,
        %mul3A_1631 = arith.mulf %get3A_1232, %gather3A_1048 : vector<16xf32>
        %mul3A_1632 = arith.constant 16 : i32
        %mul3A_1633 = arith.muli %scan3A_163, %mul3A_1632 : i32
        %add3A_1634 = arith.constant 8 : i32
        %add3A_1635 = arith.addi %mul3A_1633, %add3A_1634 : i32
        %add3A_1636 = arith.constant 3 : i32
        %add3A_1637 = arith.addi %add3A_1635, %add3A_1636 : i32
        %swap3A_1638 = arith.constant 0 : i32
        %swap3A_1639 = arith.index_cast %swap3A_1638 : i32 to index
        %swap3A_1640 = arith.index_cast %add3A_1637 : i32 to index
        %swap3A_1641 = arith.constant 16 : index
        %swap3A_1642 = tpu.vector_load %arg11[%swap3A_1639, %swap3A_1640, %swap3A_1641] {strides = array<i32>} : memref<2x80x64xf32, #tpu.memory_space<vmem>>, vector<1x1x16xf32>,
        %swap3A_1643 = vector.shape_cast %swap3A_1642 : vector<1x1x16xf32> to vector<16xf32>
        %swap3A_1644 = vector.shape_cast %mul3A_1631 : vector<16xf32> to vector<1x1x16xf32>
        tpu.vector_store %arg11[%swap3A_1639, %swap3A_1640, %swap3A_1641], %swap3A_1644 {strides = array<i32>} : memref<2x80x64xf32, #tpu.memory_space<vmem>>, vector<1x1x16xf32>,
        %mul3A_1645 = arith.mulf %get3A_1244, %gather3A_1048 : vector<16xf32>
        %mul3A_1646 = arith.constant 16 : i32
        %mul3A_1647 = arith.muli %scan3A_163, %mul3A_1646 : i32
        %add3A_1648 = arith.constant 8 : i32
        %add3A_1649 = arith.addi %mul3A_1647, %add3A_1648 : i32
        %add3A_1650 = arith.constant 3 : i32
        %add3A_1651 = arith.addi %add3A_1649, %add3A_1650 : i32
        %swap3A_1652 = arith.constant 0 : i32
        %swap3A_1653 = arith.index_cast %swap3A_1652 : i32 to index
        %swap3A_1654 = arith.index_cast %add3A_1651 : i32 to index
        %swap3A_1655 = arith.constant 32 : index
        %swap3A_1656 = tpu.vector_load %arg11[%swap3A_1653, %swap3A_1654, %swap3A_1655] {strides = array<i32>} : memref<2x80x64xf32, #tpu.memory_space<vmem>>, vector<1x1x16xf32>,
        %swap3A_1657 = vector.shape_cast %swap3A_1656 : vector<1x1x16xf32> to vector<16xf32>
        %swap3A_1658 = vector.shape_cast %mul3A_1645 : vector<16xf32> to vector<1x1x16xf32>
        tpu.vector_store %arg11[%swap3A_1653, %swap3A_1654, %swap3A_1655], %swap3A_1658 {strides = array<i32>} : memref<2x80x64xf32, #tpu.memory_space<vmem>>, vector<1x1x16xf32>,
        %mul3A_1659 = arith.mulf %get3A_1256, %gather3A_1048 : vector<16xf32>
        %mul3A_1660 = arith.constant 16 : i32
        %mul3A_1661 = arith.muli %scan3A_163, %mul3A_1660 : i32
        %add3A_1662 = arith.constant 8 : i32
        %add3A_1663 = arith.addi %mul3A_1661, %add3A_1662 : i32
        %add3A_1664 = arith.constant 3 : i32
        %add3A_1665 = arith.addi %add3A_1663, %add3A_1664 : i32
        %swap3A_1666 = arith.constant 0 : i32
        %swap3A_1667 = arith.index_cast %swap3A_1666 : i32 to index
        %swap3A_1668 = arith.index_cast %add3A_1665 : i32 to index
        %swap3A_1669 = arith.constant 48 : index
        %swap3A_1670 = tpu.vector_load %arg11[%swap3A_1667, %swap3A_1668, %swap3A_1669] {strides = array<i32>} : memref<2x80x64xf32, #tpu.memory_space<vmem>>, vector<1x1x16xf32>,
        %swap3A_1671 = vector.shape_cast %swap3A_1670 : vector<1x1x16xf32> to vector<16xf32>
        %swap3A_1672 = vector.shape_cast %mul3A_1659 : vector<16xf32> to vector<1x1x16xf32>
        tpu.vector_store %arg11[%swap3A_1667, %swap3A_1668, %swap3A_1669], %swap3A_1672 {strides = array<i32>} : memref<2x80x64xf32, #tpu.memory_space<vmem>>, vector<1x1x16xf32>,
        %mul3A_1673 = arith.mulf %get3A_1268, %gather3A_1052 : vector<16xf32>
        %mul3A_1674 = arith.constant 16 : i32
        %mul3A_1675 = arith.muli %scan3A_163, %mul3A_1674 : i32
        %add3A_1676 = arith.constant 8 : i32
        %add3A_1677 = arith.addi %mul3A_1675, %add3A_1676 : i32
        %add3A_1678 = arith.constant 4 : i32
        %add3A_1679 = arith.addi %add3A_1677, %add3A_1678 : i32
        %swap3A_1680 = arith.constant 0 : i32
        %swap3A_1681 = arith.index_cast %swap3A_1680 : i32 to index
        %swap3A_1682 = arith.index_cast %add3A_1679 : i32 to index
        %swap3A_1683 = arith.constant 0 : index
        %swap3A_1684 = tpu.vector_load %arg11[%swap3A_1681, %swap3A_1682, %swap3A_1683] {strides = array<i32>} : memref<2x80x64xf32, #tpu.memory_space<vmem>>, vector<1x1x16xf32>,
        %swap3A_1685 = vector.shape_cast %swap3A_1684 : vector<1x1x16xf32> to vector<16xf32>
        %swap3A_1686 = vector.shape_cast %mul3A_1673 : vector<16xf32> to vector<1x1x16xf32>
        tpu.vector_store %arg11[%swap3A_1681, %swap3A_1682, %swap3A_1683], %swap3A_1686 {strides = array<i32>} : memref<2x80x64xf32, #tpu.memory_space<vmem>>, vector<1x1x16xf32>,
        %mul3A_1687 = arith.mulf %get3A_1280, %gather3A_1052 : vector<16xf32>
        %mul3A_1688 = arith.constant 16 : i32
        %mul3A_1689 = arith.muli %scan3A_163, %mul3A_1688 : i32
        %add3A_1690 = arith.constant 8 : i32
        %add3A_1691 = arith.addi %mul3A_1689, %add3A_1690 : i32
        %add3A_1692 = arith.constant 4 : i32
        %add3A_1693 = arith.addi %add3A_1691, %add3A_1692 : i32
        %swap3A_1694 = arith.constant 0 : i32
        %swap3A_1695 = arith.index_cast %swap3A_1694 : i32 to index
        %swap3A_1696 = arith.index_cast %add3A_1693 : i32 to index
        %swap3A_1697 = arith.constant 16 : index
        %swap3A_1698 = tpu.vector_load %arg11[%swap3A_1695, %swap3A_1696, %swap3A_1697] {strides = array<i32>} : memref<2x80x64xf32, #tpu.memory_space<vmem>>, vector<1x1x16xf32>,
        %swap3A_1699 = vector.shape_cast %swap3A_1698 : vector<1x1x16xf32> to vector<16xf32>
        %swap3A_1700 = vector.shape_cast %mul3A_1687 : vector<16xf32> to vector<1x1x16xf32>
        tpu.vector_store %arg11[%swap3A_1695, %swap3A_1696, %swap3A_1697], %swap3A_1700 {strides = array<i32>} : memref<2x80x64xf32, #tpu.memory_space<vmem>>, vector<1x1x16xf32>,
        %mul3A_1701 = arith.mulf %get3A_1292, %gather3A_1052 : vector<16xf32>
        %mul3A_1702 = arith.constant 16 : i32
        %mul3A_1703 = arith.muli %scan3A_163, %mul3A_1702 : i32
        %add3A_1704 = arith.constant 8 : i32
        %add3A_1705 = arith.addi %mul3A_1703, %add3A_1704 : i32
        %add3A_1706 = arith.constant 4 : i32
        %add3A_1707 = arith.addi %add3A_1705, %add3A_1706 : i32
        %swap3A_1708 = arith.constant 0 : i32
        %swap3A_1709 = arith.index_cast %swap3A_1708 : i32 to index
        %swap3A_1710 = arith.index_cast %add3A_1707 : i32 to index
        %swap3A_1711 = arith.constant 32 : index
        %swap3A_1712 = tpu.vector_load %arg11[%swap3A_1709, %swap3A_1710, %swap3A_1711] {strides = array<i32>} : memref<2x80x64xf32, #tpu.memory_space<vmem>>, vector<1x1x16xf32>,
        %swap3A_1713 = vector.shape_cast %swap3A_1712 : vector<1x1x16xf32> to vector<16xf32>
        %swap3A_1714 = vector.shape_cast %mul3A_1701 : vector<16xf32> to vector<1x1x16xf32>
        tpu.vector_store %arg11[%swap3A_1709, %swap3A_1710, %swap3A_1711], %swap3A_1714 {strides = array<i32>} : memref<2x80x64xf32, #tpu.memory_space<vmem>>, vector<1x1x16xf32>,
        %mul3A_1715 = arith.mulf %get3A_1304, %gather3A_1052 : vector<16xf32>
        %mul3A_1716 = arith.constant 16 : i32
        %mul3A_1717 = arith.muli %scan3A_163, %mul3A_1716 : i32
        %add3A_1718 = arith.constant 8 : i32
        %add3A_1719 = arith.addi %mul3A_1717, %add3A_1718 : i32
        %add3A_1720 = arith.constant 4 : i32
        %add3A_1721 = arith.addi %add3A_1719, %add3A_1720 : i32
        %swap3A_1722 = arith.constant 0 : i32
        %swap3A_1723 = arith.index_cast %swap3A_1722 : i32 to index
        %swap3A_1724 = arith.index_cast %add3A_1721 : i32 to index
        %swap3A_1725 = arith.constant 48 : index
        %swap3A_1726 = tpu.vector_load %arg11[%swap3A_1723, %swap3A_1724, %swap3A_1725] {strides = array<i32>} : memref<2x80x64xf32, #tpu.memory_space<vmem>>, vector<1x1x16xf32>,
        %swap3A_1727 = vector.shape_cast %swap3A_1726 : vector<1x1x16xf32> to vector<16xf32>
        %swap3A_1728 = vector.shape_cast %mul3A_1715 : vector<16xf32> to vector<1x1x16xf32>
        tpu.vector_store %arg11[%swap3A_1723, %swap3A_1724, %swap3A_1725], %swap3A_1728 {strides = array<i32>} : memref<2x80x64xf32, #tpu.memory_space<vmem>>, vector<1x1x16xf32>,
        %mul3A_1729 = arith.mulf %get3A_1316, %gather3A_1056 : vector<16xf32>
        %mul3A_1730 = arith.constant 16 : i32
        %mul3A_1731 = arith.muli %scan3A_163, %mul3A_1730 : i32
        %add3A_1732 = arith.constant 8 : i32
        %add3A_1733 = arith.addi %mul3A_1731, %add3A_1732 : i32
        %add3A_1734 = arith.constant 5 : i32
        %add3A_1735 = arith.addi %add3A_1733, %add3A_1734 : i32
        %swap3A_1736 = arith.constant 0 : i32
        %swap3A_1737 = arith.index_cast %swap3A_1736 : i32 to index
        %swap3A_1738 = arith.index_cast %add3A_1735 : i32 to index
        %swap3A_1739 = arith.constant 0 : index
        %swap3A_1740 = tpu.vector_load %arg11[%swap3A_1737, %swap3A_1738, %swap3A_1739] {strides = array<i32>} : memref<2x80x64xf32, #tpu.memory_space<vmem>>, vector<1x1x16xf32>,
        %swap3A_1741 = vector.shape_cast %swap3A_1740 : vector<1x1x16xf32> to vector<16xf32>
        %swap3A_1742 = vector.shape_cast %mul3A_1729 : vector<16xf32> to vector<1x1x16xf32>
        tpu.vector_store %arg11[%swap3A_1737, %swap3A_1738, %swap3A_1739], %swap3A_1742 {strides = array<i32>} : memref<2x80x64xf32, #tpu.memory_space<vmem>>, vector<1x1x16xf32>,
        %mul3A_1743 = arith.mulf %get3A_1328, %gather3A_1056 : vector<16xf32>
        %mul3A_1744 = arith.constant 16 : i32
        %mul3A_1745 = arith.muli %scan3A_163, %mul3A_1744 : i32
        %add3A_1746 = arith.constant 8 : i32
        %add3A_1747 = arith.addi %mul3A_1745, %add3A_1746 : i32
        %add3A_1748 = arith.constant 5 : i32
        %add3A_1749 = arith.addi %add3A_1747, %add3A_1748 : i32
        %swap3A_1750 = arith.constant 0 : i32
        %swap3A_1751 = arith.index_cast %swap3A_1750 : i32 to index
        %swap3A_1752 = arith.index_cast %add3A_1749 : i32 to index
        %swap3A_1753 = arith.constant 16 : index
        %swap3A_1754 = tpu.vector_load %arg11[%swap3A_1751, %swap3A_1752, %swap3A_1753] {strides = array<i32>} : memref<2x80x64xf32, #tpu.memory_space<vmem>>, vector<1x1x16xf32>,
        %swap3A_1755 = vector.shape_cast %swap3A_1754 : vector<1x1x16xf32> to vector<16xf32>
        %swap3A_1756 = vector.shape_cast %mul3A_1743 : vector<16xf32> to vector<1x1x16xf32>
        tpu.vector_store %arg11[%swap3A_1751, %swap3A_1752, %swap3A_1753], %swap3A_1756 {strides = array<i32>} : memref<2x80x64xf32, #tpu.memory_space<vmem>>, vector<1x1x16xf32>,
        %mul3A_1757 = arith.mulf %get3A_1340, %gather3A_1056 : vector<16xf32>
        %mul3A_1758 = arith.constant 16 : i32
        %mul3A_1759 = arith.muli %scan3A_163, %mul3A_1758 : i32
        %add3A_1760 = arith.constant 8 : i32
        %add3A_1761 = arith.addi %mul3A_1759, %add3A_1760 : i32
        %add3A_1762 = arith.constant 5 : i32
        %add3A_1763 = arith.addi %add3A_1761, %add3A_1762 : i32
        %swap3A_1764 = arith.constant 0 : i32
        %swap3A_1765 = arith.index_cast %swap3A_1764 : i32 to index
        %swap3A_1766 = arith.index_cast %add3A_1763 : i32 to index
        %swap3A_1767 = arith.constant 32 : index
        %swap3A_1768 = tpu.vector_load %arg11[%swap3A_1765, %swap3A_1766, %swap3A_1767] {strides = array<i32>} : memref<2x80x64xf32, #tpu.memory_space<vmem>>, vector<1x1x16xf32>,
        %swap3A_1769 = vector.shape_cast %swap3A_1768 : vector<1x1x16xf32> to vector<16xf32>
        %swap3A_1770 = vector.shape_cast %mul3A_1757 : vector<16xf32> to vector<1x1x16xf32>
        tpu.vector_store %arg11[%swap3A_1765, %swap3A_1766, %swap3A_1767], %swap3A_1770 {strides = array<i32>} : memref<2x80x64xf32, #tpu.memory_space<vmem>>, vector<1x1x16xf32>,
        %mul3A_1771 = arith.mulf %get3A_1352, %gather3A_1056 : vector<16xf32>
        %mul3A_1772 = arith.constant 16 : i32
        %mul3A_1773 = arith.muli %scan3A_163, %mul3A_1772 : i32
        %add3A_1774 = arith.constant 8 : i32
        %add3A_1775 = arith.addi %mul3A_1773, %add3A_1774 : i32
        %add3A_1776 = arith.constant 5 : i32
        %add3A_1777 = arith.addi %add3A_1775, %add3A_1776 : i32
        %swap3A_1778 = arith.constant 0 : i32
        %swap3A_1779 = arith.index_cast %swap3A_1778 : i32 to index
        %swap3A_1780 = arith.index_cast %add3A_1777 : i32 to index
        %swap3A_1781 = arith.constant 48 : index
        %swap3A_1782 = tpu.vector_load %arg11[%swap3A_1779, %swap3A_1780, %swap3A_1781] {strides = array<i32>} : memref<2x80x64xf32, #tpu.memory_space<vmem>>, vector<1x1x16xf32>,
        %swap3A_1783 = vector.shape_cast %swap3A_1782 : vector<1x1x16xf32> to vector<16xf32>
        %swap3A_1784 = vector.shape_cast %mul3A_1771 : vector<16xf32> to vector<1x1x16xf32>
        tpu.vector_store %arg11[%swap3A_1779, %swap3A_1780, %swap3A_1781], %swap3A_1784 {strides = array<i32>} : memref<2x80x64xf32, #tpu.memory_space<vmem>>, vector<1x1x16xf32>,
        %mul3A_1785 = arith.mulf %get3A_1364, %gather3A_1060 : vector<16xf32>
        %mul3A_1786 = arith.constant 16 : i32
        %mul3A_1787 = arith.muli %scan3A_163, %mul3A_1786 : i32
        %add3A_1788 = arith.constant 8 : i32
        %add3A_1789 = arith.addi %mul3A_1787, %add3A_1788 : i32
        %add3A_1790 = arith.constant 6 : i32
        %add3A_1791 = arith.addi %add3A_1789, %add3A_1790 : i32
        %swap3A_1792 = arith.constant 0 : i32
        %swap3A_1793 = arith.index_cast %swap3A_1792 : i32 to index
        %swap3A_1794 = arith.index_cast %add3A_1791 : i32 to index
        %swap3A_1795 = arith.constant 0 : index
        %swap3A_1796 = tpu.vector_load %arg11[%swap3A_1793, %swap3A_1794, %swap3A_1795] {strides = array<i32>} : memref<2x80x64xf32, #tpu.memory_space<vmem>>, vector<1x1x16xf32>,
        %swap3A_1797 = vector.shape_cast %swap3A_1796 : vector<1x1x16xf32> to vector<16xf32>
        %swap3A_1798 = vector.shape_cast %mul3A_1785 : vector<16xf32> to vector<1x1x16xf32>
        tpu.vector_store %arg11[%swap3A_1793, %swap3A_1794, %swap3A_1795], %swap3A_1798 {strides = array<i32>} : memref<2x80x64xf32, #tpu.memory_space<vmem>>, vector<1x1x16xf32>,
        %mul3A_1799 = arith.mulf %get3A_1376, %gather3A_1060 : vector<16xf32>
        %mul3A_1800 = arith.constant 16 : i32
        %mul3A_1801 = arith.muli %scan3A_163, %mul3A_1800 : i32
        %add3A_1802 = arith.constant 8 : i32
        %add3A_1803 = arith.addi %mul3A_1801, %add3A_1802 : i32
        %add3A_1804 = arith.constant 6 : i32
        %add3A_1805 = arith.addi %add3A_1803, %add3A_1804 : i32
        %swap3A_1806 = arith.constant 0 : i32
        %swap3A_1807 = arith.index_cast %swap3A_1806 : i32 to index
        %swap3A_1808 = arith.index_cast %add3A_1805 : i32 to index
        %swap3A_1809 = arith.constant 16 : index
        %swap3A_1810 = tpu.vector_load %arg11[%swap3A_1807, %swap3A_1808, %swap3A_1809] {strides = array<i32>} : memref<2x80x64xf32, #tpu.memory_space<vmem>>, vector<1x1x16xf32>,
        %swap3A_1811 = vector.shape_cast %swap3A_1810 : vector<1x1x16xf32> to vector<16xf32>
        %swap3A_1812 = vector.shape_cast %mul3A_1799 : vector<16xf32> to vector<1x1x16xf32>
        tpu.vector_store %arg11[%swap3A_1807, %swap3A_1808, %swap3A_1809], %swap3A_1812 {strides = array<i32>} : memref<2x80x64xf32, #tpu.memory_space<vmem>>, vector<1x1x16xf32>,
        %mul3A_1813 = arith.mulf %get3A_1388, %gather3A_1060 : vector<16xf32>
        %mul3A_1814 = arith.constant 16 : i32
        %mul3A_1815 = arith.muli %scan3A_163, %mul3A_1814 : i32
        %add3A_1816 = arith.constant 8 : i32
        %add3A_1817 = arith.addi %mul3A_1815, %add3A_1816 : i32
        %add3A_1818 = arith.constant 6 : i32
        %add3A_1819 = arith.addi %add3A_1817, %add3A_1818 : i32
        %swap3A_1820 = arith.constant 0 : i32
        %swap3A_1821 = arith.index_cast %swap3A_1820 : i32 to index
        %swap3A_1822 = arith.index_cast %add3A_1819 : i32 to index
        %swap3A_1823 = arith.constant 32 : index
        %swap3A_1824 = tpu.vector_load %arg11[%swap3A_1821, %swap3A_1822, %swap3A_1823] {strides = array<i32>} : memref<2x80x64xf32, #tpu.memory_space<vmem>>, vector<1x1x16xf32>,
        %swap3A_1825 = vector.shape_cast %swap3A_1824 : vector<1x1x16xf32> to vector<16xf32>
        %swap3A_1826 = vector.shape_cast %mul3A_1813 : vector<16xf32> to vector<1x1x16xf32>
        tpu.vector_store %arg11[%swap3A_1821, %swap3A_1822, %swap3A_1823], %swap3A_1826 {strides = array<i32>} : memref<2x80x64xf32, #tpu.memory_space<vmem>>, vector<1x1x16xf32>,
        %mul3A_1827 = arith.mulf %get3A_1400, %gather3A_1060 : vector<16xf32>
        %mul3A_1828 = arith.constant 16 : i32
        %mul3A_1829 = arith.muli %scan3A_163, %mul3A_1828 : i32
        %add3A_1830 = arith.constant 8 : i32
        %add3A_1831 = arith.addi %mul3A_1829, %add3A_1830 : i32
        %add3A_1832 = arith.constant 6 : i32
        %add3A_1833 = arith.addi %add3A_1831, %add3A_1832 : i32
        %swap3A_1834 = arith.constant 0 : i32
        %swap3A_1835 = arith.index_cast %swap3A_1834 : i32 to index
        %swap3A_1836 = arith.index_cast %add3A_1833 : i32 to index
        %swap3A_1837 = arith.constant 48 : index
        %swap3A_1838 = tpu.vector_load %arg11[%swap3A_1835, %swap3A_1836, %swap3A_1837] {strides = array<i32>} : memref<2x80x64xf32, #tpu.memory_space<vmem>>, vector<1x1x16xf32>,
        %swap3A_1839 = vector.shape_cast %swap3A_1838 : vector<1x1x16xf32> to vector<16xf32>
        %swap3A_1840 = vector.shape_cast %mul3A_1827 : vector<16xf32> to vector<1x1x16xf32>
        tpu.vector_store %arg11[%swap3A_1835, %swap3A_1836, %swap3A_1837], %swap3A_1840 {strides = array<i32>} : memref<2x80x64xf32, #tpu.memory_space<vmem>>, vector<1x1x16xf32>,
        %mul3A_1841 = arith.mulf %get3A_1412, %gather3A_1064 : vector<16xf32>
        %mul3A_1842 = arith.constant 16 : i32
        %mul3A_1843 = arith.muli %scan3A_163, %mul3A_1842 : i32
        %add3A_1844 = arith.constant 8 : i32
        %add3A_1845 = arith.addi %mul3A_1843, %add3A_1844 : i32
        %add3A_1846 = arith.constant 7 : i32
        %add3A_1847 = arith.addi %add3A_1845, %add3A_1846 : i32
        %swap3A_1848 = arith.constant 0 : i32
        %swap3A_1849 = arith.index_cast %swap3A_1848 : i32 to index
        %swap3A_1850 = arith.index_cast %add3A_1847 : i32 to index
        %swap3A_1851 = arith.constant 0 : index
        %swap3A_1852 = tpu.vector_load %arg11[%swap3A_1849, %swap3A_1850, %swap3A_1851] {strides = array<i32>} : memref<2x80x64xf32, #tpu.memory_space<vmem>>, vector<1x1x16xf32>,
        %swap3A_1853 = vector.shape_cast %swap3A_1852 : vector<1x1x16xf32> to vector<16xf32>
        %swap3A_1854 = vector.shape_cast %mul3A_1841 : vector<16xf32> to vector<1x1x16xf32>
        tpu.vector_store %arg11[%swap3A_1849, %swap3A_1850, %swap3A_1851], %swap3A_1854 {strides = array<i32>} : memref<2x80x64xf32, #tpu.memory_space<vmem>>, vector<1x1x16xf32>,
        %mul3A_1855 = arith.mulf %get3A_1424, %gather3A_1064 : vector<16xf32>
        %mul3A_1856 = arith.constant 16 : i32
        %mul3A_1857 = arith.muli %scan3A_163, %mul3A_1856 : i32
        %add3A_1858 = arith.constant 8 : i32
        %add3A_1859 = arith.addi %mul3A_1857, %add3A_1858 : i32
        %add3A_1860 = arith.constant 7 : i32
        %add3A_1861 = arith.addi %add3A_1859, %add3A_1860 : i32
        %swap3A_1862 = arith.constant 0 : i32
        %swap3A_1863 = arith.index_cast %swap3A_1862 : i32 to index
        %swap3A_1864 = arith.index_cast %add3A_1861 : i32 to index
        %swap3A_1865 = arith.constant 16 : index
        %swap3A_1866 = tpu.vector_load %arg11[%swap3A_1863, %swap3A_1864, %swap3A_1865] {strides = array<i32>} : memref<2x80x64xf32, #tpu.memory_space<vmem>>, vector<1x1x16xf32>,
        %swap3A_1867 = vector.shape_cast %swap3A_1866 : vector<1x1x16xf32> to vector<16xf32>
        %swap3A_1868 = vector.shape_cast %mul3A_1855 : vector<16xf32> to vector<1x1x16xf32>
        tpu.vector_store %arg11[%swap3A_1863, %swap3A_1864, %swap3A_1865], %swap3A_1868 {strides = array<i32>} : memref<2x80x64xf32, #tpu.memory_space<vmem>>, vector<1x1x16xf32>,
        %mul3A_1869 = arith.mulf %get3A_1436, %gather3A_1064 : vector<16xf32>
        %mul3A_1870 = arith.constant 16 : i32
        %mul3A_1871 = arith.muli %scan3A_163, %mul3A_1870 : i32
        %add3A_1872 = arith.constant 8 : i32
        %add3A_1873 = arith.addi %mul3A_1871, %add3A_1872 : i32
        %add3A_1874 = arith.constant 7 : i32
        %add3A_1875 = arith.addi %add3A_1873, %add3A_1874 : i32
        %swap3A_1876 = arith.constant 0 : i32
        %swap3A_1877 = arith.index_cast %swap3A_1876 : i32 to index
        %swap3A_1878 = arith.index_cast %add3A_1875 : i32 to index
        %swap3A_1879 = arith.constant 32 : index
        %swap3A_1880 = tpu.vector_load %arg11[%swap3A_1877, %swap3A_1878, %swap3A_1879] {strides = array<i32>} : memref<2x80x64xf32, #tpu.memory_space<vmem>>, vector<1x1x16xf32>,
        %swap3A_1881 = vector.shape_cast %swap3A_1880 : vector<1x1x16xf32> to vector<16xf32>
        %swap3A_1882 = vector.shape_cast %mul3A_1869 : vector<16xf32> to vector<1x1x16xf32>
        tpu.vector_store %arg11[%swap3A_1877, %swap3A_1878, %swap3A_1879], %swap3A_1882 {strides = array<i32>} : memref<2x80x64xf32, #tpu.memory_space<vmem>>, vector<1x1x16xf32>,
        %mul3A_1883 = arith.mulf %get3A_1448, %gather3A_1064 : vector<16xf32>
        %mul3A_1884 = arith.constant 16 : i32
        %mul3A_1885 = arith.muli %scan3A_163, %mul3A_1884 : i32
        %add3A_1886 = arith.constant 8 : i32
        %add3A_1887 = arith.addi %mul3A_1885, %add3A_1886 : i32
        %add3A_1888 = arith.constant 7 : i32
        %add3A_1889 = arith.addi %add3A_1887, %add3A_1888 : i32
        %swap3A_1890 = arith.constant 0 : i32
        %swap3A_1891 = arith.index_cast %swap3A_1890 : i32 to index
        %swap3A_1892 = arith.index_cast %add3A_1889 : i32 to index
        %swap3A_1893 = arith.constant 48 : index
        %swap3A_1894 = tpu.vector_load %arg11[%swap3A_1891, %swap3A_1892, %swap3A_1893] {strides = array<i32>} : memref<2x80x64xf32, #tpu.memory_space<vmem>>, vector<1x1x16xf32>,
        %swap3A_1895 = vector.shape_cast %swap3A_1894 : vector<1x1x16xf32> to vector<16xf32>
        %swap3A_1896 = vector.shape_cast %mul3A_1883 : vector<16xf32> to vector<1x1x16xf32>
        tpu.vector_store %arg11[%swap3A_1891, %swap3A_1892, %swap3A_1893], %swap3A_1896 {strides = array<i32>} : memref<2x80x64xf32, #tpu.memory_space<vmem>>, vector<1x1x16xf32>,
      }
      %scan3A_101 = arith.constant 5 : i32
      %dma_start3A_102 = arith.constant 0 : i32
      %dma_start3A_103 = arith.constant 0 : i32
      %dma_start3A_104 = arith.constant 0 : i32
      %dma_start3A_105 = tpu.memref_slice %arg11[%dma_start3A_102, %dma_start3A_103, %dma_start3A_104] : memref<2x80x64xf32, #tpu.memory_space<vmem>> -> memref<1x80x64xf32, #tpu.memory_space<vmem>>
      %dma_start3A_106 = tpu.memref_squeeze %dma_start3A_105 : memref<1x80x64xf32, #tpu.memory_space<vmem>> -> memref<80x64xf32, #tpu.memory_space<vmem>>
      %dma_start3A_107 = arith.constant 0 : i32
      %dma_start3A_108 = tpu.memref_slice %arg8[%add3A_80, %dma_start3A_107] : memref<250x80xi32, #tpu.memory_space<vmem>> -> memref<1x80xi32, #tpu.memory_space<vmem>>
      %dma_start3A_109 = tpu.memref_squeeze %dma_start3A_108 : memref<1x80xi32, #tpu.memory_space<vmem>> -> memref<80xi32, #tpu.memory_space<vmem>>
      %dma_start3A_110 = arith.constant 0 : i32
      %dma_start3A_111 = arith.constant 0 : i32
      %dma_start3A_112 = tpu.memref_slice %arg12[%dma_start3A_110, %dma_start3A_111] : memref<10000x64xf32, #tpu.memory_space<vmem_shared>> -> memref<10000x64xf32, #tpu.memory_space<vmem_shared>>
      tpu.enqueue_indirect_dma source(%dma_start3A_106 : memref<80x64xf32, #tpu.memory_space<vmem>>) target(%dma_start3A_112 : memref<10000x64xf32, #tpu.memory_space<vmem_shared>>) offsets(%dma_start3A_109 : memref<80xi32, #tpu.memory_space<vmem>>) semaphore(%arg15 : memref<!tpu.dma_semaphore, #tpu.memory_space<semaphore_mem>>) {add = true}
      %add3A_113 = arith.constant 2 : i32
      %add3A_114 = arith.addi %add3A_80, %add3A_113 : i32
      %lt3A = arith.constant 250 : i32
      %lt3A_115 = arith.cmpi slt, %add3A_114, %lt3A : i32
      %convert_element_type3A_116 = arith.extui %lt3A_115 : i1 to i32
      %cond3A_117 = arith.constant 0 : i32
      %cond3A_118 = arith.cmpi ne, %convert_element_type3A_116, %cond3A_117 : i32
      scf.if %cond3A_118 {
        %add3A_163 = arith.constant 2 : i32
        %add3A_164 = arith.addi %add3A_80, %add3A_163 : i32
        %dma_start3A_165 = arith.constant 0 : i32
        %dma_start3A_166 = arith.constant 0 : i32
        %dma_start3A_167 = arith.constant 0 : i32
        %dma_start3A_168 = tpu.memref_slice %arg10[%dma_start3A_165, %dma_start3A_166, %dma_start3A_167] : memref<2x80x64xf32, #tpu.memory_space<vmem>> -> memref<1x80x64xf32, #tpu.memory_space<vmem>>
        %dma_start3A_169 = tpu.memref_squeeze %dma_start3A_168 : memref<1x80x64xf32, #tpu.memory_space<vmem>> -> memref<80x64xf32, #tpu.memory_space<vmem>>
        %dma_start3A_170 = arith.constant 0 : i32
        %dma_start3A_171 = tpu.memref_slice %arg7[%add3A_164, %dma_start3A_170] : memref<250x80xi32, #tpu.memory_space<vmem>> -> memref<1x80xi32, #tpu.memory_space<vmem>>
        %dma_start3A_172 = tpu.memref_squeeze %dma_start3A_171 : memref<1x80xi32, #tpu.memory_space<vmem>> -> memref<80xi32, #tpu.memory_space<vmem>>
        %dma_start3A_173 = arith.constant 0 : i32
        %dma_start3A_174 = arith.constant 0 : i32
        %dma_start3A_175 = tpu.memref_slice %arg2[%dma_start3A_173, %dma_start3A_174] : memref<20000x64xf32, #tpu.memory_space<hbm>> -> memref<20000x64xf32, #tpu.memory_space<hbm>>
        tpu.enqueue_indirect_dma source(%dma_start3A_175 : memref<20000x64xf32, #tpu.memory_space<hbm>>) target(%dma_start3A_169 : memref<80x64xf32, #tpu.memory_space<vmem>>) offsets(%dma_start3A_172 : memref<80xi32, #tpu.memory_space<vmem>>) semaphore(%arg13 : memref<!tpu.dma_semaphore, #tpu.memory_space<semaphore_mem>>)
      } else {
      }
      %mul3A_119 = arith.constant 2 : i32
      %mul3A_120 = arith.muli %mul3A_119, %scan3A_77 : i32
      %add3A_121 = arith.constant 1 : i32
      %add3A_122 = arith.addi %mul3A_120, %add3A_121 : i32
      %dma_wait3A_123 = arith.constant 1 : i32
      %dma_wait3A_124 = arith.constant 0 : i32
      %dma_wait3A_125 = arith.constant 0 : i32
      %dma_wait3A_126 = tpu.memref_slice %arg10[%dma_wait3A_123, %dma_wait3A_124, %dma_wait3A_125] : memref<2x80x64xf32, #tpu.memory_space<vmem>> -> memref<1x80x64xf32, #tpu.memory_space<vmem>>
      %dma_wait3A_127 = tpu.memref_squeeze %dma_wait3A_126 : memref<1x80x64xf32, #tpu.memory_space<vmem>> -> memref<80x64xf32, #tpu.memory_space<vmem>>
      %dma_wait3A_128 = arith.constant 0 : i32
      %dma_wait3A_129 = tpu.memref_slice %arg7[%add3A_122, %dma_wait3A_128] : memref<250x80xi32, #tpu.memory_space<vmem>> -> memref<1x80xi32, #tpu.memory_space<vmem>>
      %dma_wait3A_130 = tpu.memref_squeeze %dma_wait3A_129 : memref<1x80xi32, #tpu.memory_space<vmem>> -> memref<80xi32, #tpu.memory_space<vmem>>
      %dma_wait3A_131 = arith.constant 0 : i32
      %dma_wait3A_132 = arith.constant 0 : i32
      %dma_wait3A_133 = tpu.memref_slice %arg2[%dma_wait3A_131, %dma_wait3A_132] : memref<20000x64xf32, #tpu.memory_space<hbm>> -> memref<20000x64xf32, #tpu.memory_space<hbm>>
      tpu.wait_indirect_dma semaphore(%arg14 : memref<!tpu.dma_semaphore, #tpu.memory_space<semaphore_mem>>) src(%dma_wait3A_133 : memref<20000x64xf32, #tpu.memory_space<hbm>>) dst(%dma_wait3A_127 : memref<80x64xf32, #tpu.memory_space<vmem>>)
      %ge3A_134 = arith.constant 1 : i32
      %ge3A_135 = arith.cmpi sge, %scan3A_77, %ge3A_134 : i32
      %convert_element_type3A_136 = arith.extui %ge3A_135 : i1 to i32
      %cond3A_137 = arith.constant 0 : i32
      %cond3A_138 = arith.cmpi ne, %convert_element_type3A_136, %cond3A_137 : i32
      scf.if %cond3A_138 {
        %dma_wait3A_163 = arith.constant 1 : i32
        %dma_wait3A_164 = arith.constant 0 : i32
        %dma_wait3A_165 = arith.constant 0 : i32
        %dma_wait3A_166 = tpu.memref_slice %arg11[%dma_wait3A_163, %dma_wait3A_164, %dma_wait3A_165] : memref<2x80x64xf32, #tpu.memory_space<vmem>> -> memref<1x80x64xf32, #tpu.memory_space<vmem>>
        %dma_wait3A_167 = tpu.memref_squeeze %dma_wait3A_166 : memref<1x80x64xf32, #tpu.memory_space<vmem>> -> memref<80x64xf32, #tpu.memory_space<vmem>>
        %dma_wait3A_168 = arith.constant 0 : i32
        %dma_wait3A_169 = tpu.memref_slice %arg8[%add3A_122, %dma_wait3A_168] : memref<250x80xi32, #tpu.memory_space<vmem>> -> memref<1x80xi32, #tpu.memory_space<vmem>>
        %dma_wait3A_170 = tpu.memref_squeeze %dma_wait3A_169 : memref<1x80xi32, #tpu.memory_space<vmem>> -> memref<80xi32, #tpu.memory_space<vmem>>
        %dma_wait3A_171 = arith.constant 0 : i32
        %dma_wait3A_172 = arith.constant 0 : i32
        %dma_wait3A_173 = tpu.memref_slice %arg12[%dma_wait3A_171, %dma_wait3A_172] : memref<10000x64xf32, #tpu.memory_space<vmem_shared>> -> memref<10000x64xf32, #tpu.memory_space<vmem_shared>>
        tpu.wait_indirect_dma semaphore(%arg16 : memref<!tpu.dma_semaphore, #tpu.memory_space<semaphore_mem>>) src(%dma_wait3A_167 : memref<80x64xf32, #tpu.memory_space<vmem>>) dst(%dma_wait3A_173 : memref<10000x64xf32, #tpu.memory_space<vmem_shared>>)
      } else {
      }
      %scan3A_139 = arith.constant 0 : i32
      %scan3A_140 = arith.constant 0 : i32
      %scan3A_141 = arith.constant 5 : i32
      %scan3A_142 = arith.addi %scan3A_140, %scan3A_141 : i32
      %scan3A_143 = arith.constant 1 : i32
      scf.for %scan3A_163 = %scan3A_140 to %scan3A_142 step %scan3A_143  : i32 {
        %mul3A_164 = arith.constant 80 : i32
        %mul3A_165 = arith.muli %add3A_122, %mul3A_164 : i32
        %mul3A_166 = arith.constant 16 : i32
        %mul3A_167 = arith.muli %scan3A_163, %mul3A_166 : i32
        %add3A_168 = arith.addi %mul3A_165, %mul3A_167 : i32
        %get3A = arith.index_cast %add3A_168 : i32 to index
        %get3A_169 = tpu.vector_load %arg9[%get3A] {strides = array<i32>} : memref<20000xf32, #tpu.memory_space<vmem>>, vector<16xf32>,
        %get3A_170 = vector.shape_cast %get3A_169 : vector<16xf32> to vector<16xf32>
        %broadcast_in_dim3A_171 = arith.constant 0 : i32
        %broadcast_in_dim3A_172 = vector.broadcast %broadcast_in_dim3A_171 : i32 to vector<16x1xi32>
        %gather3A = vector.shape_cast %broadcast_in_dim3A_172 : vector<16x1xi32> to vector<16xi32>
        %gather3A_173 = tpu.dynamic_gather %get3A_170[%gather3A] in [0] : vector<16xf32>, vector<16xi32> -> vector<16xf32>
        %broadcast_in_dim3A_174 = arith.constant 1 : i32
        %broadcast_in_dim3A_175 = vector.broadcast %broadcast_in_dim3A_174 : i32 to vector<16x1xi32>
        %gather3A_176 = vector.shape_cast %broadcast_in_dim3A_175 : vector<16x1xi32> to vector<16xi32>
        %gather3A_177 = tpu.dynamic_gather %get3A_170[%gather3A_176] in [0] : vector<16xf32>, vector<16xi32> -> vector<16xf32>
        %broadcast_in_dim3A_178 = arith.constant 2 : i32
        %broadcast_in_dim3A_179 = vector.broadcast %broadcast_in_dim3A_178 : i32 to vector<16x1xi32>
        %gather3A_180 = vector.shape_cast %broadcast_in_dim3A_179 : vector<16x1xi32> to vector<16xi32>
        %gather3A_181 = tpu.dynamic_gather %get3A_170[%gather3A_180] in [0] : vector<16xf32>, vector<16xi32> -> vector<16xf32>
        %broadcast_in_dim3A_182 = arith.constant 3 : i32
        %broadcast_in_dim3A_183 = vector.broadcast %broadcast_in_dim3A_182 : i32 to vector<16x1xi32>
        %gather3A_184 = vector.shape_cast %broadcast_in_dim3A_183 : vector<16x1xi32> to vector<16xi32>
        %gather3A_185 = tpu.dynamic_gather %get3A_170[%gather3A_184] in [0] : vector<16xf32>, vector<16xi32> -> vector<16xf32>
        %broadcast_in_dim3A_186 = arith.constant 4 : i32
        %broadcast_in_dim3A_187 = vector.broadcast %broadcast_in_dim3A_186 : i32 to vector<16x1xi32>
        %gather3A_188 = vector.shape_cast %broadcast_in_dim3A_187 : vector<16x1xi32> to vector<16xi32>
        %gather3A_189 = tpu.dynamic_gather %get3A_170[%gather3A_188] in [0] : vector<16xf32>, vector<16xi32> -> vector<16xf32>
        %broadcast_in_dim3A_190 = arith.constant 5 : i32
        %broadcast_in_dim3A_191 = vector.broadcast %broadcast_in_dim3A_190 : i32 to vector<16x1xi32>
        %gather3A_192 = vector.shape_cast %broadcast_in_dim3A_191 : vector<16x1xi32> to vector<16xi32>
        %gather3A_193 = tpu.dynamic_gather %get3A_170[%gather3A_192] in [0] : vector<16xf32>, vector<16xi32> -> vector<16xf32>
        %broadcast_in_dim3A_194 = arith.constant 6 : i32
        %broadcast_in_dim3A_195 = vector.broadcast %broadcast_in_dim3A_194 : i32 to vector<16x1xi32>
        %gather3A_196 = vector.shape_cast %broadcast_in_dim3A_195 : vector<16x1xi32> to vector<16xi32>
        %gather3A_197 = tpu.dynamic_gather %get3A_170[%gather3A_196] in [0] : vector<16xf32>, vector<16xi32> -> vector<16xf32>
        %broadcast_in_dim3A_198 = arith.constant 7 : i32
        %broadcast_in_dim3A_199 = vector.broadcast %broadcast_in_dim3A_198 : i32 to vector<16x1xi32>
        %gather3A_200 = vector.shape_cast %broadcast_in_dim3A_199 : vector<16x1xi32> to vector<16xi32>
        %gather3A_201 = tpu.dynamic_gather %get3A_170[%gather3A_200] in [0] : vector<16xf32>, vector<16xi32> -> vector<16xf32>
        %mul3A_202 = arith.constant 16 : i32
        %mul3A_203 = arith.muli %scan3A_163, %mul3A_202 : i32
        %add3A_204 = arith.constant 0 : i32
        %add3A_205 = arith.addi %mul3A_203, %add3A_204 : i32
        %add3A_206 = arith.constant 0 : i32
        %add3A_207 = arith.addi %add3A_205, %add3A_206 : i32
        %get3A_208 = arith.constant 1 : i32
        %get3A_209 = arith.index_cast %get3A_208 : i32 to index
        %get3A_210 = arith.index_cast %add3A_207 : i32 to index
        %get3A_211 = arith.constant 0 : index
        %get3A_212 = tpu.vector_load %arg10[%get3A_209, %get3A_210, %get3A_211] {strides = array<i32>} : memref<2x80x64xf32, #tpu.memory_space<vmem>>, vector<1x1x16xf32>,
        %get3A_213 = vector.shape_cast %get3A_212 : vector<1x1x16xf32> to vector<16xf32>
        %mul3A_214 = arith.constant 16 : i32
        %mul3A_215 = arith.muli %scan3A_163, %mul3A_214 : i32
        %add3A_216 = arith.constant 0 : i32
        %add3A_217 = arith.addi %mul3A_215, %add3A_216 : i32
        %add3A_218 = arith.constant 0 : i32
        %add3A_219 = arith.addi %add3A_217, %add3A_218 : i32
        %get3A_220 = arith.constant 1 : i32
        %get3A_221 = arith.index_cast %get3A_220 : i32 to index
        %get3A_222 = arith.index_cast %add3A_219 : i32 to index
        %get3A_223 = arith.constant 16 : index
        %get3A_224 = tpu.vector_load %arg10[%get3A_221, %get3A_222, %get3A_223] {strides = array<i32>} : memref<2x80x64xf32, #tpu.memory_space<vmem>>, vector<1x1x16xf32>,
        %get3A_225 = vector.shape_cast %get3A_224 : vector<1x1x16xf32> to vector<16xf32>
        %mul3A_226 = arith.constant 16 : i32
        %mul3A_227 = arith.muli %scan3A_163, %mul3A_226 : i32
        %add3A_228 = arith.constant 0 : i32
        %add3A_229 = arith.addi %mul3A_227, %add3A_228 : i32
        %add3A_230 = arith.constant 0 : i32
        %add3A_231 = arith.addi %add3A_229, %add3A_230 : i32
        %get3A_232 = arith.constant 1 : i32
        %get3A_233 = arith.index_cast %get3A_232 : i32 to index
        %get3A_234 = arith.index_cast %add3A_231 : i32 to index
        %get3A_235 = arith.constant 32 : index
        %get3A_236 = tpu.vector_load %arg10[%get3A_233, %get3A_234, %get3A_235] {strides = array<i32>} : memref<2x80x64xf32, #tpu.memory_space<vmem>>, vector<1x1x16xf32>,
        %get3A_237 = vector.shape_cast %get3A_236 : vector<1x1x16xf32> to vector<16xf32>
        %mul3A_238 = arith.constant 16 : i32
        %mul3A_239 = arith.muli %scan3A_163, %mul3A_238 : i32
        %add3A_240 = arith.constant 0 : i32
        %add3A_241 = arith.addi %mul3A_239, %add3A_240 : i32
        %add3A_242 = arith.constant 0 : i32
        %add3A_243 = arith.addi %add3A_241, %add3A_242 : i32
        %get3A_244 = arith.constant 1 : i32
        %get3A_245 = arith.index_cast %get3A_244 : i32 to index
        %get3A_246 = arith.index_cast %add3A_243 : i32 to index
        %get3A_247 = arith.constant 48 : index
        %get3A_248 = tpu.vector_load %arg10[%get3A_245, %get3A_246, %get3A_247] {strides = array<i32>} : memref<2x80x64xf32, #tpu.memory_space<vmem>>, vector<1x1x16xf32>,
        %get3A_249 = vector.shape_cast %get3A_248 : vector<1x1x16xf32> to vector<16xf32>
        %mul3A_250 = arith.constant 16 : i32
        %mul3A_251 = arith.muli %scan3A_163, %mul3A_250 : i32
        %add3A_252 = arith.constant 0 : i32
        %add3A_253 = arith.addi %mul3A_251, %add3A_252 : i32
        %add3A_254 = arith.constant 1 : i32
        %add3A_255 = arith.addi %add3A_253, %add3A_254 : i32
        %get3A_256 = arith.constant 1 : i32
        %get3A_257 = arith.index_cast %get3A_256 : i32 to index
        %get3A_258 = arith.index_cast %add3A_255 : i32 to index
        %get3A_259 = arith.constant 0 : index
        %get3A_260 = tpu.vector_load %arg10[%get3A_257, %get3A_258, %get3A_259] {strides = array<i32>} : memref<2x80x64xf32, #tpu.memory_space<vmem>>, vector<1x1x16xf32>,
        %get3A_261 = vector.shape_cast %get3A_260 : vector<1x1x16xf32> to vector<16xf32>
        %mul3A_262 = arith.constant 16 : i32
        %mul3A_263 = arith.muli %scan3A_163, %mul3A_262 : i32
        %add3A_264 = arith.constant 0 : i32
        %add3A_265 = arith.addi %mul3A_263, %add3A_264 : i32
        %add3A_266 = arith.constant 1 : i32
        %add3A_267 = arith.addi %add3A_265, %add3A_266 : i32
        %get3A_268 = arith.constant 1 : i32
        %get3A_269 = arith.index_cast %get3A_268 : i32 to index
        %get3A_270 = arith.index_cast %add3A_267 : i32 to index
        %get3A_271 = arith.constant 16 : index
        %get3A_272 = tpu.vector_load %arg10[%get3A_269, %get3A_270, %get3A_271] {strides = array<i32>} : memref<2x80x64xf32, #tpu.memory_space<vmem>>, vector<1x1x16xf32>,
        %get3A_273 = vector.shape_cast %get3A_272 : vector<1x1x16xf32> to vector<16xf32>
        %mul3A_274 = arith.constant 16 : i32
        %mul3A_275 = arith.muli %scan3A_163, %mul3A_274 : i32
        %add3A_276 = arith.constant 0 : i32
        %add3A_277 = arith.addi %mul3A_275, %add3A_276 : i32
        %add3A_278 = arith.constant 1 : i32
        %add3A_279 = arith.addi %add3A_277, %add3A_278 : i32
        %get3A_280 = arith.constant 1 : i32
        %get3A_281 = arith.index_cast %get3A_280 : i32 to index
        %get3A_282 = arith.index_cast %add3A_279 : i32 to index
        %get3A_283 = arith.constant 32 : index
        %get3A_284 = tpu.vector_load %arg10[%get3A_281, %get3A_282, %get3A_283] {strides = array<i32>} : memref<2x80x64xf32, #tpu.memory_space<vmem>>, vector<1x1x16xf32>,
        %get3A_285 = vector.shape_cast %get3A_284 : vector<1x1x16xf32> to vector<16xf32>
        %mul3A_286 = arith.constant 16 : i32
        %mul3A_287 = arith.muli %scan3A_163, %mul3A_286 : i32
        %add3A_288 = arith.constant 0 : i32
        %add3A_289 = arith.addi %mul3A_287, %add3A_288 : i32
        %add3A_290 = arith.constant 1 : i32
        %add3A_291 = arith.addi %add3A_289, %add3A_290 : i32
        %get3A_292 = arith.constant 1 : i32
        %get3A_293 = arith.index_cast %get3A_292 : i32 to index
        %get3A_294 = arith.index_cast %add3A_291 : i32 to index
        %get3A_295 = arith.constant 48 : index
        %get3A_296 = tpu.vector_load %arg10[%get3A_293, %get3A_294, %get3A_295] {strides = array<i32>} : memref<2x80x64xf32, #tpu.memory_space<vmem>>, vector<1x1x16xf32>,
        %get3A_297 = vector.shape_cast %get3A_296 : vector<1x1x16xf32> to vector<16xf32>
        %mul3A_298 = arith.constant 16 : i32
        %mul3A_299 = arith.muli %scan3A_163, %mul3A_298 : i32
        %add3A_300 = arith.constant 0 : i32
        %add3A_301 = arith.addi %mul3A_299, %add3A_300 : i32
        %add3A_302 = arith.constant 2 : i32
        %add3A_303 = arith.addi %add3A_301, %add3A_302 : i32
        %get3A_304 = arith.constant 1 : i32
        %get3A_305 = arith.index_cast %get3A_304 : i32 to index
        %get3A_306 = arith.index_cast %add3A_303 : i32 to index
        %get3A_307 = arith.constant 0 : index
        %get3A_308 = tpu.vector_load %arg10[%get3A_305, %get3A_306, %get3A_307] {strides = array<i32>} : memref<2x80x64xf32, #tpu.memory_space<vmem>>, vector<1x1x16xf32>,
        %get3A_309 = vector.shape_cast %get3A_308 : vector<1x1x16xf32> to vector<16xf32>
        %mul3A_310 = arith.constant 16 : i32
        %mul3A_311 = arith.muli %scan3A_163, %mul3A_310 : i32
        %add3A_312 = arith.constant 0 : i32
        %add3A_313 = arith.addi %mul3A_311, %add3A_312 : i32
        %add3A_314 = arith.constant 2 : i32
        %add3A_315 = arith.addi %add3A_313, %add3A_314 : i32
        %get3A_316 = arith.constant 1 : i32
        %get3A_317 = arith.index_cast %get3A_316 : i32 to index
        %get3A_318 = arith.index_cast %add3A_315 : i32 to index
        %get3A_319 = arith.constant 16 : index
        %get3A_320 = tpu.vector_load %arg10[%get3A_317, %get3A_318, %get3A_319] {strides = array<i32>} : memref<2x80x64xf32, #tpu.memory_space<vmem>>, vector<1x1x16xf32>,
        %get3A_321 = vector.shape_cast %get3A_320 : vector<1x1x16xf32> to vector<16xf32>
        %mul3A_322 = arith.constant 16 : i32
        %mul3A_323 = arith.muli %scan3A_163, %mul3A_322 : i32
        %add3A_324 = arith.constant 0 : i32
        %add3A_325 = arith.addi %mul3A_323, %add3A_324 : i32
        %add3A_326 = arith.constant 2 : i32
        %add3A_327 = arith.addi %add3A_325, %add3A_326 : i32
        %get3A_328 = arith.constant 1 : i32
        %get3A_329 = arith.index_cast %get3A_328 : i32 to index
        %get3A_330 = arith.index_cast %add3A_327 : i32 to index
        %get3A_331 = arith.constant 32 : index
        %get3A_332 = tpu.vector_load %arg10[%get3A_329, %get3A_330, %get3A_331] {strides = array<i32>} : memref<2x80x64xf32, #tpu.memory_space<vmem>>, vector<1x1x16xf32>,
        %get3A_333 = vector.shape_cast %get3A_332 : vector<1x1x16xf32> to vector<16xf32>
        %mul3A_334 = arith.constant 16 : i32
        %mul3A_335 = arith.muli %scan3A_163, %mul3A_334 : i32
        %add3A_336 = arith.constant 0 : i32
        %add3A_337 = arith.addi %mul3A_335, %add3A_336 : i32
        %add3A_338 = arith.constant 2 : i32
        %add3A_339 = arith.addi %add3A_337, %add3A_338 : i32
        %get3A_340 = arith.constant 1 : i32
        %get3A_341 = arith.index_cast %get3A_340 : i32 to index
        %get3A_342 = arith.index_cast %add3A_339 : i32 to index
        %get3A_343 = arith.constant 48 : index
        %get3A_344 = tpu.vector_load %arg10[%get3A_341, %get3A_342, %get3A_343] {strides = array<i32>} : memref<2x80x64xf32, #tpu.memory_space<vmem>>, vector<1x1x16xf32>,
        %get3A_345 = vector.shape_cast %get3A_344 : vector<1x1x16xf32> to vector<16xf32>
        %mul3A_346 = arith.constant 16 : i32
        %mul3A_347 = arith.muli %scan3A_163, %mul3A_346 : i32
        %add3A_348 = arith.constant 0 : i32
        %add3A_349 = arith.addi %mul3A_347, %add3A_348 : i32
        %add3A_350 = arith.constant 3 : i32
        %add3A_351 = arith.addi %add3A_349, %add3A_350 : i32
        %get3A_352 = arith.constant 1 : i32
        %get3A_353 = arith.index_cast %get3A_352 : i32 to index
        %get3A_354 = arith.index_cast %add3A_351 : i32 to index
        %get3A_355 = arith.constant 0 : index
        %get3A_356 = tpu.vector_load %arg10[%get3A_353, %get3A_354, %get3A_355] {strides = array<i32>} : memref<2x80x64xf32, #tpu.memory_space<vmem>>, vector<1x1x16xf32>,
        %get3A_357 = vector.shape_cast %get3A_356 : vector<1x1x16xf32> to vector<16xf32>
        %mul3A_358 = arith.constant 16 : i32
        %mul3A_359 = arith.muli %scan3A_163, %mul3A_358 : i32
        %add3A_360 = arith.constant 0 : i32
        %add3A_361 = arith.addi %mul3A_359, %add3A_360 : i32
        %add3A_362 = arith.constant 3 : i32
        %add3A_363 = arith.addi %add3A_361, %add3A_362 : i32
        %get3A_364 = arith.constant 1 : i32
        %get3A_365 = arith.index_cast %get3A_364 : i32 to index
        %get3A_366 = arith.index_cast %add3A_363 : i32 to index
        %get3A_367 = arith.constant 16 : index
        %get3A_368 = tpu.vector_load %arg10[%get3A_365, %get3A_366, %get3A_367] {strides = array<i32>} : memref<2x80x64xf32, #tpu.memory_space<vmem>>, vector<1x1x16xf32>,
        %get3A_369 = vector.shape_cast %get3A_368 : vector<1x1x16xf32> to vector<16xf32>
        %mul3A_370 = arith.constant 16 : i32
        %mul3A_371 = arith.muli %scan3A_163, %mul3A_370 : i32
        %add3A_372 = arith.constant 0 : i32
        %add3A_373 = arith.addi %mul3A_371, %add3A_372 : i32
        %add3A_374 = arith.constant 3 : i32
        %add3A_375 = arith.addi %add3A_373, %add3A_374 : i32
        %get3A_376 = arith.constant 1 : i32
        %get3A_377 = arith.index_cast %get3A_376 : i32 to index
        %get3A_378 = arith.index_cast %add3A_375 : i32 to index
        %get3A_379 = arith.constant 32 : index
        %get3A_380 = tpu.vector_load %arg10[%get3A_377, %get3A_378, %get3A_379] {strides = array<i32>} : memref<2x80x64xf32, #tpu.memory_space<vmem>>, vector<1x1x16xf32>,
        %get3A_381 = vector.shape_cast %get3A_380 : vector<1x1x16xf32> to vector<16xf32>
        %mul3A_382 = arith.constant 16 : i32
        %mul3A_383 = arith.muli %scan3A_163, %mul3A_382 : i32
        %add3A_384 = arith.constant 0 : i32
        %add3A_385 = arith.addi %mul3A_383, %add3A_384 : i32
        %add3A_386 = arith.constant 3 : i32
        %add3A_387 = arith.addi %add3A_385, %add3A_386 : i32
        %get3A_388 = arith.constant 1 : i32
        %get3A_389 = arith.index_cast %get3A_388 : i32 to index
        %get3A_390 = arith.index_cast %add3A_387 : i32 to index
        %get3A_391 = arith.constant 48 : index
        %get3A_392 = tpu.vector_load %arg10[%get3A_389, %get3A_390, %get3A_391] {strides = array<i32>} : memref<2x80x64xf32, #tpu.memory_space<vmem>>, vector<1x1x16xf32>,
        %get3A_393 = vector.shape_cast %get3A_392 : vector<1x1x16xf32> to vector<16xf32>
        %mul3A_394 = arith.constant 16 : i32
        %mul3A_395 = arith.muli %scan3A_163, %mul3A_394 : i32
        %add3A_396 = arith.constant 0 : i32
        %add3A_397 = arith.addi %mul3A_395, %add3A_396 : i32
        %add3A_398 = arith.constant 4 : i32
        %add3A_399 = arith.addi %add3A_397, %add3A_398 : i32
        %get3A_400 = arith.constant 1 : i32
        %get3A_401 = arith.index_cast %get3A_400 : i32 to index
        %get3A_402 = arith.index_cast %add3A_399 : i32 to index
        %get3A_403 = arith.constant 0 : index
        %get3A_404 = tpu.vector_load %arg10[%get3A_401, %get3A_402, %get3A_403] {strides = array<i32>} : memref<2x80x64xf32, #tpu.memory_space<vmem>>, vector<1x1x16xf32>,
        %get3A_405 = vector.shape_cast %get3A_404 : vector<1x1x16xf32> to vector<16xf32>
        %mul3A_406 = arith.constant 16 : i32
        %mul3A_407 = arith.muli %scan3A_163, %mul3A_406 : i32
        %add3A_408 = arith.constant 0 : i32
        %add3A_409 = arith.addi %mul3A_407, %add3A_408 : i32
        %add3A_410 = arith.constant 4 : i32
        %add3A_411 = arith.addi %add3A_409, %add3A_410 : i32
        %get3A_412 = arith.constant 1 : i32
        %get3A_413 = arith.index_cast %get3A_412 : i32 to index
        %get3A_414 = arith.index_cast %add3A_411 : i32 to index
        %get3A_415 = arith.constant 16 : index
        %get3A_416 = tpu.vector_load %arg10[%get3A_413, %get3A_414, %get3A_415] {strides = array<i32>} : memref<2x80x64xf32, #tpu.memory_space<vmem>>, vector<1x1x16xf32>,
        %get3A_417 = vector.shape_cast %get3A_416 : vector<1x1x16xf32> to vector<16xf32>
        %mul3A_418 = arith.constant 16 : i32
        %mul3A_419 = arith.muli %scan3A_163, %mul3A_418 : i32
        %add3A_420 = arith.constant 0 : i32
        %add3A_421 = arith.addi %mul3A_419, %add3A_420 : i32
        %add3A_422 = arith.constant 4 : i32
        %add3A_423 = arith.addi %add3A_421, %add3A_422 : i32
        %get3A_424 = arith.constant 1 : i32
        %get3A_425 = arith.index_cast %get3A_424 : i32 to index
        %get3A_426 = arith.index_cast %add3A_423 : i32 to index
        %get3A_427 = arith.constant 32 : index
        %get3A_428 = tpu.vector_load %arg10[%get3A_425, %get3A_426, %get3A_427] {strides = array<i32>} : memref<2x80x64xf32, #tpu.memory_space<vmem>>, vector<1x1x16xf32>,
        %get3A_429 = vector.shape_cast %get3A_428 : vector<1x1x16xf32> to vector<16xf32>
        %mul3A_430 = arith.constant 16 : i32
        %mul3A_431 = arith.muli %scan3A_163, %mul3A_430 : i32
        %add3A_432 = arith.constant 0 : i32
        %add3A_433 = arith.addi %mul3A_431, %add3A_432 : i32
        %add3A_434 = arith.constant 4 : i32
        %add3A_435 = arith.addi %add3A_433, %add3A_434 : i32
        %get3A_436 = arith.constant 1 : i32
        %get3A_437 = arith.index_cast %get3A_436 : i32 to index
        %get3A_438 = arith.index_cast %add3A_435 : i32 to index
        %get3A_439 = arith.constant 48 : index
        %get3A_440 = tpu.vector_load %arg10[%get3A_437, %get3A_438, %get3A_439] {strides = array<i32>} : memref<2x80x64xf32, #tpu.memory_space<vmem>>, vector<1x1x16xf32>,
        %get3A_441 = vector.shape_cast %get3A_440 : vector<1x1x16xf32> to vector<16xf32>
        %mul3A_442 = arith.constant 16 : i32
        %mul3A_443 = arith.muli %scan3A_163, %mul3A_442 : i32
        %add3A_444 = arith.constant 0 : i32
        %add3A_445 = arith.addi %mul3A_443, %add3A_444 : i32
        %add3A_446 = arith.constant 5 : i32
        %add3A_447 = arith.addi %add3A_445, %add3A_446 : i32
        %get3A_448 = arith.constant 1 : i32
        %get3A_449 = arith.index_cast %get3A_448 : i32 to index
        %get3A_450 = arith.index_cast %add3A_447 : i32 to index
        %get3A_451 = arith.constant 0 : index
        %get3A_452 = tpu.vector_load %arg10[%get3A_449, %get3A_450, %get3A_451] {strides = array<i32>} : memref<2x80x64xf32, #tpu.memory_space<vmem>>, vector<1x1x16xf32>,
        %get3A_453 = vector.shape_cast %get3A_452 : vector<1x1x16xf32> to vector<16xf32>
        %mul3A_454 = arith.constant 16 : i32
        %mul3A_455 = arith.muli %scan3A_163, %mul3A_454 : i32
        %add3A_456 = arith.constant 0 : i32
        %add3A_457 = arith.addi %mul3A_455, %add3A_456 : i32
        %add3A_458 = arith.constant 5 : i32
        %add3A_459 = arith.addi %add3A_457, %add3A_458 : i32
        %get3A_460 = arith.constant 1 : i32
        %get3A_461 = arith.index_cast %get3A_460 : i32 to index
        %get3A_462 = arith.index_cast %add3A_459 : i32 to index
        %get3A_463 = arith.constant 16 : index
        %get3A_464 = tpu.vector_load %arg10[%get3A_461, %get3A_462, %get3A_463] {strides = array<i32>} : memref<2x80x64xf32, #tpu.memory_space<vmem>>, vector<1x1x16xf32>,
        %get3A_465 = vector.shape_cast %get3A_464 : vector<1x1x16xf32> to vector<16xf32>
        %mul3A_466 = arith.constant 16 : i32
        %mul3A_467 = arith.muli %scan3A_163, %mul3A_466 : i32
        %add3A_468 = arith.constant 0 : i32
        %add3A_469 = arith.addi %mul3A_467, %add3A_468 : i32
        %add3A_470 = arith.constant 5 : i32
        %add3A_471 = arith.addi %add3A_469, %add3A_470 : i32
        %get3A_472 = arith.constant 1 : i32
        %get3A_473 = arith.index_cast %get3A_472 : i32 to index
        %get3A_474 = arith.index_cast %add3A_471 : i32 to index
        %get3A_475 = arith.constant 32 : index
        %get3A_476 = tpu.vector_load %arg10[%get3A_473, %get3A_474, %get3A_475] {strides = array<i32>} : memref<2x80x64xf32, #tpu.memory_space<vmem>>, vector<1x1x16xf32>,
        %get3A_477 = vector.shape_cast %get3A_476 : vector<1x1x16xf32> to vector<16xf32>
        %mul3A_478 = arith.constant 16 : i32
        %mul3A_479 = arith.muli %scan3A_163, %mul3A_478 : i32
        %add3A_480 = arith.constant 0 : i32
        %add3A_481 = arith.addi %mul3A_479, %add3A_480 : i32
        %add3A_482 = arith.constant 5 : i32
        %add3A_483 = arith.addi %add3A_481, %add3A_482 : i32
        %get3A_484 = arith.constant 1 : i32
        %get3A_485 = arith.index_cast %get3A_484 : i32 to index
        %get3A_486 = arith.index_cast %add3A_483 : i32 to index
        %get3A_487 = arith.constant 48 : index
        %get3A_488 = tpu.vector_load %arg10[%get3A_485, %get3A_486, %get3A_487] {strides = array<i32>} : memref<2x80x64xf32, #tpu.memory_space<vmem>>, vector<1x1x16xf32>,
        %get3A_489 = vector.shape_cast %get3A_488 : vector<1x1x16xf32> to vector<16xf32>
        %mul3A_490 = arith.constant 16 : i32
        %mul3A_491 = arith.muli %scan3A_163, %mul3A_490 : i32
        %add3A_492 = arith.constant 0 : i32
        %add3A_493 = arith.addi %mul3A_491, %add3A_492 : i32
        %add3A_494 = arith.constant 6 : i32
        %add3A_495 = arith.addi %add3A_493, %add3A_494 : i32
        %get3A_496 = arith.constant 1 : i32
        %get3A_497 = arith.index_cast %get3A_496 : i32 to index
        %get3A_498 = arith.index_cast %add3A_495 : i32 to index
        %get3A_499 = arith.constant 0 : index
        %get3A_500 = tpu.vector_load %arg10[%get3A_497, %get3A_498, %get3A_499] {strides = array<i32>} : memref<2x80x64xf32, #tpu.memory_space<vmem>>, vector<1x1x16xf32>,
        %get3A_501 = vector.shape_cast %get3A_500 : vector<1x1x16xf32> to vector<16xf32>
        %mul3A_502 = arith.constant 16 : i32
        %mul3A_503 = arith.muli %scan3A_163, %mul3A_502 : i32
        %add3A_504 = arith.constant 0 : i32
        %add3A_505 = arith.addi %mul3A_503, %add3A_504 : i32
        %add3A_506 = arith.constant 6 : i32
        %add3A_507 = arith.addi %add3A_505, %add3A_506 : i32
        %get3A_508 = arith.constant 1 : i32
        %get3A_509 = arith.index_cast %get3A_508 : i32 to index
        %get3A_510 = arith.index_cast %add3A_507 : i32 to index
        %get3A_511 = arith.constant 16 : index
        %get3A_512 = tpu.vector_load %arg10[%get3A_509, %get3A_510, %get3A_511] {strides = array<i32>} : memref<2x80x64xf32, #tpu.memory_space<vmem>>, vector<1x1x16xf32>,
        %get3A_513 = vector.shape_cast %get3A_512 : vector<1x1x16xf32> to vector<16xf32>
        %mul3A_514 = arith.constant 16 : i32
        %mul3A_515 = arith.muli %scan3A_163, %mul3A_514 : i32
        %add3A_516 = arith.constant 0 : i32
        %add3A_517 = arith.addi %mul3A_515, %add3A_516 : i32
        %add3A_518 = arith.constant 6 : i32
        %add3A_519 = arith.addi %add3A_517, %add3A_518 : i32
        %get3A_520 = arith.constant 1 : i32
        %get3A_521 = arith.index_cast %get3A_520 : i32 to index
        %get3A_522 = arith.index_cast %add3A_519 : i32 to index
        %get3A_523 = arith.constant 32 : index
        %get3A_524 = tpu.vector_load %arg10[%get3A_521, %get3A_522, %get3A_523] {strides = array<i32>} : memref<2x80x64xf32, #tpu.memory_space<vmem>>, vector<1x1x16xf32>,
        %get3A_525 = vector.shape_cast %get3A_524 : vector<1x1x16xf32> to vector<16xf32>
        %mul3A_526 = arith.constant 16 : i32
        %mul3A_527 = arith.muli %scan3A_163, %mul3A_526 : i32
        %add3A_528 = arith.constant 0 : i32
        %add3A_529 = arith.addi %mul3A_527, %add3A_528 : i32
        %add3A_530 = arith.constant 6 : i32
        %add3A_531 = arith.addi %add3A_529, %add3A_530 : i32
        %get3A_532 = arith.constant 1 : i32
        %get3A_533 = arith.index_cast %get3A_532 : i32 to index
        %get3A_534 = arith.index_cast %add3A_531 : i32 to index
        %get3A_535 = arith.constant 48 : index
        %get3A_536 = tpu.vector_load %arg10[%get3A_533, %get3A_534, %get3A_535] {strides = array<i32>} : memref<2x80x64xf32, #tpu.memory_space<vmem>>, vector<1x1x16xf32>,
        %get3A_537 = vector.shape_cast %get3A_536 : vector<1x1x16xf32> to vector<16xf32>
        %mul3A_538 = arith.constant 16 : i32
        %mul3A_539 = arith.muli %scan3A_163, %mul3A_538 : i32
        %add3A_540 = arith.constant 0 : i32
        %add3A_541 = arith.addi %mul3A_539, %add3A_540 : i32
        %add3A_542 = arith.constant 7 : i32
        %add3A_543 = arith.addi %add3A_541, %add3A_542 : i32
        %get3A_544 = arith.constant 1 : i32
        %get3A_545 = arith.index_cast %get3A_544 : i32 to index
        %get3A_546 = arith.index_cast %add3A_543 : i32 to index
        %get3A_547 = arith.constant 0 : index
        %get3A_548 = tpu.vector_load %arg10[%get3A_545, %get3A_546, %get3A_547] {strides = array<i32>} : memref<2x80x64xf32, #tpu.memory_space<vmem>>, vector<1x1x16xf32>,
        %get3A_549 = vector.shape_cast %get3A_548 : vector<1x1x16xf32> to vector<16xf32>
        %mul3A_550 = arith.constant 16 : i32
        %mul3A_551 = arith.muli %scan3A_163, %mul3A_550 : i32
        %add3A_552 = arith.constant 0 : i32
        %add3A_553 = arith.addi %mul3A_551, %add3A_552 : i32
        %add3A_554 = arith.constant 7 : i32
        %add3A_555 = arith.addi %add3A_553, %add3A_554 : i32
        %get3A_556 = arith.constant 1 : i32
        %get3A_557 = arith.index_cast %get3A_556 : i32 to index
        %get3A_558 = arith.index_cast %add3A_555 : i32 to index
        %get3A_559 = arith.constant 16 : index
        %get3A_560 = tpu.vector_load %arg10[%get3A_557, %get3A_558, %get3A_559] {strides = array<i32>} : memref<2x80x64xf32, #tpu.memory_space<vmem>>, vector<1x1x16xf32>,
        %get3A_561 = vector.shape_cast %get3A_560 : vector<1x1x16xf32> to vector<16xf32>
        %mul3A_562 = arith.constant 16 : i32
        %mul3A_563 = arith.muli %scan3A_163, %mul3A_562 : i32
        %add3A_564 = arith.constant 0 : i32
        %add3A_565 = arith.addi %mul3A_563, %add3A_564 : i32
        %add3A_566 = arith.constant 7 : i32
        %add3A_567 = arith.addi %add3A_565, %add3A_566 : i32
        %get3A_568 = arith.constant 1 : i32
        %get3A_569 = arith.index_cast %get3A_568 : i32 to index
        %get3A_570 = arith.index_cast %add3A_567 : i32 to index
        %get3A_571 = arith.constant 32 : index
        %get3A_572 = tpu.vector_load %arg10[%get3A_569, %get3A_570, %get3A_571] {strides = array<i32>} : memref<2x80x64xf32, #tpu.memory_space<vmem>>, vector<1x1x16xf32>,
        %get3A_573 = vector.shape_cast %get3A_572 : vector<1x1x16xf32> to vector<16xf32>
        %mul3A_574 = arith.constant 16 : i32
        %mul3A_575 = arith.muli %scan3A_163, %mul3A_574 : i32
        %add3A_576 = arith.constant 0 : i32
        %add3A_577 = arith.addi %mul3A_575, %add3A_576 : i32
        %add3A_578 = arith.constant 7 : i32
        %add3A_579 = arith.addi %add3A_577, %add3A_578 : i32
        %get3A_580 = arith.constant 1 : i32
        %get3A_581 = arith.index_cast %get3A_580 : i32 to index
        %get3A_582 = arith.index_cast %add3A_579 : i32 to index
        %get3A_583 = arith.constant 48 : index
        %get3A_584 = tpu.vector_load %arg10[%get3A_581, %get3A_582, %get3A_583] {strides = array<i32>} : memref<2x80x64xf32, #tpu.memory_space<vmem>>, vector<1x1x16xf32>,
        %get3A_585 = vector.shape_cast %get3A_584 : vector<1x1x16xf32> to vector<16xf32>
        %mul3A_586 = arith.mulf %get3A_213, %gather3A_173 : vector<16xf32>
        %mul3A_587 = arith.constant 16 : i32
        %mul3A_588 = arith.muli %scan3A_163, %mul3A_587 : i32
        %add3A_589 = arith.constant 0 : i32
        %add3A_590 = arith.addi %mul3A_588, %add3A_589 : i32
        %add3A_591 = arith.constant 0 : i32
        %add3A_592 = arith.addi %add3A_590, %add3A_591 : i32
        %swap3A = arith.constant 1 : i32
        %swap3A_593 = arith.index_cast %swap3A : i32 to index
        %swap3A_594 = arith.index_cast %add3A_592 : i32 to index
        %swap3A_595 = arith.constant 0 : index
        %swap3A_596 = tpu.vector_load %arg11[%swap3A_593, %swap3A_594, %swap3A_595] {strides = array<i32>} : memref<2x80x64xf32, #tpu.memory_space<vmem>>, vector<1x1x16xf32>,
        %swap3A_597 = vector.shape_cast %swap3A_596 : vector<1x1x16xf32> to vector<16xf32>
        %swap3A_598 = vector.shape_cast %mul3A_586 : vector<16xf32> to vector<1x1x16xf32>
        tpu.vector_store %arg11[%swap3A_593, %swap3A_594, %swap3A_595], %swap3A_598 {strides = array<i32>} : memref<2x80x64xf32, #tpu.memory_space<vmem>>, vector<1x1x16xf32>,
        %mul3A_599 = arith.mulf %get3A_225, %gather3A_173 : vector<16xf32>
        %mul3A_600 = arith.constant 16 : i32
        %mul3A_601 = arith.muli %scan3A_163, %mul3A_600 : i32
        %add3A_602 = arith.constant 0 : i32
        %add3A_603 = arith.addi %mul3A_601, %add3A_602 : i32
        %add3A_604 = arith.constant 0 : i32
        %add3A_605 = arith.addi %add3A_603, %add3A_604 : i32
        %swap3A_606 = arith.constant 1 : i32
        %swap3A_607 = arith.index_cast %swap3A_606 : i32 to index
        %swap3A_608 = arith.index_cast %add3A_605 : i32 to index
        %swap3A_609 = arith.constant 16 : index
        %swap3A_610 = tpu.vector_load %arg11[%swap3A_607, %swap3A_608, %swap3A_609] {strides = array<i32>} : memref<2x80x64xf32, #tpu.memory_space<vmem>>, vector<1x1x16xf32>,
        %swap3A_611 = vector.shape_cast %swap3A_610 : vector<1x1x16xf32> to vector<16xf32>
        %swap3A_612 = vector.shape_cast %mul3A_599 : vector<16xf32> to vector<1x1x16xf32>
        tpu.vector_store %arg11[%swap3A_607, %swap3A_608, %swap3A_609], %swap3A_612 {strides = array<i32>} : memref<2x80x64xf32, #tpu.memory_space<vmem>>, vector<1x1x16xf32>,
        %mul3A_613 = arith.mulf %get3A_237, %gather3A_173 : vector<16xf32>
        %mul3A_614 = arith.constant 16 : i32
        %mul3A_615 = arith.muli %scan3A_163, %mul3A_614 : i32
        %add3A_616 = arith.constant 0 : i32
        %add3A_617 = arith.addi %mul3A_615, %add3A_616 : i32
        %add3A_618 = arith.constant 0 : i32
        %add3A_619 = arith.addi %add3A_617, %add3A_618 : i32
        %swap3A_620 = arith.constant 1 : i32
        %swap3A_621 = arith.index_cast %swap3A_620 : i32 to index
        %swap3A_622 = arith.index_cast %add3A_619 : i32 to index
        %swap3A_623 = arith.constant 32 : index
        %swap3A_624 = tpu.vector_load %arg11[%swap3A_621, %swap3A_622, %swap3A_623] {strides = array<i32>} : memref<2x80x64xf32, #tpu.memory_space<vmem>>, vector<1x1x16xf32>,
        %swap3A_625 = vector.shape_cast %swap3A_624 : vector<1x1x16xf32> to vector<16xf32>
        %swap3A_626 = vector.shape_cast %mul3A_613 : vector<16xf32> to vector<1x1x16xf32>
        tpu.vector_store %arg11[%swap3A_621, %swap3A_622, %swap3A_623], %swap3A_626 {strides = array<i32>} : memref<2x80x64xf32, #tpu.memory_space<vmem>>, vector<1x1x16xf32>,
        %mul3A_627 = arith.mulf %get3A_249, %gather3A_173 : vector<16xf32>
        %mul3A_628 = arith.constant 16 : i32
        %mul3A_629 = arith.muli %scan3A_163, %mul3A_628 : i32
        %add3A_630 = arith.constant 0 : i32
        %add3A_631 = arith.addi %mul3A_629, %add3A_630 : i32
        %add3A_632 = arith.constant 0 : i32
        %add3A_633 = arith.addi %add3A_631, %add3A_632 : i32
        %swap3A_634 = arith.constant 1 : i32
        %swap3A_635 = arith.index_cast %swap3A_634 : i32 to index
        %swap3A_636 = arith.index_cast %add3A_633 : i32 to index
        %swap3A_637 = arith.constant 48 : index
        %swap3A_638 = tpu.vector_load %arg11[%swap3A_635, %swap3A_636, %swap3A_637] {strides = array<i32>} : memref<2x80x64xf32, #tpu.memory_space<vmem>>, vector<1x1x16xf32>,
        %swap3A_639 = vector.shape_cast %swap3A_638 : vector<1x1x16xf32> to vector<16xf32>
        %swap3A_640 = vector.shape_cast %mul3A_627 : vector<16xf32> to vector<1x1x16xf32>
        tpu.vector_store %arg11[%swap3A_635, %swap3A_636, %swap3A_637], %swap3A_640 {strides = array<i32>} : memref<2x80x64xf32, #tpu.memory_space<vmem>>, vector<1x1x16xf32>,
        %mul3A_641 = arith.mulf %get3A_261, %gather3A_177 : vector<16xf32>
        %mul3A_642 = arith.constant 16 : i32
        %mul3A_643 = arith.muli %scan3A_163, %mul3A_642 : i32
        %add3A_644 = arith.constant 0 : i32
        %add3A_645 = arith.addi %mul3A_643, %add3A_644 : i32
        %add3A_646 = arith.constant 1 : i32
        %add3A_647 = arith.addi %add3A_645, %add3A_646 : i32
        %swap3A_648 = arith.constant 1 : i32
        %swap3A_649 = arith.index_cast %swap3A_648 : i32 to index
        %swap3A_650 = arith.index_cast %add3A_647 : i32 to index
        %swap3A_651 = arith.constant 0 : index
        %swap3A_652 = tpu.vector_load %arg11[%swap3A_649, %swap3A_650, %swap3A_651] {strides = array<i32>} : memref<2x80x64xf32, #tpu.memory_space<vmem>>, vector<1x1x16xf32>,
        %swap3A_653 = vector.shape_cast %swap3A_652 : vector<1x1x16xf32> to vector<16xf32>
        %swap3A_654 = vector.shape_cast %mul3A_641 : vector<16xf32> to vector<1x1x16xf32>
        tpu.vector_store %arg11[%swap3A_649, %swap3A_650, %swap3A_651], %swap3A_654 {strides = array<i32>} : memref<2x80x64xf32, #tpu.memory_space<vmem>>, vector<1x1x16xf32>,
        %mul3A_655 = arith.mulf %get3A_273, %gather3A_177 : vector<16xf32>
        %mul3A_656 = arith.constant 16 : i32
        %mul3A_657 = arith.muli %scan3A_163, %mul3A_656 : i32
        %add3A_658 = arith.constant 0 : i32
        %add3A_659 = arith.addi %mul3A_657, %add3A_658 : i32
        %add3A_660 = arith.constant 1 : i32
        %add3A_661 = arith.addi %add3A_659, %add3A_660 : i32
        %swap3A_662 = arith.constant 1 : i32
        %swap3A_663 = arith.index_cast %swap3A_662 : i32 to index
        %swap3A_664 = arith.index_cast %add3A_661 : i32 to index
        %swap3A_665 = arith.constant 16 : index
        %swap3A_666 = tpu.vector_load %arg11[%swap3A_663, %swap3A_664, %swap3A_665] {strides = array<i32>} : memref<2x80x64xf32, #tpu.memory_space<vmem>>, vector<1x1x16xf32>,
        %swap3A_667 = vector.shape_cast %swap3A_666 : vector<1x1x16xf32> to vector<16xf32>
        %swap3A_668 = vector.shape_cast %mul3A_655 : vector<16xf32> to vector<1x1x16xf32>
        tpu.vector_store %arg11[%swap3A_663, %swap3A_664, %swap3A_665], %swap3A_668 {strides = array<i32>} : memref<2x80x64xf32, #tpu.memory_space<vmem>>, vector<1x1x16xf32>,
        %mul3A_669 = arith.mulf %get3A_285, %gather3A_177 : vector<16xf32>
        %mul3A_670 = arith.constant 16 : i32
        %mul3A_671 = arith.muli %scan3A_163, %mul3A_670 : i32
        %add3A_672 = arith.constant 0 : i32
        %add3A_673 = arith.addi %mul3A_671, %add3A_672 : i32
        %add3A_674 = arith.constant 1 : i32
        %add3A_675 = arith.addi %add3A_673, %add3A_674 : i32
        %swap3A_676 = arith.constant 1 : i32
        %swap3A_677 = arith.index_cast %swap3A_676 : i32 to index
        %swap3A_678 = arith.index_cast %add3A_675 : i32 to index
        %swap3A_679 = arith.constant 32 : index
        %swap3A_680 = tpu.vector_load %arg11[%swap3A_677, %swap3A_678, %swap3A_679] {strides = array<i32>} : memref<2x80x64xf32, #tpu.memory_space<vmem>>, vector<1x1x16xf32>,
        %swap3A_681 = vector.shape_cast %swap3A_680 : vector<1x1x16xf32> to vector<16xf32>
        %swap3A_682 = vector.shape_cast %mul3A_669 : vector<16xf32> to vector<1x1x16xf32>
        tpu.vector_store %arg11[%swap3A_677, %swap3A_678, %swap3A_679], %swap3A_682 {strides = array<i32>} : memref<2x80x64xf32, #tpu.memory_space<vmem>>, vector<1x1x16xf32>,
        %mul3A_683 = arith.mulf %get3A_297, %gather3A_177 : vector<16xf32>
        %mul3A_684 = arith.constant 16 : i32
        %mul3A_685 = arith.muli %scan3A_163, %mul3A_684 : i32
        %add3A_686 = arith.constant 0 : i32
        %add3A_687 = arith.addi %mul3A_685, %add3A_686 : i32
        %add3A_688 = arith.constant 1 : i32
        %add3A_689 = arith.addi %add3A_687, %add3A_688 : i32
        %swap3A_690 = arith.constant 1 : i32
        %swap3A_691 = arith.index_cast %swap3A_690 : i32 to index
        %swap3A_692 = arith.index_cast %add3A_689 : i32 to index
        %swap3A_693 = arith.constant 48 : index
        %swap3A_694 = tpu.vector_load %arg11[%swap3A_691, %swap3A_692, %swap3A_693] {strides = array<i32>} : memref<2x80x64xf32, #tpu.memory_space<vmem>>, vector<1x1x16xf32>,
        %swap3A_695 = vector.shape_cast %swap3A_694 : vector<1x1x16xf32> to vector<16xf32>
        %swap3A_696 = vector.shape_cast %mul3A_683 : vector<16xf32> to vector<1x1x16xf32>
        tpu.vector_store %arg11[%swap3A_691, %swap3A_692, %swap3A_693], %swap3A_696 {strides = array<i32>} : memref<2x80x64xf32, #tpu.memory_space<vmem>>, vector<1x1x16xf32>,
        %mul3A_697 = arith.mulf %get3A_309, %gather3A_181 : vector<16xf32>
        %mul3A_698 = arith.constant 16 : i32
        %mul3A_699 = arith.muli %scan3A_163, %mul3A_698 : i32
        %add3A_700 = arith.constant 0 : i32
        %add3A_701 = arith.addi %mul3A_699, %add3A_700 : i32
        %add3A_702 = arith.constant 2 : i32
        %add3A_703 = arith.addi %add3A_701, %add3A_702 : i32
        %swap3A_704 = arith.constant 1 : i32
        %swap3A_705 = arith.index_cast %swap3A_704 : i32 to index
        %swap3A_706 = arith.index_cast %add3A_703 : i32 to index
        %swap3A_707 = arith.constant 0 : index
        %swap3A_708 = tpu.vector_load %arg11[%swap3A_705, %swap3A_706, %swap3A_707] {strides = array<i32>} : memref<2x80x64xf32, #tpu.memory_space<vmem>>, vector<1x1x16xf32>,
        %swap3A_709 = vector.shape_cast %swap3A_708 : vector<1x1x16xf32> to vector<16xf32>
        %swap3A_710 = vector.shape_cast %mul3A_697 : vector<16xf32> to vector<1x1x16xf32>
        tpu.vector_store %arg11[%swap3A_705, %swap3A_706, %swap3A_707], %swap3A_710 {strides = array<i32>} : memref<2x80x64xf32, #tpu.memory_space<vmem>>, vector<1x1x16xf32>,
        %mul3A_711 = arith.mulf %get3A_321, %gather3A_181 : vector<16xf32>
        %mul3A_712 = arith.constant 16 : i32
        %mul3A_713 = arith.muli %scan3A_163, %mul3A_712 : i32
        %add3A_714 = arith.constant 0 : i32
        %add3A_715 = arith.addi %mul3A_713, %add3A_714 : i32
        %add3A_716 = arith.constant 2 : i32
        %add3A_717 = arith.addi %add3A_715, %add3A_716 : i32
        %swap3A_718 = arith.constant 1 : i32
        %swap3A_719 = arith.index_cast %swap3A_718 : i32 to index
        %swap3A_720 = arith.index_cast %add3A_717 : i32 to index
        %swap3A_721 = arith.constant 16 : index
        %swap3A_722 = tpu.vector_load %arg11[%swap3A_719, %swap3A_720, %swap3A_721] {strides = array<i32>} : memref<2x80x64xf32, #tpu.memory_space<vmem>>, vector<1x1x16xf32>,
        %swap3A_723 = vector.shape_cast %swap3A_722 : vector<1x1x16xf32> to vector<16xf32>
        %swap3A_724 = vector.shape_cast %mul3A_711 : vector<16xf32> to vector<1x1x16xf32>
        tpu.vector_store %arg11[%swap3A_719, %swap3A_720, %swap3A_721], %swap3A_724 {strides = array<i32>} : memref<2x80x64xf32, #tpu.memory_space<vmem>>, vector<1x1x16xf32>,
        %mul3A_725 = arith.mulf %get3A_333, %gather3A_181 : vector<16xf32>
        %mul3A_726 = arith.constant 16 : i32
        %mul3A_727 = arith.muli %scan3A_163, %mul3A_726 : i32
        %add3A_728 = arith.constant 0 : i32
        %add3A_729 = arith.addi %mul3A_727, %add3A_728 : i32
        %add3A_730 = arith.constant 2 : i32
        %add3A_731 = arith.addi %add3A_729, %add3A_730 : i32
        %swap3A_732 = arith.constant 1 : i32
        %swap3A_733 = arith.index_cast %swap3A_732 : i32 to index
        %swap3A_734 = arith.index_cast %add3A_731 : i32 to index
        %swap3A_735 = arith.constant 32 : index
        %swap3A_736 = tpu.vector_load %arg11[%swap3A_733, %swap3A_734, %swap3A_735] {strides = array<i32>} : memref<2x80x64xf32, #tpu.memory_space<vmem>>, vector<1x1x16xf32>,
        %swap3A_737 = vector.shape_cast %swap3A_736 : vector<1x1x16xf32> to vector<16xf32>
        %swap3A_738 = vector.shape_cast %mul3A_725 : vector<16xf32> to vector<1x1x16xf32>
        tpu.vector_store %arg11[%swap3A_733, %swap3A_734, %swap3A_735], %swap3A_738 {strides = array<i32>} : memref<2x80x64xf32, #tpu.memory_space<vmem>>, vector<1x1x16xf32>,
        %mul3A_739 = arith.mulf %get3A_345, %gather3A_181 : vector<16xf32>
        %mul3A_740 = arith.constant 16 : i32
        %mul3A_741 = arith.muli %scan3A_163, %mul3A_740 : i32
        %add3A_742 = arith.constant 0 : i32
        %add3A_743 = arith.addi %mul3A_741, %add3A_742 : i32
        %add3A_744 = arith.constant 2 : i32
        %add3A_745 = arith.addi %add3A_743, %add3A_744 : i32
        %swap3A_746 = arith.constant 1 : i32
        %swap3A_747 = arith.index_cast %swap3A_746 : i32 to index
        %swap3A_748 = arith.index_cast %add3A_745 : i32 to index
        %swap3A_749 = arith.constant 48 : index
        %swap3A_750 = tpu.vector_load %arg11[%swap3A_747, %swap3A_748, %swap3A_749] {strides = array<i32>} : memref<2x80x64xf32, #tpu.memory_space<vmem>>, vector<1x1x16xf32>,
        %swap3A_751 = vector.shape_cast %swap3A_750 : vector<1x1x16xf32> to vector<16xf32>
        %swap3A_752 = vector.shape_cast %mul3A_739 : vector<16xf32> to vector<1x1x16xf32>
        tpu.vector_store %arg11[%swap3A_747, %swap3A_748, %swap3A_749], %swap3A_752 {strides = array<i32>} : memref<2x80x64xf32, #tpu.memory_space<vmem>>, vector<1x1x16xf32>,
        %mul3A_753 = arith.mulf %get3A_357, %gather3A_185 : vector<16xf32>
        %mul3A_754 = arith.constant 16 : i32
        %mul3A_755 = arith.muli %scan3A_163, %mul3A_754 : i32
        %add3A_756 = arith.constant 0 : i32
        %add3A_757 = arith.addi %mul3A_755, %add3A_756 : i32
        %add3A_758 = arith.constant 3 : i32
        %add3A_759 = arith.addi %add3A_757, %add3A_758 : i32
        %swap3A_760 = arith.constant 1 : i32
        %swap3A_761 = arith.index_cast %swap3A_760 : i32 to index
        %swap3A_762 = arith.index_cast %add3A_759 : i32 to index
        %swap3A_763 = arith.constant 0 : index
        %swap3A_764 = tpu.vector_load %arg11[%swap3A_761, %swap3A_762, %swap3A_763] {strides = array<i32>} : memref<2x80x64xf32, #tpu.memory_space<vmem>>, vector<1x1x16xf32>,
        %swap3A_765 = vector.shape_cast %swap3A_764 : vector<1x1x16xf32> to vector<16xf32>
        %swap3A_766 = vector.shape_cast %mul3A_753 : vector<16xf32> to vector<1x1x16xf32>
        tpu.vector_store %arg11[%swap3A_761, %swap3A_762, %swap3A_763], %swap3A_766 {strides = array<i32>} : memref<2x80x64xf32, #tpu.memory_space<vmem>>, vector<1x1x16xf32>,
        %mul3A_767 = arith.mulf %get3A_369, %gather3A_185 : vector<16xf32>
        %mul3A_768 = arith.constant 16 : i32
        %mul3A_769 = arith.muli %scan3A_163, %mul3A_768 : i32
        %add3A_770 = arith.constant 0 : i32
        %add3A_771 = arith.addi %mul3A_769, %add3A_770 : i32
        %add3A_772 = arith.constant 3 : i32
        %add3A_773 = arith.addi %add3A_771, %add3A_772 : i32
        %swap3A_774 = arith.constant 1 : i32
        %swap3A_775 = arith.index_cast %swap3A_774 : i32 to index
        %swap3A_776 = arith.index_cast %add3A_773 : i32 to index
        %swap3A_777 = arith.constant 16 : index
        %swap3A_778 = tpu.vector_load %arg11[%swap3A_775, %swap3A_776, %swap3A_777] {strides = array<i32>} : memref<2x80x64xf32, #tpu.memory_space<vmem>>, vector<1x1x16xf32>,
        %swap3A_779 = vector.shape_cast %swap3A_778 : vector<1x1x16xf32> to vector<16xf32>
        %swap3A_780 = vector.shape_cast %mul3A_767 : vector<16xf32> to vector<1x1x16xf32>
        tpu.vector_store %arg11[%swap3A_775, %swap3A_776, %swap3A_777], %swap3A_780 {strides = array<i32>} : memref<2x80x64xf32, #tpu.memory_space<vmem>>, vector<1x1x16xf32>,
        %mul3A_781 = arith.mulf %get3A_381, %gather3A_185 : vector<16xf32>
        %mul3A_782 = arith.constant 16 : i32
        %mul3A_783 = arith.muli %scan3A_163, %mul3A_782 : i32
        %add3A_784 = arith.constant 0 : i32
        %add3A_785 = arith.addi %mul3A_783, %add3A_784 : i32
        %add3A_786 = arith.constant 3 : i32
        %add3A_787 = arith.addi %add3A_785, %add3A_786 : i32
        %swap3A_788 = arith.constant 1 : i32
        %swap3A_789 = arith.index_cast %swap3A_788 : i32 to index
        %swap3A_790 = arith.index_cast %add3A_787 : i32 to index
        %swap3A_791 = arith.constant 32 : index
        %swap3A_792 = tpu.vector_load %arg11[%swap3A_789, %swap3A_790, %swap3A_791] {strides = array<i32>} : memref<2x80x64xf32, #tpu.memory_space<vmem>>, vector<1x1x16xf32>,
        %swap3A_793 = vector.shape_cast %swap3A_792 : vector<1x1x16xf32> to vector<16xf32>
        %swap3A_794 = vector.shape_cast %mul3A_781 : vector<16xf32> to vector<1x1x16xf32>
        tpu.vector_store %arg11[%swap3A_789, %swap3A_790, %swap3A_791], %swap3A_794 {strides = array<i32>} : memref<2x80x64xf32, #tpu.memory_space<vmem>>, vector<1x1x16xf32>,
        %mul3A_795 = arith.mulf %get3A_393, %gather3A_185 : vector<16xf32>
        %mul3A_796 = arith.constant 16 : i32
        %mul3A_797 = arith.muli %scan3A_163, %mul3A_796 : i32
        %add3A_798 = arith.constant 0 : i32
        %add3A_799 = arith.addi %mul3A_797, %add3A_798 : i32
        %add3A_800 = arith.constant 3 : i32
        %add3A_801 = arith.addi %add3A_799, %add3A_800 : i32
        %swap3A_802 = arith.constant 1 : i32
        %swap3A_803 = arith.index_cast %swap3A_802 : i32 to index
        %swap3A_804 = arith.index_cast %add3A_801 : i32 to index
        %swap3A_805 = arith.constant 48 : index
        %swap3A_806 = tpu.vector_load %arg11[%swap3A_803, %swap3A_804, %swap3A_805] {strides = array<i32>} : memref<2x80x64xf32, #tpu.memory_space<vmem>>, vector<1x1x16xf32>,
        %swap3A_807 = vector.shape_cast %swap3A_806 : vector<1x1x16xf32> to vector<16xf32>
        %swap3A_808 = vector.shape_cast %mul3A_795 : vector<16xf32> to vector<1x1x16xf32>
        tpu.vector_store %arg11[%swap3A_803, %swap3A_804, %swap3A_805], %swap3A_808 {strides = array<i32>} : memref<2x80x64xf32, #tpu.memory_space<vmem>>, vector<1x1x16xf32>,
        %mul3A_809 = arith.mulf %get3A_405, %gather3A_189 : vector<16xf32>
        %mul3A_810 = arith.constant 16 : i32
        %mul3A_811 = arith.muli %scan3A_163, %mul3A_810 : i32
        %add3A_812 = arith.constant 0 : i32
        %add3A_813 = arith.addi %mul3A_811, %add3A_812 : i32
        %add3A_814 = arith.constant 4 : i32
        %add3A_815 = arith.addi %add3A_813, %add3A_814 : i32
        %swap3A_816 = arith.constant 1 : i32
        %swap3A_817 = arith.index_cast %swap3A_816 : i32 to index
        %swap3A_818 = arith.index_cast %add3A_815 : i32 to index
        %swap3A_819 = arith.constant 0 : index
        %swap3A_820 = tpu.vector_load %arg11[%swap3A_817, %swap3A_818, %swap3A_819] {strides = array<i32>} : memref<2x80x64xf32, #tpu.memory_space<vmem>>, vector<1x1x16xf32>,
        %swap3A_821 = vector.shape_cast %swap3A_820 : vector<1x1x16xf32> to vector<16xf32>
        %swap3A_822 = vector.shape_cast %mul3A_809 : vector<16xf32> to vector<1x1x16xf32>
        tpu.vector_store %arg11[%swap3A_817, %swap3A_818, %swap3A_819], %swap3A_822 {strides = array<i32>} : memref<2x80x64xf32, #tpu.memory_space<vmem>>, vector<1x1x16xf32>,
        %mul3A_823 = arith.mulf %get3A_417, %gather3A_189 : vector<16xf32>
        %mul3A_824 = arith.constant 16 : i32
        %mul3A_825 = arith.muli %scan3A_163, %mul3A_824 : i32
        %add3A_826 = arith.constant 0 : i32
        %add3A_827 = arith.addi %mul3A_825, %add3A_826 : i32
        %add3A_828 = arith.constant 4 : i32
        %add3A_829 = arith.addi %add3A_827, %add3A_828 : i32
        %swap3A_830 = arith.constant 1 : i32
        %swap3A_831 = arith.index_cast %swap3A_830 : i32 to index
        %swap3A_832 = arith.index_cast %add3A_829 : i32 to index
        %swap3A_833 = arith.constant 16 : index
        %swap3A_834 = tpu.vector_load %arg11[%swap3A_831, %swap3A_832, %swap3A_833] {strides = array<i32>} : memref<2x80x64xf32, #tpu.memory_space<vmem>>, vector<1x1x16xf32>,
        %swap3A_835 = vector.shape_cast %swap3A_834 : vector<1x1x16xf32> to vector<16xf32>
        %swap3A_836 = vector.shape_cast %mul3A_823 : vector<16xf32> to vector<1x1x16xf32>
        tpu.vector_store %arg11[%swap3A_831, %swap3A_832, %swap3A_833], %swap3A_836 {strides = array<i32>} : memref<2x80x64xf32, #tpu.memory_space<vmem>>, vector<1x1x16xf32>,
        %mul3A_837 = arith.mulf %get3A_429, %gather3A_189 : vector<16xf32>
        %mul3A_838 = arith.constant 16 : i32
        %mul3A_839 = arith.muli %scan3A_163, %mul3A_838 : i32
        %add3A_840 = arith.constant 0 : i32
        %add3A_841 = arith.addi %mul3A_839, %add3A_840 : i32
        %add3A_842 = arith.constant 4 : i32
        %add3A_843 = arith.addi %add3A_841, %add3A_842 : i32
        %swap3A_844 = arith.constant 1 : i32
        %swap3A_845 = arith.index_cast %swap3A_844 : i32 to index
        %swap3A_846 = arith.index_cast %add3A_843 : i32 to index
        %swap3A_847 = arith.constant 32 : index
        %swap3A_848 = tpu.vector_load %arg11[%swap3A_845, %swap3A_846, %swap3A_847] {strides = array<i32>} : memref<2x80x64xf32, #tpu.memory_space<vmem>>, vector<1x1x16xf32>,
        %swap3A_849 = vector.shape_cast %swap3A_848 : vector<1x1x16xf32> to vector<16xf32>
        %swap3A_850 = vector.shape_cast %mul3A_837 : vector<16xf32> to vector<1x1x16xf32>
        tpu.vector_store %arg11[%swap3A_845, %swap3A_846, %swap3A_847], %swap3A_850 {strides = array<i32>} : memref<2x80x64xf32, #tpu.memory_space<vmem>>, vector<1x1x16xf32>,
        %mul3A_851 = arith.mulf %get3A_441, %gather3A_189 : vector<16xf32>
        %mul3A_852 = arith.constant 16 : i32
        %mul3A_853 = arith.muli %scan3A_163, %mul3A_852 : i32
        %add3A_854 = arith.constant 0 : i32
        %add3A_855 = arith.addi %mul3A_853, %add3A_854 : i32
        %add3A_856 = arith.constant 4 : i32
        %add3A_857 = arith.addi %add3A_855, %add3A_856 : i32
        %swap3A_858 = arith.constant 1 : i32
        %swap3A_859 = arith.index_cast %swap3A_858 : i32 to index
        %swap3A_860 = arith.index_cast %add3A_857 : i32 to index
        %swap3A_861 = arith.constant 48 : index
        %swap3A_862 = tpu.vector_load %arg11[%swap3A_859, %swap3A_860, %swap3A_861] {strides = array<i32>} : memref<2x80x64xf32, #tpu.memory_space<vmem>>, vector<1x1x16xf32>,
        %swap3A_863 = vector.shape_cast %swap3A_862 : vector<1x1x16xf32> to vector<16xf32>
        %swap3A_864 = vector.shape_cast %mul3A_851 : vector<16xf32> to vector<1x1x16xf32>
        tpu.vector_store %arg11[%swap3A_859, %swap3A_860, %swap3A_861], %swap3A_864 {strides = array<i32>} : memref<2x80x64xf32, #tpu.memory_space<vmem>>, vector<1x1x16xf32>,
        %mul3A_865 = arith.mulf %get3A_453, %gather3A_193 : vector<16xf32>
        %mul3A_866 = arith.constant 16 : i32
        %mul3A_867 = arith.muli %scan3A_163, %mul3A_866 : i32
        %add3A_868 = arith.constant 0 : i32
        %add3A_869 = arith.addi %mul3A_867, %add3A_868 : i32
        %add3A_870 = arith.constant 5 : i32
        %add3A_871 = arith.addi %add3A_869, %add3A_870 : i32
        %swap3A_872 = arith.constant 1 : i32
        %swap3A_873 = arith.index_cast %swap3A_872 : i32 to index
        %swap3A_874 = arith.index_cast %add3A_871 : i32 to index
        %swap3A_875 = arith.constant 0 : index
        %swap3A_876 = tpu.vector_load %arg11[%swap3A_873, %swap3A_874, %swap3A_875] {strides = array<i32>} : memref<2x80x64xf32, #tpu.memory_space<vmem>>, vector<1x1x16xf32>,
        %swap3A_877 = vector.shape_cast %swap3A_876 : vector<1x1x16xf32> to vector<16xf32>
        %swap3A_878 = vector.shape_cast %mul3A_865 : vector<16xf32> to vector<1x1x16xf32>
        tpu.vector_store %arg11[%swap3A_873, %swap3A_874, %swap3A_875], %swap3A_878 {strides = array<i32>} : memref<2x80x64xf32, #tpu.memory_space<vmem>>, vector<1x1x16xf32>,
        %mul3A_879 = arith.mulf %get3A_465, %gather3A_193 : vector<16xf32>
        %mul3A_880 = arith.constant 16 : i32
        %mul3A_881 = arith.muli %scan3A_163, %mul3A_880 : i32
        %add3A_882 = arith.constant 0 : i32
        %add3A_883 = arith.addi %mul3A_881, %add3A_882 : i32
        %add3A_884 = arith.constant 5 : i32
        %add3A_885 = arith.addi %add3A_883, %add3A_884 : i32
        %swap3A_886 = arith.constant 1 : i32
        %swap3A_887 = arith.index_cast %swap3A_886 : i32 to index
        %swap3A_888 = arith.index_cast %add3A_885 : i32 to index
        %swap3A_889 = arith.constant 16 : index
        %swap3A_890 = tpu.vector_load %arg11[%swap3A_887, %swap3A_888, %swap3A_889] {strides = array<i32>} : memref<2x80x64xf32, #tpu.memory_space<vmem>>, vector<1x1x16xf32>,
        %swap3A_891 = vector.shape_cast %swap3A_890 : vector<1x1x16xf32> to vector<16xf32>
        %swap3A_892 = vector.shape_cast %mul3A_879 : vector<16xf32> to vector<1x1x16xf32>
        tpu.vector_store %arg11[%swap3A_887, %swap3A_888, %swap3A_889], %swap3A_892 {strides = array<i32>} : memref<2x80x64xf32, #tpu.memory_space<vmem>>, vector<1x1x16xf32>,
        %mul3A_893 = arith.mulf %get3A_477, %gather3A_193 : vector<16xf32>
        %mul3A_894 = arith.constant 16 : i32
        %mul3A_895 = arith.muli %scan3A_163, %mul3A_894 : i32
        %add3A_896 = arith.constant 0 : i32
        %add3A_897 = arith.addi %mul3A_895, %add3A_896 : i32
        %add3A_898 = arith.constant 5 : i32
        %add3A_899 = arith.addi %add3A_897, %add3A_898 : i32
        %swap3A_900 = arith.constant 1 : i32
        %swap3A_901 = arith.index_cast %swap3A_900 : i32 to index
        %swap3A_902 = arith.index_cast %add3A_899 : i32 to index
        %swap3A_903 = arith.constant 32 : index
        %swap3A_904 = tpu.vector_load %arg11[%swap3A_901, %swap3A_902, %swap3A_903] {strides = array<i32>} : memref<2x80x64xf32, #tpu.memory_space<vmem>>, vector<1x1x16xf32>,
        %swap3A_905 = vector.shape_cast %swap3A_904 : vector<1x1x16xf32> to vector<16xf32>
        %swap3A_906 = vector.shape_cast %mul3A_893 : vector<16xf32> to vector<1x1x16xf32>
        tpu.vector_store %arg11[%swap3A_901, %swap3A_902, %swap3A_903], %swap3A_906 {strides = array<i32>} : memref<2x80x64xf32, #tpu.memory_space<vmem>>, vector<1x1x16xf32>,
        %mul3A_907 = arith.mulf %get3A_489, %gather3A_193 : vector<16xf32>
        %mul3A_908 = arith.constant 16 : i32
        %mul3A_909 = arith.muli %scan3A_163, %mul3A_908 : i32
        %add3A_910 = arith.constant 0 : i32
        %add3A_911 = arith.addi %mul3A_909, %add3A_910 : i32
        %add3A_912 = arith.constant 5 : i32
        %add3A_913 = arith.addi %add3A_911, %add3A_912 : i32
        %swap3A_914 = arith.constant 1 : i32
        %swap3A_915 = arith.index_cast %swap3A_914 : i32 to index
        %swap3A_916 = arith.index_cast %add3A_913 : i32 to index
        %swap3A_917 = arith.constant 48 : index
        %swap3A_918 = tpu.vector_load %arg11[%swap3A_915, %swap3A_916, %swap3A_917] {strides = array<i32>} : memref<2x80x64xf32, #tpu.memory_space<vmem>>, vector<1x1x16xf32>,
        %swap3A_919 = vector.shape_cast %swap3A_918 : vector<1x1x16xf32> to vector<16xf32>
        %swap3A_920 = vector.shape_cast %mul3A_907 : vector<16xf32> to vector<1x1x16xf32>
        tpu.vector_store %arg11[%swap3A_915, %swap3A_916, %swap3A_917], %swap3A_920 {strides = array<i32>} : memref<2x80x64xf32, #tpu.memory_space<vmem>>, vector<1x1x16xf32>,
        %mul3A_921 = arith.mulf %get3A_501, %gather3A_197 : vector<16xf32>
        %mul3A_922 = arith.constant 16 : i32
        %mul3A_923 = arith.muli %scan3A_163, %mul3A_922 : i32
        %add3A_924 = arith.constant 0 : i32
        %add3A_925 = arith.addi %mul3A_923, %add3A_924 : i32
        %add3A_926 = arith.constant 6 : i32
        %add3A_927 = arith.addi %add3A_925, %add3A_926 : i32
        %swap3A_928 = arith.constant 1 : i32
        %swap3A_929 = arith.index_cast %swap3A_928 : i32 to index
        %swap3A_930 = arith.index_cast %add3A_927 : i32 to index
        %swap3A_931 = arith.constant 0 : index
        %swap3A_932 = tpu.vector_load %arg11[%swap3A_929, %swap3A_930, %swap3A_931] {strides = array<i32>} : memref<2x80x64xf32, #tpu.memory_space<vmem>>, vector<1x1x16xf32>,
        %swap3A_933 = vector.shape_cast %swap3A_932 : vector<1x1x16xf32> to vector<16xf32>
        %swap3A_934 = vector.shape_cast %mul3A_921 : vector<16xf32> to vector<1x1x16xf32>
        tpu.vector_store %arg11[%swap3A_929, %swap3A_930, %swap3A_931], %swap3A_934 {strides = array<i32>} : memref<2x80x64xf32, #tpu.memory_space<vmem>>, vector<1x1x16xf32>,
        %mul3A_935 = arith.mulf %get3A_513, %gather3A_197 : vector<16xf32>
        %mul3A_936 = arith.constant 16 : i32
        %mul3A_937 = arith.muli %scan3A_163, %mul3A_936 : i32
        %add3A_938 = arith.constant 0 : i32
        %add3A_939 = arith.addi %mul3A_937, %add3A_938 : i32
        %add3A_940 = arith.constant 6 : i32
        %add3A_941 = arith.addi %add3A_939, %add3A_940 : i32
        %swap3A_942 = arith.constant 1 : i32
        %swap3A_943 = arith.index_cast %swap3A_942 : i32 to index
        %swap3A_944 = arith.index_cast %add3A_941 : i32 to index
        %swap3A_945 = arith.constant 16 : index
        %swap3A_946 = tpu.vector_load %arg11[%swap3A_943, %swap3A_944, %swap3A_945] {strides = array<i32>} : memref<2x80x64xf32, #tpu.memory_space<vmem>>, vector<1x1x16xf32>,
        %swap3A_947 = vector.shape_cast %swap3A_946 : vector<1x1x16xf32> to vector<16xf32>
        %swap3A_948 = vector.shape_cast %mul3A_935 : vector<16xf32> to vector<1x1x16xf32>
        tpu.vector_store %arg11[%swap3A_943, %swap3A_944, %swap3A_945], %swap3A_948 {strides = array<i32>} : memref<2x80x64xf32, #tpu.memory_space<vmem>>, vector<1x1x16xf32>,
        %mul3A_949 = arith.mulf %get3A_525, %gather3A_197 : vector<16xf32>
        %mul3A_950 = arith.constant 16 : i32
        %mul3A_951 = arith.muli %scan3A_163, %mul3A_950 : i32
        %add3A_952 = arith.constant 0 : i32
        %add3A_953 = arith.addi %mul3A_951, %add3A_952 : i32
        %add3A_954 = arith.constant 6 : i32
        %add3A_955 = arith.addi %add3A_953, %add3A_954 : i32
        %swap3A_956 = arith.constant 1 : i32
        %swap3A_957 = arith.index_cast %swap3A_956 : i32 to index
        %swap3A_958 = arith.index_cast %add3A_955 : i32 to index
        %swap3A_959 = arith.constant 32 : index
        %swap3A_960 = tpu.vector_load %arg11[%swap3A_957, %swap3A_958, %swap3A_959] {strides = array<i32>} : memref<2x80x64xf32, #tpu.memory_space<vmem>>, vector<1x1x16xf32>,
        %swap3A_961 = vector.shape_cast %swap3A_960 : vector<1x1x16xf32> to vector<16xf32>
        %swap3A_962 = vector.shape_cast %mul3A_949 : vector<16xf32> to vector<1x1x16xf32>
        tpu.vector_store %arg11[%swap3A_957, %swap3A_958, %swap3A_959], %swap3A_962 {strides = array<i32>} : memref<2x80x64xf32, #tpu.memory_space<vmem>>, vector<1x1x16xf32>,
        %mul3A_963 = arith.mulf %get3A_537, %gather3A_197 : vector<16xf32>
        %mul3A_964 = arith.constant 16 : i32
        %mul3A_965 = arith.muli %scan3A_163, %mul3A_964 : i32
        %add3A_966 = arith.constant 0 : i32
        %add3A_967 = arith.addi %mul3A_965, %add3A_966 : i32
        %add3A_968 = arith.constant 6 : i32
        %add3A_969 = arith.addi %add3A_967, %add3A_968 : i32
        %swap3A_970 = arith.constant 1 : i32
        %swap3A_971 = arith.index_cast %swap3A_970 : i32 to index
        %swap3A_972 = arith.index_cast %add3A_969 : i32 to index
        %swap3A_973 = arith.constant 48 : index
        %swap3A_974 = tpu.vector_load %arg11[%swap3A_971, %swap3A_972, %swap3A_973] {strides = array<i32>} : memref<2x80x64xf32, #tpu.memory_space<vmem>>, vector<1x1x16xf32>,
        %swap3A_975 = vector.shape_cast %swap3A_974 : vector<1x1x16xf32> to vector<16xf32>
        %swap3A_976 = vector.shape_cast %mul3A_963 : vector<16xf32> to vector<1x1x16xf32>
        tpu.vector_store %arg11[%swap3A_971, %swap3A_972, %swap3A_973], %swap3A_976 {strides = array<i32>} : memref<2x80x64xf32, #tpu.memory_space<vmem>>, vector<1x1x16xf32>,
        %mul3A_977 = arith.mulf %get3A_549, %gather3A_201 : vector<16xf32>
        %mul3A_978 = arith.constant 16 : i32
        %mul3A_979 = arith.muli %scan3A_163, %mul3A_978 : i32
        %add3A_980 = arith.constant 0 : i32
        %add3A_981 = arith.addi %mul3A_979, %add3A_980 : i32
        %add3A_982 = arith.constant 7 : i32
        %add3A_983 = arith.addi %add3A_981, %add3A_982 : i32
        %swap3A_984 = arith.constant 1 : i32
        %swap3A_985 = arith.index_cast %swap3A_984 : i32 to index
        %swap3A_986 = arith.index_cast %add3A_983 : i32 to index
        %swap3A_987 = arith.constant 0 : index
        %swap3A_988 = tpu.vector_load %arg11[%swap3A_985, %swap3A_986, %swap3A_987] {strides = array<i32>} : memref<2x80x64xf32, #tpu.memory_space<vmem>>, vector<1x1x16xf32>,
        %swap3A_989 = vector.shape_cast %swap3A_988 : vector<1x1x16xf32> to vector<16xf32>
        %swap3A_990 = vector.shape_cast %mul3A_977 : vector<16xf32> to vector<1x1x16xf32>
        tpu.vector_store %arg11[%swap3A_985, %swap3A_986, %swap3A_987], %swap3A_990 {strides = array<i32>} : memref<2x80x64xf32, #tpu.memory_space<vmem>>, vector<1x1x16xf32>,
        %mul3A_991 = arith.mulf %get3A_561, %gather3A_201 : vector<16xf32>
        %mul3A_992 = arith.constant 16 : i32
        %mul3A_993 = arith.muli %scan3A_163, %mul3A_992 : i32
        %add3A_994 = arith.constant 0 : i32
        %add3A_995 = arith.addi %mul3A_993, %add3A_994 : i32
        %add3A_996 = arith.constant 7 : i32
        %add3A_997 = arith.addi %add3A_995, %add3A_996 : i32
        %swap3A_998 = arith.constant 1 : i32
        %swap3A_999 = arith.index_cast %swap3A_998 : i32 to index
        %swap3A_1000 = arith.index_cast %add3A_997 : i32 to index
        %swap3A_1001 = arith.constant 16 : index
        %swap3A_1002 = tpu.vector_load %arg11[%swap3A_999, %swap3A_1000, %swap3A_1001] {strides = array<i32>} : memref<2x80x64xf32, #tpu.memory_space<vmem>>, vector<1x1x16xf32>,
        %swap3A_1003 = vector.shape_cast %swap3A_1002 : vector<1x1x16xf32> to vector<16xf32>
        %swap3A_1004 = vector.shape_cast %mul3A_991 : vector<16xf32> to vector<1x1x16xf32>
        tpu.vector_store %arg11[%swap3A_999, %swap3A_1000, %swap3A_1001], %swap3A_1004 {strides = array<i32>} : memref<2x80x64xf32, #tpu.memory_space<vmem>>, vector<1x1x16xf32>,
        %mul3A_1005 = arith.mulf %get3A_573, %gather3A_201 : vector<16xf32>
        %mul3A_1006 = arith.constant 16 : i32
        %mul3A_1007 = arith.muli %scan3A_163, %mul3A_1006 : i32
        %add3A_1008 = arith.constant 0 : i32
        %add3A_1009 = arith.addi %mul3A_1007, %add3A_1008 : i32
        %add3A_1010 = arith.constant 7 : i32
        %add3A_1011 = arith.addi %add3A_1009, %add3A_1010 : i32
        %swap3A_1012 = arith.constant 1 : i32
        %swap3A_1013 = arith.index_cast %swap3A_1012 : i32 to index
        %swap3A_1014 = arith.index_cast %add3A_1011 : i32 to index
        %swap3A_1015 = arith.constant 32 : index
        %swap3A_1016 = tpu.vector_load %arg11[%swap3A_1013, %swap3A_1014, %swap3A_1015] {strides = array<i32>} : memref<2x80x64xf32, #tpu.memory_space<vmem>>, vector<1x1x16xf32>,
        %swap3A_1017 = vector.shape_cast %swap3A_1016 : vector<1x1x16xf32> to vector<16xf32>
        %swap3A_1018 = vector.shape_cast %mul3A_1005 : vector<16xf32> to vector<1x1x16xf32>
        tpu.vector_store %arg11[%swap3A_1013, %swap3A_1014, %swap3A_1015], %swap3A_1018 {strides = array<i32>} : memref<2x80x64xf32, #tpu.memory_space<vmem>>, vector<1x1x16xf32>,
        %mul3A_1019 = arith.mulf %get3A_585, %gather3A_201 : vector<16xf32>
        %mul3A_1020 = arith.constant 16 : i32
        %mul3A_1021 = arith.muli %scan3A_163, %mul3A_1020 : i32
        %add3A_1022 = arith.constant 0 : i32
        %add3A_1023 = arith.addi %mul3A_1021, %add3A_1022 : i32
        %add3A_1024 = arith.constant 7 : i32
        %add3A_1025 = arith.addi %add3A_1023, %add3A_1024 : i32
        %swap3A_1026 = arith.constant 1 : i32
        %swap3A_1027 = arith.index_cast %swap3A_1026 : i32 to index
        %swap3A_1028 = arith.index_cast %add3A_1025 : i32 to index
        %swap3A_1029 = arith.constant 48 : index
        %swap3A_1030 = tpu.vector_load %arg11[%swap3A_1027, %swap3A_1028, %swap3A_1029] {strides = array<i32>} : memref<2x80x64xf32, #tpu.memory_space<vmem>>, vector<1x1x16xf32>,
        %swap3A_1031 = vector.shape_cast %swap3A_1030 : vector<1x1x16xf32> to vector<16xf32>
        %swap3A_1032 = vector.shape_cast %mul3A_1019 : vector<16xf32> to vector<1x1x16xf32>
        tpu.vector_store %arg11[%swap3A_1027, %swap3A_1028, %swap3A_1029], %swap3A_1032 {strides = array<i32>} : memref<2x80x64xf32, #tpu.memory_space<vmem>>, vector<1x1x16xf32>,
        %broadcast_in_dim3A_1033 = arith.constant 8 : i32
        %broadcast_in_dim3A_1034 = vector.broadcast %broadcast_in_dim3A_1033 : i32 to vector<16x1xi32>
        %gather3A_1035 = vector.shape_cast %broadcast_in_dim3A_1034 : vector<16x1xi32> to vector<16xi32>
        %gather3A_1036 = tpu.dynamic_gather %get3A_170[%gather3A_1035] in [0] : vector<16xf32>, vector<16xi32> -> vector<16xf32>
        %broadcast_in_dim3A_1037 = arith.constant 9 : i32
        %broadcast_in_dim3A_1038 = vector.broadcast %broadcast_in_dim3A_1037 : i32 to vector<16x1xi32>
        %gather3A_1039 = vector.shape_cast %broadcast_in_dim3A_1038 : vector<16x1xi32> to vector<16xi32>
        %gather3A_1040 = tpu.dynamic_gather %get3A_170[%gather3A_1039] in [0] : vector<16xf32>, vector<16xi32> -> vector<16xf32>
        %broadcast_in_dim3A_1041 = arith.constant 10 : i32
        %broadcast_in_dim3A_1042 = vector.broadcast %broadcast_in_dim3A_1041 : i32 to vector<16x1xi32>
        %gather3A_1043 = vector.shape_cast %broadcast_in_dim3A_1042 : vector<16x1xi32> to vector<16xi32>
        %gather3A_1044 = tpu.dynamic_gather %get3A_170[%gather3A_1043] in [0] : vector<16xf32>, vector<16xi32> -> vector<16xf32>
        %broadcast_in_dim3A_1045 = arith.constant 11 : i32
        %broadcast_in_dim3A_1046 = vector.broadcast %broadcast_in_dim3A_1045 : i32 to vector<16x1xi32>
        %gather3A_1047 = vector.shape_cast %broadcast_in_dim3A_1046 : vector<16x1xi32> to vector<16xi32>
        %gather3A_1048 = tpu.dynamic_gather %get3A_170[%gather3A_1047] in [0] : vector<16xf32>, vector<16xi32> -> vector<16xf32>
        %broadcast_in_dim3A_1049 = arith.constant 12 : i32
        %broadcast_in_dim3A_1050 = vector.broadcast %broadcast_in_dim3A_1049 : i32 to vector<16x1xi32>
        %gather3A_1051 = vector.shape_cast %broadcast_in_dim3A_1050 : vector<16x1xi32> to vector<16xi32>
        %gather3A_1052 = tpu.dynamic_gather %get3A_170[%gather3A_1051] in [0] : vector<16xf32>, vector<16xi32> -> vector<16xf32>
        %broadcast_in_dim3A_1053 = arith.constant 13 : i32
        %broadcast_in_dim3A_1054 = vector.broadcast %broadcast_in_dim3A_1053 : i32 to vector<16x1xi32>
        %gather3A_1055 = vector.shape_cast %broadcast_in_dim3A_1054 : vector<16x1xi32> to vector<16xi32>
        %gather3A_1056 = tpu.dynamic_gather %get3A_170[%gather3A_1055] in [0] : vector<16xf32>, vector<16xi32> -> vector<16xf32>
        %broadcast_in_dim3A_1057 = arith.constant 14 : i32
        %broadcast_in_dim3A_1058 = vector.broadcast %broadcast_in_dim3A_1057 : i32 to vector<16x1xi32>
        %gather3A_1059 = vector.shape_cast %broadcast_in_dim3A_1058 : vector<16x1xi32> to vector<16xi32>
        %gather3A_1060 = tpu.dynamic_gather %get3A_170[%gather3A_1059] in [0] : vector<16xf32>, vector<16xi32> -> vector<16xf32>
        %broadcast_in_dim3A_1061 = arith.constant 15 : i32
        %broadcast_in_dim3A_1062 = vector.broadcast %broadcast_in_dim3A_1061 : i32 to vector<16x1xi32>
        %gather3A_1063 = vector.shape_cast %broadcast_in_dim3A_1062 : vector<16x1xi32> to vector<16xi32>
        %gather3A_1064 = tpu.dynamic_gather %get3A_170[%gather3A_1063] in [0] : vector<16xf32>, vector<16xi32> -> vector<16xf32>
        %mul3A_1065 = arith.constant 16 : i32
        %mul3A_1066 = arith.muli %scan3A_163, %mul3A_1065 : i32
        %add3A_1067 = arith.constant 8 : i32
        %add3A_1068 = arith.addi %mul3A_1066, %add3A_1067 : i32
        %add3A_1069 = arith.constant 0 : i32
        %add3A_1070 = arith.addi %add3A_1068, %add3A_1069 : i32
        %get3A_1071 = arith.constant 1 : i32
        %get3A_1072 = arith.index_cast %get3A_1071 : i32 to index
        %get3A_1073 = arith.index_cast %add3A_1070 : i32 to index
        %get3A_1074 = arith.constant 0 : index
        %get3A_1075 = tpu.vector_load %arg10[%get3A_1072, %get3A_1073, %get3A_1074] {strides = array<i32>} : memref<2x80x64xf32, #tpu.memory_space<vmem>>, vector<1x1x16xf32>,
        %get3A_1076 = vector.shape_cast %get3A_1075 : vector<1x1x16xf32> to vector<16xf32>
        %mul3A_1077 = arith.constant 16 : i32
        %mul3A_1078 = arith.muli %scan3A_163, %mul3A_1077 : i32
        %add3A_1079 = arith.constant 8 : i32
        %add3A_1080 = arith.addi %mul3A_1078, %add3A_1079 : i32
        %add3A_1081 = arith.constant 0 : i32
        %add3A_1082 = arith.addi %add3A_1080, %add3A_1081 : i32
        %get3A_1083 = arith.constant 1 : i32
        %get3A_1084 = arith.index_cast %get3A_1083 : i32 to index
        %get3A_1085 = arith.index_cast %add3A_1082 : i32 to index
        %get3A_1086 = arith.constant 16 : index
        %get3A_1087 = tpu.vector_load %arg10[%get3A_1084, %get3A_1085, %get3A_1086] {strides = array<i32>} : memref<2x80x64xf32, #tpu.memory_space<vmem>>, vector<1x1x16xf32>,
        %get3A_1088 = vector.shape_cast %get3A_1087 : vector<1x1x16xf32> to vector<16xf32>
        %mul3A_1089 = arith.constant 16 : i32
        %mul3A_1090 = arith.muli %scan3A_163, %mul3A_1089 : i32
        %add3A_1091 = arith.constant 8 : i32
        %add3A_1092 = arith.addi %mul3A_1090, %add3A_1091 : i32
        %add3A_1093 = arith.constant 0 : i32
        %add3A_1094 = arith.addi %add3A_1092, %add3A_1093 : i32
        %get3A_1095 = arith.constant 1 : i32
        %get3A_1096 = arith.index_cast %get3A_1095 : i32 to index
        %get3A_1097 = arith.index_cast %add3A_1094 : i32 to index
        %get3A_1098 = arith.constant 32 : index
        %get3A_1099 = tpu.vector_load %arg10[%get3A_1096, %get3A_1097, %get3A_1098] {strides = array<i32>} : memref<2x80x64xf32, #tpu.memory_space<vmem>>, vector<1x1x16xf32>,
        %get3A_1100 = vector.shape_cast %get3A_1099 : vector<1x1x16xf32> to vector<16xf32>
        %mul3A_1101 = arith.constant 16 : i32
        %mul3A_1102 = arith.muli %scan3A_163, %mul3A_1101 : i32
        %add3A_1103 = arith.constant 8 : i32
        %add3A_1104 = arith.addi %mul3A_1102, %add3A_1103 : i32
        %add3A_1105 = arith.constant 0 : i32
        %add3A_1106 = arith.addi %add3A_1104, %add3A_1105 : i32
        %get3A_1107 = arith.constant 1 : i32
        %get3A_1108 = arith.index_cast %get3A_1107 : i32 to index
        %get3A_1109 = arith.index_cast %add3A_1106 : i32 to index
        %get3A_1110 = arith.constant 48 : index
        %get3A_1111 = tpu.vector_load %arg10[%get3A_1108, %get3A_1109, %get3A_1110] {strides = array<i32>} : memref<2x80x64xf32, #tpu.memory_space<vmem>>, vector<1x1x16xf32>,
        %get3A_1112 = vector.shape_cast %get3A_1111 : vector<1x1x16xf32> to vector<16xf32>
        %mul3A_1113 = arith.constant 16 : i32
        %mul3A_1114 = arith.muli %scan3A_163, %mul3A_1113 : i32
        %add3A_1115 = arith.constant 8 : i32
        %add3A_1116 = arith.addi %mul3A_1114, %add3A_1115 : i32
        %add3A_1117 = arith.constant 1 : i32
        %add3A_1118 = arith.addi %add3A_1116, %add3A_1117 : i32
        %get3A_1119 = arith.constant 1 : i32
        %get3A_1120 = arith.index_cast %get3A_1119 : i32 to index
        %get3A_1121 = arith.index_cast %add3A_1118 : i32 to index
        %get3A_1122 = arith.constant 0 : index
        %get3A_1123 = tpu.vector_load %arg10[%get3A_1120, %get3A_1121, %get3A_1122] {strides = array<i32>} : memref<2x80x64xf32, #tpu.memory_space<vmem>>, vector<1x1x16xf32>,
        %get3A_1124 = vector.shape_cast %get3A_1123 : vector<1x1x16xf32> to vector<16xf32>
        %mul3A_1125 = arith.constant 16 : i32
        %mul3A_1126 = arith.muli %scan3A_163, %mul3A_1125 : i32
        %add3A_1127 = arith.constant 8 : i32
        %add3A_1128 = arith.addi %mul3A_1126, %add3A_1127 : i32
        %add3A_1129 = arith.constant 1 : i32
        %add3A_1130 = arith.addi %add3A_1128, %add3A_1129 : i32
        %get3A_1131 = arith.constant 1 : i32
        %get3A_1132 = arith.index_cast %get3A_1131 : i32 to index
        %get3A_1133 = arith.index_cast %add3A_1130 : i32 to index
        %get3A_1134 = arith.constant 16 : index
        %get3A_1135 = tpu.vector_load %arg10[%get3A_1132, %get3A_1133, %get3A_1134] {strides = array<i32>} : memref<2x80x64xf32, #tpu.memory_space<vmem>>, vector<1x1x16xf32>,
        %get3A_1136 = vector.shape_cast %get3A_1135 : vector<1x1x16xf32> to vector<16xf32>
        %mul3A_1137 = arith.constant 16 : i32
        %mul3A_1138 = arith.muli %scan3A_163, %mul3A_1137 : i32
        %add3A_1139 = arith.constant 8 : i32
        %add3A_1140 = arith.addi %mul3A_1138, %add3A_1139 : i32
        %add3A_1141 = arith.constant 1 : i32
        %add3A_1142 = arith.addi %add3A_1140, %add3A_1141 : i32
        %get3A_1143 = arith.constant 1 : i32
        %get3A_1144 = arith.index_cast %get3A_1143 : i32 to index
        %get3A_1145 = arith.index_cast %add3A_1142 : i32 to index
        %get3A_1146 = arith.constant 32 : index
        %get3A_1147 = tpu.vector_load %arg10[%get3A_1144, %get3A_1145, %get3A_1146] {strides = array<i32>} : memref<2x80x64xf32, #tpu.memory_space<vmem>>, vector<1x1x16xf32>,
        %get3A_1148 = vector.shape_cast %get3A_1147 : vector<1x1x16xf32> to vector<16xf32>
        %mul3A_1149 = arith.constant 16 : i32
        %mul3A_1150 = arith.muli %scan3A_163, %mul3A_1149 : i32
        %add3A_1151 = arith.constant 8 : i32
        %add3A_1152 = arith.addi %mul3A_1150, %add3A_1151 : i32
        %add3A_1153 = arith.constant 1 : i32
        %add3A_1154 = arith.addi %add3A_1152, %add3A_1153 : i32
        %get3A_1155 = arith.constant 1 : i32
        %get3A_1156 = arith.index_cast %get3A_1155 : i32 to index
        %get3A_1157 = arith.index_cast %add3A_1154 : i32 to index
        %get3A_1158 = arith.constant 48 : index
        %get3A_1159 = tpu.vector_load %arg10[%get3A_1156, %get3A_1157, %get3A_1158] {strides = array<i32>} : memref<2x80x64xf32, #tpu.memory_space<vmem>>, vector<1x1x16xf32>,
        %get3A_1160 = vector.shape_cast %get3A_1159 : vector<1x1x16xf32> to vector<16xf32>
        %mul3A_1161 = arith.constant 16 : i32
        %mul3A_1162 = arith.muli %scan3A_163, %mul3A_1161 : i32
        %add3A_1163 = arith.constant 8 : i32
        %add3A_1164 = arith.addi %mul3A_1162, %add3A_1163 : i32
        %add3A_1165 = arith.constant 2 : i32
        %add3A_1166 = arith.addi %add3A_1164, %add3A_1165 : i32
        %get3A_1167 = arith.constant 1 : i32
        %get3A_1168 = arith.index_cast %get3A_1167 : i32 to index
        %get3A_1169 = arith.index_cast %add3A_1166 : i32 to index
        %get3A_1170 = arith.constant 0 : index
        %get3A_1171 = tpu.vector_load %arg10[%get3A_1168, %get3A_1169, %get3A_1170] {strides = array<i32>} : memref<2x80x64xf32, #tpu.memory_space<vmem>>, vector<1x1x16xf32>,
        %get3A_1172 = vector.shape_cast %get3A_1171 : vector<1x1x16xf32> to vector<16xf32>
        %mul3A_1173 = arith.constant 16 : i32
        %mul3A_1174 = arith.muli %scan3A_163, %mul3A_1173 : i32
        %add3A_1175 = arith.constant 8 : i32
        %add3A_1176 = arith.addi %mul3A_1174, %add3A_1175 : i32
        %add3A_1177 = arith.constant 2 : i32
        %add3A_1178 = arith.addi %add3A_1176, %add3A_1177 : i32
        %get3A_1179 = arith.constant 1 : i32
        %get3A_1180 = arith.index_cast %get3A_1179 : i32 to index
        %get3A_1181 = arith.index_cast %add3A_1178 : i32 to index
        %get3A_1182 = arith.constant 16 : index
        %get3A_1183 = tpu.vector_load %arg10[%get3A_1180, %get3A_1181, %get3A_1182] {strides = array<i32>} : memref<2x80x64xf32, #tpu.memory_space<vmem>>, vector<1x1x16xf32>,
        %get3A_1184 = vector.shape_cast %get3A_1183 : vector<1x1x16xf32> to vector<16xf32>
        %mul3A_1185 = arith.constant 16 : i32
        %mul3A_1186 = arith.muli %scan3A_163, %mul3A_1185 : i32
        %add3A_1187 = arith.constant 8 : i32
        %add3A_1188 = arith.addi %mul3A_1186, %add3A_1187 : i32
        %add3A_1189 = arith.constant 2 : i32
        %add3A_1190 = arith.addi %add3A_1188, %add3A_1189 : i32
        %get3A_1191 = arith.constant 1 : i32
        %get3A_1192 = arith.index_cast %get3A_1191 : i32 to index
        %get3A_1193 = arith.index_cast %add3A_1190 : i32 to index
        %get3A_1194 = arith.constant 32 : index
        %get3A_1195 = tpu.vector_load %arg10[%get3A_1192, %get3A_1193, %get3A_1194] {strides = array<i32>} : memref<2x80x64xf32, #tpu.memory_space<vmem>>, vector<1x1x16xf32>,
        %get3A_1196 = vector.shape_cast %get3A_1195 : vector<1x1x16xf32> to vector<16xf32>
        %mul3A_1197 = arith.constant 16 : i32
        %mul3A_1198 = arith.muli %scan3A_163, %mul3A_1197 : i32
        %add3A_1199 = arith.constant 8 : i32
        %add3A_1200 = arith.addi %mul3A_1198, %add3A_1199 : i32
        %add3A_1201 = arith.constant 2 : i32
        %add3A_1202 = arith.addi %add3A_1200, %add3A_1201 : i32
        %get3A_1203 = arith.constant 1 : i32
        %get3A_1204 = arith.index_cast %get3A_1203 : i32 to index
        %get3A_1205 = arith.index_cast %add3A_1202 : i32 to index
        %get3A_1206 = arith.constant 48 : index
        %get3A_1207 = tpu.vector_load %arg10[%get3A_1204, %get3A_1205, %get3A_1206] {strides = array<i32>} : memref<2x80x64xf32, #tpu.memory_space<vmem>>, vector<1x1x16xf32>,
        %get3A_1208 = vector.shape_cast %get3A_1207 : vector<1x1x16xf32> to vector<16xf32>
        %mul3A_1209 = arith.constant 16 : i32
        %mul3A_1210 = arith.muli %scan3A_163, %mul3A_1209 : i32
        %add3A_1211 = arith.constant 8 : i32
        %add3A_1212 = arith.addi %mul3A_1210, %add3A_1211 : i32
        %add3A_1213 = arith.constant 3 : i32
        %add3A_1214 = arith.addi %add3A_1212, %add3A_1213 : i32
        %get3A_1215 = arith.constant 1 : i32
        %get3A_1216 = arith.index_cast %get3A_1215 : i32 to index
        %get3A_1217 = arith.index_cast %add3A_1214 : i32 to index
        %get3A_1218 = arith.constant 0 : index
        %get3A_1219 = tpu.vector_load %arg10[%get3A_1216, %get3A_1217, %get3A_1218] {strides = array<i32>} : memref<2x80x64xf32, #tpu.memory_space<vmem>>, vector<1x1x16xf32>,
        %get3A_1220 = vector.shape_cast %get3A_1219 : vector<1x1x16xf32> to vector<16xf32>
        %mul3A_1221 = arith.constant 16 : i32
        %mul3A_1222 = arith.muli %scan3A_163, %mul3A_1221 : i32
        %add3A_1223 = arith.constant 8 : i32
        %add3A_1224 = arith.addi %mul3A_1222, %add3A_1223 : i32
        %add3A_1225 = arith.constant 3 : i32
        %add3A_1226 = arith.addi %add3A_1224, %add3A_1225 : i32
        %get3A_1227 = arith.constant 1 : i32
        %get3A_1228 = arith.index_cast %get3A_1227 : i32 to index
        %get3A_1229 = arith.index_cast %add3A_1226 : i32 to index
        %get3A_1230 = arith.constant 16 : index
        %get3A_1231 = tpu.vector_load %arg10[%get3A_1228, %get3A_1229, %get3A_1230] {strides = array<i32>} : memref<2x80x64xf32, #tpu.memory_space<vmem>>, vector<1x1x16xf32>,
        %get3A_1232 = vector.shape_cast %get3A_1231 : vector<1x1x16xf32> to vector<16xf32>
        %mul3A_1233 = arith.constant 16 : i32
        %mul3A_1234 = arith.muli %scan3A_163, %mul3A_1233 : i32
        %add3A_1235 = arith.constant 8 : i32
        %add3A_1236 = arith.addi %mul3A_1234, %add3A_1235 : i32
        %add3A_1237 = arith.constant 3 : i32
        %add3A_1238 = arith.addi %add3A_1236, %add3A_1237 : i32
        %get3A_1239 = arith.constant 1 : i32
        %get3A_1240 = arith.index_cast %get3A_1239 : i32 to index
        %get3A_1241 = arith.index_cast %add3A_1238 : i32 to index
        %get3A_1242 = arith.constant 32 : index
        %get3A_1243 = tpu.vector_load %arg10[%get3A_1240, %get3A_1241, %get3A_1242] {strides = array<i32>} : memref<2x80x64xf32, #tpu.memory_space<vmem>>, vector<1x1x16xf32>,
        %get3A_1244 = vector.shape_cast %get3A_1243 : vector<1x1x16xf32> to vector<16xf32>
        %mul3A_1245 = arith.constant 16 : i32
        %mul3A_1246 = arith.muli %scan3A_163, %mul3A_1245 : i32
        %add3A_1247 = arith.constant 8 : i32
        %add3A_1248 = arith.addi %mul3A_1246, %add3A_1247 : i32
        %add3A_1249 = arith.constant 3 : i32
        %add3A_1250 = arith.addi %add3A_1248, %add3A_1249 : i32
        %get3A_1251 = arith.constant 1 : i32
        %get3A_1252 = arith.index_cast %get3A_1251 : i32 to index
        %get3A_1253 = arith.index_cast %add3A_1250 : i32 to index
        %get3A_1254 = arith.constant 48 : index
        %get3A_1255 = tpu.vector_load %arg10[%get3A_1252, %get3A_1253, %get3A_1254] {strides = array<i32>} : memref<2x80x64xf32, #tpu.memory_space<vmem>>, vector<1x1x16xf32>,
        %get3A_1256 = vector.shape_cast %get3A_1255 : vector<1x1x16xf32> to vector<16xf32>
        %mul3A_1257 = arith.constant 16 : i32
        %mul3A_1258 = arith.muli %scan3A_163, %mul3A_1257 : i32
        %add3A_1259 = arith.constant 8 : i32
        %add3A_1260 = arith.addi %mul3A_1258, %add3A_1259 : i32
        %add3A_1261 = arith.constant 4 : i32
        %add3A_1262 = arith.addi %add3A_1260, %add3A_1261 : i32
        %get3A_1263 = arith.constant 1 : i32
        %get3A_1264 = arith.index_cast %get3A_1263 : i32 to index
        %get3A_1265 = arith.index_cast %add3A_1262 : i32 to index
        %get3A_1266 = arith.constant 0 : index
        %get3A_1267 = tpu.vector_load %arg10[%get3A_1264, %get3A_1265, %get3A_1266] {strides = array<i32>} : memref<2x80x64xf32, #tpu.memory_space<vmem>>, vector<1x1x16xf32>,
        %get3A_1268 = vector.shape_cast %get3A_1267 : vector<1x1x16xf32> to vector<16xf32>
        %mul3A_1269 = arith.constant 16 : i32
        %mul3A_1270 = arith.muli %scan3A_163, %mul3A_1269 : i32
        %add3A_1271 = arith.constant 8 : i32
        %add3A_1272 = arith.addi %mul3A_1270, %add3A_1271 : i32
        %add3A_1273 = arith.constant 4 : i32
        %add3A_1274 = arith.addi %add3A_1272, %add3A_1273 : i32
        %get3A_1275 = arith.constant 1 : i32
        %get3A_1276 = arith.index_cast %get3A_1275 : i32 to index
        %get3A_1277 = arith.index_cast %add3A_1274 : i32 to index
        %get3A_1278 = arith.constant 16 : index
        %get3A_1279 = tpu.vector_load %arg10[%get3A_1276, %get3A_1277, %get3A_1278] {strides = array<i32>} : memref<2x80x64xf32, #tpu.memory_space<vmem>>, vector<1x1x16xf32>,
        %get3A_1280 = vector.shape_cast %get3A_1279 : vector<1x1x16xf32> to vector<16xf32>
        %mul3A_1281 = arith.constant 16 : i32
        %mul3A_1282 = arith.muli %scan3A_163, %mul3A_1281 : i32
        %add3A_1283 = arith.constant 8 : i32
        %add3A_1284 = arith.addi %mul3A_1282, %add3A_1283 : i32
        %add3A_1285 = arith.constant 4 : i32
        %add3A_1286 = arith.addi %add3A_1284, %add3A_1285 : i32
        %get3A_1287 = arith.constant 1 : i32
        %get3A_1288 = arith.index_cast %get3A_1287 : i32 to index
        %get3A_1289 = arith.index_cast %add3A_1286 : i32 to index
        %get3A_1290 = arith.constant 32 : index
        %get3A_1291 = tpu.vector_load %arg10[%get3A_1288, %get3A_1289, %get3A_1290] {strides = array<i32>} : memref<2x80x64xf32, #tpu.memory_space<vmem>>, vector<1x1x16xf32>,
        %get3A_1292 = vector.shape_cast %get3A_1291 : vector<1x1x16xf32> to vector<16xf32>
        %mul3A_1293 = arith.constant 16 : i32
        %mul3A_1294 = arith.muli %scan3A_163, %mul3A_1293 : i32
        %add3A_1295 = arith.constant 8 : i32
        %add3A_1296 = arith.addi %mul3A_1294, %add3A_1295 : i32
        %add3A_1297 = arith.constant 4 : i32
        %add3A_1298 = arith.addi %add3A_1296, %add3A_1297 : i32
        %get3A_1299 = arith.constant 1 : i32
        %get3A_1300 = arith.index_cast %get3A_1299 : i32 to index
        %get3A_1301 = arith.index_cast %add3A_1298 : i32 to index
        %get3A_1302 = arith.constant 48 : index
        %get3A_1303 = tpu.vector_load %arg10[%get3A_1300, %get3A_1301, %get3A_1302] {strides = array<i32>} : memref<2x80x64xf32, #tpu.memory_space<vmem>>, vector<1x1x16xf32>,
        %get3A_1304 = vector.shape_cast %get3A_1303 : vector<1x1x16xf32> to vector<16xf32>
        %mul3A_1305 = arith.constant 16 : i32
        %mul3A_1306 = arith.muli %scan3A_163, %mul3A_1305 : i32
        %add3A_1307 = arith.constant 8 : i32
        %add3A_1308 = arith.addi %mul3A_1306, %add3A_1307 : i32
        %add3A_1309 = arith.constant 5 : i32
        %add3A_1310 = arith.addi %add3A_1308, %add3A_1309 : i32
        %get3A_1311 = arith.constant 1 : i32
        %get3A_1312 = arith.index_cast %get3A_1311 : i32 to index
        %get3A_1313 = arith.index_cast %add3A_1310 : i32 to index
        %get3A_1314 = arith.constant 0 : index
        %get3A_1315 = tpu.vector_load %arg10[%get3A_1312, %get3A_1313, %get3A_1314] {strides = array<i32>} : memref<2x80x64xf32, #tpu.memory_space<vmem>>, vector<1x1x16xf32>,
        %get3A_1316 = vector.shape_cast %get3A_1315 : vector<1x1x16xf32> to vector<16xf32>
        %mul3A_1317 = arith.constant 16 : i32
        %mul3A_1318 = arith.muli %scan3A_163, %mul3A_1317 : i32
        %add3A_1319 = arith.constant 8 : i32
        %add3A_1320 = arith.addi %mul3A_1318, %add3A_1319 : i32
        %add3A_1321 = arith.constant 5 : i32
        %add3A_1322 = arith.addi %add3A_1320, %add3A_1321 : i32
        %get3A_1323 = arith.constant 1 : i32
        %get3A_1324 = arith.index_cast %get3A_1323 : i32 to index
        %get3A_1325 = arith.index_cast %add3A_1322 : i32 to index
        %get3A_1326 = arith.constant 16 : index
        %get3A_1327 = tpu.vector_load %arg10[%get3A_1324, %get3A_1325, %get3A_1326] {strides = array<i32>} : memref<2x80x64xf32, #tpu.memory_space<vmem>>, vector<1x1x16xf32>,
        %get3A_1328 = vector.shape_cast %get3A_1327 : vector<1x1x16xf32> to vector<16xf32>
        %mul3A_1329 = arith.constant 16 : i32
        %mul3A_1330 = arith.muli %scan3A_163, %mul3A_1329 : i32
        %add3A_1331 = arith.constant 8 : i32
        %add3A_1332 = arith.addi %mul3A_1330, %add3A_1331 : i32
        %add3A_1333 = arith.constant 5 : i32
        %add3A_1334 = arith.addi %add3A_1332, %add3A_1333 : i32
        %get3A_1335 = arith.constant 1 : i32
        %get3A_1336 = arith.index_cast %get3A_1335 : i32 to index
        %get3A_1337 = arith.index_cast %add3A_1334 : i32 to index
        %get3A_1338 = arith.constant 32 : index
        %get3A_1339 = tpu.vector_load %arg10[%get3A_1336, %get3A_1337, %get3A_1338] {strides = array<i32>} : memref<2x80x64xf32, #tpu.memory_space<vmem>>, vector<1x1x16xf32>,
        %get3A_1340 = vector.shape_cast %get3A_1339 : vector<1x1x16xf32> to vector<16xf32>
        %mul3A_1341 = arith.constant 16 : i32
        %mul3A_1342 = arith.muli %scan3A_163, %mul3A_1341 : i32
        %add3A_1343 = arith.constant 8 : i32
        %add3A_1344 = arith.addi %mul3A_1342, %add3A_1343 : i32
        %add3A_1345 = arith.constant 5 : i32
        %add3A_1346 = arith.addi %add3A_1344, %add3A_1345 : i32
        %get3A_1347 = arith.constant 1 : i32
        %get3A_1348 = arith.index_cast %get3A_1347 : i32 to index
        %get3A_1349 = arith.index_cast %add3A_1346 : i32 to index
        %get3A_1350 = arith.constant 48 : index
        %get3A_1351 = tpu.vector_load %arg10[%get3A_1348, %get3A_1349, %get3A_1350] {strides = array<i32>} : memref<2x80x64xf32, #tpu.memory_space<vmem>>, vector<1x1x16xf32>,
        %get3A_1352 = vector.shape_cast %get3A_1351 : vector<1x1x16xf32> to vector<16xf32>
        %mul3A_1353 = arith.constant 16 : i32
        %mul3A_1354 = arith.muli %scan3A_163, %mul3A_1353 : i32
        %add3A_1355 = arith.constant 8 : i32
        %add3A_1356 = arith.addi %mul3A_1354, %add3A_1355 : i32
        %add3A_1357 = arith.constant 6 : i32
        %add3A_1358 = arith.addi %add3A_1356, %add3A_1357 : i32
        %get3A_1359 = arith.constant 1 : i32
        %get3A_1360 = arith.index_cast %get3A_1359 : i32 to index
        %get3A_1361 = arith.index_cast %add3A_1358 : i32 to index
        %get3A_1362 = arith.constant 0 : index
        %get3A_1363 = tpu.vector_load %arg10[%get3A_1360, %get3A_1361, %get3A_1362] {strides = array<i32>} : memref<2x80x64xf32, #tpu.memory_space<vmem>>, vector<1x1x16xf32>,
        %get3A_1364 = vector.shape_cast %get3A_1363 : vector<1x1x16xf32> to vector<16xf32>
        %mul3A_1365 = arith.constant 16 : i32
        %mul3A_1366 = arith.muli %scan3A_163, %mul3A_1365 : i32
        %add3A_1367 = arith.constant 8 : i32
        %add3A_1368 = arith.addi %mul3A_1366, %add3A_1367 : i32
        %add3A_1369 = arith.constant 6 : i32
        %add3A_1370 = arith.addi %add3A_1368, %add3A_1369 : i32
        %get3A_1371 = arith.constant 1 : i32
        %get3A_1372 = arith.index_cast %get3A_1371 : i32 to index
        %get3A_1373 = arith.index_cast %add3A_1370 : i32 to index
        %get3A_1374 = arith.constant 16 : index
        %get3A_1375 = tpu.vector_load %arg10[%get3A_1372, %get3A_1373, %get3A_1374] {strides = array<i32>} : memref<2x80x64xf32, #tpu.memory_space<vmem>>, vector<1x1x16xf32>,
        %get3A_1376 = vector.shape_cast %get3A_1375 : vector<1x1x16xf32> to vector<16xf32>
        %mul3A_1377 = arith.constant 16 : i32
        %mul3A_1378 = arith.muli %scan3A_163, %mul3A_1377 : i32
        %add3A_1379 = arith.constant 8 : i32
        %add3A_1380 = arith.addi %mul3A_1378, %add3A_1379 : i32
        %add3A_1381 = arith.constant 6 : i32
        %add3A_1382 = arith.addi %add3A_1380, %add3A_1381 : i32
        %get3A_1383 = arith.constant 1 : i32
        %get3A_1384 = arith.index_cast %get3A_1383 : i32 to index
        %get3A_1385 = arith.index_cast %add3A_1382 : i32 to index
        %get3A_1386 = arith.constant 32 : index
        %get3A_1387 = tpu.vector_load %arg10[%get3A_1384, %get3A_1385, %get3A_1386] {strides = array<i32>} : memref<2x80x64xf32, #tpu.memory_space<vmem>>, vector<1x1x16xf32>,
        %get3A_1388 = vector.shape_cast %get3A_1387 : vector<1x1x16xf32> to vector<16xf32>
        %mul3A_1389 = arith.constant 16 : i32
        %mul3A_1390 = arith.muli %scan3A_163, %mul3A_1389 : i32
        %add3A_1391 = arith.constant 8 : i32
        %add3A_1392 = arith.addi %mul3A_1390, %add3A_1391 : i32
        %add3A_1393 = arith.constant 6 : i32
        %add3A_1394 = arith.addi %add3A_1392, %add3A_1393 : i32
        %get3A_1395 = arith.constant 1 : i32
        %get3A_1396 = arith.index_cast %get3A_1395 : i32 to index
        %get3A_1397 = arith.index_cast %add3A_1394 : i32 to index
        %get3A_1398 = arith.constant 48 : index
        %get3A_1399 = tpu.vector_load %arg10[%get3A_1396, %get3A_1397, %get3A_1398] {strides = array<i32>} : memref<2x80x64xf32, #tpu.memory_space<vmem>>, vector<1x1x16xf32>,
        %get3A_1400 = vector.shape_cast %get3A_1399 : vector<1x1x16xf32> to vector<16xf32>
        %mul3A_1401 = arith.constant 16 : i32
        %mul3A_1402 = arith.muli %scan3A_163, %mul3A_1401 : i32
        %add3A_1403 = arith.constant 8 : i32
        %add3A_1404 = arith.addi %mul3A_1402, %add3A_1403 : i32
        %add3A_1405 = arith.constant 7 : i32
        %add3A_1406 = arith.addi %add3A_1404, %add3A_1405 : i32
        %get3A_1407 = arith.constant 1 : i32
        %get3A_1408 = arith.index_cast %get3A_1407 : i32 to index
        %get3A_1409 = arith.index_cast %add3A_1406 : i32 to index
        %get3A_1410 = arith.constant 0 : index
        %get3A_1411 = tpu.vector_load %arg10[%get3A_1408, %get3A_1409, %get3A_1410] {strides = array<i32>} : memref<2x80x64xf32, #tpu.memory_space<vmem>>, vector<1x1x16xf32>,
        %get3A_1412 = vector.shape_cast %get3A_1411 : vector<1x1x16xf32> to vector<16xf32>
        %mul3A_1413 = arith.constant 16 : i32
        %mul3A_1414 = arith.muli %scan3A_163, %mul3A_1413 : i32
        %add3A_1415 = arith.constant 8 : i32
        %add3A_1416 = arith.addi %mul3A_1414, %add3A_1415 : i32
        %add3A_1417 = arith.constant 7 : i32
        %add3A_1418 = arith.addi %add3A_1416, %add3A_1417 : i32
        %get3A_1419 = arith.constant 1 : i32
        %get3A_1420 = arith.index_cast %get3A_1419 : i32 to index
        %get3A_1421 = arith.index_cast %add3A_1418 : i32 to index
        %get3A_1422 = arith.constant 16 : index
        %get3A_1423 = tpu.vector_load %arg10[%get3A_1420, %get3A_1421, %get3A_1422] {strides = array<i32>} : memref<2x80x64xf32, #tpu.memory_space<vmem>>, vector<1x1x16xf32>,
        %get3A_1424 = vector.shape_cast %get3A_1423 : vector<1x1x16xf32> to vector<16xf32>
        %mul3A_1425 = arith.constant 16 : i32
        %mul3A_1426 = arith.muli %scan3A_163, %mul3A_1425 : i32
        %add3A_1427 = arith.constant 8 : i32
        %add3A_1428 = arith.addi %mul3A_1426, %add3A_1427 : i32
        %add3A_1429 = arith.constant 7 : i32
        %add3A_1430 = arith.addi %add3A_1428, %add3A_1429 : i32
        %get3A_1431 = arith.constant 1 : i32
        %get3A_1432 = arith.index_cast %get3A_1431 : i32 to index
        %get3A_1433 = arith.index_cast %add3A_1430 : i32 to index
        %get3A_1434 = arith.constant 32 : index
        %get3A_1435 = tpu.vector_load %arg10[%get3A_1432, %get3A_1433, %get3A_1434] {strides = array<i32>} : memref<2x80x64xf32, #tpu.memory_space<vmem>>, vector<1x1x16xf32>,
        %get3A_1436 = vector.shape_cast %get3A_1435 : vector<1x1x16xf32> to vector<16xf32>
        %mul3A_1437 = arith.constant 16 : i32
        %mul3A_1438 = arith.muli %scan3A_163, %mul3A_1437 : i32
        %add3A_1439 = arith.constant 8 : i32
        %add3A_1440 = arith.addi %mul3A_1438, %add3A_1439 : i32
        %add3A_1441 = arith.constant 7 : i32
        %add3A_1442 = arith.addi %add3A_1440, %add3A_1441 : i32
        %get3A_1443 = arith.constant 1 : i32
        %get3A_1444 = arith.index_cast %get3A_1443 : i32 to index
        %get3A_1445 = arith.index_cast %add3A_1442 : i32 to index
        %get3A_1446 = arith.constant 48 : index
        %get3A_1447 = tpu.vector_load %arg10[%get3A_1444, %get3A_1445, %get3A_1446] {strides = array<i32>} : memref<2x80x64xf32, #tpu.memory_space<vmem>>, vector<1x1x16xf32>,
        %get3A_1448 = vector.shape_cast %get3A_1447 : vector<1x1x16xf32> to vector<16xf32>
        %mul3A_1449 = arith.mulf %get3A_1076, %gather3A_1036 : vector<16xf32>
        %mul3A_1450 = arith.constant 16 : i32
        %mul3A_1451 = arith.muli %scan3A_163, %mul3A_1450 : i32
        %add3A_1452 = arith.constant 8 : i32
        %add3A_1453 = arith.addi %mul3A_1451, %add3A_1452 : i32
        %add3A_1454 = arith.constant 0 : i32
        %add3A_1455 = arith.addi %add3A_1453, %add3A_1454 : i32
        %swap3A_1456 = arith.constant 1 : i32
        %swap3A_1457 = arith.index_cast %swap3A_1456 : i32 to index
        %swap3A_1458 = arith.index_cast %add3A_1455 : i32 to index
        %swap3A_1459 = arith.constant 0 : index
        %swap3A_1460 = tpu.vector_load %arg11[%swap3A_1457, %swap3A_1458, %swap3A_1459] {strides = array<i32>} : memref<2x80x64xf32, #tpu.memory_space<vmem>>, vector<1x1x16xf32>,
        %swap3A_1461 = vector.shape_cast %swap3A_1460 : vector<1x1x16xf32> to vector<16xf32>
        %swap3A_1462 = vector.shape_cast %mul3A_1449 : vector<16xf32> to vector<1x1x16xf32>
        tpu.vector_store %arg11[%swap3A_1457, %swap3A_1458, %swap3A_1459], %swap3A_1462 {strides = array<i32>} : memref<2x80x64xf32, #tpu.memory_space<vmem>>, vector<1x1x16xf32>,
        %mul3A_1463 = arith.mulf %get3A_1088, %gather3A_1036 : vector<16xf32>
        %mul3A_1464 = arith.constant 16 : i32
        %mul3A_1465 = arith.muli %scan3A_163, %mul3A_1464 : i32
        %add3A_1466 = arith.constant 8 : i32
        %add3A_1467 = arith.addi %mul3A_1465, %add3A_1466 : i32
        %add3A_1468 = arith.constant 0 : i32
        %add3A_1469 = arith.addi %add3A_1467, %add3A_1468 : i32
        %swap3A_1470 = arith.constant 1 : i32
        %swap3A_1471 = arith.index_cast %swap3A_1470 : i32 to index
        %swap3A_1472 = arith.index_cast %add3A_1469 : i32 to index
        %swap3A_1473 = arith.constant 16 : index
        %swap3A_1474 = tpu.vector_load %arg11[%swap3A_1471, %swap3A_1472, %swap3A_1473] {strides = array<i32>} : memref<2x80x64xf32, #tpu.memory_space<vmem>>, vector<1x1x16xf32>,
        %swap3A_1475 = vector.shape_cast %swap3A_1474 : vector<1x1x16xf32> to vector<16xf32>
        %swap3A_1476 = vector.shape_cast %mul3A_1463 : vector<16xf32> to vector<1x1x16xf32>
        tpu.vector_store %arg11[%swap3A_1471, %swap3A_1472, %swap3A_1473], %swap3A_1476 {strides = array<i32>} : memref<2x80x64xf32, #tpu.memory_space<vmem>>, vector<1x1x16xf32>,
        %mul3A_1477 = arith.mulf %get3A_1100, %gather3A_1036 : vector<16xf32>
        %mul3A_1478 = arith.constant 16 : i32
        %mul3A_1479 = arith.muli %scan3A_163, %mul3A_1478 : i32
        %add3A_1480 = arith.constant 8 : i32
        %add3A_1481 = arith.addi %mul3A_1479, %add3A_1480 : i32
        %add3A_1482 = arith.constant 0 : i32
        %add3A_1483 = arith.addi %add3A_1481, %add3A_1482 : i32
        %swap3A_1484 = arith.constant 1 : i32
        %swap3A_1485 = arith.index_cast %swap3A_1484 : i32 to index
        %swap3A_1486 = arith.index_cast %add3A_1483 : i32 to index
        %swap3A_1487 = arith.constant 32 : index
        %swap3A_1488 = tpu.vector_load %arg11[%swap3A_1485, %swap3A_1486, %swap3A_1487] {strides = array<i32>} : memref<2x80x64xf32, #tpu.memory_space<vmem>>, vector<1x1x16xf32>,
        %swap3A_1489 = vector.shape_cast %swap3A_1488 : vector<1x1x16xf32> to vector<16xf32>
        %swap3A_1490 = vector.shape_cast %mul3A_1477 : vector<16xf32> to vector<1x1x16xf32>
        tpu.vector_store %arg11[%swap3A_1485, %swap3A_1486, %swap3A_1487], %swap3A_1490 {strides = array<i32>} : memref<2x80x64xf32, #tpu.memory_space<vmem>>, vector<1x1x16xf32>,
        %mul3A_1491 = arith.mulf %get3A_1112, %gather3A_1036 : vector<16xf32>
        %mul3A_1492 = arith.constant 16 : i32
        %mul3A_1493 = arith.muli %scan3A_163, %mul3A_1492 : i32
        %add3A_1494 = arith.constant 8 : i32
        %add3A_1495 = arith.addi %mul3A_1493, %add3A_1494 : i32
        %add3A_1496 = arith.constant 0 : i32
        %add3A_1497 = arith.addi %add3A_1495, %add3A_1496 : i32
        %swap3A_1498 = arith.constant 1 : i32
        %swap3A_1499 = arith.index_cast %swap3A_1498 : i32 to index
        %swap3A_1500 = arith.index_cast %add3A_1497 : i32 to index
        %swap3A_1501 = arith.constant 48 : index
        %swap3A_1502 = tpu.vector_load %arg11[%swap3A_1499, %swap3A_1500, %swap3A_1501] {strides = array<i32>} : memref<2x80x64xf32, #tpu.memory_space<vmem>>, vector<1x1x16xf32>,
        %swap3A_1503 = vector.shape_cast %swap3A_1502 : vector<1x1x16xf32> to vector<16xf32>
        %swap3A_1504 = vector.shape_cast %mul3A_1491 : vector<16xf32> to vector<1x1x16xf32>
        tpu.vector_store %arg11[%swap3A_1499, %swap3A_1500, %swap3A_1501], %swap3A_1504 {strides = array<i32>} : memref<2x80x64xf32, #tpu.memory_space<vmem>>, vector<1x1x16xf32>,
        %mul3A_1505 = arith.mulf %get3A_1124, %gather3A_1040 : vector<16xf32>
        %mul3A_1506 = arith.constant 16 : i32
        %mul3A_1507 = arith.muli %scan3A_163, %mul3A_1506 : i32
        %add3A_1508 = arith.constant 8 : i32
        %add3A_1509 = arith.addi %mul3A_1507, %add3A_1508 : i32
        %add3A_1510 = arith.constant 1 : i32
        %add3A_1511 = arith.addi %add3A_1509, %add3A_1510 : i32
        %swap3A_1512 = arith.constant 1 : i32
        %swap3A_1513 = arith.index_cast %swap3A_1512 : i32 to index
        %swap3A_1514 = arith.index_cast %add3A_1511 : i32 to index
        %swap3A_1515 = arith.constant 0 : index
        %swap3A_1516 = tpu.vector_load %arg11[%swap3A_1513, %swap3A_1514, %swap3A_1515] {strides = array<i32>} : memref<2x80x64xf32, #tpu.memory_space<vmem>>, vector<1x1x16xf32>,
        %swap3A_1517 = vector.shape_cast %swap3A_1516 : vector<1x1x16xf32> to vector<16xf32>
        %swap3A_1518 = vector.shape_cast %mul3A_1505 : vector<16xf32> to vector<1x1x16xf32>
        tpu.vector_store %arg11[%swap3A_1513, %swap3A_1514, %swap3A_1515], %swap3A_1518 {strides = array<i32>} : memref<2x80x64xf32, #tpu.memory_space<vmem>>, vector<1x1x16xf32>,
        %mul3A_1519 = arith.mulf %get3A_1136, %gather3A_1040 : vector<16xf32>
        %mul3A_1520 = arith.constant 16 : i32
        %mul3A_1521 = arith.muli %scan3A_163, %mul3A_1520 : i32
        %add3A_1522 = arith.constant 8 : i32
        %add3A_1523 = arith.addi %mul3A_1521, %add3A_1522 : i32
        %add3A_1524 = arith.constant 1 : i32
        %add3A_1525 = arith.addi %add3A_1523, %add3A_1524 : i32
        %swap3A_1526 = arith.constant 1 : i32
        %swap3A_1527 = arith.index_cast %swap3A_1526 : i32 to index
        %swap3A_1528 = arith.index_cast %add3A_1525 : i32 to index
        %swap3A_1529 = arith.constant 16 : index
        %swap3A_1530 = tpu.vector_load %arg11[%swap3A_1527, %swap3A_1528, %swap3A_1529] {strides = array<i32>} : memref<2x80x64xf32, #tpu.memory_space<vmem>>, vector<1x1x16xf32>,
        %swap3A_1531 = vector.shape_cast %swap3A_1530 : vector<1x1x16xf32> to vector<16xf32>
        %swap3A_1532 = vector.shape_cast %mul3A_1519 : vector<16xf32> to vector<1x1x16xf32>
        tpu.vector_store %arg11[%swap3A_1527, %swap3A_1528, %swap3A_1529], %swap3A_1532 {strides = array<i32>} : memref<2x80x64xf32, #tpu.memory_space<vmem>>, vector<1x1x16xf32>,
        %mul3A_1533 = arith.mulf %get3A_1148, %gather3A_1040 : vector<16xf32>
        %mul3A_1534 = arith.constant 16 : i32
        %mul3A_1535 = arith.muli %scan3A_163, %mul3A_1534 : i32
        %add3A_1536 = arith.constant 8 : i32
        %add3A_1537 = arith.addi %mul3A_1535, %add3A_1536 : i32
        %add3A_1538 = arith.constant 1 : i32
        %add3A_1539 = arith.addi %add3A_1537, %add3A_1538 : i32
        %swap3A_1540 = arith.constant 1 : i32
        %swap3A_1541 = arith.index_cast %swap3A_1540 : i32 to index
        %swap3A_1542 = arith.index_cast %add3A_1539 : i32 to index
        %swap3A_1543 = arith.constant 32 : index
        %swap3A_1544 = tpu.vector_load %arg11[%swap3A_1541, %swap3A_1542, %swap3A_1543] {strides = array<i32>} : memref<2x80x64xf32, #tpu.memory_space<vmem>>, vector<1x1x16xf32>,
        %swap3A_1545 = vector.shape_cast %swap3A_1544 : vector<1x1x16xf32> to vector<16xf32>
        %swap3A_1546 = vector.shape_cast %mul3A_1533 : vector<16xf32> to vector<1x1x16xf32>
        tpu.vector_store %arg11[%swap3A_1541, %swap3A_1542, %swap3A_1543], %swap3A_1546 {strides = array<i32>} : memref<2x80x64xf32, #tpu.memory_space<vmem>>, vector<1x1x16xf32>,
        %mul3A_1547 = arith.mulf %get3A_1160, %gather3A_1040 : vector<16xf32>
        %mul3A_1548 = arith.constant 16 : i32
        %mul3A_1549 = arith.muli %scan3A_163, %mul3A_1548 : i32
        %add3A_1550 = arith.constant 8 : i32
        %add3A_1551 = arith.addi %mul3A_1549, %add3A_1550 : i32
        %add3A_1552 = arith.constant 1 : i32
        %add3A_1553 = arith.addi %add3A_1551, %add3A_1552 : i32
        %swap3A_1554 = arith.constant 1 : i32
        %swap3A_1555 = arith.index_cast %swap3A_1554 : i32 to index
        %swap3A_1556 = arith.index_cast %add3A_1553 : i32 to index
        %swap3A_1557 = arith.constant 48 : index
        %swap3A_1558 = tpu.vector_load %arg11[%swap3A_1555, %swap3A_1556, %swap3A_1557] {strides = array<i32>} : memref<2x80x64xf32, #tpu.memory_space<vmem>>, vector<1x1x16xf32>,
        %swap3A_1559 = vector.shape_cast %swap3A_1558 : vector<1x1x16xf32> to vector<16xf32>
        %swap3A_1560 = vector.shape_cast %mul3A_1547 : vector<16xf32> to vector<1x1x16xf32>
        tpu.vector_store %arg11[%swap3A_1555, %swap3A_1556, %swap3A_1557], %swap3A_1560 {strides = array<i32>} : memref<2x80x64xf32, #tpu.memory_space<vmem>>, vector<1x1x16xf32>,
        %mul3A_1561 = arith.mulf %get3A_1172, %gather3A_1044 : vector<16xf32>
        %mul3A_1562 = arith.constant 16 : i32
        %mul3A_1563 = arith.muli %scan3A_163, %mul3A_1562 : i32
        %add3A_1564 = arith.constant 8 : i32
        %add3A_1565 = arith.addi %mul3A_1563, %add3A_1564 : i32
        %add3A_1566 = arith.constant 2 : i32
        %add3A_1567 = arith.addi %add3A_1565, %add3A_1566 : i32
        %swap3A_1568 = arith.constant 1 : i32
        %swap3A_1569 = arith.index_cast %swap3A_1568 : i32 to index
        %swap3A_1570 = arith.index_cast %add3A_1567 : i32 to index
        %swap3A_1571 = arith.constant 0 : index
        %swap3A_1572 = tpu.vector_load %arg11[%swap3A_1569, %swap3A_1570, %swap3A_1571] {strides = array<i32>} : memref<2x80x64xf32, #tpu.memory_space<vmem>>, vector<1x1x16xf32>,
        %swap3A_1573 = vector.shape_cast %swap3A_1572 : vector<1x1x16xf32> to vector<16xf32>
        %swap3A_1574 = vector.shape_cast %mul3A_1561 : vector<16xf32> to vector<1x1x16xf32>
        tpu.vector_store %arg11[%swap3A_1569, %swap3A_1570, %swap3A_1571], %swap3A_1574 {strides = array<i32>} : memref<2x80x64xf32, #tpu.memory_space<vmem>>, vector<1x1x16xf32>,
        %mul3A_1575 = arith.mulf %get3A_1184, %gather3A_1044 : vector<16xf32>
        %mul3A_1576 = arith.constant 16 : i32
        %mul3A_1577 = arith.muli %scan3A_163, %mul3A_1576 : i32
        %add3A_1578 = arith.constant 8 : i32
        %add3A_1579 = arith.addi %mul3A_1577, %add3A_1578 : i32
        %add3A_1580 = arith.constant 2 : i32
        %add3A_1581 = arith.addi %add3A_1579, %add3A_1580 : i32
        %swap3A_1582 = arith.constant 1 : i32
        %swap3A_1583 = arith.index_cast %swap3A_1582 : i32 to index
        %swap3A_1584 = arith.index_cast %add3A_1581 : i32 to index
        %swap3A_1585 = arith.constant 16 : index
        %swap3A_1586 = tpu.vector_load %arg11[%swap3A_1583, %swap3A_1584, %swap3A_1585] {strides = array<i32>} : memref<2x80x64xf32, #tpu.memory_space<vmem>>, vector<1x1x16xf32>,
        %swap3A_1587 = vector.shape_cast %swap3A_1586 : vector<1x1x16xf32> to vector<16xf32>
        %swap3A_1588 = vector.shape_cast %mul3A_1575 : vector<16xf32> to vector<1x1x16xf32>
        tpu.vector_store %arg11[%swap3A_1583, %swap3A_1584, %swap3A_1585], %swap3A_1588 {strides = array<i32>} : memref<2x80x64xf32, #tpu.memory_space<vmem>>, vector<1x1x16xf32>,
        %mul3A_1589 = arith.mulf %get3A_1196, %gather3A_1044 : vector<16xf32>
        %mul3A_1590 = arith.constant 16 : i32
        %mul3A_1591 = arith.muli %scan3A_163, %mul3A_1590 : i32
        %add3A_1592 = arith.constant 8 : i32
        %add3A_1593 = arith.addi %mul3A_1591, %add3A_1592 : i32
        %add3A_1594 = arith.constant 2 : i32
        %add3A_1595 = arith.addi %add3A_1593, %add3A_1594 : i32
        %swap3A_1596 = arith.constant 1 : i32
        %swap3A_1597 = arith.index_cast %swap3A_1596 : i32 to index
        %swap3A_1598 = arith.index_cast %add3A_1595 : i32 to index
        %swap3A_1599 = arith.constant 32 : index
        %swap3A_1600 = tpu.vector_load %arg11[%swap3A_1597, %swap3A_1598, %swap3A_1599] {strides = array<i32>} : memref<2x80x64xf32, #tpu.memory_space<vmem>>, vector<1x1x16xf32>,
        %swap3A_1601 = vector.shape_cast %swap3A_1600 : vector<1x1x16xf32> to vector<16xf32>
        %swap3A_1602 = vector.shape_cast %mul3A_1589 : vector<16xf32> to vector<1x1x16xf32>
        tpu.vector_store %arg11[%swap3A_1597, %swap3A_1598, %swap3A_1599], %swap3A_1602 {strides = array<i32>} : memref<2x80x64xf32, #tpu.memory_space<vmem>>, vector<1x1x16xf32>,
        %mul3A_1603 = arith.mulf %get3A_1208, %gather3A_1044 : vector<16xf32>
        %mul3A_1604 = arith.constant 16 : i32
        %mul3A_1605 = arith.muli %scan3A_163, %mul3A_1604 : i32
        %add3A_1606 = arith.constant 8 : i32
        %add3A_1607 = arith.addi %mul3A_1605, %add3A_1606 : i32
        %add3A_1608 = arith.constant 2 : i32
        %add3A_1609 = arith.addi %add3A_1607, %add3A_1608 : i32
        %swap3A_1610 = arith.constant 1 : i32
        %swap3A_1611 = arith.index_cast %swap3A_1610 : i32 to index
        %swap3A_1612 = arith.index_cast %add3A_1609 : i32 to index
        %swap3A_1613 = arith.constant 48 : index
        %swap3A_1614 = tpu.vector_load %arg11[%swap3A_1611, %swap3A_1612, %swap3A_1613] {strides = array<i32>} : memref<2x80x64xf32, #tpu.memory_space<vmem>>, vector<1x1x16xf32>,
        %swap3A_1615 = vector.shape_cast %swap3A_1614 : vector<1x1x16xf32> to vector<16xf32>
        %swap3A_1616 = vector.shape_cast %mul3A_1603 : vector<16xf32> to vector<1x1x16xf32>
        tpu.vector_store %arg11[%swap3A_1611, %swap3A_1612, %swap3A_1613], %swap3A_1616 {strides = array<i32>} : memref<2x80x64xf32, #tpu.memory_space<vmem>>, vector<1x1x16xf32>,
        %mul3A_1617 = arith.mulf %get3A_1220, %gather3A_1048 : vector<16xf32>
        %mul3A_1618 = arith.constant 16 : i32
        %mul3A_1619 = arith.muli %scan3A_163, %mul3A_1618 : i32
        %add3A_1620 = arith.constant 8 : i32
        %add3A_1621 = arith.addi %mul3A_1619, %add3A_1620 : i32
        %add3A_1622 = arith.constant 3 : i32
        %add3A_1623 = arith.addi %add3A_1621, %add3A_1622 : i32
        %swap3A_1624 = arith.constant 1 : i32
        %swap3A_1625 = arith.index_cast %swap3A_1624 : i32 to index
        %swap3A_1626 = arith.index_cast %add3A_1623 : i32 to index
        %swap3A_1627 = arith.constant 0 : index
        %swap3A_1628 = tpu.vector_load %arg11[%swap3A_1625, %swap3A_1626, %swap3A_1627] {strides = array<i32>} : memref<2x80x64xf32, #tpu.memory_space<vmem>>, vector<1x1x16xf32>,
        %swap3A_1629 = vector.shape_cast %swap3A_1628 : vector<1x1x16xf32> to vector<16xf32>
        %swap3A_1630 = vector.shape_cast %mul3A_1617 : vector<16xf32> to vector<1x1x16xf32>
        tpu.vector_store %arg11[%swap3A_1625, %swap3A_1626, %swap3A_1627], %swap3A_1630 {strides = array<i32>} : memref<2x80x64xf32, #tpu.memory_space<vmem>>, vector<1x1x16xf32>,
        %mul3A_1631 = arith.mulf %get3A_1232, %gather3A_1048 : vector<16xf32>
        %mul3A_1632 = arith.constant 16 : i32
        %mul3A_1633 = arith.muli %scan3A_163, %mul3A_1632 : i32
        %add3A_1634 = arith.constant 8 : i32
        %add3A_1635 = arith.addi %mul3A_1633, %add3A_1634 : i32
        %add3A_1636 = arith.constant 3 : i32
        %add3A_1637 = arith.addi %add3A_1635, %add3A_1636 : i32
        %swap3A_1638 = arith.constant 1 : i32
        %swap3A_1639 = arith.index_cast %swap3A_1638 : i32 to index
        %swap3A_1640 = arith.index_cast %add3A_1637 : i32 to index
        %swap3A_1641 = arith.constant 16 : index
        %swap3A_1642 = tpu.vector_load %arg11[%swap3A_1639, %swap3A_1640, %swap3A_1641] {strides = array<i32>} : memref<2x80x64xf32, #tpu.memory_space<vmem>>, vector<1x1x16xf32>,
        %swap3A_1643 = vector.shape_cast %swap3A_1642 : vector<1x1x16xf32> to vector<16xf32>
        %swap3A_1644 = vector.shape_cast %mul3A_1631 : vector<16xf32> to vector<1x1x16xf32>
        tpu.vector_store %arg11[%swap3A_1639, %swap3A_1640, %swap3A_1641], %swap3A_1644 {strides = array<i32>} : memref<2x80x64xf32, #tpu.memory_space<vmem>>, vector<1x1x16xf32>,
        %mul3A_1645 = arith.mulf %get3A_1244, %gather3A_1048 : vector<16xf32>
        %mul3A_1646 = arith.constant 16 : i32
        %mul3A_1647 = arith.muli %scan3A_163, %mul3A_1646 : i32
        %add3A_1648 = arith.constant 8 : i32
        %add3A_1649 = arith.addi %mul3A_1647, %add3A_1648 : i32
        %add3A_1650 = arith.constant 3 : i32
        %add3A_1651 = arith.addi %add3A_1649, %add3A_1650 : i32
        %swap3A_1652 = arith.constant 1 : i32
        %swap3A_1653 = arith.index_cast %swap3A_1652 : i32 to index
        %swap3A_1654 = arith.index_cast %add3A_1651 : i32 to index
        %swap3A_1655 = arith.constant 32 : index
        %swap3A_1656 = tpu.vector_load %arg11[%swap3A_1653, %swap3A_1654, %swap3A_1655] {strides = array<i32>} : memref<2x80x64xf32, #tpu.memory_space<vmem>>, vector<1x1x16xf32>,
        %swap3A_1657 = vector.shape_cast %swap3A_1656 : vector<1x1x16xf32> to vector<16xf32>
        %swap3A_1658 = vector.shape_cast %mul3A_1645 : vector<16xf32> to vector<1x1x16xf32>
        tpu.vector_store %arg11[%swap3A_1653, %swap3A_1654, %swap3A_1655], %swap3A_1658 {strides = array<i32>} : memref<2x80x64xf32, #tpu.memory_space<vmem>>, vector<1x1x16xf32>,
        %mul3A_1659 = arith.mulf %get3A_1256, %gather3A_1048 : vector<16xf32>
        %mul3A_1660 = arith.constant 16 : i32
        %mul3A_1661 = arith.muli %scan3A_163, %mul3A_1660 : i32
        %add3A_1662 = arith.constant 8 : i32
        %add3A_1663 = arith.addi %mul3A_1661, %add3A_1662 : i32
        %add3A_1664 = arith.constant 3 : i32
        %add3A_1665 = arith.addi %add3A_1663, %add3A_1664 : i32
        %swap3A_1666 = arith.constant 1 : i32
        %swap3A_1667 = arith.index_cast %swap3A_1666 : i32 to index
        %swap3A_1668 = arith.index_cast %add3A_1665 : i32 to index
        %swap3A_1669 = arith.constant 48 : index
        %swap3A_1670 = tpu.vector_load %arg11[%swap3A_1667, %swap3A_1668, %swap3A_1669] {strides = array<i32>} : memref<2x80x64xf32, #tpu.memory_space<vmem>>, vector<1x1x16xf32>,
        %swap3A_1671 = vector.shape_cast %swap3A_1670 : vector<1x1x16xf32> to vector<16xf32>
        %swap3A_1672 = vector.shape_cast %mul3A_1659 : vector<16xf32> to vector<1x1x16xf32>
        tpu.vector_store %arg11[%swap3A_1667, %swap3A_1668, %swap3A_1669], %swap3A_1672 {strides = array<i32>} : memref<2x80x64xf32, #tpu.memory_space<vmem>>, vector<1x1x16xf32>,
        %mul3A_1673 = arith.mulf %get3A_1268, %gather3A_1052 : vector<16xf32>
        %mul3A_1674 = arith.constant 16 : i32
        %mul3A_1675 = arith.muli %scan3A_163, %mul3A_1674 : i32
        %add3A_1676 = arith.constant 8 : i32
        %add3A_1677 = arith.addi %mul3A_1675, %add3A_1676 : i32
        %add3A_1678 = arith.constant 4 : i32
        %add3A_1679 = arith.addi %add3A_1677, %add3A_1678 : i32
        %swap3A_1680 = arith.constant 1 : i32
        %swap3A_1681 = arith.index_cast %swap3A_1680 : i32 to index
        %swap3A_1682 = arith.index_cast %add3A_1679 : i32 to index
        %swap3A_1683 = arith.constant 0 : index
        %swap3A_1684 = tpu.vector_load %arg11[%swap3A_1681, %swap3A_1682, %swap3A_1683] {strides = array<i32>} : memref<2x80x64xf32, #tpu.memory_space<vmem>>, vector<1x1x16xf32>,
        %swap3A_1685 = vector.shape_cast %swap3A_1684 : vector<1x1x16xf32> to vector<16xf32>
        %swap3A_1686 = vector.shape_cast %mul3A_1673 : vector<16xf32> to vector<1x1x16xf32>
        tpu.vector_store %arg11[%swap3A_1681, %swap3A_1682, %swap3A_1683], %swap3A_1686 {strides = array<i32>} : memref<2x80x64xf32, #tpu.memory_space<vmem>>, vector<1x1x16xf32>,
        %mul3A_1687 = arith.mulf %get3A_1280, %gather3A_1052 : vector<16xf32>
        %mul3A_1688 = arith.constant 16 : i32
        %mul3A_1689 = arith.muli %scan3A_163, %mul3A_1688 : i32
        %add3A_1690 = arith.constant 8 : i32
        %add3A_1691 = arith.addi %mul3A_1689, %add3A_1690 : i32
        %add3A_1692 = arith.constant 4 : i32
        %add3A_1693 = arith.addi %add3A_1691, %add3A_1692 : i32
        %swap3A_1694 = arith.constant 1 : i32
        %swap3A_1695 = arith.index_cast %swap3A_1694 : i32 to index
        %swap3A_1696 = arith.index_cast %add3A_1693 : i32 to index
        %swap3A_1697 = arith.constant 16 : index
        %swap3A_1698 = tpu.vector_load %arg11[%swap3A_1695, %swap3A_1696, %swap3A_1697] {strides = array<i32>} : memref<2x80x64xf32, #tpu.memory_space<vmem>>, vector<1x1x16xf32>,
        %swap3A_1699 = vector.shape_cast %swap3A_1698 : vector<1x1x16xf32> to vector<16xf32>
        %swap3A_1700 = vector.shape_cast %mul3A_1687 : vector<16xf32> to vector<1x1x16xf32>
        tpu.vector_store %arg11[%swap3A_1695, %swap3A_1696, %swap3A_1697], %swap3A_1700 {strides = array<i32>} : memref<2x80x64xf32, #tpu.memory_space<vmem>>, vector<1x1x16xf32>,
        %mul3A_1701 = arith.mulf %get3A_1292, %gather3A_1052 : vector<16xf32>
        %mul3A_1702 = arith.constant 16 : i32
        %mul3A_1703 = arith.muli %scan3A_163, %mul3A_1702 : i32
        %add3A_1704 = arith.constant 8 : i32
        %add3A_1705 = arith.addi %mul3A_1703, %add3A_1704 : i32
        %add3A_1706 = arith.constant 4 : i32
        %add3A_1707 = arith.addi %add3A_1705, %add3A_1706 : i32
        %swap3A_1708 = arith.constant 1 : i32
        %swap3A_1709 = arith.index_cast %swap3A_1708 : i32 to index
        %swap3A_1710 = arith.index_cast %add3A_1707 : i32 to index
        %swap3A_1711 = arith.constant 32 : index
        %swap3A_1712 = tpu.vector_load %arg11[%swap3A_1709, %swap3A_1710, %swap3A_1711] {strides = array<i32>} : memref<2x80x64xf32, #tpu.memory_space<vmem>>, vector<1x1x16xf32>,
        %swap3A_1713 = vector.shape_cast %swap3A_1712 : vector<1x1x16xf32> to vector<16xf32>
        %swap3A_1714 = vector.shape_cast %mul3A_1701 : vector<16xf32> to vector<1x1x16xf32>
        tpu.vector_store %arg11[%swap3A_1709, %swap3A_1710, %swap3A_1711], %swap3A_1714 {strides = array<i32>} : memref<2x80x64xf32, #tpu.memory_space<vmem>>, vector<1x1x16xf32>,
        %mul3A_1715 = arith.mulf %get3A_1304, %gather3A_1052 : vector<16xf32>
        %mul3A_1716 = arith.constant 16 : i32
        %mul3A_1717 = arith.muli %scan3A_163, %mul3A_1716 : i32
        %add3A_1718 = arith.constant 8 : i32
        %add3A_1719 = arith.addi %mul3A_1717, %add3A_1718 : i32
        %add3A_1720 = arith.constant 4 : i32
        %add3A_1721 = arith.addi %add3A_1719, %add3A_1720 : i32
        %swap3A_1722 = arith.constant 1 : i32
        %swap3A_1723 = arith.index_cast %swap3A_1722 : i32 to index
        %swap3A_1724 = arith.index_cast %add3A_1721 : i32 to index
        %swap3A_1725 = arith.constant 48 : index
        %swap3A_1726 = tpu.vector_load %arg11[%swap3A_1723, %swap3A_1724, %swap3A_1725] {strides = array<i32>} : memref<2x80x64xf32, #tpu.memory_space<vmem>>, vector<1x1x16xf32>,
        %swap3A_1727 = vector.shape_cast %swap3A_1726 : vector<1x1x16xf32> to vector<16xf32>
        %swap3A_1728 = vector.shape_cast %mul3A_1715 : vector<16xf32> to vector<1x1x16xf32>
        tpu.vector_store %arg11[%swap3A_1723, %swap3A_1724, %swap3A_1725], %swap3A_1728 {strides = array<i32>} : memref<2x80x64xf32, #tpu.memory_space<vmem>>, vector<1x1x16xf32>,
        %mul3A_1729 = arith.mulf %get3A_1316, %gather3A_1056 : vector<16xf32>
        %mul3A_1730 = arith.constant 16 : i32
        %mul3A_1731 = arith.muli %scan3A_163, %mul3A_1730 : i32
        %add3A_1732 = arith.constant 8 : i32
        %add3A_1733 = arith.addi %mul3A_1731, %add3A_1732 : i32
        %add3A_1734 = arith.constant 5 : i32
        %add3A_1735 = arith.addi %add3A_1733, %add3A_1734 : i32
        %swap3A_1736 = arith.constant 1 : i32
        %swap3A_1737 = arith.index_cast %swap3A_1736 : i32 to index
        %swap3A_1738 = arith.index_cast %add3A_1735 : i32 to index
        %swap3A_1739 = arith.constant 0 : index
        %swap3A_1740 = tpu.vector_load %arg11[%swap3A_1737, %swap3A_1738, %swap3A_1739] {strides = array<i32>} : memref<2x80x64xf32, #tpu.memory_space<vmem>>, vector<1x1x16xf32>,
        %swap3A_1741 = vector.shape_cast %swap3A_1740 : vector<1x1x16xf32> to vector<16xf32>
        %swap3A_1742 = vector.shape_cast %mul3A_1729 : vector<16xf32> to vector<1x1x16xf32>
        tpu.vector_store %arg11[%swap3A_1737, %swap3A_1738, %swap3A_1739], %swap3A_1742 {strides = array<i32>} : memref<2x80x64xf32, #tpu.memory_space<vmem>>, vector<1x1x16xf32>,
        %mul3A_1743 = arith.mulf %get3A_1328, %gather3A_1056 : vector<16xf32>
        %mul3A_1744 = arith.constant 16 : i32
        %mul3A_1745 = arith.muli %scan3A_163, %mul3A_1744 : i32
        %add3A_1746 = arith.constant 8 : i32
        %add3A_1747 = arith.addi %mul3A_1745, %add3A_1746 : i32
        %add3A_1748 = arith.constant 5 : i32
        %add3A_1749 = arith.addi %add3A_1747, %add3A_1748 : i32
        %swap3A_1750 = arith.constant 1 : i32
        %swap3A_1751 = arith.index_cast %swap3A_1750 : i32 to index
        %swap3A_1752 = arith.index_cast %add3A_1749 : i32 to index
        %swap3A_1753 = arith.constant 16 : index
        %swap3A_1754 = tpu.vector_load %arg11[%swap3A_1751, %swap3A_1752, %swap3A_1753] {strides = array<i32>} : memref<2x80x64xf32, #tpu.memory_space<vmem>>, vector<1x1x16xf32>,
        %swap3A_1755 = vector.shape_cast %swap3A_1754 : vector<1x1x16xf32> to vector<16xf32>
        %swap3A_1756 = vector.shape_cast %mul3A_1743 : vector<16xf32> to vector<1x1x16xf32>
        tpu.vector_store %arg11[%swap3A_1751, %swap3A_1752, %swap3A_1753], %swap3A_1756 {strides = array<i32>} : memref<2x80x64xf32, #tpu.memory_space<vmem>>, vector<1x1x16xf32>,
        %mul3A_1757 = arith.mulf %get3A_1340, %gather3A_1056 : vector<16xf32>
        %mul3A_1758 = arith.constant 16 : i32
        %mul3A_1759 = arith.muli %scan3A_163, %mul3A_1758 : i32
        %add3A_1760 = arith.constant 8 : i32
        %add3A_1761 = arith.addi %mul3A_1759, %add3A_1760 : i32
        %add3A_1762 = arith.constant 5 : i32
        %add3A_1763 = arith.addi %add3A_1761, %add3A_1762 : i32
        %swap3A_1764 = arith.constant 1 : i32
        %swap3A_1765 = arith.index_cast %swap3A_1764 : i32 to index
        %swap3A_1766 = arith.index_cast %add3A_1763 : i32 to index
        %swap3A_1767 = arith.constant 32 : index
        %swap3A_1768 = tpu.vector_load %arg11[%swap3A_1765, %swap3A_1766, %swap3A_1767] {strides = array<i32>} : memref<2x80x64xf32, #tpu.memory_space<vmem>>, vector<1x1x16xf32>,
        %swap3A_1769 = vector.shape_cast %swap3A_1768 : vector<1x1x16xf32> to vector<16xf32>
        %swap3A_1770 = vector.shape_cast %mul3A_1757 : vector<16xf32> to vector<1x1x16xf32>
        tpu.vector_store %arg11[%swap3A_1765, %swap3A_1766, %swap3A_1767], %swap3A_1770 {strides = array<i32>} : memref<2x80x64xf32, #tpu.memory_space<vmem>>, vector<1x1x16xf32>,
        %mul3A_1771 = arith.mulf %get3A_1352, %gather3A_1056 : vector<16xf32>
        %mul3A_1772 = arith.constant 16 : i32
        %mul3A_1773 = arith.muli %scan3A_163, %mul3A_1772 : i32
        %add3A_1774 = arith.constant 8 : i32
        %add3A_1775 = arith.addi %mul3A_1773, %add3A_1774 : i32
        %add3A_1776 = arith.constant 5 : i32
        %add3A_1777 = arith.addi %add3A_1775, %add3A_1776 : i32
        %swap3A_1778 = arith.constant 1 : i32
        %swap3A_1779 = arith.index_cast %swap3A_1778 : i32 to index
        %swap3A_1780 = arith.index_cast %add3A_1777 : i32 to index
        %swap3A_1781 = arith.constant 48 : index
        %swap3A_1782 = tpu.vector_load %arg11[%swap3A_1779, %swap3A_1780, %swap3A_1781] {strides = array<i32>} : memref<2x80x64xf32, #tpu.memory_space<vmem>>, vector<1x1x16xf32>,
        %swap3A_1783 = vector.shape_cast %swap3A_1782 : vector<1x1x16xf32> to vector<16xf32>
        %swap3A_1784 = vector.shape_cast %mul3A_1771 : vector<16xf32> to vector<1x1x16xf32>
        tpu.vector_store %arg11[%swap3A_1779, %swap3A_1780, %swap3A_1781], %swap3A_1784 {strides = array<i32>} : memref<2x80x64xf32, #tpu.memory_space<vmem>>, vector<1x1x16xf32>,
        %mul3A_1785 = arith.mulf %get3A_1364, %gather3A_1060 : vector<16xf32>
        %mul3A_1786 = arith.constant 16 : i32
        %mul3A_1787 = arith.muli %scan3A_163, %mul3A_1786 : i32
        %add3A_1788 = arith.constant 8 : i32
        %add3A_1789 = arith.addi %mul3A_1787, %add3A_1788 : i32
        %add3A_1790 = arith.constant 6 : i32
        %add3A_1791 = arith.addi %add3A_1789, %add3A_1790 : i32
        %swap3A_1792 = arith.constant 1 : i32
        %swap3A_1793 = arith.index_cast %swap3A_1792 : i32 to index
        %swap3A_1794 = arith.index_cast %add3A_1791 : i32 to index
        %swap3A_1795 = arith.constant 0 : index
        %swap3A_1796 = tpu.vector_load %arg11[%swap3A_1793, %swap3A_1794, %swap3A_1795] {strides = array<i32>} : memref<2x80x64xf32, #tpu.memory_space<vmem>>, vector<1x1x16xf32>,
        %swap3A_1797 = vector.shape_cast %swap3A_1796 : vector<1x1x16xf32> to vector<16xf32>
        %swap3A_1798 = vector.shape_cast %mul3A_1785 : vector<16xf32> to vector<1x1x16xf32>
        tpu.vector_store %arg11[%swap3A_1793, %swap3A_1794, %swap3A_1795], %swap3A_1798 {strides = array<i32>} : memref<2x80x64xf32, #tpu.memory_space<vmem>>, vector<1x1x16xf32>,
        %mul3A_1799 = arith.mulf %get3A_1376, %gather3A_1060 : vector<16xf32>
        %mul3A_1800 = arith.constant 16 : i32
        %mul3A_1801 = arith.muli %scan3A_163, %mul3A_1800 : i32
        %add3A_1802 = arith.constant 8 : i32
        %add3A_1803 = arith.addi %mul3A_1801, %add3A_1802 : i32
        %add3A_1804 = arith.constant 6 : i32
        %add3A_1805 = arith.addi %add3A_1803, %add3A_1804 : i32
        %swap3A_1806 = arith.constant 1 : i32
        %swap3A_1807 = arith.index_cast %swap3A_1806 : i32 to index
        %swap3A_1808 = arith.index_cast %add3A_1805 : i32 to index
        %swap3A_1809 = arith.constant 16 : index
        %swap3A_1810 = tpu.vector_load %arg11[%swap3A_1807, %swap3A_1808, %swap3A_1809] {strides = array<i32>} : memref<2x80x64xf32, #tpu.memory_space<vmem>>, vector<1x1x16xf32>,
        %swap3A_1811 = vector.shape_cast %swap3A_1810 : vector<1x1x16xf32> to vector<16xf32>
        %swap3A_1812 = vector.shape_cast %mul3A_1799 : vector<16xf32> to vector<1x1x16xf32>
        tpu.vector_store %arg11[%swap3A_1807, %swap3A_1808, %swap3A_1809], %swap3A_1812 {strides = array<i32>} : memref<2x80x64xf32, #tpu.memory_space<vmem>>, vector<1x1x16xf32>,
        %mul3A_1813 = arith.mulf %get3A_1388, %gather3A_1060 : vector<16xf32>
        %mul3A_1814 = arith.constant 16 : i32
        %mul3A_1815 = arith.muli %scan3A_163, %mul3A_1814 : i32
        %add3A_1816 = arith.constant 8 : i32
        %add3A_1817 = arith.addi %mul3A_1815, %add3A_1816 : i32
        %add3A_1818 = arith.constant 6 : i32
        %add3A_1819 = arith.addi %add3A_1817, %add3A_1818 : i32
        %swap3A_1820 = arith.constant 1 : i32
        %swap3A_1821 = arith.index_cast %swap3A_1820 : i32 to index
        %swap3A_1822 = arith.index_cast %add3A_1819 : i32 to index
        %swap3A_1823 = arith.constant 32 : index
        %swap3A_1824 = tpu.vector_load %arg11[%swap3A_1821, %swap3A_1822, %swap3A_1823] {strides = array<i32>} : memref<2x80x64xf32, #tpu.memory_space<vmem>>, vector<1x1x16xf32>,
        %swap3A_1825 = vector.shape_cast %swap3A_1824 : vector<1x1x16xf32> to vector<16xf32>
        %swap3A_1826 = vector.shape_cast %mul3A_1813 : vector<16xf32> to vector<1x1x16xf32>
        tpu.vector_store %arg11[%swap3A_1821, %swap3A_1822, %swap3A_1823], %swap3A_1826 {strides = array<i32>} : memref<2x80x64xf32, #tpu.memory_space<vmem>>, vector<1x1x16xf32>,
        %mul3A_1827 = arith.mulf %get3A_1400, %gather3A_1060 : vector<16xf32>
        %mul3A_1828 = arith.constant 16 : i32
        %mul3A_1829 = arith.muli %scan3A_163, %mul3A_1828 : i32
        %add3A_1830 = arith.constant 8 : i32
        %add3A_1831 = arith.addi %mul3A_1829, %add3A_1830 : i32
        %add3A_1832 = arith.constant 6 : i32
        %add3A_1833 = arith.addi %add3A_1831, %add3A_1832 : i32
        %swap3A_1834 = arith.constant 1 : i32
        %swap3A_1835 = arith.index_cast %swap3A_1834 : i32 to index
        %swap3A_1836 = arith.index_cast %add3A_1833 : i32 to index
        %swap3A_1837 = arith.constant 48 : index
        %swap3A_1838 = tpu.vector_load %arg11[%swap3A_1835, %swap3A_1836, %swap3A_1837] {strides = array<i32>} : memref<2x80x64xf32, #tpu.memory_space<vmem>>, vector<1x1x16xf32>,
        %swap3A_1839 = vector.shape_cast %swap3A_1838 : vector<1x1x16xf32> to vector<16xf32>
        %swap3A_1840 = vector.shape_cast %mul3A_1827 : vector<16xf32> to vector<1x1x16xf32>
        tpu.vector_store %arg11[%swap3A_1835, %swap3A_1836, %swap3A_1837], %swap3A_1840 {strides = array<i32>} : memref<2x80x64xf32, #tpu.memory_space<vmem>>, vector<1x1x16xf32>,
        %mul3A_1841 = arith.mulf %get3A_1412, %gather3A_1064 : vector<16xf32>
        %mul3A_1842 = arith.constant 16 : i32
        %mul3A_1843 = arith.muli %scan3A_163, %mul3A_1842 : i32
        %add3A_1844 = arith.constant 8 : i32
        %add3A_1845 = arith.addi %mul3A_1843, %add3A_1844 : i32
        %add3A_1846 = arith.constant 7 : i32
        %add3A_1847 = arith.addi %add3A_1845, %add3A_1846 : i32
        %swap3A_1848 = arith.constant 1 : i32
        %swap3A_1849 = arith.index_cast %swap3A_1848 : i32 to index
        %swap3A_1850 = arith.index_cast %add3A_1847 : i32 to index
        %swap3A_1851 = arith.constant 0 : index
        %swap3A_1852 = tpu.vector_load %arg11[%swap3A_1849, %swap3A_1850, %swap3A_1851] {strides = array<i32>} : memref<2x80x64xf32, #tpu.memory_space<vmem>>, vector<1x1x16xf32>,
        %swap3A_1853 = vector.shape_cast %swap3A_1852 : vector<1x1x16xf32> to vector<16xf32>
        %swap3A_1854 = vector.shape_cast %mul3A_1841 : vector<16xf32> to vector<1x1x16xf32>
        tpu.vector_store %arg11[%swap3A_1849, %swap3A_1850, %swap3A_1851], %swap3A_1854 {strides = array<i32>} : memref<2x80x64xf32, #tpu.memory_space<vmem>>, vector<1x1x16xf32>,
        %mul3A_1855 = arith.mulf %get3A_1424, %gather3A_1064 : vector<16xf32>
        %mul3A_1856 = arith.constant 16 : i32
        %mul3A_1857 = arith.muli %scan3A_163, %mul3A_1856 : i32
        %add3A_1858 = arith.constant 8 : i32
        %add3A_1859 = arith.addi %mul3A_1857, %add3A_1858 : i32
        %add3A_1860 = arith.constant 7 : i32
        %add3A_1861 = arith.addi %add3A_1859, %add3A_1860 : i32
        %swap3A_1862 = arith.constant 1 : i32
        %swap3A_1863 = arith.index_cast %swap3A_1862 : i32 to index
        %swap3A_1864 = arith.index_cast %add3A_1861 : i32 to index
        %swap3A_1865 = arith.constant 16 : index
        %swap3A_1866 = tpu.vector_load %arg11[%swap3A_1863, %swap3A_1864, %swap3A_1865] {strides = array<i32>} : memref<2x80x64xf32, #tpu.memory_space<vmem>>, vector<1x1x16xf32>,
        %swap3A_1867 = vector.shape_cast %swap3A_1866 : vector<1x1x16xf32> to vector<16xf32>
        %swap3A_1868 = vector.shape_cast %mul3A_1855 : vector<16xf32> to vector<1x1x16xf32>
        tpu.vector_store %arg11[%swap3A_1863, %swap3A_1864, %swap3A_1865], %swap3A_1868 {strides = array<i32>} : memref<2x80x64xf32, #tpu.memory_space<vmem>>, vector<1x1x16xf32>,
        %mul3A_1869 = arith.mulf %get3A_1436, %gather3A_1064 : vector<16xf32>
        %mul3A_1870 = arith.constant 16 : i32
        %mul3A_1871 = arith.muli %scan3A_163, %mul3A_1870 : i32
        %add3A_1872 = arith.constant 8 : i32
        %add3A_1873 = arith.addi %mul3A_1871, %add3A_1872 : i32
        %add3A_1874 = arith.constant 7 : i32
        %add3A_1875 = arith.addi %add3A_1873, %add3A_1874 : i32
        %swap3A_1876 = arith.constant 1 : i32
        %swap3A_1877 = arith.index_cast %swap3A_1876 : i32 to index
        %swap3A_1878 = arith.index_cast %add3A_1875 : i32 to index
        %swap3A_1879 = arith.constant 32 : index
        %swap3A_1880 = tpu.vector_load %arg11[%swap3A_1877, %swap3A_1878, %swap3A_1879] {strides = array<i32>} : memref<2x80x64xf32, #tpu.memory_space<vmem>>, vector<1x1x16xf32>,
        %swap3A_1881 = vector.shape_cast %swap3A_1880 : vector<1x1x16xf32> to vector<16xf32>
        %swap3A_1882 = vector.shape_cast %mul3A_1869 : vector<16xf32> to vector<1x1x16xf32>
        tpu.vector_store %arg11[%swap3A_1877, %swap3A_1878, %swap3A_1879], %swap3A_1882 {strides = array<i32>} : memref<2x80x64xf32, #tpu.memory_space<vmem>>, vector<1x1x16xf32>,
        %mul3A_1883 = arith.mulf %get3A_1448, %gather3A_1064 : vector<16xf32>
        %mul3A_1884 = arith.constant 16 : i32
        %mul3A_1885 = arith.muli %scan3A_163, %mul3A_1884 : i32
        %add3A_1886 = arith.constant 8 : i32
        %add3A_1887 = arith.addi %mul3A_1885, %add3A_1886 : i32
        %add3A_1888 = arith.constant 7 : i32
        %add3A_1889 = arith.addi %add3A_1887, %add3A_1888 : i32
        %swap3A_1890 = arith.constant 1 : i32
        %swap3A_1891 = arith.index_cast %swap3A_1890 : i32 to index
        %swap3A_1892 = arith.index_cast %add3A_1889 : i32 to index
        %swap3A_1893 = arith.constant 48 : index
        %swap3A_1894 = tpu.vector_load %arg11[%swap3A_1891, %swap3A_1892, %swap3A_1893] {strides = array<i32>} : memref<2x80x64xf32, #tpu.memory_space<vmem>>, vector<1x1x16xf32>,
        %swap3A_1895 = vector.shape_cast %swap3A_1894 : vector<1x1x16xf32> to vector<16xf32>
        %swap3A_1896 = vector.shape_cast %mul3A_1883 : vector<16xf32> to vector<1x1x16xf32>
        tpu.vector_store %arg11[%swap3A_1891, %swap3A_1892, %swap3A_1893], %swap3A_1896 {strides = array<i32>} : memref<2x80x64xf32, #tpu.memory_space<vmem>>, vector<1x1x16xf32>,
      }
      %scan3A_144 = arith.constant 5 : i32
      %dma_start3A_145 = arith.constant 1 : i32
      %dma_start3A_146 = arith.constant 0 : i32
      %dma_start3A_147 = arith.constant 0 : i32
      %dma_start3A_148 = tpu.memref_slice %arg11[%dma_start3A_145, %dma_start3A_146, %dma_start3A_147] : memref<2x80x64xf32, #tpu.memory_space<vmem>> -> memref<1x80x64xf32, #tpu.memory_space<vmem>>
      %dma_start3A_149 = tpu.memref_squeeze %dma_start3A_148 : memref<1x80x64xf32, #tpu.memory_space<vmem>> -> memref<80x64xf32, #tpu.memory_space<vmem>>
      %dma_start3A_150 = arith.constant 0 : i32
      %dma_start3A_151 = tpu.memref_slice %arg8[%add3A_122, %dma_start3A_150] : memref<250x80xi32, #tpu.memory_space<vmem>> -> memref<1x80xi32, #tpu.memory_space<vmem>>
      %dma_start3A_152 = tpu.memref_squeeze %dma_start3A_151 : memref<1x80xi32, #tpu.memory_space<vmem>> -> memref<80xi32, #tpu.memory_space<vmem>>
      %dma_start3A_153 = arith.constant 0 : i32
      %dma_start3A_154 = arith.constant 0 : i32
      %dma_start3A_155 = tpu.memref_slice %arg12[%dma_start3A_153, %dma_start3A_154] : memref<10000x64xf32, #tpu.memory_space<vmem_shared>> -> memref<10000x64xf32, #tpu.memory_space<vmem_shared>>
      tpu.enqueue_indirect_dma source(%dma_start3A_149 : memref<80x64xf32, #tpu.memory_space<vmem>>) target(%dma_start3A_155 : memref<10000x64xf32, #tpu.memory_space<vmem_shared>>) offsets(%dma_start3A_152 : memref<80xi32, #tpu.memory_space<vmem>>) semaphore(%arg16 : memref<!tpu.dma_semaphore, #tpu.memory_space<semaphore_mem>>) {add = true}
      %add3A_156 = arith.constant 2 : i32
      %add3A_157 = arith.addi %add3A_122, %add3A_156 : i32
      %lt3A_158 = arith.constant 250 : i32
      %lt3A_159 = arith.cmpi slt, %add3A_157, %lt3A_158 : i32
      %convert_element_type3A_160 = arith.extui %lt3A_159 : i1 to i32
      %cond3A_161 = arith.constant 0 : i32
      %cond3A_162 = arith.cmpi ne, %convert_element_type3A_160, %cond3A_161 : i32
      scf.if %cond3A_162 {
        %add3A_163 = arith.constant 2 : i32
        %add3A_164 = arith.addi %add3A_122, %add3A_163 : i32
        %dma_start3A_165 = arith.constant 1 : i32
        %dma_start3A_166 = arith.constant 0 : i32
        %dma_start3A_167 = arith.constant 0 : i32
        %dma_start3A_168 = tpu.memref_slice %arg10[%dma_start3A_165, %dma_start3A_166, %dma_start3A_167] : memref<2x80x64xf32, #tpu.memory_space<vmem>> -> memref<1x80x64xf32, #tpu.memory_space<vmem>>
        %dma_start3A_169 = tpu.memref_squeeze %dma_start3A_168 : memref<1x80x64xf32, #tpu.memory_space<vmem>> -> memref<80x64xf32, #tpu.memory_space<vmem>>
        %dma_start3A_170 = arith.constant 0 : i32
        %dma_start3A_171 = tpu.memref_slice %arg7[%add3A_164, %dma_start3A_170] : memref<250x80xi32, #tpu.memory_space<vmem>> -> memref<1x80xi32, #tpu.memory_space<vmem>>
        %dma_start3A_172 = tpu.memref_squeeze %dma_start3A_171 : memref<1x80xi32, #tpu.memory_space<vmem>> -> memref<80xi32, #tpu.memory_space<vmem>>
        %dma_start3A_173 = arith.constant 0 : i32
        %dma_start3A_174 = arith.constant 0 : i32
        %dma_start3A_175 = tpu.memref_slice %arg2[%dma_start3A_173, %dma_start3A_174] : memref<20000x64xf32, #tpu.memory_space<hbm>> -> memref<20000x64xf32, #tpu.memory_space<hbm>>
        tpu.enqueue_indirect_dma source(%dma_start3A_175 : memref<20000x64xf32, #tpu.memory_space<hbm>>) target(%dma_start3A_169 : memref<80x64xf32, #tpu.memory_space<vmem>>) offsets(%dma_start3A_172 : memref<80xi32, #tpu.memory_space<vmem>>) semaphore(%arg14 : memref<!tpu.dma_semaphore, #tpu.memory_space<semaphore_mem>>)
      } else {
      }
    }
    %scan3A_41 = arith.constant 125 : i32
    %dma_wait3A = arith.constant 0 : i32
    %dma_wait3A_42 = arith.constant 0 : i32
    %dma_wait3A_43 = arith.constant 0 : i32
    %dma_wait3A_44 = arith.constant 0 : i32
    %dma_wait3A_45 = tpu.memref_slice %arg11[%dma_wait3A, %dma_wait3A_43, %dma_wait3A_44] : memref<2x80x64xf32, #tpu.memory_space<vmem>> -> memref<1x80x64xf32, #tpu.memory_space<vmem>>
    %dma_wait3A_46 = tpu.memref_squeeze %dma_wait3A_45 : memref<1x80x64xf32, #tpu.memory_space<vmem>> -> memref<80x64xf32, #tpu.memory_space<vmem>>
    %dma_wait3A_47 = arith.constant 0 : i32
    %dma_wait3A_48 = tpu.memref_slice %arg8[%dma_wait3A_42, %dma_wait3A_47] : memref<250x80xi32, #tpu.memory_space<vmem>> -> memref<1x80xi32, #tpu.memory_space<vmem>>
    %dma_wait3A_49 = tpu.memref_squeeze %dma_wait3A_48 : memref<1x80xi32, #tpu.memory_space<vmem>> -> memref<80xi32, #tpu.memory_space<vmem>>
    %dma_wait3A_50 = arith.constant 0 : i32
    %dma_wait3A_51 = arith.constant 0 : i32
    %dma_wait3A_52 = tpu.memref_slice %arg12[%dma_wait3A_50, %dma_wait3A_51] : memref<10000x64xf32, #tpu.memory_space<vmem_shared>> -> memref<10000x64xf32, #tpu.memory_space<vmem_shared>>
    tpu.wait_indirect_dma semaphore(%arg15 : memref<!tpu.dma_semaphore, #tpu.memory_space<semaphore_mem>>) src(%dma_wait3A_46 : memref<80x64xf32, #tpu.memory_space<vmem>>) dst(%dma_wait3A_52 : memref<10000x64xf32, #tpu.memory_space<vmem_shared>>)
    %dma_wait3A_53 = arith.constant 1 : i32
    %dma_wait3A_54 = arith.constant 1 : i32
    %dma_wait3A_55 = arith.constant 0 : i32
    %dma_wait3A_56 = arith.constant 0 : i32
    %dma_wait3A_57 = tpu.memref_slice %arg11[%dma_wait3A_53, %dma_wait3A_55, %dma_wait3A_56] : memref<2x80x64xf32, #tpu.memory_space<vmem>> -> memref<1x80x64xf32, #tpu.memory_space<vmem>>
    %dma_wait3A_58 = tpu.memref_squeeze %dma_wait3A_57 : memref<1x80x64xf32, #tpu.memory_space<vmem>> -> memref<80x64xf32, #tpu.memory_space<vmem>>
    %dma_wait3A_59 = arith.constant 0 : i32
    %dma_wait3A_60 = tpu.memref_slice %arg8[%dma_wait3A_54, %dma_wait3A_59] : memref<250x80xi32, #tpu.memory_space<vmem>> -> memref<1x80xi32, #tpu.memory_space<vmem>>
    %dma_wait3A_61 = tpu.memref_squeeze %dma_wait3A_60 : memref<1x80xi32, #tpu.memory_space<vmem>> -> memref<80xi32, #tpu.memory_space<vmem>>
    %dma_wait3A_62 = arith.constant 0 : i32
    %dma_wait3A_63 = arith.constant 0 : i32
    %dma_wait3A_64 = tpu.memref_slice %arg12[%dma_wait3A_62, %dma_wait3A_63] : memref<10000x64xf32, #tpu.memory_space<vmem_shared>> -> memref<10000x64xf32, #tpu.memory_space<vmem_shared>>
    tpu.wait_indirect_dma semaphore(%arg16 : memref<!tpu.dma_semaphore, #tpu.memory_space<semaphore_mem>>) src(%dma_wait3A_58 : memref<80x64xf32, #tpu.memory_space<vmem>>) dst(%dma_wait3A_64 : memref<10000x64xf32, #tpu.memory_space<vmem_shared>>)
    %barrier3A_65 = arith.constant 0 : index
    tpu.barrier barrier_id(%barrier3A_65)
    %mul3A_66 = arith.constant 624 : i32
    %mul3A_67 = arith.muli %arg1, %mul3A_66 : i32
    %mul3A_68 = arith.constant 624 : i32
    %mul3A_69 = arith.muli %arg1, %mul3A_68 : i32
    %mul3A_70 = arith.constant 64 : i32
    %mul3A_71 = arith.muli %arg0, %mul3A_70 : i32
    "tpu.region"() ({
      %run_scoped3A_77 = tpu.sem_alloc : memref<!tpu.dma_semaphore, #tpu.memory_space<semaphore_mem>>
      %dma_start3A_78 = tpu.memref_slice %arg6[%mul3A_69, %mul3A_71] : memref<10000x128xf32, #tpu.memory_space<hbm>> -> memref<624x64xf32, #tpu.memory_space<hbm>>
      %dma_start3A_79 = arith.constant 0 : i32
      %dma_start3A_80 = tpu.memref_slice %arg12[%mul3A_67, %dma_start3A_79] : memref<10000x64xf32, #tpu.memory_space<vmem_shared>> -> memref<624x64xf32, #tpu.memory_space<vmem_shared>>
      tpu.enqueue_dma source(%dma_start3A_80 : memref<624x64xf32, #tpu.memory_space<vmem_shared>>) target(%dma_start3A_78 : memref<624x64xf32, #tpu.memory_space<hbm>>) target_semaphore(%run_scoped3A_77 : memref<!tpu.dma_semaphore, #tpu.memory_space<semaphore_mem>>)
      %dma_wait3A_81 = tpu.memref_slice %arg6[%mul3A_69, %mul3A_71] : memref<10000x128xf32, #tpu.memory_space<hbm>> -> memref<624x64xf32, #tpu.memory_space<hbm>>
      %dma_wait3A_82 = arith.constant 0 : i32
      %dma_wait3A_83 = tpu.memref_slice %arg12[%mul3A_67, %dma_wait3A_82] : memref<10000x64xf32, #tpu.memory_space<vmem_shared>> -> memref<624x64xf32, #tpu.memory_space<vmem_shared>>
      tpu.wait_dma2 semaphore(%run_scoped3A_77 : memref<!tpu.dma_semaphore, #tpu.memory_space<semaphore_mem>>) src(%dma_wait3A_83 : memref<624x64xf32, #tpu.memory_space<vmem_shared>>) dst(%dma_wait3A_81 : memref<624x64xf32, #tpu.memory_space<hbm>>)
      tpu.yield
    }) : () -> ()
    %eq3A_72 = arith.constant 0 : i32
    %eq3A_73 = arith.cmpi eq, %arg1, %eq3A_72 : i32
    %convert_element_type3A_74 = arith.extui %eq3A_73 : i1 to i32
    %cond3A_75 = arith.constant 0 : i32
    %cond3A_76 = arith.cmpi ne, %convert_element_type3A_74, %cond3A_75 : i32
    scf.if %cond3A_76 {
      %mul3A_77 = arith.constant 64 : i32
      %mul3A_78 = arith.muli %arg0, %mul3A_77 : i32
      "tpu.region"() ({
        %run_scoped3A_79 = tpu.sem_alloc : memref<!tpu.dma_semaphore, #tpu.memory_space<semaphore_mem>>
        %dma_start3A_80 = arith.constant 9984 : i32
        %dma_start3A_81 = tpu.memref_slice %arg6[%dma_start3A_80, %mul3A_78] : memref<10000x128xf32, #tpu.memory_space<hbm>> -> memref<16x64xf32, #tpu.memory_space<hbm>>
        %dma_start3A_82 = arith.constant 9984 : i32
        %dma_start3A_83 = arith.constant 0 : i32
        %dma_start3A_84 = tpu.memref_slice %arg12[%dma_start3A_82, %dma_start3A_83] : memref<10000x64xf32, #tpu.memory_space<vmem_shared>> -> memref<16x64xf32, #tpu.memory_space<vmem_shared>>
        tpu.enqueue_dma source(%dma_start3A_84 : memref<16x64xf32, #tpu.memory_space<vmem_shared>>) target(%dma_start3A_81 : memref<16x64xf32, #tpu.memory_space<hbm>>) target_semaphore(%run_scoped3A_79 : memref<!tpu.dma_semaphore, #tpu.memory_space<semaphore_mem>>)
        %dma_wait3A_85 = arith.constant 9984 : i32
        %dma_wait3A_86 = tpu.memref_slice %arg6[%dma_wait3A_85, %mul3A_78] : memref<10000x128xf32, #tpu.memory_space<hbm>> -> memref<16x64xf32, #tpu.memory_space<hbm>>
        %dma_wait3A_87 = arith.constant 9984 : i32
        %dma_wait3A_88 = arith.constant 0 : i32
        %dma_wait3A_89 = tpu.memref_slice %arg12[%dma_wait3A_87, %dma_wait3A_88] : memref<10000x64xf32, #tpu.memory_space<vmem_shared>> -> memref<16x64xf32, #tpu.memory_space<vmem_shared>>
        tpu.wait_dma2 semaphore(%run_scoped3A_79 : memref<!tpu.dma_semaphore, #tpu.memory_space<semaphore_mem>>) src(%dma_wait3A_89 : memref<16x64xf32, #tpu.memory_space<vmem_shared>>) dst(%dma_wait3A_86 : memref<16x64xf32, #tpu.memory_space<hbm>>)
        tpu.yield
      }) : () -> ()
    } else {
    }
    return
  }
}

</mosaic_0001>

<sc_bundles>
// kernel: kernel.3.cloned.1.call-start
scs
__scs_entry_jumppad:
0x0: {  	(pc) =	sbr.rel $0x88, $3  }
0x1: {  	(tag) =	ssettag $0x0;
	lr =	simm.s32 $0x1  }
0x2: {  	[smem:$0x3F9E] =	sst lr;
	_ =	strace $0xD0000000  }
0x3: {  	_ = 	snop  }
0x4: {  	_ = 	snop  }
0x5: {  	_ = 	snop  }
0x6: {  	_ = 	snop  }
0x7: {  	_ = 	snop  }
__scs_overlays_trampoline_lowered:
0x8: {  	[smem:$0x3FAD] =	sst s0  }
0x9: {  	[smem:$0x3FAE] =	sst s1  }
0xa: {  	[smem:$0x3FAF] =	sst s2  }
0xb: {  	[smem:$0x3FB0] =	sst s3  }
0xc: {  	[smem:$0x3FB1] =	sst s4  }
0xd: {  	[smem:$0x3FB2] =	sst s5  }
0xe: {  	[smem:$0x3FB3] =	sst s6  }
0xf: {  	[smem:$0x3FB4] =	sst s7  }
0x10: {  	[smem:$0x3FB5] =	sst s8  }
0x11: {  	[smem:$0x3FB6] =	sst s9;
	s0 =	simm.s32 @!p0 $0x0  }
0x12: {  	s1 =	sld [smem:$0x3F9C];
	s0 =	simm.s32 @p0 $0x1  }
0x13: {  	[smem:$0x3FB7] =	sst s0;
	s0 =	simm.s32 @!p1 $0x0  }
0x14: {  	s2 =	sld [smem:$0x3F9B];
	s0 =	simm.s32 @p1 $0x1  }
0x15: {  	[smem:$0x3FB8] =	sst s0;
	s0 =	simm.s32 @!p2 $0x0  }
0x16: {  	s3 =	sld [smem:$0x3FDB];
	s0 =	simm.s32 @p2 $0x1  }
0x17: {  	s4 =	simm.s32 $0x1BF5;
	[smem:$0x3FBA] =	sst s0  }
0x18: {  	s0 =	sld [smem:$0x3F9D];
	_ =	swait.ge [sflag:s4], $0x0  }
0x19: {  	s7 =	sld [smem:$0x3F9E]  }
0x1a: {  	s8 =	sadd.s32 $0xFFFFE003, lr  }
0x1b: {  	s9 =	sadd.s32 $0xFFFFFEF7, lr;
	s5 =	simm.s32 $0xFFFFFFFF;
	p2 =	slt.u32 s8, $0xFFFFF086  }
0x1c: {  	p1 =	slt.u32 s9, $0xF7A;
	s5 =	simm.s32 @!p2 $0x0  }
0x1d: {  	s5 =	simm.s32 @p1 $0x1;
	p0 =	seq.s32 s7, s2  }
0x1e: {  	s7 =	smul.u32 @!p0 $0xF7A, s2;
	p2 =	seq.s32 @!p0 s5, $0x0  }
0x1f: {  	s9 =	smul.u32 $0xF7A, s1;
	s8 =	simm.s32 @!p0 $0x1BF5;
	p2 =	por !p2, p0  }
0x20: {  	[sflag:s8] =	ssyncset.s32 @!p0 $0xFFFFF086;
	s6 =	sadd.s32 @!p0 s3, s7;
	s7 =	simm.s32 @!p0 $0x108  }
0x21: {  	s3 =	sadd.s32 s3, s9;
	s6 =	sadd.s32 @!p0 $0x88, s6;
	s7 =	simm.s32 @p2 $0x1082  }
0x22: {  	[simem:s7], [sflag:s8] =	dma.local @!p0 [hbm:s6], $0xF7A  }
0x23: {  	s9 =	sor.u32 $0xD0000000, s2;
	s6 =	simm.s32 $0x108;
	_ =	swait.ge @!p0 [sflag:s8], $0x0  }
0x24: {  	s3 =	sadd.s32 $0x88, s3;
	s6 =	simm.s32 @!p1 $0x1082;
	[sflag:s4] =	ssyncset.s32 $0xFFFFF086  }
0x25: {  	[simem:s6], [sflag:s4] =	dma.local [hbm:s3], $0xF7A  }
0x26: {  	[smem:$0x3F9E] =	sst s1;
	(tag) =	ssettag s2;
	_ =	strace s9  }
0x27: {  	s1 =	sld [smem:$0x3FAE]  }
0x28: {  	s2 =	sld [smem:$0x3FAF]  }
0x29: {  	s4 =	sld [smem:$0x3FB1]  }
0x2a: {  	p0 =	seq.s32 s5, $0x0;
	s5 =	sld [smem:$0x3FB2]  }
0x2b: {  	s6 =	sld [smem:$0x3FB3]  }
0x2c: {  	s7 =	sld [smem:$0x3FB4]  }
0x2d: {  	s3 =	simm.s32 $0x108;
	s8 =	sld [smem:$0x3FB5]  }
0x2e: {  	s3 =	simm.s32 @!p0 $0x1082;
	s9 =	sld [smem:$0x3FB6]  }
0x2f: {  	lr =	sadd.s32 s0, s3;
	s0 =	sld [smem:$0x3FAD]  }
0x30: {  	s3 =	sld [smem:$0x3FB0]  }
0x31: {  	[smem:$0x3FB9] =	sst s10  }
0x32: {  	s10 =	sld [smem:$0x3FB7];
	_ =	sdelay $0x3  }
0x33: {  	p0 =	seq.s32 s10, $0x1;
	s10 =	sld [smem:$0x3FB9];
	_ =	sdelay $0x3  }
0x34: {  	[smem:$0x3FB9] =	sst s10  }
0x35: {  	s10 =	sld [smem:$0x3FB8];
	_ =	sdelay $0x3  }
0x36: {  	p1 =	seq.s32 s10, $0x1;
	s10 =	sld [smem:$0x3FB9];
	_ =	sdelay $0x3  }
0x37: {  	[smem:$0x3FB9] =	sst s10  }
0x38: {  	s10 =	sld [smem:$0x3FBA]  }
0x39: {  	_ = 	snop;
	(pc) =	sbr.ind lr, $3  }
0x3a: {  	_ = 	snop  }
0x3b: {  	_ = 	snop  }
0x3c: {  	p2 =	seq.s32 s10, $0x1;
	s10 =	sld [smem:$0x3FB9]  }
0x3d: {  	_ =	shalt  }
0x3e: {  	_ =	shalt  }
0x3f: {  	_ =	shalt  }
0x40: {  	_ =	shalt  }
0x41: {  	_ =	shalt  }
0x42: {  	_ =	shalt  }
0x43: {  	_ =	shalt  }
0x44: {  	_ =	shalt  }
0x45: {  	_ =	shalt  }
0x46: {  	_ =	shalt  }
0x47: {  	_ =	shalt  }
0x48: {  	_ =	shalt  }
0x49: {  	_ =	shalt  }
0x4a: {  	_ =	shalt  }
0x4b: {  	_ =	shalt  }
0x4c: {  	_ =	shalt  }
0x4d: {  	_ =	shalt  }
0x4e: {  	_ =	shalt  }
0x4f: {  	_ =	shalt  }
0x50: {  	_ =	shalt  }
0x51: {  	_ =	shalt  }
0x52: {  	_ =	shalt  }
0x53: {  	_ =	shalt  }
0x54: {  	_ =	shalt  }
0x55: {  	_ =	shalt  }
0x56: {  	_ =	shalt  }
0x57: {  	_ =	shalt  }
0x58: {  	_ =	shalt  }
0x59: {  	_ =	shalt  }
0x5a: {  	_ =	shalt  }
0x5b: {  	_ =	shalt  }
0x5c: {  	_ =	shalt  }
0x5d: {  	_ =	shalt  }
0x5e: {  	_ =	shalt  }
0x5f: {  	_ =	shalt  }
0x60: {  	_ =	shalt  }
0x61: {  	_ =	shalt  }
0x62: {  	_ =	shalt  }
0x63: {  	_ =	shalt  }
0x64: {  	_ =	shalt  }
0x65: {  	_ =	shalt  }
0x66: {  	_ =	shalt  }
0x67: {  	_ =	shalt  }
0x68: {  	_ =	shalt  }
0x69: {  	_ =	shalt  }
0x6a: {  	_ =	shalt  }
0x6b: {  	_ =	shalt  }
0x6c: {  	_ =	shalt  }
0x6d: {  	_ =	shalt  }
0x6e: {  	_ =	shalt  }
0x6f: {  	_ =	shalt  }
0x70: {  	_ =	shalt  }
0x71: {  	_ =	shalt  }
0x72: {  	_ =	shalt  }
0x73: {  	_ =	shalt  }
0x74: {  	_ =	shalt  }
0x75: {  	_ =	shalt  }
0x76: {  	_ =	shalt  }
0x77: {  	_ =	shalt  }
0x78: {  	_ =	shalt  }
0x79: {  	_ =	shalt  }
0x7a: {  	_ =	shalt  }
0x7b: {  	_ =	shalt  }
0x7c: {  	_ =	shalt  }
0x7d: {  	_ =	shalt  }
0x7e: {  	_ =	shalt  }
0x7f: {  	_ =	shalt  }
0x80: {  	_ =	shalt  }
0x81: {  	_ =	shalt  }
0x82: {  	_ =	shalt  }
0x83: {  	_ =	shalt  }
0x84: {  	_ =	shalt  }
0x85: {  	_ =	shalt  }
0x86: {  	_ =	shalt  }
0x87: {  	_ =	shalt  }
.Lfunc_end0:
.L_simem_size_0:
called_computation_lowered:
.L_overlay_start_0:
0x88: {  	s2 =	sld [smem:$0x3FD9]  }
0x89: {  	s3 =	sld [smem:$0x3FFE];
	_ =	sdelay $0x1  }
0x8a: {  	s1 =	srdreg.scid  }
0x8b: {  	s0 =	sand.u32 $0x1, s1  }
0x8c: {  	s17 =	sshll.u32 s0, $0xA;
	s2 =	sadd.s32 s3, s2  }
0x8d: {  	s2 =	sadd.s32 s2, s17  }
0x8e: {  	[smem:$0x3FC5] =	sst s2  }
0x8f: {  	_ = 	snop  }
0x90: {  	s2 =	sld [smem:$0x3FC9]  }
0x91: {  	s18 =	sld [smem:$0x3FC7]  }
0x92: {  	s4 =	sld [smem:$0x3FD0];
	(tm) =	ssettm $0x1  }
0x93: {  	s5 =	sld [smem:$0x3FFB];
	_ =	sdelay $0x3  }
0x94: {  	_ =	strace s5  }
0x95: {  	s5 =	sld [smem:$0x3FFC];
	_ =	sdelay $0x3  }
0x96: {  	_ =	strace s5  }
0x97: {  	s5 =	sld [smem:$0x3FFD];
	_ =	sdelay $0x3  }
0x98: {  	_ =	strace s5  }
0x99: {  	_ =	strace $0x8FFFFFFF  }
0x9a: {  	s19 =	sld [smem:$0x3FDB];
	_ =	sdelay $0x1  }
0x9b: {  	s6 =	simm.s32 $_scs_section_size  }
0x9c: {  	s7 =	simm.s32 $_size__tile_overlayer_lowered;
	s8 =	simm.s32 $_tile_overlayer_lowered  }
0x9d: {  	s22 =	simm.s32 $0x1BFF;
	s21 =	sshll.u32 s8, $0x1;
	s5 =	sadd.s32 s6, s19  }
0x9e: {  	s9 =	simm.s32 $0x0;
	s20 =	sshll.u32 s7, $0x1;
	s7 =	sadd.s32 s21, s5  }
0x9f: {  	[timem:s9], [sflag:s22] =	dma.local [hbm:s7], s20  }
0xa0: {  	_ =	swait.ge [sflag:s22], s20  }
0xa1: {  	s6 =	ssub.s32 $0x0, s20;
	[sflag:s22] =	ssyncset.done $0x0  }
0xa2: {  	[sflag:s22] =	ssyncadd.s32 s6;
	_ =	sdelay $0x1  }
0xa3: {  	s23 =	simm.s32 $0x1B8B  }
0xa4: {  	_ =	swait.ge [sflag:s23], $0x1  }
0xa5: {  	[sflag:s23] =	ssyncset.done $0x0  }
0xa6: {  	s25 =	simm.s32 $0x1B8E;
	s24 =	sld [smem:$0x3FFE];
	[sflag:s23] =	ssyncadd.s32 $0xFFFFFFFF  }
0xa7: {  	s26 =	simm.s32 $execute0_lowered;
	[smem:$0x3FD2] =	sst s25  }
0xa8: {  	s7 =	sshll.u32 s26, $0x1;
	_ =	strace $0x80000046;
	[dreg:$0x1] =	wrdreg $0xFFFFFFFF  }
0xa9: {  	s28 =	simm.s32 $_size_execute0_lowered;
	s5 =	sadd.s32 s5, s7;
	[dreg:$0x0] =	wrdreg $0x0  }
0xaa: {  	s7 =	sshll.u32 s28, $0x1;
	[dreg:$0x2] =	wrdreg s5  }
0xab: {  	[dreg:$0x3] =	wrdreg s7  }
0xac: {  	[dreg:$0x4] =	wrdreg $0xC0  }
0xad: {  	_ =	task [dreg:s9], $0x5FFFF  }
0xae: {  	[dreg:$0x1] =	wrdreg $0xFFFFFFFF  }
0xaf: {  	[dreg:$0x0] =	wrdreg $0x60  }
0xb0: {  	[dreg:$0x2] =	wrdreg s2  }
0xb1: {  	[dreg:$0x3] =	wrdreg s24  }
0xb2: {  	[dreg:$0x4] =	wrdreg s18  }
0xb3: {  	[dreg:$0x5] =	wrdreg s4  }
0xb4: {  	[dreg:$0x6] =	wrdreg $0x13A600  }
0xb5: {  	[dreg:$0x7] =	wrdreg $0x9  }
0xb6: {  	_ =	task.clear_ibuf [dreg:s9], $0x8FFFF;
	_ =	strace $0x90000046  }
0xb7: {  	s29 =	simm.s32 $0x9;
	_ =	strace $0x80000048  }
0xb8: {  	_ =	swait.ge [sflag:s29], $0x1  }
0xb9: {  	[sflag:s29] =	ssyncadd.s32 $0xFFFFFFFF  }
0xba: {  	_ =	strace $0x90000048  }
0xbb: {  	_ =	sfence  }
0xbc: {  	s30 =	sld [smem:$0x0];
	_ =	sdelay $0x2  }
0xbd: {  	s31 =	sshll.u32 s1, $0xD;
	s1 =	sshrl.u32 s1, $0x2  }
0xbe: {  	s3 =	sand.u32 $0x4000, s31;
	s1 =	sadd.s32 s1, s30  }
0xbf: {  	s0 =	sor.u32 s3, s0;
	s1 =	sshll.u32 s1, $0x11  }
0xc0: {  	s0 =	sor.u32 s1, s0  }
0xc1: {  	s0 =	sadd.s32 $0x8F2B, s0  }
0xc2: {  	[sflag:s0] =	ssyncadd.remote.s32 $0x1  }
0xc3: {  	_ =	sfence.sel $0xFFFF  }
0xc4: {  	[dreg:$0x0] =	wrdreg $0xFFFFFFFF;
	(pc) =	sbr.abs _section_cstart, $3  }
0xc5: {  	[dreg:$0x1] =	wrdreg $0xFFFFFFFF  }
0xc6: {  	_ =	task.clear_ibuf [dreg:s9], $0x2FFFF;
	_ =	strace $0x9FFFFFFF  }
0xc7: {  	(tm) =	ssettm $0x7FFFFFFF  }
tec
execute0_lowered:
.L_overlay_start_1:
0x0: {  	(tag) =	ssettag $0x1  }
0x1: {  	s1 =	rddreg [dreg:$0x0]  }
0x2: {  	s0 =	rddreg [dreg:$0x1]  }
0x3: {  	s4 =	rddreg [dreg:$0x2]  }
0x4: {  	s5 =	rddreg [dreg:$0x3]  }
0x5: {  	s2 =	rddreg [dreg:$0x4]  }
0x6: {  	s6 =	stileid.u32;
	s3 =	simm.s32 $0x0;
	s8 =	srdreg.scid  }
0x7: {  	s18 =	simm.s32 $0x50;
	s19 =	simm.s32 $0xEA60;
	s7 =	smul.u32 $0x4E20, s6  }
0x8: {  	s20 =	simm.s32 $0xFE60;
	s30 =	simm.s32 $0x0;
	s9 =	smul.u32 $0x9C00, s6  }
0x9: {  	[smem:$0x7FF] =	sst s3;
	s13 =	sand.u32 $0x1, s8;
	s23 =	smul.u32 $0x13800, s6  }
0xa: {  	s14 =	sadd.s32 $0x9C000, s2;
	p0 =	sne.s32 s6, $0x0;
	s31 =	sshll.u32 s6, $0x6  }
0xb: {  	_ =	strace $0x80000047;
	s8 =	ssub.s32 $0x2, s13;
	s25 =	sshll.u32 s13, $0x6  }
0xc: {  	s26 =	sshll.u32 s13, $0x3;
	s15 =	sor.u32 $0x1C05, s31;
	s17 =	sshrl.u32 @!p0 s14, $0x3  }
0xd: {  	s7 =	sshrl.u32 s7, $0x3;
	s10 =	sshrl.u32 s9, $0x3;
	s11 =	sshrl.u32 s8, $0x1  }
0xe: {  	s24 =	sadd.s32 s9, s2;
	s29 =	sadd.s32 s26, s5;
	s26 =	simm.s32 $0x3  }
0xf: {  	s12 =	sadd.s32 s7, s0;
	s10 =	sadd.s32 s10, s0;
	s11 =	ssub.s32 s8, s11  }
0x10: {  	s4 =	sadd.s32 s4, s7;
	s8 =	sor.u32 s25, s23;
	s16 =	sshrl.u32 s24, $0x3  }
0x11: {  	v1 =	vimm.s32 $0x0;
	v2 =	vimm.s32 $0x1;
	s23 =	simm.s32 $0x2;
	s24 =	simm.s32 $0x4;
	s25 =	simm.s32 $0x12660  }
.Ltmp0:
0x12: {  	v3 =	vimm.s32 $0x2;
	v4 =	vimm.s32 $0x3;
	v5 =	vimm.s32 $0x4;
	s21 =	sadd.s32 $0xA040, s12;
	s22 =	sadd.s32 $0x400, s12;
	(pc) =	sbr.rel .LBB2_1-.Ltmp0, $4  }
0x13: {  	v6 =	vimm.s32 $0x5;
	v7 =	vimm.s32 $0x6;
	v8 =	vimm.s32 $0x7;
	[dreg:$0x8] =	wrdreg s4;
	s7 =	sadd.s32 $0x13E00, s10;
	s28 =	sshrl.u32 s8, $0x3  }
0x14: {  	v9 =	vimm.s32 $0x8;
	v10 =	vimm.s32 $0x9;
	v11 =	vimm.s32 $0xA;
	s8 =	sadd.s32 $0x27600, s0;
	s10 =	sadd.s32 $0x27000, s29;
	[dreg:$0x6] =	wrdreg s21  }
0x15: {  	v12 =	vimm.s32 $0xB;
	v13 =	vimm.s32 $0xC;
	v14 =	vimm.s32 $0xD;
	s11 =	smax.u32 s11, $0x1;
	s12 =	simm.s32 $0x5;
	[dreg:$0x7] =	wrdreg s22  }
0x16: {  	v15 =	vimm.s32 $0xE;
	v16 =	vimm.s32 $0xF;
	v0 =	vmov s13;
	s9 =	sadd.s32 s5, s28;
	s21 =	simm.s32 $0x1;
	s22 =	simm.s32 $0x11260  }
.LBB2_14:
0x17: {  	_ =	swait.ge [sflag:s26], $0x1400  }
0x18: {  	[sflag:s26] =	ssyncset.done $0x0  }
0x19: {  	[sflag:s26] =	ssyncadd.s32 $0xFFFFEC00  }
0x1a: {  	_ =	swait.ge [sflag:s24], $0x1400  }
0x1b: {  	[sflag:s24] =	ssyncset.done $0x0  }
0x1c: {  	[sflag:s24] =	ssyncadd.s32 $0xFFFFEC00  }
0x1d: {  	s0 =	simm.s32 $0x10;
	s4 =	simm.s32 $0x8;
	[bflag:$0x0] =	sbarrier.arrive $0xFFFF  }
0x1e: {  	[hbm:s9@s0], [sflag:s15] =	dma.strided [spmem:s16@s4], $0x1380, s21, $0x8   }
0x1f: {  	s30 =	sadd.s32 $0x1, s30;
	_ =	swait.ge [sflag:s12], $0x1380  }
0x20: {  	s5 =	simm.s32 @!p0 $0x8;
	p1 =	sne.s32 s30, s11;
	[sflag:s12] =	ssyncset.done $0x0  }
0x21: {  	s0 =	simm.s32 @!p0 $0x1;
	s4 =	simm.s32 @!p0 $0x10;
	[sflag:s12] =	ssyncadd.s32 $0xFFFFEC80  }
0x22: {  	[hbm:s10@s4], [sflag:s15] =	dma.strided @!p0 [spmem:s17@s5], $0x80, s0, $0x8   }
.Ltmp1:
0x23: {  	_ = 	snop;
	(pc) =	sbr.rel @!p1 .LBB2_15-.Ltmp1, $4  }
0x24: {  	s0 =	simm.s32 @!p0 $0x5  }
0x25: {  	_ =	swait.ge @!p0 [sflag:s0], $0x80  }
0x26: {  	[sflag:s0] =	ssyncset.done @!p0 $0x0  }
0x27: {  	[sflag:s0] =	ssyncadd.s32 @!p0 $0xFFFFFF80  }
.LBB2_1:
0x28: {  	s0 =	rddreg [dreg:$0x6]  }
0x29: {  	[tilespmem:s3], [sflag:$0x5] =	stream.linear.gather [hbm4b:s0+s3], $0x4E20, $0x38;
	[tilespmem:$0x1D6A0] =	vst v63  }
0x2a: {  	_ =	swait.ge [sflag:s12], $0x4E20  }
0x2b: {  	[sflag:s12] =	ssyncset.done $0x0  }
0x2c: {  	s4 =	simm.s32 $0x4E20;
	s28 =	rddreg [dreg:$0x7];
	[sflag:s12] =	ssyncadd.s32 $0xFFFFB1E0  }
0x2d: {  	[tilespmem:s4], [sflag:$0x5] =	stream.linear.gather [hbm4b:s28+s3], $0x4E20, $0x38;
	[tilespmem:$0x1D6A0] =	vst v63  }
0x2e: {  	_ =	swait.ge [sflag:s12], $0x4E20  }
0x2f: {  	[sflag:s12] =	ssyncset.done $0x0  }
0x30: {  	s31 =	simm.s32 $0x9C40;
	s29 =	rddreg [dreg:$0x8];
	[sflag:s12] =	ssyncadd.s32 $0xFFFFB1E0  }
0x31: {  	[tilespmem:s31], [sflag:$0x5] =	stream.linear.gather [hbm4b:s29+s3], $0x4E20, $0x38;
	[tilespmem:$0x1D6A0] =	vst v63  }
0x32: {  	_ =	swait.ge [sflag:s12], $0x4E20  }
0x33: {  	[sflag:s12] =	ssyncset.done $0x0  }
0x34: {  	[sflag:s12] =	ssyncadd.s32 $0xFFFFB1E0  }
0x35: {  	[spmem:s16], [sflag:s15] =	dma.local [hbm:s7], $0x1380  }
0x36: {  	_ =	swait.ge [sflag:s12], $0x1380  }
0x37: {  	[sflag:s12] =	ssyncset.done $0x0  }
0x38: {  	s0 =	simm.s32 @!p0 $0x5;
	[sflag:s12] =	ssyncadd.s32 $0xFFFFEC80  }
0x39: {  	[spmem:s17], [sflag:s15] =	dma.local @!p0 [hbm:s8], $0x80  }
0x3a: {  	_ =	swait.ge @!p0 [sflag:s0], $0x80  }
0x3b: {  	[sflag:s0] =	ssyncset.done @!p0 $0x0  }
0x3c: {  	[sflag:s0] =	ssyncadd.s32 @!p0 $0xFFFFFF80;
	s0 =	simm.s32 $0x0  }
0x3d: {  	v19 =	vld [tilespmem:s0+$0x0]  }
0x3e: {  	v20 =	vld [tilespmem:s0+$0x10]  }
0x3f: {  	v18 =	vld [tilespmem:s0+$0x20]  }
0x40: {  	s4 =	simm.s32 $0x140;
	v17 =	vld [tilespmem:s0+$0x30]  }
.LBB2_2:
0x41: {  	p1 =	sne.s32 s4, $0x13740;
	v21 =	vld [tilespmem:s0+$0x40]  }
0x42: {  	v19 =	vshll.u32 v19, $0x1  }
0x43: {  	v19 =	vor.u32 v0, v19;
	v20 =	vshll.u32 v20, $0x1  }
.Ltmp2:
0x44: {  	s5 =	sshra.s32 s4, $0x2;
	[tilespmem:s0+$0x0] =	vst v19;
	v20 =	vor.u32 v0, v20;
	v18 =	vshll.u32 v18, $0x1;
	(pc) =	sbr.rel @p1 .LBB2_2-.Ltmp2, $4  }
0x45: {  	v19 =	vld [tilespmem:s5+$0x0];
	[tilespmem:s0+$0x10] =	vst v20;
	v18 =	vor.u32 v0, v18;
	v17 =	vshll.u32 v17, $0x1  }
0x46: {  	v20 =	vld [tilespmem:s5+$0x10];
	[tilespmem:s0+$0x20] =	vst v18;
	v17 =	vor.u32 v0, v17;
	v21 =	vshll.u32 v21, $0x1  }
0x47: {  	v18 =	vld [tilespmem:s5+$0x20];
	[tilespmem:s0+$0x30] =	vst v17;
	v21 =	vor.u32 v0, v21  }
0x48: {  	s4 =	sadd.s32 $0x140, s4;
	v17 =	vld [tilespmem:s5+$0x30];
	[tilespmem:s0+$0x40] =	vst v21;
	s0 =	smov.u32 s5  }
0x49: {  	v21 =	vld [tilespmem:s0+$0x40]  }
0x4a: {  	v19 =	vshll.u32 v19, $0x1  }
0x4b: {  	v19 =	vor.u32 v0, v19;
	v20 =	vshll.u32 v20, $0x1  }
0x4c: {  	[tilespmem:s0+$0x0] =	vst v19;
	v19 =	vor.u32 v0, v20;
	v18 =	vshll.u32 v18, $0x1  }
0x4d: {  	[tilespmem:s0+$0x10] =	vst v19;
	v18 =	vor.u32 v0, v18;
	v17 =	vshll.u32 v17, $0x1  }
0x4e: {  	[tilespmem:s0+$0x20] =	vst v18;
	v17 =	vor.u32 v0, v17;
	v18 =	vshll.u32 v21, $0x1  }
0x4f: {  	[tilespmem:s0+$0x30] =	vst v17;
	v17 =	vor.u32 v0, v18  }
0x50: {  	[tilespmem:s0+$0x40] =	vst v17  }
0x51: {  	s31 =	simm.s32 $0x0;
	[bflag:$0x0] =	sbarrier.arrive $0xFFFF  }
0x52: {  	[tilespmem:s19], [sflag:$0x1] =	stream.indirect.gather [hbm4b:s1+s18], $0x40, s31, s18, $0xb8;
	[tilespmem:$0x1D6A0] =	vst v63  }
0x53: {  	s5 =	simm.s32 $0x9C90;
	s0 =	simm.s32 $0x9C40  }
0x54: {  	[tilespmem:s20], [sflag:$0x2] =	stream.indirect.gather [hbm4b:s1+s18], $0x40, s18, s18, $0xb8;
	[tilespmem:$0x1D6A0] =	vst v63  }
.LBB2_4:
0x55: {  	_ =	swait.ge [sflag:s21], $0x1400  }
0x56: {  	p1 =	seq.s32 s31, $0x0;
	[sflag:s21] =	ssyncset.done $0x0  }
0x57: {  	s4 =	simm.s32 @!p1 $0x3;
	[sflag:s21] =	ssyncadd.s32 $0xFFFFEC00  }
0x58: {  	_ =	swait.ge @!p1 [sflag:s4], $0x1400  }
0x59: {  	[sflag:s4] =	ssyncset.done @!p1 $0x0  }
0x5a: {  	s29 =	simm.s32 $0x3F0;
	[sflag:s4] =	ssyncadd.s32 @!p1 $0xFFFFEC00  }
0x5b: {  	v40 =	vld [tilespmem:s29+$0xE670]  }
0x5c: {  	v42 =	vld [tilespmem:s29+$0xE680]  }
0x5d: {  	v41 =	vld [tilespmem:s29+$0xE690]  }
0x5e: {  	v39 =	vld [tilespmem:s29+$0xE6A0]  }
0x5f: {  	v37 =	vld [tilespmem:s29+$0xE6B0]  }
0x60: {  	v38 =	vld [tilespmem:s29+$0xE6C0]  }
0x61: {  	v36 =	vld [tilespmem:s29+$0xE6D0]  }
0x62: {  	v35 =	vld [tilespmem:s29+$0xE6E0]  }
0x63: {  	v33 =	vld [tilespmem:s29+$0xE6F0]  }
0x64: {  	v34 =	vld [tilespmem:s29+$0xE700]  }
0x65: {  	v32 =	vld [tilespmem:s29+$0xE710]  }
0x66: {  	v31 =	vld [tilespmem:s29+$0xE720]  }
0x67: {  	v29 =	vld [tilespmem:s29+$0xE730]  }
0x68: {  	v30 =	vld [tilespmem:s29+$0xE740]  }
0x69: {  	v27 =	vld [tilespmem:s29+$0xE750]  }
0x6a: {  	v28 =	vld [tilespmem:s29+$0xE760]  }
0x6b: {  	v25 =	vld [tilespmem:s29+$0xE770]  }
0x6c: {  	v26 =	vld [tilespmem:s29+$0xE780]  }
0x6d: {  	v24 =	vld [tilespmem:s29+$0xE790]  }
0x6e: {  	v23 =	vld [tilespmem:s29+$0xE7A0]  }
0x6f: {  	v21 =	vld [tilespmem:s29+$0xE7B0]  }
0x70: {  	v22 =	vld [tilespmem:s29+$0xE7C0]  }
0x71: {  	v20 =	vld [tilespmem:s29+$0xE7D0]  }
0x72: {  	v19 =	vld [tilespmem:s29+$0xE7E0]  }
0x73: {  	v18 =	vld [tilespmem:s29+$0xE7F0]  }
0x74: {  	s28 =	smul.u32 $0x280, s31;
	s14 =	simm.s32 $0x1FC0;
	s4 =	smov.u32 s0;
	v17 =	vld [tilespmem:s0+$0x0]  }
.LBB2_5:
0x75: {  	p2 =	sne.s32 s14, $0x4FC0;
	v43 =	vld [tilespmem:s29+$0xE800]  }
0x76: {  	v44 =	vld [tilespmem:s29+$0xE810]  }
0x77: {  	v45 =	vld [tilespmem:s29+$0xE820]  }
0x78: {  	v46 =	vld [tilespmem:s29+$0xE830]  }
0x79: {  	v47 =	vperm.xlane v17, v1;
	v48 =	vperm.xlane v17, v2;
	v49 =	vld [tilespmem:s29+$0xE840]  }
0x7a: {  	v50 =	vperm.xlane v17, v3;
	v51 =	vperm.xlane v17, v4;
	v52 =	vld [tilespmem:s29+$0xE850]  }
0x7b: {  	v53 =	vld [tilespmem:s29+$0xE860];
	v40 =	vmul.f32 v40, v47;
	v42 =	vmul.f32 v42, v47  }
0x7c: {  	v41 =	vmul.f32 v41, v47;
	v39 =	vmul.f32 v39, v47;
	v47 =	vld [tilespmem:s29+$0xE870]  }
0x7d: {  	v37 =	vmul.f32 v37, v48;
	v38 =	vmul.f32 v38, v48;
	[tilespmem:s29+$0x10E70] =	vst v40;
	v40 =	vld [tilespmem:s29+$0xE880]  }
0x7e: {  	v36 =	vmul.f32 v36, v48;
	v35 =	vmul.f32 v35, v48;
	[tilespmem:s29+$0x10E80] =	vst v42;
	v42 =	vld [tilespmem:s29+$0xE890]  }
0x7f: {  	v33 =	vmul.f32 v33, v50;
	v34 =	vmul.f32 v34, v50;
	[tilespmem:s29+$0x10E90] =	vst v41;
	v41 =	vld [tilespmem:s29+$0xE8A0]  }
0x80: {  	v32 =	vmul.f32 v32, v50;
	v31 =	vmul.f32 v31, v50;
	[tilespmem:s29+$0x10EA0] =	vst v39;
	v39 =	vld [tilespmem:s29+$0xE8B0]  }
0x81: {  	v29 =	vmul.f32 v29, v51;
	v30 =	vmul.f32 v30, v51;
	[tilespmem:s29+$0x10EB0] =	vst v37;
	v37 =	vld [tilespmem:s29+$0xE8C0]  }
0x82: {  	v27 =	vmul.f32 v27, v51;
	v28 =	vmul.f32 v28, v51;
	[tilespmem:s29+$0x10EC0] =	vst v38;
	v38 =	vld [tilespmem:s29+$0xE8D0]  }
0x83: {  	v48 =	vperm.xlane v17, v5;
	v50 =	vperm.xlane v17, v6;
	[tilespmem:s29+$0x10ED0] =	vst v36;
	v36 =	vld [tilespmem:s29+$0xE8E0]  }
0x84: {  	v54 =	vperm.xlane v17, v8;
	v51 =	vperm.xlane v17, v7;
	[tilespmem:s29+$0x10EE0] =	vst v35;
	v35 =	vld [tilespmem:s29+$0xE8F0]  }
0x85: {  	v25 =	vmul.f32 v25, v48;
	v26 =	vmul.f32 v26, v48;
	[tilespmem:s29+$0x10EF0] =	vst v33;
	v33 =	vld [tilespmem:s29+$0xE900]  }
0x86: {  	v24 =	vmul.f32 v24, v48;
	v23 =	vmul.f32 v23, v48;
	[tilespmem:s29+$0x10F00] =	vst v34;
	v34 =	vld [tilespmem:s29+$0xE910]  }
0x87: {  	v21 =	vmul.f32 v21, v50;
	v22 =	vmul.f32 v22, v50;
	[tilespmem:s29+$0x10F10] =	vst v32;
	v32 =	vld [tilespmem:s29+$0xE920]  }
0x88: {  	v20 =	vmul.f32 v20, v50;
	v19 =	vmul.f32 v19, v50;
	[tilespmem:s29+$0x10F20] =	vst v31;
	v31 =	vld [tilespmem:s29+$0xE930]  }
0x89: {  	v18 =	vmul.f32 v18, v51;
	[tilespmem:s29+$0x10F30] =	vst v29;
	v29 =	vmul.f32 v43, v51;
	v43 =	vld [tilespmem:s29+$0xE940]  }
0x8a: {  	[tilespmem:s29+$0x10F40] =	vst v30;
	v30 =	vmul.f32 v44, v51;
	v44 =	vmul.f32 v45, v51;
	v45 =	vld [tilespmem:s29+$0xE950]  }
0x8b: {  	[tilespmem:s29+$0x10F50] =	vst v27;
	v27 =	vmul.f32 v46, v54;
	v46 =	vmul.f32 v49, v54;
	v48 =	vld [tilespmem:s29+$0xE960]  }
0x8c: {  	v49 =	vmul.f32 v53, v54;
	[tilespmem:s29+$0x10F60] =	vst v28;
	v28 =	vmul.f32 v52, v54;
	v50 =	vld [tilespmem:s29+$0xE970]  }
0x8d: {  	v51 =	vperm.xlane v17, v10;
	[tilespmem:s29+$0x10F70] =	vst v25;
	v25 =	vperm.xlane v17, v9;
	v52 =	vld [tilespmem:s29+$0xE980]  }
0x8e: {  	v53 =	vperm.xlane v17, v12;
	[tilespmem:s29+$0x10F80] =	vst v26;
	v26 =	vperm.xlane v17, v11;
	v54 =	vld [tilespmem:s29+$0xE990]  }
0x8f: {  	[tilespmem:s29+$0x10F90] =	vst v24;
	v24 =	vld [tilespmem:s29+$0xE9A0];
	v47 =	vmul.f32 v47, v25;
	v40 =	vmul.f32 v40, v25  }
0x90: {  	v42 =	vmul.f32 v42, v25;
	v25 =	vmul.f32 v41, v25;
	[tilespmem:s29+$0x10FA0] =	vst v23;
	v23 =	vld [tilespmem:s29+$0xE9B0]  }
0x91: {  	v39 =	vmul.f32 v39, v51;
	v37 =	vmul.f32 v37, v51;
	[tilespmem:s29+$0x10FB0] =	vst v21;
	v21 =	vld [tilespmem:s29+$0xE9C0]  }
0x92: {  	v38 =	vmul.f32 v38, v51;
	v36 =	vmul.f32 v36, v51;
	[tilespmem:s29+$0x10FC0] =	vst v22;
	v22 =	vld [tilespmem:s29+$0xE9D0]  }
0x93: {  	v35 =	vmul.f32 v35, v26;
	v33 =	vmul.f32 v33, v26;
	[tilespmem:s29+$0x10FD0] =	vst v20;
	v20 =	vld [tilespmem:s29+$0xE9E0]  }
0x94: {  	v34 =	vmul.f32 v34, v26;
	v26 =	vmul.f32 v32, v26;
	[tilespmem:s29+$0x10FE0] =	vst v19;
	v19 =	vld [tilespmem:s29+$0xE9F0]  }
0x95: {  	v31 =	vmul.f32 v31, v53;
	v32 =	vmul.f32 v43, v53;
	[tilespmem:s29+$0x10FF0] =	vst v18;
	v18 =	vld [tilespmem:s29+$0xEA00]  }
0x96: {  	v43 =	vmul.f32 v45, v53;
	v45 =	vmul.f32 v48, v53;
	[tilespmem:s29+$0x11000] =	vst v29;
	v29 =	vld [tilespmem:s29+$0xEA10]  }
0x97: {  	v41 =	vperm.xlane v17, v14;
	[tilespmem:s29+$0x11010] =	vst v30;
	v30 =	vperm.xlane v17, v13;
	v48 =	vld [tilespmem:s29+$0xEA20]  }
0x98: {  	[tilespmem:s29+$0x11020] =	vst v44;
	v44 =	vperm.xlane v17, v15;
	v17 =	vperm.xlane v17, v16;
	v51 =	vld [tilespmem:s29+$0xEA30]  }
0x99: {  	[tilespmem:s29+$0x11030] =	vst v27;
	v27 =	vld [tilespmem:s29+$0xEA40];
	v50 =	vmul.f32 v50, v30;
	v52 =	vmul.f32 v52, v30  }
0x9a: {  	v53 =	vmul.f32 v54, v30;
	v24 =	vmul.f32 v24, v30;
	[tilespmem:s29+$0x11040] =	vst v46;
	v46 =	vld [tilespmem:s29+$0xEA50]  }
0x9b: {  	v23 =	vmul.f32 v23, v41;
	v21 =	vmul.f32 v21, v41;
	[tilespmem:s29+$0x11050] =	vst v28;
	v28 =	vld [tilespmem:s29+$0xEA60]  }
0x9c: {  	v22 =	vmul.f32 v22, v41;
	v20 =	vmul.f32 v20, v41;
	[tilespmem:s29+$0x11060] =	vst v49  }
0x9d: {  	v19 =	vmul.f32 v19, v44;
	v18 =	vmul.f32 v18, v44;
	[tilespmem:s29+$0x11070] =	vst v47  }
0x9e: {  	v47 =	vmul.f32 v29, v44;
	v44 =	vmul.f32 v48, v44;
	[tilespmem:s29+$0x11080] =	vst v40  }
0x9f: {  	v48 =	vmul.f32 v51, v17;
	v49 =	vmul.f32 v27, v17;
	[tilespmem:s29+$0x11090] =	vst v42  }
0xa0: {  	v46 =	vmul.f32 v46, v17;
	[tilespmem:s29+$0x110A0] =	vst v25;
	v17 =	vmul.f32 v28, v17  }
0xa1: {  	[tilespmem:s29+$0x110B0] =	vst v39  }
0xa2: {  	[tilespmem:s29+$0x110C0] =	vst v37  }
0xa3: {  	s13 =	sshra.s32 s14, $0x2;
	[tilespmem:s29+$0x110D0] =	vst v38  }
0xa4: {  	v40 =	vld [tilespmem:s13+$0xE670];
	[tilespmem:s29+$0x110E0] =	vst v36  }
0xa5: {  	v42 =	vld [tilespmem:s13+$0xE680];
	[tilespmem:s29+$0x110F0] =	vst v35  }
0xa6: {  	v41 =	vld [tilespmem:s13+$0xE690];
	[tilespmem:s29+$0x11100] =	vst v33  }
0xa7: {  	v39 =	vld [tilespmem:s13+$0xE6A0];
	[tilespmem:s29+$0x11110] =	vst v34  }
0xa8: {  	v37 =	vld [tilespmem:s13+$0xE6B0];
	[tilespmem:s29+$0x11120] =	vst v26  }
0xa9: {  	v38 =	vld [tilespmem:s13+$0xE6C0];
	[tilespmem:s29+$0x11130] =	vst v31  }
0xaa: {  	v36 =	vld [tilespmem:s13+$0xE6D0];
	[tilespmem:s29+$0x11140] =	vst v32  }
0xab: {  	v35 =	vld [tilespmem:s13+$0xE6E0];
	[tilespmem:s29+$0x11150] =	vst v43  }
0xac: {  	v33 =	vld [tilespmem:s13+$0xE6F0];
	[tilespmem:s29+$0x11160] =	vst v45  }
0xad: {  	v34 =	vld [tilespmem:s13+$0xE700];
	[tilespmem:s29+$0x11170] =	vst v50  }
0xae: {  	v32 =	vld [tilespmem:s13+$0xE710];
	[tilespmem:s29+$0x11180] =	vst v52  }
0xaf: {  	v31 =	vld [tilespmem:s13+$0xE720];
	[tilespmem:s29+$0x11190] =	vst v53  }
0xb0: {  	v29 =	vld [tilespmem:s13+$0xE730];
	[tilespmem:s29+$0x111A0] =	vst v24  }
0xb1: {  	v30 =	vld [tilespmem:s13+$0xE740];
	[tilespmem:s29+$0x111B0] =	vst v23  }
0xb2: {  	v27 =	vld [tilespmem:s13+$0xE750];
	[tilespmem:s29+$0x111C0] =	vst v21  }
0xb3: {  	v28 =	vld [tilespmem:s13+$0xE760];
	[tilespmem:s29+$0x111D0] =	vst v22  }
0xb4: {  	v25 =	vld [tilespmem:s13+$0xE770];
	[tilespmem:s29+$0x111E0] =	vst v20  }
0xb5: {  	v26 =	vld [tilespmem:s13+$0xE780];
	[tilespmem:s29+$0x111F0] =	vst v19  }
0xb6: {  	v24 =	vld [tilespmem:s13+$0xE790];
	[tilespmem:s29+$0x11200] =	vst v18  }
0xb7: {  	v23 =	vld [tilespmem:s13+$0xE7A0];
	[tilespmem:s29+$0x11210] =	vst v47  }
0xb8: {  	v21 =	vld [tilespmem:s13+$0xE7B0];
	[tilespmem:s29+$0x11220] =	vst v44  }
.Ltmp3:
0xb9: {  	v22 =	vld [tilespmem:s13+$0xE7C0];
	[tilespmem:s29+$0x11230] =	vst v48;
	(pc) =	sbr.rel @p2 .LBB2_5-.Ltmp3, $4  }
0xba: {  	v20 =	vld [tilespmem:s13+$0xE7D0];
	[tilespmem:s29+$0x11240] =	vst v49  }
0xbb: {  	v19 =	vld [tilespmem:s13+$0xE7E0];
	[tilespmem:s29+$0x11250] =	vst v46  }
0xbc: {  	s4 =	sadd.s32 $0x10, s4;
	v18 =	vld [tilespmem:s13+$0xE7F0];
	[tilespmem:s29+$0x11260] =	vst v17;
	s29 =	smov.u32 s13  }
0xbd: {  	s14 =	sadd.s32 $0x1000, s14;
	v17 =	vld [tilespmem:s4+$0x0]  }
0xbe: {  	_ =	sdelay $0x3  }
0xbf: {  	v47 =	vperm.xlane v17, v1;
	_ =	sdelay $0x1  }
0xc0: {  	v40 =	vmul.f32 v40, v47  }
0xc1: {  	v42 =	vmul.f32 v42, v47  }
0xc2: {  	v52 =	vperm.xlane v17, v2;
	v41 =	vmul.f32 v41, v47;
	[tilespmem:s29+$0x10E70] =	vst v40  }
0xc3: {  	v39 =	vmul.f32 v39, v47;
	[tilespmem:s29+$0x10E80] =	vst v42  }
0xc4: {  	v37 =	vmul.f32 v37, v52;
	[tilespmem:s29+$0x10E90] =	vst v41  }
0xc5: {  	v38 =	vmul.f32 v38, v52;
	[tilespmem:s29+$0x10EA0] =	vst v39  }
0xc6: {  	v63 =	vperm.xlane v17, v3;
	v36 =	vmul.f32 v36, v52;
	[tilespmem:s29+$0x10EB0] =	vst v37  }
0xc7: {  	v35 =	vmul.f32 v35, v52;
	[tilespmem:s29+$0x10EC0] =	vst v38  }
0xc8: {  	v33 =	vmul.f32 v33, v63;
	[tilespmem:s29+$0x10ED0] =	vst v36  }
0xc9: {  	v34 =	vmul.f32 v34, v63;
	[tilespmem:s29+$0x10EE0] =	vst v35  }
0xca: {  	v56 =	vperm.xlane v17, v4;
	v32 =	vmul.f32 v32, v63;
	[tilespmem:s29+$0x10EF0] =	vst v33  }
0xcb: {  	v31 =	vmul.f32 v31, v63;
	[tilespmem:s29+$0x10F00] =	vst v34  }
0xcc: {  	v29 =	vmul.f32 v29, v56;
	[tilespmem:s29+$0x10F10] =	vst v32  }
0xcd: {  	v30 =	vmul.f32 v30, v56;
	[tilespmem:s29+$0x10F20] =	vst v31  }
0xce: {  	v57 =	vperm.xlane v17, v5;
	v27 =	vmul.f32 v27, v56;
	[tilespmem:s29+$0x10F30] =	vst v29  }
0xcf: {  	v28 =	vmul.f32 v28, v56;
	[tilespmem:s29+$0x10F40] =	vst v30  }
0xd0: {  	v25 =	vmul.f32 v25, v57;
	[tilespmem:s29+$0x10F50] =	vst v27  }
0xd1: {  	v26 =	vmul.f32 v26, v57;
	[tilespmem:s29+$0x10F60] =	vst v28  }
0xd2: {  	v58 =	vperm.xlane v17, v6;
	v24 =	vmul.f32 v24, v57;
	[tilespmem:s29+$0x10F70] =	vst v25  }
0xd3: {  	v23 =	vmul.f32 v23, v57;
	[tilespmem:s29+$0x10F80] =	vst v26  }
0xd4: {  	v43 =	vld [tilespmem:s29+$0xE800];
	v21 =	vmul.f32 v21, v58;
	[tilespmem:s29+$0x10F90] =	vst v24  }
0xd5: {  	v44 =	vld [tilespmem:s29+$0xE810];
	v22 =	vmul.f32 v22, v58;
	[tilespmem:s29+$0x10FA0] =	vst v23  }
0xd6: {  	v45 =	vld [tilespmem:s29+$0xE820];
	v59 =	vperm.xlane v17, v7;
	v20 =	vmul.f32 v20, v58;
	[tilespmem:s29+$0x10FB0] =	vst v21  }
0xd7: {  	v46 =	vld [tilespmem:s29+$0xE830];
	v19 =	vmul.f32 v19, v58;
	[tilespmem:s29+$0x10FC0] =	vst v22  }
0xd8: {  	v48 =	vld [tilespmem:s29+$0xE840];
	v18 =	vmul.f32 v18, v59;
	[tilespmem:s29+$0x10FD0] =	vst v20  }
0xd9: {  	v49 =	vld [tilespmem:s29+$0xE850];
	v43 =	vmul.f32 v43, v59;
	[tilespmem:s29+$0x10FE0] =	vst v19  }
0xda: {  	v50 =	vld [tilespmem:s29+$0xE860];
	v60 =	vperm.xlane v17, v8;
	v44 =	vmul.f32 v44, v59;
	[tilespmem:s29+$0x10FF0] =	vst v18  }
0xdb: {  	v51 =	vld [tilespmem:s29+$0xE870];
	v45 =	vmul.f32 v45, v59;
	[tilespmem:s29+$0x11000] =	vst v43  }
0xdc: {  	v46 =	vmul.f32 v46, v60;
	v40 =	vld [tilespmem:s29+$0xE880];
	[tilespmem:s29+$0x11010] =	vst v44  }
0xdd: {  	v61 =	vmul.f32 v48, v60;
	v42 =	vld [tilespmem:s29+$0xE890];
	[tilespmem:s29+$0x11020] =	vst v45  }
0xde: {  	v62 =	vmul.f32 v49, v60;
	v63 =	vperm.xlane v17, v9;
	v41 =	vld [tilespmem:s29+$0xE8A0];
	[tilespmem:s29+$0x11030] =	vst v46  }
0xdf: {  	v50 =	vmul.f32 v50, v60;
	v39 =	vld [tilespmem:s29+$0xE8B0];
	[tilespmem:s29+$0x11040] =	vst v61  }
0xe0: {  	v37 =	vld [tilespmem:s29+$0xE8C0];
	[tilespmem:s29+$0x11050] =	vst v62;
	v54 =	vmul.f32 v51, v63  }
0xe1: {  	v38 =	vld [tilespmem:s29+$0xE8D0];
	[tilespmem:s29+$0x11060] =	vst v50;
	v40 =	vmul.f32 v40, v63  }
0xe2: {  	v56 =	vperm.xlane v17, v10;
	v36 =	vld [tilespmem:s29+$0xE8E0];
	[tilespmem:s29+$0x11070] =	vst v54;
	v42 =	vmul.f32 v42, v63  }
0xe3: {  	v35 =	vld [tilespmem:s29+$0xE8F0];
	v41 =	vmul.f32 v41, v63;
	[tilespmem:s29+$0x11080] =	vst v40  }
0xe4: {  	v33 =	vld [tilespmem:s29+$0xE900];
	v39 =	vmul.f32 v39, v56;
	[tilespmem:s29+$0x11090] =	vst v42  }
0xe5: {  	v34 =	vld [tilespmem:s29+$0xE910];
	v37 =	vmul.f32 v37, v56;
	[tilespmem:s29+$0x110A0] =	vst v41  }
0xe6: {  	v57 =	vperm.xlane v17, v11;
	v32 =	vld [tilespmem:s29+$0xE920];
	v38 =	vmul.f32 v38, v56;
	[tilespmem:s29+$0x110B0] =	vst v39  }
0xe7: {  	v31 =	vld [tilespmem:s29+$0xE930];
	v36 =	vmul.f32 v36, v56;
	[tilespmem:s29+$0x110C0] =	vst v37  }
0xe8: {  	v29 =	vld [tilespmem:s29+$0xE940];
	v35 =	vmul.f32 v35, v57;
	[tilespmem:s29+$0x110D0] =	vst v38  }
0xe9: {  	v30 =	vld [tilespmem:s29+$0xE950];
	v33 =	vmul.f32 v33, v57;
	[tilespmem:s29+$0x110E0] =	vst v36  }
0xea: {  	v58 =	vperm.xlane v17, v12;
	v27 =	vld [tilespmem:s29+$0xE960];
	v34 =	vmul.f32 v34, v57;
	[tilespmem:s29+$0x110F0] =	vst v35  }
0xeb: {  	v28 =	vld [tilespmem:s29+$0xE970];
	v32 =	vmul.f32 v32, v57;
	[tilespmem:s29+$0x11100] =	vst v33  }
0xec: {  	v25 =	vld [tilespmem:s29+$0xE980];
	v31 =	vmul.f32 v31, v58;
	[tilespmem:s29+$0x11110] =	vst v34  }
0xed: {  	v26 =	vld [tilespmem:s29+$0xE990];
	v29 =	vmul.f32 v29, v58;
	[tilespmem:s29+$0x11120] =	vst v32  }
0xee: {  	v59 =	vperm.xlane v17, v13;
	v24 =	vld [tilespmem:s29+$0xE9A0];
	v30 =	vmul.f32 v30, v58;
	[tilespmem:s29+$0x11130] =	vst v31  }
0xef: {  	v23 =	vld [tilespmem:s29+$0xE9B0];
	v27 =	vmul.f32 v27, v58;
	[tilespmem:s29+$0x11140] =	vst v29  }
0xf0: {  	v21 =	vld [tilespmem:s29+$0xE9C0];
	v28 =	vmul.f32 v28, v59;
	[tilespmem:s29+$0x11150] =	vst v30  }
0xf1: {  	v22 =	vld [tilespmem:s29+$0xE9D0];
	v25 =	vmul.f32 v25, v59;
	[tilespmem:s29+$0x11160] =	vst v27  }
0xf2: {  	v60 =	vperm.xlane v17, v14;
	v20 =	vld [tilespmem:s29+$0xE9E0];
	v26 =	vmul.f32 v26, v59;
	[tilespmem:s29+$0x11170] =	vst v28  }
0xf3: {  	v19 =	vld [tilespmem:s29+$0xE9F0];
	v24 =	vmul.f32 v24, v59;
	[tilespmem:s29+$0x11180] =	vst v25  }
0xf4: {  	v18 =	vld [tilespmem:s29+$0xEA00];
	v23 =	vmul.f32 v23, v60;
	[tilespmem:s29+$0x11190] =	vst v26  }
0xf5: {  	v43 =	vld [tilespmem:s29+$0xEA10];
	v21 =	vmul.f32 v21, v60;
	[tilespmem:s29+$0x111A0] =	vst v24  }
0xf6: {  	v46 =	vld [tilespmem:s29+$0xEA40];
	v61 =	vperm.xlane v17, v15;
	v22 =	vmul.f32 v22, v60;
	[tilespmem:s29+$0x111B0] =	vst v23  }
0xf7: {  	v44 =	vld [tilespmem:s29+$0xEA20];
	v20 =	vmul.f32 v20, v60;
	[tilespmem:s29+$0x111C0] =	vst v21  }
0xf8: {  	v45 =	vld [tilespmem:s29+$0xEA30];
	v19 =	vmul.f32 v19, v61;
	[tilespmem:s29+$0x111D0] =	vst v22  }
0xf9: {  	v49 =	vld [tilespmem:s29+$0xEA50];
	v17 =	vperm.xlane v17, v16;
	v18 =	vmul.f32 v18, v61;
	[tilespmem:s29+$0x111E0] =	vst v20  }
0xfa: {  	v55 =	vld [tilespmem:s29+$0xEA60];
	v62 =	vmul.f32 v43, v61;
	[tilespmem:s29+$0x111F0] =	vst v19  }
0xfb: {  	v63 =	vmul.f32 v46, v17;
	[tilespmem:s29+$0x11200] =	vst v18  }
0xfc: {  	v19 =	vmul.f32 v44, v61;
	[tilespmem:s29+$0x11210] =	vst v62  }
0xfd: {  	p2 =	sne.s32 s31, $0x7C;
	v18 =	vmul.f32 v45, v17;
	[tilespmem:s29+$0x11240] =	vst v63  }
.Ltmp4:
0xfe: {  	[tilespmem:s29+$0x11220] =	vst v19;
	v19 =	vmul.f32 v49, v17;
	(pc) =	sbr.rel @p2 .LBB2_8-.Ltmp4, $4  }
0xff: {  	[tilespmem:s29+$0x11230] =	vst v18;
	v17 =	vmul.f32 v55, v17  }
0x100: {  	s14 =	sshra.s32 s28, $0x2;
	[tilespmem:s29+$0x11250] =	vst v19  }
0x101: {  	s4 =	sadd.s32 $0x4E20, s14;
	[tilespmem:s29+$0x11260] =	vst v17  }
0x102: {  	[spmem:s2] =	stream.indirect.scatter.add.f32 [tilespmem:s22], [sflag:$0x3], $0x40, s4, s18, $0xb8;
	[tilespmem:$0x1D6A0] =	vst v63  }
.Ltmp5:
0x103: {  	(pc) =	sbr.rel .LBB2_9-.Ltmp5, $4  }
0x104: {  	_ = 	snop  }
0x105: {  	_ =	swait.ge [sflag:s23], $0x1400  }
0x106: {  	[sflag:s23] =	ssyncset.done $0x0  }
0x107: {  	[sflag:s23] =	ssyncadd.s32 $0xFFFFEC00  }
.LBB2_8:
.Ltmp6:
0x108: {  	s4 =	sadd.s32 $0xA0, s14;
	(pc) =	sbr.rel @p1 .LBB2_10-.Ltmp6, $4  }
0x109: {  	[tilespmem:s19], [sflag:$0x1] =	stream.indirect.gather [hbm4b:s1+s18], $0x40, s4, s18, $0xb8;
	[tilespmem:$0x1D6A0] =	vst v63  }
0x10a: {  	_ =	swait.ge [sflag:s23], $0x1400  }
0x10b: {  	[sflag:s23] =	ssyncset.done $0x0  }
0x10c: {  	[sflag:s23] =	ssyncadd.s32 $0xFFFFEC00  }
.LBB2_9:
0x10d: {  	_ =	swait.ge [sflag:s24], $0x1400  }
0x10e: {  	[sflag:s24] =	ssyncset.done $0x0  }
0x10f: {  	[sflag:s24] =	ssyncadd.s32 $0xFFFFEC00  }
.LBB2_10:
0x110: {  	s29 =	simm.s32 $0x0;
	v17 =	vld [tilespmem:s5+$0x0]  }
0x111: {  	v40 =	vld [tilespmem:s29+$0xFE60]  }
0x112: {  	v42 =	vld [tilespmem:s29+$0xFE70]  }
0x113: {  	v41 =	vld [tilespmem:s29+$0xFE80]  }
0x114: {  	v39 =	vld [tilespmem:s29+$0xFE90]  }
0x115: {  	v37 =	vld [tilespmem:s29+$0xFEA0]  }
0x116: {  	v38 =	vld [tilespmem:s29+$0xFEB0]  }
0x117: {  	v36 =	vld [tilespmem:s29+$0xFEC0]  }
0x118: {  	v35 =	vld [tilespmem:s29+$0xFED0]  }
0x119: {  	v33 =	vld [tilespmem:s29+$0xFEE0]  }
0x11a: {  	v34 =	vld [tilespmem:s29+$0xFEF0]  }
0x11b: {  	v32 =	vld [tilespmem:s29+$0xFF00]  }
0x11c: {  	v31 =	vld [tilespmem:s29+$0xFF10]  }
0x11d: {  	v29 =	vld [tilespmem:s29+$0xFF20]  }
0x11e: {  	v30 =	vld [tilespmem:s29+$0xFF30]  }
0x11f: {  	v27 =	vld [tilespmem:s29+$0xFF40]  }
0x120: {  	v28 =	vld [tilespmem:s29+$0xFF50]  }
0x121: {  	v25 =	vld [tilespmem:s29+$0xFF60]  }
0x122: {  	v26 =	vld [tilespmem:s29+$0xFF70]  }
0x123: {  	v24 =	vld [tilespmem:s29+$0xFF80]  }
0x124: {  	v23 =	vld [tilespmem:s29+$0xFF90]  }
0x125: {  	v21 =	vld [tilespmem:s29+$0xFFA0]  }
0x126: {  	v22 =	vld [tilespmem:s29+$0xFFB0]  }
0x127: {  	v20 =	vld [tilespmem:s29+$0xFFC0]  }
0x128: {  	v19 =	vld [tilespmem:s29+$0xFFD0]  }
0x129: {  	s28 =	sadd.s32 $0x140, s28;
	s4 =	simm.s32 $0x1000;
	s13 =	smov.u32 s5;
	v18 =	vld [tilespmem:s29+$0xFFE0]  }
.LBB2_11:
0x12a: {  	p1 =	sne.s32 s4, $0x4000;
	v43 =	vld [tilespmem:s29+$0xFFF0]  }
0x12b: {  	v44 =	vld [tilespmem:s29+$0x10000]  }
0x12c: {  	v45 =	vld [tilespmem:s29+$0x10010]  }
0x12d: {  	v46 =	vld [tilespmem:s29+$0x10020]  }
0x12e: {  	v47 =	vperm.xlane v17, v1;
	v48 =	vperm.xlane v17, v2;
	v49 =	vld [tilespmem:s29+$0x10030]  }
0x12f: {  	v50 =	vperm.xlane v17, v3;
	v51 =	vperm.xlane v17, v4;
	v52 =	vld [tilespmem:s29+$0x10040]  }
0x130: {  	v53 =	vld [tilespmem:s29+$0x10050];
	v40 =	vmul.f32 v40, v47;
	v42 =	vmul.f32 v42, v47  }
0x131: {  	v41 =	vmul.f32 v41, v47;
	v39 =	vmul.f32 v39, v47;
	v47 =	vld [tilespmem:s29+$0x10060]  }
0x132: {  	v37 =	vmul.f32 v37, v48;
	v38 =	vmul.f32 v38, v48;
	[tilespmem:s29+$0x12660] =	vst v40;
	v40 =	vld [tilespmem:s29+$0x10070]  }
0x133: {  	v36 =	vmul.f32 v36, v48;
	v35 =	vmul.f32 v35, v48;
	[tilespmem:s29+$0x12670] =	vst v42;
	v42 =	vld [tilespmem:s29+$0x10080]  }
0x134: {  	v33 =	vmul.f32 v33, v50;
	v34 =	vmul.f32 v34, v50;
	[tilespmem:s29+$0x12680] =	vst v41;
	v41 =	vld [tilespmem:s29+$0x10090]  }
0x135: {  	v32 =	vmul.f32 v32, v50;
	v31 =	vmul.f32 v31, v50;
	[tilespmem:s29+$0x12690] =	vst v39;
	v39 =	vld [tilespmem:s29+$0x100A0]  }
0x136: {  	v29 =	vmul.f32 v29, v51;
	v30 =	vmul.f32 v30, v51;
	[tilespmem:s29+$0x126A0] =	vst v37;
	v37 =	vld [tilespmem:s29+$0x100B0]  }
0x137: {  	v27 =	vmul.f32 v27, v51;
	v28 =	vmul.f32 v28, v51;
	[tilespmem:s29+$0x126B0] =	vst v38;
	v38 =	vld [tilespmem:s29+$0x100C0]  }
0x138: {  	v48 =	vperm.xlane v17, v5;
	v50 =	vperm.xlane v17, v6;
	[tilespmem:s29+$0x126C0] =	vst v36;
	v36 =	vld [tilespmem:s29+$0x100D0]  }
0x139: {  	v54 =	vperm.xlane v17, v8;
	v51 =	vperm.xlane v17, v7;
	[tilespmem:s29+$0x126D0] =	vst v35;
	v35 =	vld [tilespmem:s29+$0x100E0]  }
0x13a: {  	v25 =	vmul.f32 v25, v48;
	v26 =	vmul.f32 v26, v48;
	[tilespmem:s29+$0x126E0] =	vst v33;
	v33 =	vld [tilespmem:s29+$0x100F0]  }
0x13b: {  	v24 =	vmul.f32 v24, v48;
	v23 =	vmul.f32 v23, v48;
	[tilespmem:s29+$0x126F0] =	vst v34;
	v34 =	vld [tilespmem:s29+$0x10100]  }
0x13c: {  	v21 =	vmul.f32 v21, v50;
	v22 =	vmul.f32 v22, v50;
	[tilespmem:s29+$0x12700] =	vst v32;
	v32 =	vld [tilespmem:s29+$0x10110]  }
0x13d: {  	v20 =	vmul.f32 v20, v50;
	v19 =	vmul.f32 v19, v50;
	[tilespmem:s29+$0x12710] =	vst v31;
	v31 =	vld [tilespmem:s29+$0x10120]  }
0x13e: {  	v18 =	vmul.f32 v18, v51;
	[tilespmem:s29+$0x12720] =	vst v29;
	v29 =	vmul.f32 v43, v51;
	v43 =	vld [tilespmem:s29+$0x10130]  }
0x13f: {  	[tilespmem:s29+$0x12730] =	vst v30;
	v30 =	vmul.f32 v44, v51;
	v44 =	vmul.f32 v45, v51;
	v45 =	vld [tilespmem:s29+$0x10140]  }
0x140: {  	[tilespmem:s29+$0x12740] =	vst v27;
	v27 =	vmul.f32 v46, v54;
	v46 =	vmul.f32 v49, v54;
	v48 =	vld [tilespmem:s29+$0x10150]  }
0x141: {  	v49 =	vmul.f32 v53, v54;
	[tilespmem:s29+$0x12750] =	vst v28;
	v28 =	vmul.f32 v52, v54;
	v50 =	vld [tilespmem:s29+$0x10160]  }
0x142: {  	v51 =	vperm.xlane v17, v10;
	[tilespmem:s29+$0x12760] =	vst v25;
	v25 =	vperm.xlane v17, v9;
	v52 =	vld [tilespmem:s29+$0x10170]  }
0x143: {  	v53 =	vperm.xlane v17, v12;
	[tilespmem:s29+$0x12770] =	vst v26;
	v26 =	vperm.xlane v17, v11;
	v54 =	vld [tilespmem:s29+$0x10180]  }
0x144: {  	[tilespmem:s29+$0x12780] =	vst v24;
	v24 =	vld [tilespmem:s29+$0x10190];
	v47 =	vmul.f32 v47, v25;
	v40 =	vmul.f32 v40, v25  }
0x145: {  	v42 =	vmul.f32 v42, v25;
	v25 =	vmul.f32 v41, v25;
	[tilespmem:s29+$0x12790] =	vst v23;
	v23 =	vld [tilespmem:s29+$0x101A0]  }
0x146: {  	v39 =	vmul.f32 v39, v51;
	v37 =	vmul.f32 v37, v51;
	[tilespmem:s29+$0x127A0] =	vst v21;
	v21 =	vld [tilespmem:s29+$0x101B0]  }
0x147: {  	v38 =	vmul.f32 v38, v51;
	v36 =	vmul.f32 v36, v51;
	[tilespmem:s29+$0x127B0] =	vst v22;
	v22 =	vld [tilespmem:s29+$0x101C0]  }
0x148: {  	v35 =	vmul.f32 v35, v26;
	v33 =	vmul.f32 v33, v26;
	[tilespmem:s29+$0x127C0] =	vst v20;
	v20 =	vld [tilespmem:s29+$0x101D0]  }
0x149: {  	v34 =	vmul.f32 v34, v26;
	v26 =	vmul.f32 v32, v26;
	[tilespmem:s29+$0x127D0] =	vst v19;
	v19 =	vld [tilespmem:s29+$0x101E0]  }
0x14a: {  	v31 =	vmul.f32 v31, v53;
	v32 =	vmul.f32 v43, v53;
	[tilespmem:s29+$0x127E0] =	vst v18;
	v18 =	vld [tilespmem:s29+$0x101F0]  }
0x14b: {  	v43 =	vmul.f32 v45, v53;
	v45 =	vmul.f32 v48, v53;
	[tilespmem:s29+$0x127F0] =	vst v29;
	v29 =	vld [tilespmem:s29+$0x10200]  }
0x14c: {  	v41 =	vperm.xlane v17, v14;
	[tilespmem:s29+$0x12800] =	vst v30;
	v30 =	vperm.xlane v17, v13;
	v48 =	vld [tilespmem:s29+$0x10210]  }
0x14d: {  	[tilespmem:s29+$0x12810] =	vst v44;
	v44 =	vperm.xlane v17, v15;
	v17 =	vperm.xlane v17, v16;
	v51 =	vld [tilespmem:s29+$0x10220]  }
0x14e: {  	[tilespmem:s29+$0x12820] =	vst v27;
	v27 =	vld [tilespmem:s29+$0x10230];
	v50 =	vmul.f32 v50, v30;
	v52 =	vmul.f32 v52, v30  }
0x14f: {  	v53 =	vmul.f32 v54, v30;
	v24 =	vmul.f32 v24, v30;
	[tilespmem:s29+$0x12830] =	vst v46;
	v46 =	vld [tilespmem:s29+$0x10240]  }
0x150: {  	v23 =	vmul.f32 v23, v41;
	v21 =	vmul.f32 v21, v41;
	[tilespmem:s29+$0x12840] =	vst v28;
	v28 =	vld [tilespmem:s29+$0x10250]  }
0x151: {  	v22 =	vmul.f32 v22, v41;
	v20 =	vmul.f32 v20, v41;
	[tilespmem:s29+$0x12850] =	vst v49  }
0x152: {  	v19 =	vmul.f32 v19, v44;
	v18 =	vmul.f32 v18, v44;
	[tilespmem:s29+$0x12860] =	vst v47  }
0x153: {  	v47 =	vmul.f32 v29, v44;
	v44 =	vmul.f32 v48, v44;
	[tilespmem:s29+$0x12870] =	vst v40  }
0x154: {  	v48 =	vmul.f32 v51, v17;
	v49 =	vmul.f32 v27, v17;
	[tilespmem:s29+$0x12880] =	vst v42  }
0x155: {  	v46 =	vmul.f32 v46, v17;
	[tilespmem:s29+$0x12890] =	vst v25;
	v17 =	vmul.f32 v28, v17  }
0x156: {  	[tilespmem:s29+$0x128A0] =	vst v39  }
0x157: {  	[tilespmem:s29+$0x128B0] =	vst v37  }
0x158: {  	s6 =	sshra.s32 s4, $0x2;
	[tilespmem:s29+$0x128C0] =	vst v38  }
0x159: {  	v40 =	vld [tilespmem:s6+$0xFE60];
	[tilespmem:s29+$0x128D0] =	vst v36  }
0x15a: {  	v42 =	vld [tilespmem:s6+$0xFE70];
	[tilespmem:s29+$0x128E0] =	vst v35  }
0x15b: {  	v41 =	vld [tilespmem:s6+$0xFE80];
	[tilespmem:s29+$0x128F0] =	vst v33  }
0x15c: {  	v39 =	vld [tilespmem:s6+$0xFE90];
	[tilespmem:s29+$0x12900] =	vst v34  }
0x15d: {  	v37 =	vld [tilespmem:s6+$0xFEA0];
	[tilespmem:s29+$0x12910] =	vst v26  }
0x15e: {  	v38 =	vld [tilespmem:s6+$0xFEB0];
	[tilespmem:s29+$0x12920] =	vst v31  }
0x15f: {  	v36 =	vld [tilespmem:s6+$0xFEC0];
	[tilespmem:s29+$0x12930] =	vst v32  }
0x160: {  	v35 =	vld [tilespmem:s6+$0xFED0];
	[tilespmem:s29+$0x12940] =	vst v43  }
0x161: {  	v33 =	vld [tilespmem:s6+$0xFEE0];
	[tilespmem:s29+$0x12950] =	vst v45  }
0x162: {  	v34 =	vld [tilespmem:s6+$0xFEF0];
	[tilespmem:s29+$0x12960] =	vst v50  }
0x163: {  	v32 =	vld [tilespmem:s6+$0xFF00];
	[tilespmem:s29+$0x12970] =	vst v52  }
0x164: {  	v31 =	vld [tilespmem:s6+$0xFF10];
	[tilespmem:s29+$0x12980] =	vst v53  }
0x165: {  	v29 =	vld [tilespmem:s6+$0xFF20];
	[tilespmem:s29+$0x12990] =	vst v24  }
0x166: {  	v30 =	vld [tilespmem:s6+$0xFF30];
	[tilespmem:s29+$0x129A0] =	vst v23  }
0x167: {  	v27 =	vld [tilespmem:s6+$0xFF40];
	[tilespmem:s29+$0x129B0] =	vst v21  }
0x168: {  	v28 =	vld [tilespmem:s6+$0xFF50];
	[tilespmem:s29+$0x129C0] =	vst v22  }
0x169: {  	v25 =	vld [tilespmem:s6+$0xFF60];
	[tilespmem:s29+$0x129D0] =	vst v20  }
0x16a: {  	v26 =	vld [tilespmem:s6+$0xFF70];
	[tilespmem:s29+$0x129E0] =	vst v19  }
0x16b: {  	v24 =	vld [tilespmem:s6+$0xFF80];
	[tilespmem:s29+$0x129F0] =	vst v18  }
0x16c: {  	v23 =	vld [tilespmem:s6+$0xFF90];
	[tilespmem:s29+$0x12A00] =	vst v47  }
0x16d: {  	v21 =	vld [tilespmem:s6+$0xFFA0];
	[tilespmem:s29+$0x12A10] =	vst v44  }
.Ltmp7:
0x16e: {  	v22 =	vld [tilespmem:s6+$0xFFB0];
	[tilespmem:s29+$0x12A20] =	vst v48;
	(pc) =	sbr.rel @p1 .LBB2_11-.Ltmp7, $4  }
0x16f: {  	v20 =	vld [tilespmem:s6+$0xFFC0];
	[tilespmem:s29+$0x12A30] =	vst v49  }
0x170: {  	v19 =	vld [tilespmem:s6+$0xFFD0];
	[tilespmem:s29+$0x12A40] =	vst v46  }
0x171: {  	s13 =	sadd.s32 $0x10, s13;
	v18 =	vld [tilespmem:s6+$0xFFE0];
	[tilespmem:s29+$0x12A50] =	vst v17;
	s29 =	smov.u32 s6  }
0x172: {  	s4 =	sadd.s32 $0x1000, s4;
	v17 =	vld [tilespmem:s13+$0x0]  }
0x173: {  	_ =	sdelay $0x3  }
0x174: {  	v47 =	vperm.xlane v17, v1;
	_ =	sdelay $0x1  }
0x175: {  	v40 =	vmul.f32 v40, v47  }
0x176: {  	v42 =	vmul.f32 v42, v47  }
0x177: {  	v52 =	vperm.xlane v17, v2;
	v41 =	vmul.f32 v41, v47;
	[tilespmem:s29+$0x12660] =	vst v40  }
0x178: {  	v39 =	vmul.f32 v39, v47;
	[tilespmem:s29+$0x12670] =	vst v42  }
0x179: {  	v37 =	vmul.f32 v37, v52;
	[tilespmem:s29+$0x12680] =	vst v41  }
0x17a: {  	v38 =	vmul.f32 v38, v52;
	[tilespmem:s29+$0x12690] =	vst v39  }
0x17b: {  	v63 =	vperm.xlane v17, v3;
	v36 =	vmul.f32 v36, v52;
	[tilespmem:s29+$0x126A0] =	vst v37  }
0x17c: {  	v35 =	vmul.f32 v35, v52;
	[tilespmem:s29+$0x126B0] =	vst v38  }
0x17d: {  	v33 =	vmul.f32 v33, v63;
	[tilespmem:s29+$0x126C0] =	vst v36  }
0x17e: {  	v34 =	vmul.f32 v34, v63;
	[tilespmem:s29+$0x126D0] =	vst v35  }
0x17f: {  	v56 =	vperm.xlane v17, v4;
	v32 =	vmul.f32 v32, v63;
	[tilespmem:s29+$0x126E0] =	vst v33  }
0x180: {  	v31 =	vmul.f32 v31, v63;
	[tilespmem:s29+$0x126F0] =	vst v34  }
0x181: {  	v29 =	vmul.f32 v29, v56;
	[tilespmem:s29+$0x12700] =	vst v32  }
0x182: {  	v30 =	vmul.f32 v30, v56;
	[tilespmem:s29+$0x12710] =	vst v31  }
0x183: {  	v57 =	vperm.xlane v17, v5;
	v27 =	vmul.f32 v27, v56;
	[tilespmem:s29+$0x12720] =	vst v29  }
0x184: {  	v28 =	vmul.f32 v28, v56;
	[tilespmem:s29+$0x12730] =	vst v30  }
0x185: {  	v25 =	vmul.f32 v25, v57;
	[tilespmem:s29+$0x12740] =	vst v27  }
0x186: {  	v26 =	vmul.f32 v26, v57;
	[tilespmem:s29+$0x12750] =	vst v28  }
0x187: {  	v58 =	vperm.xlane v17, v6;
	v24 =	vmul.f32 v24, v57;
	[tilespmem:s29+$0x12760] =	vst v25  }
0x188: {  	v23 =	vmul.f32 v23, v57;
	[tilespmem:s29+$0x12770] =	vst v26  }
0x189: {  	v43 =	vld [tilespmem:s29+$0xFFF0];
	v21 =	vmul.f32 v21, v58;
	[tilespmem:s29+$0x12780] =	vst v24  }
0x18a: {  	v44 =	vld [tilespmem:s29+$0x10000];
	v22 =	vmul.f32 v22, v58;
	[tilespmem:s29+$0x12790] =	vst v23  }
0x18b: {  	v45 =	vld [tilespmem:s29+$0x10010];
	v59 =	vperm.xlane v17, v7;
	v20 =	vmul.f32 v20, v58;
	[tilespmem:s29+$0x127A0] =	vst v21  }
0x18c: {  	v46 =	vld [tilespmem:s29+$0x10020];
	v19 =	vmul.f32 v19, v58;
	[tilespmem:s29+$0x127B0] =	vst v22  }
0x18d: {  	v48 =	vld [tilespmem:s29+$0x10030];
	v18 =	vmul.f32 v18, v59;
	[tilespmem:s29+$0x127C0] =	vst v20  }
0x18e: {  	v49 =	vld [tilespmem:s29+$0x10040];
	v43 =	vmul.f32 v43, v59;
	[tilespmem:s29+$0x127D0] =	vst v19  }
0x18f: {  	v50 =	vld [tilespmem:s29+$0x10050];
	v60 =	vperm.xlane v17, v8;
	v44 =	vmul.f32 v44, v59;
	[tilespmem:s29+$0x127E0] =	vst v18  }
0x190: {  	v51 =	vld [tilespmem:s29+$0x10060];
	v45 =	vmul.f32 v45, v59;
	[tilespmem:s29+$0x127F0] =	vst v43  }
0x191: {  	v46 =	vmul.f32 v46, v60;
	v40 =	vld [tilespmem:s29+$0x10070];
	[tilespmem:s29+$0x12800] =	vst v44  }
0x192: {  	v61 =	vmul.f32 v48, v60;
	v42 =	vld [tilespmem:s29+$0x10080];
	[tilespmem:s29+$0x12810] =	vst v45  }
0x193: {  	v62 =	vmul.f32 v49, v60;
	v63 =	vperm.xlane v17, v9;
	v41 =	vld [tilespmem:s29+$0x10090];
	[tilespmem:s29+$0x12820] =	vst v46  }
0x194: {  	v50 =	vmul.f32 v50, v60;
	v39 =	vld [tilespmem:s29+$0x100A0];
	[tilespmem:s29+$0x12830] =	vst v61  }
0x195: {  	v37 =	vld [tilespmem:s29+$0x100B0];
	[tilespmem:s29+$0x12840] =	vst v62;
	v54 =	vmul.f32 v51, v63  }
0x196: {  	v38 =	vld [tilespmem:s29+$0x100C0];
	[tilespmem:s29+$0x12850] =	vst v50;
	v40 =	vmul.f32 v40, v63  }
0x197: {  	v56 =	vperm.xlane v17, v10;
	v36 =	vld [tilespmem:s29+$0x100D0];
	[tilespmem:s29+$0x12860] =	vst v54;
	v42 =	vmul.f32 v42, v63  }
0x198: {  	v35 =	vld [tilespmem:s29+$0x100E0];
	v41 =	vmul.f32 v41, v63;
	[tilespmem:s29+$0x12870] =	vst v40  }
0x199: {  	v33 =	vld [tilespmem:s29+$0x100F0];
	v39 =	vmul.f32 v39, v56;
	[tilespmem:s29+$0x12880] =	vst v42  }
0x19a: {  	v34 =	vld [tilespmem:s29+$0x10100];
	v37 =	vmul.f32 v37, v56;
	[tilespmem:s29+$0x12890] =	vst v41  }
0x19b: {  	v57 =	vperm.xlane v17, v11;
	v32 =	vld [tilespmem:s29+$0x10110];
	v38 =	vmul.f32 v38, v56;
	[tilespmem:s29+$0x128A0] =	vst v39  }
0x19c: {  	v31 =	vld [tilespmem:s29+$0x10120];
	v36 =	vmul.f32 v36, v56;
	[tilespmem:s29+$0x128B0] =	vst v37  }
0x19d: {  	v29 =	vld [tilespmem:s29+$0x10130];
	v35 =	vmul.f32 v35, v57;
	[tilespmem:s29+$0x128C0] =	vst v38  }
0x19e: {  	v30 =	vld [tilespmem:s29+$0x10140];
	v33 =	vmul.f32 v33, v57;
	[tilespmem:s29+$0x128D0] =	vst v36  }
0x19f: {  	v58 =	vperm.xlane v17, v12;
	v27 =	vld [tilespmem:s29+$0x10150];
	v34 =	vmul.f32 v34, v57;
	[tilespmem:s29+$0x128E0] =	vst v35  }
0x1a0: {  	v28 =	vld [tilespmem:s29+$0x10160];
	v32 =	vmul.f32 v32, v57;
	[tilespmem:s29+$0x128F0] =	vst v33  }
0x1a1: {  	v25 =	vld [tilespmem:s29+$0x10170];
	v31 =	vmul.f32 v31, v58;
	[tilespmem:s29+$0x12900] =	vst v34  }
0x1a2: {  	v26 =	vld [tilespmem:s29+$0x10180];
	v29 =	vmul.f32 v29, v58;
	[tilespmem:s29+$0x12910] =	vst v32  }
0x1a3: {  	v59 =	vperm.xlane v17, v13;
	v24 =	vld [tilespmem:s29+$0x10190];
	v30 =	vmul.f32 v30, v58;
	[tilespmem:s29+$0x12920] =	vst v31  }
0x1a4: {  	v23 =	vld [tilespmem:s29+$0x101A0];
	v27 =	vmul.f32 v27, v58;
	[tilespmem:s29+$0x12930] =	vst v29  }
0x1a5: {  	v21 =	vld [tilespmem:s29+$0x101B0];
	v28 =	vmul.f32 v28, v59;
	[tilespmem:s29+$0x12940] =	vst v30  }
0x1a6: {  	v22 =	vld [tilespmem:s29+$0x101C0];
	v25 =	vmul.f32 v25, v59;
	[tilespmem:s29+$0x12950] =	vst v27  }
0x1a7: {  	v60 =	vperm.xlane v17, v14;
	v20 =	vld [tilespmem:s29+$0x101D0];
	v26 =	vmul.f32 v26, v59;
	[tilespmem:s29+$0x12960] =	vst v28  }
0x1a8: {  	v19 =	vld [tilespmem:s29+$0x101E0];
	v24 =	vmul.f32 v24, v59;
	[tilespmem:s29+$0x12970] =	vst v25  }
0x1a9: {  	v18 =	vld [tilespmem:s29+$0x101F0];
	v23 =	vmul.f32 v23, v60;
	[tilespmem:s29+$0x12980] =	vst v26  }
0x1aa: {  	v43 =	vld [tilespmem:s29+$0x10200];
	v21 =	vmul.f32 v21, v60;
	[tilespmem:s29+$0x12990] =	vst v24  }
0x1ab: {  	v46 =	vld [tilespmem:s29+$0x10230];
	v61 =	vperm.xlane v17, v15;
	v22 =	vmul.f32 v22, v60;
	[tilespmem:s29+$0x129A0] =	vst v23  }
0x1ac: {  	v44 =	vld [tilespmem:s29+$0x10210];
	v20 =	vmul.f32 v20, v60;
	[tilespmem:s29+$0x129B0] =	vst v21  }
0x1ad: {  	v45 =	vld [tilespmem:s29+$0x10220];
	v19 =	vmul.f32 v19, v61;
	[tilespmem:s29+$0x129C0] =	vst v22  }
0x1ae: {  	v49 =	vld [tilespmem:s29+$0x10240];
	v17 =	vperm.xlane v17, v16;
	v18 =	vmul.f32 v18, v61;
	[tilespmem:s29+$0x129D0] =	vst v20  }
0x1af: {  	v55 =	vld [tilespmem:s29+$0x10250];
	v62 =	vmul.f32 v43, v61;
	[tilespmem:s29+$0x129E0] =	vst v19  }
0x1b0: {  	v63 =	vmul.f32 v46, v17;
	[tilespmem:s29+$0x129F0] =	vst v18  }
0x1b1: {  	v19 =	vmul.f32 v44, v61;
	[tilespmem:s29+$0x12A00] =	vst v62  }
0x1b2: {  	p1 =	seq.s32 s31, $0x7C;
	v18 =	vmul.f32 v45, v17;
	[tilespmem:s29+$0x12A30] =	vst v63  }
.Ltmp8:
0x1b3: {  	[tilespmem:s29+$0x12A10] =	vst v19;
	v19 =	vmul.f32 v49, v17;
	(pc) =	sbr.rel @p1 .LBB2_14-.Ltmp8, $4  }
0x1b4: {  	[tilespmem:s29+$0x12A20] =	vst v18;
	v17 =	vmul.f32 v55, v17  }
0x1b5: {  	s4 =	sshra.s32 s28, $0x2;
	[tilespmem:s29+$0x12A40] =	vst v19  }
0x1b6: {  	s4 =	sadd.s32 $0x4E20, s4;
	[tilespmem:s29+$0x12A50] =	vst v17  }
0x1b7: {  	[spmem:s2] =	stream.indirect.scatter.add.f32 [tilespmem:s25], [sflag:$0x4], $0x40, s4, s18, $0xb8;
	[tilespmem:$0x1D6A0] =	vst v63  }
.Ltmp9:
0x1b8: {  	(pc) =	sbr.rel .LBB2_4-.Ltmp9, $4  }
0x1b9: {  	_ = 	snop  }
0x1ba: {  	s4 =	sadd.s32 $0xF0, s14  }
0x1bb: {  	s31 =	sadd.s32 $0x1, s31;
	s0 =	sadd.s32 $0xA0, s0;
	s5 =	sadd.s32 $0xA0, s5  }
0x1bc: {  	[tilespmem:s20], [sflag:$0x2] =	stream.indirect.gather [hbm4b:s1+s18], $0x40, s4, s18, $0xb8;
	[tilespmem:$0x1D6A0] =	vst v63  }
.LBB2_15:
0x1bd: {  	_ =	sfence.sel $0x180000  }
0x1be: {  	[bflag:$0x0] =	sbarrier.arrive $0xFFFF  }
0x1bf: {  	_ =	strace $0x90000047  }
0x1c0: {  	[bflag:$0x2] =	sbarrier.arrive $0xFFFF  }
0x1c1: {  	s0 =	rddreg [dreg:$0x5]  }
0x1c2: {  	s0 =	sadd.s32 @!p0 $0x100000, s0  }
0x1c3: {  	[sflag:s0] =	ssyncadd.tile.s32 @!p0 $0x1;
	_ =	shalt  }
.Lfunc_end2:
_tile_overlayer_lowered:
.L_overlay_start_2:
0x1c4: {  	(tag) =	ssettag $0x2  }
0x1c5: {  	s0 =	rddreg [dreg:$0x0];
	s2 =	stileid.u32  }
0x1c6: {  	s1 =	rddreg [dreg:$0x1];
	p0 =	sne.s32 s2, $0x0  }
0x1c7: {  	s3 =	rddreg [dreg:$0x2];
	[bflag:$0x3] =	sbarrier.arrive $0xFFFF;
	s2 =	simm.s32 @!p0 $0x1C05  }
0x1c8: {  	[timem:s3], [sflag:s2] =	dma.local @!p0 [hbm:s0], s1  }
0x1c9: {  	s0 =	simm.s32 @!p0 $0x5  }
0x1ca: {  	_ =	swait.ge @!p0 [sflag:s0], s1  }
0x1cb: {  	s1 =	ssub.s32 @!p0 $0x0, s1;
	[sflag:s0] =	ssyncset.done @!p0 $0x0  }
0x1cc: {  	[sflag:s0] =	ssyncadd.s32 @!p0 s1  }
0x1cd: {  	[bflag:$0x3] =	sbarrier.arrive $0xFFFF  }
0x1ce: {  	_ =	shalt  }

</sc_bundles>
